<compile_context>
chip_gen: v7x
topology: tpu7x:2x2x1
jax: 0.10.2.dev20260603
libtpu: 0.0.44.dev20260713+nightly
codegen_flags: <defaults>
</compile_context>

<pallas_src>
import functools

import jax
import jax.numpy as jnp
from jax import lax
from jax.experimental import pallas as pl
from jax.experimental.pallas import tpu as pltpu
from jax.experimental.pallas import tpu_sc as plsc

N_NODES = 10000
N_EDGES = 320000
D_IN = 128
D_HID = 256
D_OUT = 128

ROW_BLOCK = 1000

LANES = 16
NW = 32
EW = N_EDGES // NW
CHUNK = 128
NFULL = EW // CHUNK
TAIL = EW - NFULL * CHUNK
NGROUPS = CHUNK // LANES
D_PACK = D_OUT // 2
PITCH = 17


def _encode_body(x_ref, w1_ref, b1_ref, w2_ref, b2_ref, z_ref):
    h = jnp.dot(x_ref[...], w1_ref[...], preferred_element_type=jnp.float32)
    h = jnp.maximum(h + b1_ref[...], 0.0)
    z = jnp.dot(h, w2_ref[...], preferred_element_type=jnp.float32)
    z_ref[...] = (z + b2_ref[...]).astype(jnp.bfloat16)


def _encode(x, W1, b1, W2, b2):
    n = x.shape[0]
    grid = (n // ROW_BLOCK,)
    return pl.pallas_call(
        _encode_body,
        grid=grid,
        in_specs=[
            pl.BlockSpec((ROW_BLOCK, D_IN), lambda i: (i, 0)),
            pl.BlockSpec((D_IN, D_HID), lambda i: (0, 0)),
            pl.BlockSpec((1, D_HID), lambda i: (0, 0)),
            pl.BlockSpec((D_HID, D_OUT), lambda i: (0, 0)),
            pl.BlockSpec((1, D_OUT), lambda i: (0, 0)),
        ],
        out_specs=pl.BlockSpec((ROW_BLOCK, D_OUT), lambda i: (i, 0)),
        out_shape=jax.ShapeDtypeStruct((n, D_OUT), jnp.bfloat16),
    )(x, W1, b1.reshape(1, -1), W2, b2.reshape(1, -1))


def _decode_body(z_hbm, ei_hbm, out_hbm,
                 sidx, didx, sr0, dr0, sr1, dr1, outb, tmat, sem0, sem1):
    cid = lax.axis_index("c")
    sid = lax.axis_index("s")
    wid = sid * 2 + cid
    ebase = wid * EW
    colflat = jnp.arange(LANES, dtype=jnp.int32) * PITCH

    pltpu.sync_copy(ei_hbm.at[pl.ds(ebase, EW)], sidx)
    pltpu.sync_copy(ei_hbm.at[pl.ds(N_EDGES + ebase, EW)], didx)

    srs = (sr0, sr1)
    drs = (dr0, dr1)
    sems = (sem0, sem1)

    def issue(slot, c):
        off = c * CHUNK
        pltpu.async_copy(z_hbm.at[sidx.at[pl.ds(off, CHUNK)]],
                         srs[slot], sems[slot])
        pltpu.async_copy(z_hbm.at[didx.at[pl.ds(off, CHUNK)]],
                         drs[slot], sems[slot])

    def drain(slot):
        pltpu.make_async_copy(z_hbm.at[sidx.at[pl.ds(0, CHUNK)]],
                              srs[slot], sems[slot]).wait()
        pltpu.make_async_copy(z_hbm.at[didx.at[pl.ds(0, CHUNK)]],
                              drs[slot], sems[slot]).wait()

    def compute(slot, c):
        sr, dr = srs[slot], drs[slot]
        off = c * CHUNK

        @plsc.parallel_loop(0, NGROUPS, unroll=2)
        def group_body(g):
            e0 = g * LANES
            t0 = g * LANES * PITCH
            for j in range(LANES):
                e = e0 + j
                accb = None
                for k in range(D_PACK // LANES):
                    s = plsc.bitcast(sr[e, pl.ds(k * LANES, LANES)],
                                     jnp.bfloat16)
                    d = plsc.bitcast(dr[e, pl.ds(k * LANES, LANES)],
                                     jnp.bfloat16)
                    p = s * d
                    accb = p if accb is None else accb + p
                a, b = plsc.unpack(accb, format=plsc.PackFormat.INTERLEAVED)
                tmat[pl.ds(t0 + j * PITCH, LANES)] = a + b
            out = plsc.load_gather(tmat, [t0 + colflat])
            for c in range(1, LANES):
                out = out + plsc.load_gather(tmat, [t0 + colflat + c])
            outb[pl.ds(off + e0, LANES)] = out

    issue(0, 0)

    def pair_body(p, carry):
        issue(1, 2 * p + 1)
        drain(0)
        compute(0, 2 * p)

        @pl.when(p < NFULL // 2 - 1)
        def _():
            issue(0, 2 * p + 2)

        drain(1)
        compute(1, 2 * p + 1)
        return carry

    lax.fori_loop(0, NFULL // 2, pair_body, 0)

    toff = NFULL * CHUNK
    cps = pltpu.async_copy(z_hbm.at[sidx.at[pl.ds(toff, TAIL)]],
                           sr0.at[pl.ds(0, TAIL)], sem0)
    cpd = pltpu.async_copy(z_hbm.at[didx.at[pl.ds(toff, TAIL)]],
                           dr0.at[pl.ds(0, TAIL)], sem0)
    cps.wait()
    cpd.wait()
    for j in range(TAIL):
        accb = None
        for k in range(D_PACK // LANES):
            s = plsc.bitcast(sr0[j, pl.ds(k * LANES, LANES)], jnp.bfloat16)
            d = plsc.bitcast(dr0[j, pl.ds(k * LANES, LANES)], jnp.bfloat16)
            p = s * d
            accb = p if accb is None else accb + p
        a, b = plsc.unpack(accb, format=plsc.PackFormat.INTERLEAVED)
        tmat[pl.ds(j * PITCH, LANES)] = a + b
    out = plsc.load_gather(tmat, [colflat])
    for c in range(1, LANES):
        out = out + plsc.load_gather(tmat, [colflat + c])
    outb[pl.ds(toff, LANES)] = out

    pltpu.sync_copy(outb, out_hbm.at[pl.ds(ebase, EW)])


def _decode(z, edge_index):
    mesh = plsc.VectorSubcoreMesh(core_axis_name="c", subcore_axis_name="s")
    k = functools.partial(
        pl.kernel,
        mesh=mesh,
        out_type=jax.ShapeDtypeStruct((N_EDGES,), jnp.float32),
        scratch_types=[
            pltpu.VMEM((EW,), jnp.int32),
            pltpu.VMEM((EW,), jnp.int32),
            pltpu.VMEM((CHUNK, D_PACK), jnp.float32),
            pltpu.VMEM((CHUNK, D_PACK), jnp.float32),
            pltpu.VMEM((CHUNK, D_PACK), jnp.float32),
            pltpu.VMEM((CHUNK, D_PACK), jnp.float32),
            pltpu.VMEM((EW,), jnp.float32),
            pltpu.VMEM((NGROUPS * LANES * PITCH,), jnp.float32),
            pltpu.SemaphoreType.DMA,
            pltpu.SemaphoreType.DMA,
        ],
        compiler_params=pltpu.CompilerParams(needs_layout_passes=False, disable_bounds_checks=True, use_tc_tiling_on_sc=False),
    )(_decode_body)
    return k(z, edge_index.reshape(-1))


def kernel(x, edge_index, W1, b1, W2, b2):
    zb = _encode(x, W1, b1, W2, b2)
    zp = jax.lax.bitcast_convert_type(
        zb.reshape(N_NODES, D_PACK, 2), jnp.float32)
    return _decode(zp, edge_index)

# --- scband reference (transcript-rebuilt; emitter-appended) ---
"""Pipeline reference for scband-net-28389733827191 (READ-ONLY COPY).

The authoritative reference and input builder live on the scoring server;
editing this copy changes nothing except your own understanding.
"""

import jax, jax.numpy as jnp
import numpy as np

N_NODES = 10000
N_EDGES = 320000
D_IN = 128
D_HID = 256
D_OUT = 128

def setup_inputs(seed: int = 0) -> dict:
    key = jax.random.key(seed)
    k1, k2, k3, k4 = jax.random.split(key, 4)
    x = jax.random.normal(k1, (N_NODES, D_IN), dtype=jnp.float32)
    edge_index = jax.random.randint(k2, (2, N_EDGES), 0, N_NODES, dtype=jnp.int32)
    W1 = jax.random.normal(k3, (D_IN, D_HID), dtype=jnp.float32) * 0.05
    b1 = jnp.zeros((D_HID,), dtype=jnp.float32)
    W2 = jax.random.normal(k4, (D_HID, D_OUT), dtype=jnp.float32) * 0.05
    b2 = jnp.zeros((D_OUT,), dtype=jnp.float32)
    return {"x": x, "edge_index": edge_index, "W1": W1, "b1": b1, "W2": W2, "b2": b2}

def reference(x, edge_index, W1, b1, W2, b2):
    # encode: lin1 -> relu -> dropout(eval, identity) -> lin2
    h = jnp.maximum(x @ W1 + b1, 0.0)
    z = h @ W2 + b2
    # decode: gather node embeddings per edge endpoint, elementwise mul, sum
    src = jnp.take(z, edge_index[0], axis=0)
    dst = jnp.take(z, edge_index[1], axis=0)
    return jnp.sum(src * dst, axis=-1)

if __name__ == "__main__":
    import jax
    _d = setup_inputs()
    print(jax.jit(kernel)(*tuple(_d.values())))

</pallas_src>

<mosaic_0001>
#map = affine_map<(d0, d1) -> (0, 0)>
#map1 = affine_map<(d0, d1) -> (0)>
module attributes {stable_mosaic.version = 14 : i64} {
  func.func @_decode_body(%arg0: i32, %arg1: i32, %arg2: memref<10000x64xf32, #tpu.memory_space<hbm>>, %arg3: memref<640000xi32, #tpu.memory_space<hbm>>, %arg4: memref<320000xf32, #tpu.memory_space<hbm>>, %arg5: memref<10000xi32, #tpu.memory_space<vmem>>, %arg6: memref<10000xi32, #tpu.memory_space<vmem>>, %arg7: memref<128x64xf32, #tpu.memory_space<vmem>>, %arg8: memref<128x64xf32, #tpu.memory_space<vmem>>, %arg9: memref<128x64xf32, #tpu.memory_space<vmem>>, %arg10: memref<128x64xf32, #tpu.memory_space<vmem>>, %arg11: memref<10000xf32, #tpu.memory_space<vmem>>, %arg12: memref<2176xf32, #tpu.memory_space<vmem>>, %arg13: memref<!tpu.dma_semaphore, #tpu.memory_space<semaphore_mem>>, %arg14: memref<!tpu.dma_semaphore, #tpu.memory_space<semaphore_mem>>) attributes {dimension_semantics = [#tpu.dimension_semantics<core_parallel>, #tpu.dimension_semantics<subcore_parallel>], iteration_bounds = array<i64: 2, 16>, scalar_prefetch = 0 : i64, scratch_operands = 10 : i64, tpu.core_type = #tpu.core_type<sc_vector_subcore>, window_params = [{transform_indices = #map}, {transform_indices = #map1}, {transform_indices = #map1}]} {
    %mul3A = arith.constant 2 : i32
    %mul3A_0 = arith.muli %arg1, %mul3A : i32
    %add3A = arith.addi %mul3A_0, %arg0 : i32
    %mul3A_1 = arith.constant 10000 : i32
    %mul3A_2 = arith.muli %add3A, %mul3A_1 : i32
    %iota3A = tpu.iota {dimensions = array<i32: 0>} : vector<16xi32>
    %mul3A_3 = arith.constant 17 : i32
    %mul3A_4 = vector.broadcast %mul3A_3 : i32 to vector<16xi32>
    %mul3A_5 = arith.muli %iota3A, %mul3A_4 : vector<16xi32>
    "tpu.region"() ({
      %run_scoped3A = tpu.sem_alloc : memref<!tpu.dma_semaphore, #tpu.memory_space<semaphore_mem>>
      %dma_start3A_958 = tpu.memref_slice %arg3[%mul3A_2] : memref<640000xi32, #tpu.memory_space<hbm>> -> memref<10000xi32, #tpu.memory_space<hbm>>
      %dma_start3A_959 = tpu.memref_slice %arg3[%mul3A_2] : memref<640000xi32, #tpu.memory_space<hbm>> -> memref<10000xi32, #tpu.memory_space<hbm>>
      tpu.enqueue_dma source(%dma_start3A_959 : memref<10000xi32, #tpu.memory_space<hbm>>) target(%arg5 : memref<10000xi32, #tpu.memory_space<vmem>>) target_semaphore(%run_scoped3A : memref<!tpu.dma_semaphore, #tpu.memory_space<semaphore_mem>>)
      %dma_wait3A_960 = tpu.memref_slice %arg3[%mul3A_2] : memref<640000xi32, #tpu.memory_space<hbm>> -> memref<10000xi32, #tpu.memory_space<hbm>>
      %dma_wait3A_961 = tpu.memref_slice %arg3[%mul3A_2] : memref<640000xi32, #tpu.memory_space<hbm>> -> memref<10000xi32, #tpu.memory_space<hbm>>
      tpu.wait_dma2 semaphore(%run_scoped3A : memref<!tpu.dma_semaphore, #tpu.memory_space<semaphore_mem>>) src(%dma_wait3A_961 : memref<10000xi32, #tpu.memory_space<hbm>>) dst(%arg5 : memref<10000xi32, #tpu.memory_space<vmem>>)
      tpu.yield
    }) : () -> ()
    %add3A_6 = arith.constant 320000 : i32
    %add3A_7 = arith.addi %add3A_6, %mul3A_2 : i32
    "tpu.region"() ({
      %run_scoped3A = tpu.sem_alloc : memref<!tpu.dma_semaphore, #tpu.memory_space<semaphore_mem>>
      %dma_start3A_958 = tpu.memref_slice %arg3[%add3A_7] : memref<640000xi32, #tpu.memory_space<hbm>> -> memref<10000xi32, #tpu.memory_space<hbm>>
      %dma_start3A_959 = tpu.memref_slice %arg3[%add3A_7] : memref<640000xi32, #tpu.memory_space<hbm>> -> memref<10000xi32, #tpu.memory_space<hbm>>
      tpu.enqueue_dma source(%dma_start3A_959 : memref<10000xi32, #tpu.memory_space<hbm>>) target(%arg6 : memref<10000xi32, #tpu.memory_space<vmem>>) target_semaphore(%run_scoped3A : memref<!tpu.dma_semaphore, #tpu.memory_space<semaphore_mem>>)
      %dma_wait3A_960 = tpu.memref_slice %arg3[%add3A_7] : memref<640000xi32, #tpu.memory_space<hbm>> -> memref<10000xi32, #tpu.memory_space<hbm>>
      %dma_wait3A_961 = tpu.memref_slice %arg3[%add3A_7] : memref<640000xi32, #tpu.memory_space<hbm>> -> memref<10000xi32, #tpu.memory_space<hbm>>
      tpu.wait_dma2 semaphore(%run_scoped3A : memref<!tpu.dma_semaphore, #tpu.memory_space<semaphore_mem>>) src(%dma_wait3A_961 : memref<10000xi32, #tpu.memory_space<hbm>>) dst(%arg6 : memref<10000xi32, #tpu.memory_space<vmem>>)
      tpu.yield
    }) : () -> ()
    %dma_start3A = arith.constant 0 : i32
    %dma_start3A_8 = tpu.memref_slice %arg5[%dma_start3A] : memref<10000xi32, #tpu.memory_space<vmem>> -> memref<128xi32, #tpu.memory_space<vmem>>
    %dma_start3A_9 = arith.constant 0 : i32
    %dma_start3A_10 = arith.constant 0 : i32
    %dma_start3A_11 = tpu.memref_slice %arg2[%dma_start3A_9, %dma_start3A_10] : memref<10000x64xf32, #tpu.memory_space<hbm>> -> memref<10000x64xf32, #tpu.memory_space<hbm>>
    tpu.enqueue_indirect_dma source(%dma_start3A_11 : memref<10000x64xf32, #tpu.memory_space<hbm>>) target(%arg7 : memref<128x64xf32, #tpu.memory_space<vmem>>) offsets(%dma_start3A_8 : memref<128xi32, #tpu.memory_space<vmem>>) semaphore(%arg13 : memref<!tpu.dma_semaphore, #tpu.memory_space<semaphore_mem>>)
    %dma_start3A_12 = arith.constant 0 : i32
    %dma_start3A_13 = tpu.memref_slice %arg6[%dma_start3A_12] : memref<10000xi32, #tpu.memory_space<vmem>> -> memref<128xi32, #tpu.memory_space<vmem>>
    %dma_start3A_14 = arith.constant 0 : i32
    %dma_start3A_15 = arith.constant 0 : i32
    %dma_start3A_16 = tpu.memref_slice %arg2[%dma_start3A_14, %dma_start3A_15] : memref<10000x64xf32, #tpu.memory_space<hbm>> -> memref<10000x64xf32, #tpu.memory_space<hbm>>
    tpu.enqueue_indirect_dma source(%dma_start3A_16 : memref<10000x64xf32, #tpu.memory_space<hbm>>) target(%arg8 : memref<128x64xf32, #tpu.memory_space<vmem>>) offsets(%dma_start3A_13 : memref<128xi32, #tpu.memory_space<vmem>>) semaphore(%arg13 : memref<!tpu.dma_semaphore, #tpu.memory_space<semaphore_mem>>)
    %scan3A = arith.constant 0 : i32
    %scan3A_17 = arith.constant 0 : i32
    %scan3A_18 = arith.constant 39 : i32
    %scan3A_19 = arith.addi %scan3A_17, %scan3A_18 : i32
    %scan3A_20 = arith.constant 1 : i32
    scf.for %scan3A_958 = %scan3A_17 to %scan3A_19 step %scan3A_20  : i32 {
      %mul3A_959 = arith.constant 2 : i32
      %mul3A_960 = arith.muli %mul3A_959, %scan3A_958 : i32
      %add3A_961 = arith.constant 1 : i32
      %add3A_962 = arith.addi %mul3A_960, %add3A_961 : i32
      %mul3A_963 = arith.constant 128 : i32
      %mul3A_964 = arith.muli %add3A_962, %mul3A_963 : i32
      %dma_start3A_965 = tpu.memref_slice %arg5[%mul3A_964] : memref<10000xi32, #tpu.memory_space<vmem>> -> memref<128xi32, #tpu.memory_space<vmem>>
      %dma_start3A_966 = arith.constant 0 : i32
      %dma_start3A_967 = arith.constant 0 : i32
      %dma_start3A_968 = tpu.memref_slice %arg2[%dma_start3A_966, %dma_start3A_967] : memref<10000x64xf32, #tpu.memory_space<hbm>> -> memref<10000x64xf32, #tpu.memory_space<hbm>>
      tpu.enqueue_indirect_dma source(%dma_start3A_968 : memref<10000x64xf32, #tpu.memory_space<hbm>>) target(%arg9 : memref<128x64xf32, #tpu.memory_space<vmem>>) offsets(%dma_start3A_965 : memref<128xi32, #tpu.memory_space<vmem>>) semaphore(%arg14 : memref<!tpu.dma_semaphore, #tpu.memory_space<semaphore_mem>>)
      %dma_start3A_969 = tpu.memref_slice %arg6[%mul3A_964] : memref<10000xi32, #tpu.memory_space<vmem>> -> memref<128xi32, #tpu.memory_space<vmem>>
      %dma_start3A_970 = arith.constant 0 : i32
      %dma_start3A_971 = arith.constant 0 : i32
      %dma_start3A_972 = tpu.memref_slice %arg2[%dma_start3A_970, %dma_start3A_971] : memref<10000x64xf32, #tpu.memory_space<hbm>> -> memref<10000x64xf32, #tpu.memory_space<hbm>>
      tpu.enqueue_indirect_dma source(%dma_start3A_972 : memref<10000x64xf32, #tpu.memory_space<hbm>>) target(%arg10 : memref<128x64xf32, #tpu.memory_space<vmem>>) offsets(%dma_start3A_969 : memref<128xi32, #tpu.memory_space<vmem>>) semaphore(%arg14 : memref<!tpu.dma_semaphore, #tpu.memory_space<semaphore_mem>>)
      %dma_wait3A_973 = arith.constant 0 : i32
      %dma_wait3A_974 = tpu.memref_slice %arg5[%dma_wait3A_973] : memref<10000xi32, #tpu.memory_space<vmem>> -> memref<128xi32, #tpu.memory_space<vmem>>
      %dma_wait3A_975 = arith.constant 0 : i32
      %dma_wait3A_976 = arith.constant 0 : i32
      %dma_wait3A_977 = tpu.memref_slice %arg2[%dma_wait3A_975, %dma_wait3A_976] : memref<10000x64xf32, #tpu.memory_space<hbm>> -> memref<10000x64xf32, #tpu.memory_space<hbm>>
      tpu.wait_indirect_dma semaphore(%arg13 : memref<!tpu.dma_semaphore, #tpu.memory_space<semaphore_mem>>) src(%dma_wait3A_977 : memref<10000x64xf32, #tpu.memory_space<hbm>>) dst(%arg7 : memref<128x64xf32, #tpu.memory_space<vmem>>)
      %dma_wait3A_978 = arith.constant 0 : i32
      %dma_wait3A_979 = tpu.memref_slice %arg6[%dma_wait3A_978] : memref<10000xi32, #tpu.memory_space<vmem>> -> memref<128xi32, #tpu.memory_space<vmem>>
      %dma_wait3A_980 = arith.constant 0 : i32
      %dma_wait3A_981 = arith.constant 0 : i32
      %dma_wait3A_982 = tpu.memref_slice %arg2[%dma_wait3A_980, %dma_wait3A_981] : memref<10000x64xf32, #tpu.memory_space<hbm>> -> memref<10000x64xf32, #tpu.memory_space<hbm>>
      tpu.wait_indirect_dma semaphore(%arg13 : memref<!tpu.dma_semaphore, #tpu.memory_space<semaphore_mem>>) src(%dma_wait3A_982 : memref<10000x64xf32, #tpu.memory_space<hbm>>) dst(%arg8 : memref<128x64xf32, #tpu.memory_space<vmem>>)
      %mul3A_983 = arith.constant 2 : i32
      %mul3A_984 = arith.muli %mul3A_983, %scan3A_958 : i32
      %mul3A_985 = arith.constant 128 : i32
      %mul3A_986 = arith.muli %mul3A_984, %mul3A_985 : i32
      %parallel_loop3A = arith.constant 0 : i32
      %parallel_loop3A_987 = arith.constant 8 : i32
      %parallel_loop3A_988 = arith.constant 1 : i32
      scf.for %parallel_loop3A_1010 = %parallel_loop3A to %parallel_loop3A_987 step %parallel_loop3A_988  : i32 {
        %parallel_loop3A_1011 = arith.constant 16 : i32
        %parallel_loop3A_1012 = arith.muli %parallel_loop3A_1010, %parallel_loop3A_1011 : i32
        %parallel_loop3A_1013 = arith.constant 16 : i32
        %parallel_loop3A_1014 = arith.muli %parallel_loop3A_1010, %parallel_loop3A_1013 : i32
        %parallel_loop3A_1015 = arith.constant 17 : i32
        %parallel_loop3A_1016 = arith.muli %parallel_loop3A_1014, %parallel_loop3A_1015 : i32
        %parallel_loop3A_1017 = arith.constant 0 : i32
        %parallel_loop3A_1018 = arith.addi %parallel_loop3A_1012, %parallel_loop3A_1017 : i32
        %parallel_loop3A_1019 = arith.index_cast %parallel_loop3A_1018 : i32 to index
        %parallel_loop3A_1020 = arith.constant 0 : index
        %parallel_loop3A_1021 = tpu.vector_load %arg7[%parallel_loop3A_1019, %parallel_loop3A_1020] {strides = array<i32>} : memref<128x64xf32, #tpu.memory_space<vmem>>, vector<16xf32>,
        %parallel_loop3A_1022 = vector.bitcast %parallel_loop3A_1021 : vector<16xf32> to vector<32xbf16>
        %parallel_loop3A_1023 = arith.index_cast %parallel_loop3A_1018 : i32 to index
        %parallel_loop3A_1024 = arith.constant 0 : index
        %parallel_loop3A_1025 = tpu.vector_load %arg8[%parallel_loop3A_1023, %parallel_loop3A_1024] {strides = array<i32>} : memref<128x64xf32, #tpu.memory_space<vmem>>, vector<16xf32>,
        %parallel_loop3A_1026 = vector.bitcast %parallel_loop3A_1025 : vector<16xf32> to vector<32xbf16>
        %parallel_loop3A_1027 = arith.mulf %parallel_loop3A_1022, %parallel_loop3A_1026 : vector<32xbf16>
        %parallel_loop3A_1028 = arith.index_cast %parallel_loop3A_1018 : i32 to index
        %parallel_loop3A_1029 = arith.constant 16 : index
        %parallel_loop3A_1030 = tpu.vector_load %arg7[%parallel_loop3A_1028, %parallel_loop3A_1029] {strides = array<i32>} : memref<128x64xf32, #tpu.memory_space<vmem>>, vector<16xf32>,
        %parallel_loop3A_1031 = vector.bitcast %parallel_loop3A_1030 : vector<16xf32> to vector<32xbf16>
        %parallel_loop3A_1032 = arith.index_cast %parallel_loop3A_1018 : i32 to index
        %parallel_loop3A_1033 = arith.constant 16 : index
        %parallel_loop3A_1034 = tpu.vector_load %arg8[%parallel_loop3A_1032, %parallel_loop3A_1033] {strides = array<i32>} : memref<128x64xf32, #tpu.memory_space<vmem>>, vector<16xf32>,
        %parallel_loop3A_1035 = vector.bitcast %parallel_loop3A_1034 : vector<16xf32> to vector<32xbf16>
        %parallel_loop3A_1036 = arith.mulf %parallel_loop3A_1031, %parallel_loop3A_1035 : vector<32xbf16>
        %parallel_loop3A_1037 = arith.addf %parallel_loop3A_1027, %parallel_loop3A_1036 : vector<32xbf16>
        %parallel_loop3A_1038 = arith.index_cast %parallel_loop3A_1018 : i32 to index
        %parallel_loop3A_1039 = arith.constant 32 : index
        %parallel_loop3A_1040 = tpu.vector_load %arg7[%parallel_loop3A_1038, %parallel_loop3A_1039] {strides = array<i32>} : memref<128x64xf32, #tpu.memory_space<vmem>>, vector<16xf32>,
        %parallel_loop3A_1041 = vector.bitcast %parallel_loop3A_1040 : vector<16xf32> to vector<32xbf16>
        %parallel_loop3A_1042 = arith.index_cast %parallel_loop3A_1018 : i32 to index
        %parallel_loop3A_1043 = arith.constant 32 : index
        %parallel_loop3A_1044 = tpu.vector_load %arg8[%parallel_loop3A_1042, %parallel_loop3A_1043] {strides = array<i32>} : memref<128x64xf32, #tpu.memory_space<vmem>>, vector<16xf32>,
        %parallel_loop3A_1045 = vector.bitcast %parallel_loop3A_1044 : vector<16xf32> to vector<32xbf16>
        %parallel_loop3A_1046 = arith.mulf %parallel_loop3A_1041, %parallel_loop3A_1045 : vector<32xbf16>
        %parallel_loop3A_1047 = arith.addf %parallel_loop3A_1037, %parallel_loop3A_1046 : vector<32xbf16>
        %parallel_loop3A_1048 = arith.index_cast %parallel_loop3A_1018 : i32 to index
        %parallel_loop3A_1049 = arith.constant 48 : index
        %parallel_loop3A_1050 = tpu.vector_load %arg7[%parallel_loop3A_1048, %parallel_loop3A_1049] {strides = array<i32>} : memref<128x64xf32, #tpu.memory_space<vmem>>, vector<16xf32>,
        %parallel_loop3A_1051 = vector.bitcast %parallel_loop3A_1050 : vector<16xf32> to vector<32xbf16>
        %parallel_loop3A_1052 = arith.index_cast %parallel_loop3A_1018 : i32 to index
        %parallel_loop3A_1053 = arith.constant 48 : index
        %parallel_loop3A_1054 = tpu.vector_load %arg8[%parallel_loop3A_1052, %parallel_loop3A_1053] {strides = array<i32>} : memref<128x64xf32, #tpu.memory_space<vmem>>, vector<16xf32>,
        %parallel_loop3A_1055 = vector.bitcast %parallel_loop3A_1054 : vector<16xf32> to vector<32xbf16>
        %parallel_loop3A_1056 = arith.mulf %parallel_loop3A_1051, %parallel_loop3A_1055 : vector<32xbf16>
        %parallel_loop3A_1057 = arith.addf %parallel_loop3A_1047, %parallel_loop3A_1056 : vector<32xbf16>
        %parallel_loop3A_1058 = tpu.unpack_subelements %parallel_loop3A_1057, 0 {pack_format = #tpu.pack_format<interleaved>} : vector<32xbf16> -> vector<16xf32>
        %parallel_loop3A_1059 = tpu.unpack_subelements %parallel_loop3A_1057, 1 {pack_format = #tpu.pack_format<interleaved>} : vector<32xbf16> -> vector<16xf32>
        %parallel_loop3A_1060 = arith.addf %parallel_loop3A_1058, %parallel_loop3A_1059 : vector<16xf32>
        %parallel_loop3A_1061 = arith.constant 0 : i32
        %parallel_loop3A_1062 = arith.addi %parallel_loop3A_1016, %parallel_loop3A_1061 : i32
        %parallel_loop3A_1063 = arith.index_cast %parallel_loop3A_1062 : i32 to index
        %parallel_loop3A_1064 = tpu.vector_load %arg12[%parallel_loop3A_1063] {strides = array<i32>} : memref<2176xf32, #tpu.memory_space<vmem>>, vector<16xf32>,
        tpu.vector_store %arg12[%parallel_loop3A_1063], %parallel_loop3A_1060 {strides = array<i32>} : memref<2176xf32, #tpu.memory_space<vmem>>, vector<16xf32>,
        %parallel_loop3A_1065 = arith.constant 1 : i32
        %parallel_loop3A_1066 = arith.addi %parallel_loop3A_1012, %parallel_loop3A_1065 : i32
        %parallel_loop3A_1067 = arith.index_cast %parallel_loop3A_1066 : i32 to index
        %parallel_loop3A_1068 = arith.constant 0 : index
        %parallel_loop3A_1069 = tpu.vector_load %arg7[%parallel_loop3A_1067, %parallel_loop3A_1068] {strides = array<i32>} : memref<128x64xf32, #tpu.memory_space<vmem>>, vector<16xf32>,
        %parallel_loop3A_1070 = vector.bitcast %parallel_loop3A_1069 : vector<16xf32> to vector<32xbf16>
        %parallel_loop3A_1071 = arith.index_cast %parallel_loop3A_1066 : i32 to index
        %parallel_loop3A_1072 = arith.constant 0 : index
        %parallel_loop3A_1073 = tpu.vector_load %arg8[%parallel_loop3A_1071, %parallel_loop3A_1072] {strides = array<i32>} : memref<128x64xf32, #tpu.memory_space<vmem>>, vector<16xf32>,
        %parallel_loop3A_1074 = vector.bitcast %parallel_loop3A_1073 : vector<16xf32> to vector<32xbf16>
        %parallel_loop3A_1075 = arith.mulf %parallel_loop3A_1070, %parallel_loop3A_1074 : vector<32xbf16>
        %parallel_loop3A_1076 = arith.index_cast %parallel_loop3A_1066 : i32 to index
        %parallel_loop3A_1077 = arith.constant 16 : index
        %parallel_loop3A_1078 = tpu.vector_load %arg7[%parallel_loop3A_1076, %parallel_loop3A_1077] {strides = array<i32>} : memref<128x64xf32, #tpu.memory_space<vmem>>, vector<16xf32>,
        %parallel_loop3A_1079 = vector.bitcast %parallel_loop3A_1078 : vector<16xf32> to vector<32xbf16>
        %parallel_loop3A_1080 = arith.index_cast %parallel_loop3A_1066 : i32 to index
        %parallel_loop3A_1081 = arith.constant 16 : index
        %parallel_loop3A_1082 = tpu.vector_load %arg8[%parallel_loop3A_1080, %parallel_loop3A_1081] {strides = array<i32>} : memref<128x64xf32, #tpu.memory_space<vmem>>, vector<16xf32>,
        %parallel_loop3A_1083 = vector.bitcast %parallel_loop3A_1082 : vector<16xf32> to vector<32xbf16>
        %parallel_loop3A_1084 = arith.mulf %parallel_loop3A_1079, %parallel_loop3A_1083 : vector<32xbf16>
        %parallel_loop3A_1085 = arith.addf %parallel_loop3A_1075, %parallel_loop3A_1084 : vector<32xbf16>
        %parallel_loop3A_1086 = arith.index_cast %parallel_loop3A_1066 : i32 to index
        %parallel_loop3A_1087 = arith.constant 32 : index
        %parallel_loop3A_1088 = tpu.vector_load %arg7[%parallel_loop3A_1086, %parallel_loop3A_1087] {strides = array<i32>} : memref<128x64xf32, #tpu.memory_space<vmem>>, vector<16xf32>,
        %parallel_loop3A_1089 = vector.bitcast %parallel_loop3A_1088 : vector<16xf32> to vector<32xbf16>
        %parallel_loop3A_1090 = arith.index_cast %parallel_loop3A_1066 : i32 to index
        %parallel_loop3A_1091 = arith.constant 32 : index
        %parallel_loop3A_1092 = tpu.vector_load %arg8[%parallel_loop3A_1090, %parallel_loop3A_1091] {strides = array<i32>} : memref<128x64xf32, #tpu.memory_space<vmem>>, vector<16xf32>,
        %parallel_loop3A_1093 = vector.bitcast %parallel_loop3A_1092 : vector<16xf32> to vector<32xbf16>
        %parallel_loop3A_1094 = arith.mulf %parallel_loop3A_1089, %parallel_loop3A_1093 : vector<32xbf16>
        %parallel_loop3A_1095 = arith.addf %parallel_loop3A_1085, %parallel_loop3A_1094 : vector<32xbf16>
        %parallel_loop3A_1096 = arith.index_cast %parallel_loop3A_1066 : i32 to index
        %parallel_loop3A_1097 = arith.constant 48 : index
        %parallel_loop3A_1098 = tpu.vector_load %arg7[%parallel_loop3A_1096, %parallel_loop3A_1097] {strides = array<i32>} : memref<128x64xf32, #tpu.memory_space<vmem>>, vector<16xf32>,
        %parallel_loop3A_1099 = vector.bitcast %parallel_loop3A_1098 : vector<16xf32> to vector<32xbf16>
        %parallel_loop3A_1100 = arith.index_cast %parallel_loop3A_1066 : i32 to index
        %parallel_loop3A_1101 = arith.constant 48 : index
        %parallel_loop3A_1102 = tpu.vector_load %arg8[%parallel_loop3A_1100, %parallel_loop3A_1101] {strides = array<i32>} : memref<128x64xf32, #tpu.memory_space<vmem>>, vector<16xf32>,
        %parallel_loop3A_1103 = vector.bitcast %parallel_loop3A_1102 : vector<16xf32> to vector<32xbf16>
        %parallel_loop3A_1104 = arith.mulf %parallel_loop3A_1099, %parallel_loop3A_1103 : vector<32xbf16>
        %parallel_loop3A_1105 = arith.addf %parallel_loop3A_1095, %parallel_loop3A_1104 : vector<32xbf16>
        %parallel_loop3A_1106 = tpu.unpack_subelements %parallel_loop3A_1105, 0 {pack_format = #tpu.pack_format<interleaved>} : vector<32xbf16> -> vector<16xf32>
        %parallel_loop3A_1107 = tpu.unpack_subelements %parallel_loop3A_1105, 1 {pack_format = #tpu.pack_format<interleaved>} : vector<32xbf16> -> vector<16xf32>
        %parallel_loop3A_1108 = arith.addf %parallel_loop3A_1106, %parallel_loop3A_1107 : vector<16xf32>
        %parallel_loop3A_1109 = arith.constant 17 : i32
        %parallel_loop3A_1110 = arith.addi %parallel_loop3A_1016, %parallel_loop3A_1109 : i32
        %parallel_loop3A_1111 = arith.index_cast %parallel_loop3A_1110 : i32 to index
        %parallel_loop3A_1112 = tpu.vector_load %arg12[%parallel_loop3A_1111] {strides = array<i32>} : memref<2176xf32, #tpu.memory_space<vmem>>, vector<16xf32>,
        tpu.vector_store %arg12[%parallel_loop3A_1111], %parallel_loop3A_1108 {strides = array<i32>} : memref<2176xf32, #tpu.memory_space<vmem>>, vector<16xf32>,
        %parallel_loop3A_1113 = arith.constant 2 : i32
        %parallel_loop3A_1114 = arith.addi %parallel_loop3A_1012, %parallel_loop3A_1113 : i32
        %parallel_loop3A_1115 = arith.index_cast %parallel_loop3A_1114 : i32 to index
        %parallel_loop3A_1116 = arith.constant 0 : index
        %parallel_loop3A_1117 = tpu.vector_load %arg7[%parallel_loop3A_1115, %parallel_loop3A_1116] {strides = array<i32>} : memref<128x64xf32, #tpu.memory_space<vmem>>, vector<16xf32>,
        %parallel_loop3A_1118 = vector.bitcast %parallel_loop3A_1117 : vector<16xf32> to vector<32xbf16>
        %parallel_loop3A_1119 = arith.index_cast %parallel_loop3A_1114 : i32 to index
        %parallel_loop3A_1120 = arith.constant 0 : index
        %parallel_loop3A_1121 = tpu.vector_load %arg8[%parallel_loop3A_1119, %parallel_loop3A_1120] {strides = array<i32>} : memref<128x64xf32, #tpu.memory_space<vmem>>, vector<16xf32>,
        %parallel_loop3A_1122 = vector.bitcast %parallel_loop3A_1121 : vector<16xf32> to vector<32xbf16>
        %parallel_loop3A_1123 = arith.mulf %parallel_loop3A_1118, %parallel_loop3A_1122 : vector<32xbf16>
        %parallel_loop3A_1124 = arith.index_cast %parallel_loop3A_1114 : i32 to index
        %parallel_loop3A_1125 = arith.constant 16 : index
        %parallel_loop3A_1126 = tpu.vector_load %arg7[%parallel_loop3A_1124, %parallel_loop3A_1125] {strides = array<i32>} : memref<128x64xf32, #tpu.memory_space<vmem>>, vector<16xf32>,
        %parallel_loop3A_1127 = vector.bitcast %parallel_loop3A_1126 : vector<16xf32> to vector<32xbf16>
        %parallel_loop3A_1128 = arith.index_cast %parallel_loop3A_1114 : i32 to index
        %parallel_loop3A_1129 = arith.constant 16 : index
        %parallel_loop3A_1130 = tpu.vector_load %arg8[%parallel_loop3A_1128, %parallel_loop3A_1129] {strides = array<i32>} : memref<128x64xf32, #tpu.memory_space<vmem>>, vector<16xf32>,
        %parallel_loop3A_1131 = vector.bitcast %parallel_loop3A_1130 : vector<16xf32> to vector<32xbf16>
        %parallel_loop3A_1132 = arith.mulf %parallel_loop3A_1127, %parallel_loop3A_1131 : vector<32xbf16>
        %parallel_loop3A_1133 = arith.addf %parallel_loop3A_1123, %parallel_loop3A_1132 : vector<32xbf16>
        %parallel_loop3A_1134 = arith.index_cast %parallel_loop3A_1114 : i32 to index
        %parallel_loop3A_1135 = arith.constant 32 : index
        %parallel_loop3A_1136 = tpu.vector_load %arg7[%parallel_loop3A_1134, %parallel_loop3A_1135] {strides = array<i32>} : memref<128x64xf32, #tpu.memory_space<vmem>>, vector<16xf32>,
        %parallel_loop3A_1137 = vector.bitcast %parallel_loop3A_1136 : vector<16xf32> to vector<32xbf16>
        %parallel_loop3A_1138 = arith.index_cast %parallel_loop3A_1114 : i32 to index
        %parallel_loop3A_1139 = arith.constant 32 : index
        %parallel_loop3A_1140 = tpu.vector_load %arg8[%parallel_loop3A_1138, %parallel_loop3A_1139] {strides = array<i32>} : memref<128x64xf32, #tpu.memory_space<vmem>>, vector<16xf32>,
        %parallel_loop3A_1141 = vector.bitcast %parallel_loop3A_1140 : vector<16xf32> to vector<32xbf16>
        %parallel_loop3A_1142 = arith.mulf %parallel_loop3A_1137, %parallel_loop3A_1141 : vector<32xbf16>
        %parallel_loop3A_1143 = arith.addf %parallel_loop3A_1133, %parallel_loop3A_1142 : vector<32xbf16>
        %parallel_loop3A_1144 = arith.index_cast %parallel_loop3A_1114 : i32 to index
        %parallel_loop3A_1145 = arith.constant 48 : index
        %parallel_loop3A_1146 = tpu.vector_load %arg7[%parallel_loop3A_1144, %parallel_loop3A_1145] {strides = array<i32>} : memref<128x64xf32, #tpu.memory_space<vmem>>, vector<16xf32>,
        %parallel_loop3A_1147 = vector.bitcast %parallel_loop3A_1146 : vector<16xf32> to vector<32xbf16>
        %parallel_loop3A_1148 = arith.index_cast %parallel_loop3A_1114 : i32 to index
        %parallel_loop3A_1149 = arith.constant 48 : index
        %parallel_loop3A_1150 = tpu.vector_load %arg8[%parallel_loop3A_1148, %parallel_loop3A_1149] {strides = array<i32>} : memref<128x64xf32, #tpu.memory_space<vmem>>, vector<16xf32>,
        %parallel_loop3A_1151 = vector.bitcast %parallel_loop3A_1150 : vector<16xf32> to vector<32xbf16>
        %parallel_loop3A_1152 = arith.mulf %parallel_loop3A_1147, %parallel_loop3A_1151 : vector<32xbf16>
        %parallel_loop3A_1153 = arith.addf %parallel_loop3A_1143, %parallel_loop3A_1152 : vector<32xbf16>
        %parallel_loop3A_1154 = tpu.unpack_subelements %parallel_loop3A_1153, 0 {pack_format = #tpu.pack_format<interleaved>} : vector<32xbf16> -> vector<16xf32>
        %parallel_loop3A_1155 = tpu.unpack_subelements %parallel_loop3A_1153, 1 {pack_format = #tpu.pack_format<interleaved>} : vector<32xbf16> -> vector<16xf32>
        %parallel_loop3A_1156 = arith.addf %parallel_loop3A_1154, %parallel_loop3A_1155 : vector<16xf32>
        %parallel_loop3A_1157 = arith.constant 34 : i32
        %parallel_loop3A_1158 = arith.addi %parallel_loop3A_1016, %parallel_loop3A_1157 : i32
        %parallel_loop3A_1159 = arith.index_cast %parallel_loop3A_1158 : i32 to index
        %parallel_loop3A_1160 = tpu.vector_load %arg12[%parallel_loop3A_1159] {strides = array<i32>} : memref<2176xf32, #tpu.memory_space<vmem>>, vector<16xf32>,
        tpu.vector_store %arg12[%parallel_loop3A_1159], %parallel_loop3A_1156 {strides = array<i32>} : memref<2176xf32, #tpu.memory_space<vmem>>, vector<16xf32>,
        %parallel_loop3A_1161 = arith.constant 3 : i32
        %parallel_loop3A_1162 = arith.addi %parallel_loop3A_1012, %parallel_loop3A_1161 : i32
        %parallel_loop3A_1163 = arith.index_cast %parallel_loop3A_1162 : i32 to index
        %parallel_loop3A_1164 = arith.constant 0 : index
        %parallel_loop3A_1165 = tpu.vector_load %arg7[%parallel_loop3A_1163, %parallel_loop3A_1164] {strides = array<i32>} : memref<128x64xf32, #tpu.memory_space<vmem>>, vector<16xf32>,
        %parallel_loop3A_1166 = vector.bitcast %parallel_loop3A_1165 : vector<16xf32> to vector<32xbf16>
        %parallel_loop3A_1167 = arith.index_cast %parallel_loop3A_1162 : i32 to index
        %parallel_loop3A_1168 = arith.constant 0 : index
        %parallel_loop3A_1169 = tpu.vector_load %arg8[%parallel_loop3A_1167, %parallel_loop3A_1168] {strides = array<i32>} : memref<128x64xf32, #tpu.memory_space<vmem>>, vector<16xf32>,
        %parallel_loop3A_1170 = vector.bitcast %parallel_loop3A_1169 : vector<16xf32> to vector<32xbf16>
        %parallel_loop3A_1171 = arith.mulf %parallel_loop3A_1166, %parallel_loop3A_1170 : vector<32xbf16>
        %parallel_loop3A_1172 = arith.index_cast %parallel_loop3A_1162 : i32 to index
        %parallel_loop3A_1173 = arith.constant 16 : index
        %parallel_loop3A_1174 = tpu.vector_load %arg7[%parallel_loop3A_1172, %parallel_loop3A_1173] {strides = array<i32>} : memref<128x64xf32, #tpu.memory_space<vmem>>, vector<16xf32>,
        %parallel_loop3A_1175 = vector.bitcast %parallel_loop3A_1174 : vector<16xf32> to vector<32xbf16>
        %parallel_loop3A_1176 = arith.index_cast %parallel_loop3A_1162 : i32 to index
        %parallel_loop3A_1177 = arith.constant 16 : index
        %parallel_loop3A_1178 = tpu.vector_load %arg8[%parallel_loop3A_1176, %parallel_loop3A_1177] {strides = array<i32>} : memref<128x64xf32, #tpu.memory_space<vmem>>, vector<16xf32>,
        %parallel_loop3A_1179 = vector.bitcast %parallel_loop3A_1178 : vector<16xf32> to vector<32xbf16>
        %parallel_loop3A_1180 = arith.mulf %parallel_loop3A_1175, %parallel_loop3A_1179 : vector<32xbf16>
        %parallel_loop3A_1181 = arith.addf %parallel_loop3A_1171, %parallel_loop3A_1180 : vector<32xbf16>
        %parallel_loop3A_1182 = arith.index_cast %parallel_loop3A_1162 : i32 to index
        %parallel_loop3A_1183 = arith.constant 32 : index
        %parallel_loop3A_1184 = tpu.vector_load %arg7[%parallel_loop3A_1182, %parallel_loop3A_1183] {strides = array<i32>} : memref<128x64xf32, #tpu.memory_space<vmem>>, vector<16xf32>,
        %parallel_loop3A_1185 = vector.bitcast %parallel_loop3A_1184 : vector<16xf32> to vector<32xbf16>
        %parallel_loop3A_1186 = arith.index_cast %parallel_loop3A_1162 : i32 to index
        %parallel_loop3A_1187 = arith.constant 32 : index
        %parallel_loop3A_1188 = tpu.vector_load %arg8[%parallel_loop3A_1186, %parallel_loop3A_1187] {strides = array<i32>} : memref<128x64xf32, #tpu.memory_space<vmem>>, vector<16xf32>,
        %parallel_loop3A_1189 = vector.bitcast %parallel_loop3A_1188 : vector<16xf32> to vector<32xbf16>
        %parallel_loop3A_1190 = arith.mulf %parallel_loop3A_1185, %parallel_loop3A_1189 : vector<32xbf16>
        %parallel_loop3A_1191 = arith.addf %parallel_loop3A_1181, %parallel_loop3A_1190 : vector<32xbf16>
        %parallel_loop3A_1192 = arith.index_cast %parallel_loop3A_1162 : i32 to index
        %parallel_loop3A_1193 = arith.constant 48 : index
        %parallel_loop3A_1194 = tpu.vector_load %arg7[%parallel_loop3A_1192, %parallel_loop3A_1193] {strides = array<i32>} : memref<128x64xf32, #tpu.memory_space<vmem>>, vector<16xf32>,
        %parallel_loop3A_1195 = vector.bitcast %parallel_loop3A_1194 : vector<16xf32> to vector<32xbf16>
        %parallel_loop3A_1196 = arith.index_cast %parallel_loop3A_1162 : i32 to index
        %parallel_loop3A_1197 = arith.constant 48 : index
        %parallel_loop3A_1198 = tpu.vector_load %arg8[%parallel_loop3A_1196, %parallel_loop3A_1197] {strides = array<i32>} : memref<128x64xf32, #tpu.memory_space<vmem>>, vector<16xf32>,
        %parallel_loop3A_1199 = vector.bitcast %parallel_loop3A_1198 : vector<16xf32> to vector<32xbf16>
        %parallel_loop3A_1200 = arith.mulf %parallel_loop3A_1195, %parallel_loop3A_1199 : vector<32xbf16>
        %parallel_loop3A_1201 = arith.addf %parallel_loop3A_1191, %parallel_loop3A_1200 : vector<32xbf16>
        %parallel_loop3A_1202 = tpu.unpack_subelements %parallel_loop3A_1201, 0 {pack_format = #tpu.pack_format<interleaved>} : vector<32xbf16> -> vector<16xf32>
        %parallel_loop3A_1203 = tpu.unpack_subelements %parallel_loop3A_1201, 1 {pack_format = #tpu.pack_format<interleaved>} : vector<32xbf16> -> vector<16xf32>
        %parallel_loop3A_1204 = arith.addf %parallel_loop3A_1202, %parallel_loop3A_1203 : vector<16xf32>
        %parallel_loop3A_1205 = arith.constant 51 : i32
        %parallel_loop3A_1206 = arith.addi %parallel_loop3A_1016, %parallel_loop3A_1205 : i32
        %parallel_loop3A_1207 = arith.index_cast %parallel_loop3A_1206 : i32 to index
        %parallel_loop3A_1208 = tpu.vector_load %arg12[%parallel_loop3A_1207] {strides = array<i32>} : memref<2176xf32, #tpu.memory_space<vmem>>, vector<16xf32>,
        tpu.vector_store %arg12[%parallel_loop3A_1207], %parallel_loop3A_1204 {strides = array<i32>} : memref<2176xf32, #tpu.memory_space<vmem>>, vector<16xf32>,
        %parallel_loop3A_1209 = arith.constant 4 : i32
        %parallel_loop3A_1210 = arith.addi %parallel_loop3A_1012, %parallel_loop3A_1209 : i32
        %parallel_loop3A_1211 = arith.index_cast %parallel_loop3A_1210 : i32 to index
        %parallel_loop3A_1212 = arith.constant 0 : index
        %parallel_loop3A_1213 = tpu.vector_load %arg7[%parallel_loop3A_1211, %parallel_loop3A_1212] {strides = array<i32>} : memref<128x64xf32, #tpu.memory_space<vmem>>, vector<16xf32>,
        %parallel_loop3A_1214 = vector.bitcast %parallel_loop3A_1213 : vector<16xf32> to vector<32xbf16>
        %parallel_loop3A_1215 = arith.index_cast %parallel_loop3A_1210 : i32 to index
        %parallel_loop3A_1216 = arith.constant 0 : index
        %parallel_loop3A_1217 = tpu.vector_load %arg8[%parallel_loop3A_1215, %parallel_loop3A_1216] {strides = array<i32>} : memref<128x64xf32, #tpu.memory_space<vmem>>, vector<16xf32>,
        %parallel_loop3A_1218 = vector.bitcast %parallel_loop3A_1217 : vector<16xf32> to vector<32xbf16>
        %parallel_loop3A_1219 = arith.mulf %parallel_loop3A_1214, %parallel_loop3A_1218 : vector<32xbf16>
        %parallel_loop3A_1220 = arith.index_cast %parallel_loop3A_1210 : i32 to index
        %parallel_loop3A_1221 = arith.constant 16 : index
        %parallel_loop3A_1222 = tpu.vector_load %arg7[%parallel_loop3A_1220, %parallel_loop3A_1221] {strides = array<i32>} : memref<128x64xf32, #tpu.memory_space<vmem>>, vector<16xf32>,
        %parallel_loop3A_1223 = vector.bitcast %parallel_loop3A_1222 : vector<16xf32> to vector<32xbf16>
        %parallel_loop3A_1224 = arith.index_cast %parallel_loop3A_1210 : i32 to index
        %parallel_loop3A_1225 = arith.constant 16 : index
        %parallel_loop3A_1226 = tpu.vector_load %arg8[%parallel_loop3A_1224, %parallel_loop3A_1225] {strides = array<i32>} : memref<128x64xf32, #tpu.memory_space<vmem>>, vector<16xf32>,
        %parallel_loop3A_1227 = vector.bitcast %parallel_loop3A_1226 : vector<16xf32> to vector<32xbf16>
        %parallel_loop3A_1228 = arith.mulf %parallel_loop3A_1223, %parallel_loop3A_1227 : vector<32xbf16>
        %parallel_loop3A_1229 = arith.addf %parallel_loop3A_1219, %parallel_loop3A_1228 : vector<32xbf16>
        %parallel_loop3A_1230 = arith.index_cast %parallel_loop3A_1210 : i32 to index
        %parallel_loop3A_1231 = arith.constant 32 : index
        %parallel_loop3A_1232 = tpu.vector_load %arg7[%parallel_loop3A_1230, %parallel_loop3A_1231] {strides = array<i32>} : memref<128x64xf32, #tpu.memory_space<vmem>>, vector<16xf32>,
        %parallel_loop3A_1233 = vector.bitcast %parallel_loop3A_1232 : vector<16xf32> to vector<32xbf16>
        %parallel_loop3A_1234 = arith.index_cast %parallel_loop3A_1210 : i32 to index
        %parallel_loop3A_1235 = arith.constant 32 : index
        %parallel_loop3A_1236 = tpu.vector_load %arg8[%parallel_loop3A_1234, %parallel_loop3A_1235] {strides = array<i32>} : memref<128x64xf32, #tpu.memory_space<vmem>>, vector<16xf32>,
        %parallel_loop3A_1237 = vector.bitcast %parallel_loop3A_1236 : vector<16xf32> to vector<32xbf16>
        %parallel_loop3A_1238 = arith.mulf %parallel_loop3A_1233, %parallel_loop3A_1237 : vector<32xbf16>
        %parallel_loop3A_1239 = arith.addf %parallel_loop3A_1229, %parallel_loop3A_1238 : vector<32xbf16>
        %parallel_loop3A_1240 = arith.index_cast %parallel_loop3A_1210 : i32 to index
        %parallel_loop3A_1241 = arith.constant 48 : index
        %parallel_loop3A_1242 = tpu.vector_load %arg7[%parallel_loop3A_1240, %parallel_loop3A_1241] {strides = array<i32>} : memref<128x64xf32, #tpu.memory_space<vmem>>, vector<16xf32>,
        %parallel_loop3A_1243 = vector.bitcast %parallel_loop3A_1242 : vector<16xf32> to vector<32xbf16>
        %parallel_loop3A_1244 = arith.index_cast %parallel_loop3A_1210 : i32 to index
        %parallel_loop3A_1245 = arith.constant 48 : index
        %parallel_loop3A_1246 = tpu.vector_load %arg8[%parallel_loop3A_1244, %parallel_loop3A_1245] {strides = array<i32>} : memref<128x64xf32, #tpu.memory_space<vmem>>, vector<16xf32>,
        %parallel_loop3A_1247 = vector.bitcast %parallel_loop3A_1246 : vector<16xf32> to vector<32xbf16>
        %parallel_loop3A_1248 = arith.mulf %parallel_loop3A_1243, %parallel_loop3A_1247 : vector<32xbf16>
        %parallel_loop3A_1249 = arith.addf %parallel_loop3A_1239, %parallel_loop3A_1248 : vector<32xbf16>
        %parallel_loop3A_1250 = tpu.unpack_subelements %parallel_loop3A_1249, 0 {pack_format = #tpu.pack_format<interleaved>} : vector<32xbf16> -> vector<16xf32>
        %parallel_loop3A_1251 = tpu.unpack_subelements %parallel_loop3A_1249, 1 {pack_format = #tpu.pack_format<interleaved>} : vector<32xbf16> -> vector<16xf32>
        %parallel_loop3A_1252 = arith.addf %parallel_loop3A_1250, %parallel_loop3A_1251 : vector<16xf32>
        %parallel_loop3A_1253 = arith.constant 68 : i32
        %parallel_loop3A_1254 = arith.addi %parallel_loop3A_1016, %parallel_loop3A_1253 : i32
        %parallel_loop3A_1255 = arith.index_cast %parallel_loop3A_1254 : i32 to index
        %parallel_loop3A_1256 = tpu.vector_load %arg12[%parallel_loop3A_1255] {strides = array<i32>} : memref<2176xf32, #tpu.memory_space<vmem>>, vector<16xf32>,
        tpu.vector_store %arg12[%parallel_loop3A_1255], %parallel_loop3A_1252 {strides = array<i32>} : memref<2176xf32, #tpu.memory_space<vmem>>, vector<16xf32>,
        %parallel_loop3A_1257 = arith.constant 5 : i32
        %parallel_loop3A_1258 = arith.addi %parallel_loop3A_1012, %parallel_loop3A_1257 : i32
        %parallel_loop3A_1259 = arith.index_cast %parallel_loop3A_1258 : i32 to index
        %parallel_loop3A_1260 = arith.constant 0 : index
        %parallel_loop3A_1261 = tpu.vector_load %arg7[%parallel_loop3A_1259, %parallel_loop3A_1260] {strides = array<i32>} : memref<128x64xf32, #tpu.memory_space<vmem>>, vector<16xf32>,
        %parallel_loop3A_1262 = vector.bitcast %parallel_loop3A_1261 : vector<16xf32> to vector<32xbf16>
        %parallel_loop3A_1263 = arith.index_cast %parallel_loop3A_1258 : i32 to index
        %parallel_loop3A_1264 = arith.constant 0 : index
        %parallel_loop3A_1265 = tpu.vector_load %arg8[%parallel_loop3A_1263, %parallel_loop3A_1264] {strides = array<i32>} : memref<128x64xf32, #tpu.memory_space<vmem>>, vector<16xf32>,
        %parallel_loop3A_1266 = vector.bitcast %parallel_loop3A_1265 : vector<16xf32> to vector<32xbf16>
        %parallel_loop3A_1267 = arith.mulf %parallel_loop3A_1262, %parallel_loop3A_1266 : vector<32xbf16>
        %parallel_loop3A_1268 = arith.index_cast %parallel_loop3A_1258 : i32 to index
        %parallel_loop3A_1269 = arith.constant 16 : index
        %parallel_loop3A_1270 = tpu.vector_load %arg7[%parallel_loop3A_1268, %parallel_loop3A_1269] {strides = array<i32>} : memref<128x64xf32, #tpu.memory_space<vmem>>, vector<16xf32>,
        %parallel_loop3A_1271 = vector.bitcast %parallel_loop3A_1270 : vector<16xf32> to vector<32xbf16>
        %parallel_loop3A_1272 = arith.index_cast %parallel_loop3A_1258 : i32 to index
        %parallel_loop3A_1273 = arith.constant 16 : index
        %parallel_loop3A_1274 = tpu.vector_load %arg8[%parallel_loop3A_1272, %parallel_loop3A_1273] {strides = array<i32>} : memref<128x64xf32, #tpu.memory_space<vmem>>, vector<16xf32>,
        %parallel_loop3A_1275 = vector.bitcast %parallel_loop3A_1274 : vector<16xf32> to vector<32xbf16>
        %parallel_loop3A_1276 = arith.mulf %parallel_loop3A_1271, %parallel_loop3A_1275 : vector<32xbf16>
        %parallel_loop3A_1277 = arith.addf %parallel_loop3A_1267, %parallel_loop3A_1276 : vector<32xbf16>
        %parallel_loop3A_1278 = arith.index_cast %parallel_loop3A_1258 : i32 to index
        %parallel_loop3A_1279 = arith.constant 32 : index
        %parallel_loop3A_1280 = tpu.vector_load %arg7[%parallel_loop3A_1278, %parallel_loop3A_1279] {strides = array<i32>} : memref<128x64xf32, #tpu.memory_space<vmem>>, vector<16xf32>,
        %parallel_loop3A_1281 = vector.bitcast %parallel_loop3A_1280 : vector<16xf32> to vector<32xbf16>
        %parallel_loop3A_1282 = arith.index_cast %parallel_loop3A_1258 : i32 to index
        %parallel_loop3A_1283 = arith.constant 32 : index
        %parallel_loop3A_1284 = tpu.vector_load %arg8[%parallel_loop3A_1282, %parallel_loop3A_1283] {strides = array<i32>} : memref<128x64xf32, #tpu.memory_space<vmem>>, vector<16xf32>,
        %parallel_loop3A_1285 = vector.bitcast %parallel_loop3A_1284 : vector<16xf32> to vector<32xbf16>
        %parallel_loop3A_1286 = arith.mulf %parallel_loop3A_1281, %parallel_loop3A_1285 : vector<32xbf16>
        %parallel_loop3A_1287 = arith.addf %parallel_loop3A_1277, %parallel_loop3A_1286 : vector<32xbf16>
        %parallel_loop3A_1288 = arith.index_cast %parallel_loop3A_1258 : i32 to index
        %parallel_loop3A_1289 = arith.constant 48 : index
        %parallel_loop3A_1290 = tpu.vector_load %arg7[%parallel_loop3A_1288, %parallel_loop3A_1289] {strides = array<i32>} : memref<128x64xf32, #tpu.memory_space<vmem>>, vector<16xf32>,
        %parallel_loop3A_1291 = vector.bitcast %parallel_loop3A_1290 : vector<16xf32> to vector<32xbf16>
        %parallel_loop3A_1292 = arith.index_cast %parallel_loop3A_1258 : i32 to index
        %parallel_loop3A_1293 = arith.constant 48 : index
        %parallel_loop3A_1294 = tpu.vector_load %arg8[%parallel_loop3A_1292, %parallel_loop3A_1293] {strides = array<i32>} : memref<128x64xf32, #tpu.memory_space<vmem>>, vector<16xf32>,
        %parallel_loop3A_1295 = vector.bitcast %parallel_loop3A_1294 : vector<16xf32> to vector<32xbf16>
        %parallel_loop3A_1296 = arith.mulf %parallel_loop3A_1291, %parallel_loop3A_1295 : vector<32xbf16>
        %parallel_loop3A_1297 = arith.addf %parallel_loop3A_1287, %parallel_loop3A_1296 : vector<32xbf16>
        %parallel_loop3A_1298 = tpu.unpack_subelements %parallel_loop3A_1297, 0 {pack_format = #tpu.pack_format<interleaved>} : vector<32xbf16> -> vector<16xf32>
        %parallel_loop3A_1299 = tpu.unpack_subelements %parallel_loop3A_1297, 1 {pack_format = #tpu.pack_format<interleaved>} : vector<32xbf16> -> vector<16xf32>
        %parallel_loop3A_1300 = arith.addf %parallel_loop3A_1298, %parallel_loop3A_1299 : vector<16xf32>
        %parallel_loop3A_1301 = arith.constant 85 : i32
        %parallel_loop3A_1302 = arith.addi %parallel_loop3A_1016, %parallel_loop3A_1301 : i32
        %parallel_loop3A_1303 = arith.index_cast %parallel_loop3A_1302 : i32 to index
        %parallel_loop3A_1304 = tpu.vector_load %arg12[%parallel_loop3A_1303] {strides = array<i32>} : memref<2176xf32, #tpu.memory_space<vmem>>, vector<16xf32>,
        tpu.vector_store %arg12[%parallel_loop3A_1303], %parallel_loop3A_1300 {strides = array<i32>} : memref<2176xf32, #tpu.memory_space<vmem>>, vector<16xf32>,
        %parallel_loop3A_1305 = arith.constant 6 : i32
        %parallel_loop3A_1306 = arith.addi %parallel_loop3A_1012, %parallel_loop3A_1305 : i32
        %parallel_loop3A_1307 = arith.index_cast %parallel_loop3A_1306 : i32 to index
        %parallel_loop3A_1308 = arith.constant 0 : index
        %parallel_loop3A_1309 = tpu.vector_load %arg7[%parallel_loop3A_1307, %parallel_loop3A_1308] {strides = array<i32>} : memref<128x64xf32, #tpu.memory_space<vmem>>, vector<16xf32>,
        %parallel_loop3A_1310 = vector.bitcast %parallel_loop3A_1309 : vector<16xf32> to vector<32xbf16>
        %parallel_loop3A_1311 = arith.index_cast %parallel_loop3A_1306 : i32 to index
        %parallel_loop3A_1312 = arith.constant 0 : index
        %parallel_loop3A_1313 = tpu.vector_load %arg8[%parallel_loop3A_1311, %parallel_loop3A_1312] {strides = array<i32>} : memref<128x64xf32, #tpu.memory_space<vmem>>, vector<16xf32>,
        %parallel_loop3A_1314 = vector.bitcast %parallel_loop3A_1313 : vector<16xf32> to vector<32xbf16>
        %parallel_loop3A_1315 = arith.mulf %parallel_loop3A_1310, %parallel_loop3A_1314 : vector<32xbf16>
        %parallel_loop3A_1316 = arith.index_cast %parallel_loop3A_1306 : i32 to index
        %parallel_loop3A_1317 = arith.constant 16 : index
        %parallel_loop3A_1318 = tpu.vector_load %arg7[%parallel_loop3A_1316, %parallel_loop3A_1317] {strides = array<i32>} : memref<128x64xf32, #tpu.memory_space<vmem>>, vector<16xf32>,
        %parallel_loop3A_1319 = vector.bitcast %parallel_loop3A_1318 : vector<16xf32> to vector<32xbf16>
        %parallel_loop3A_1320 = arith.index_cast %parallel_loop3A_1306 : i32 to index
        %parallel_loop3A_1321 = arith.constant 16 : index
        %parallel_loop3A_1322 = tpu.vector_load %arg8[%parallel_loop3A_1320, %parallel_loop3A_1321] {strides = array<i32>} : memref<128x64xf32, #tpu.memory_space<vmem>>, vector<16xf32>,
        %parallel_loop3A_1323 = vector.bitcast %parallel_loop3A_1322 : vector<16xf32> to vector<32xbf16>
        %parallel_loop3A_1324 = arith.mulf %parallel_loop3A_1319, %parallel_loop3A_1323 : vector<32xbf16>
        %parallel_loop3A_1325 = arith.addf %parallel_loop3A_1315, %parallel_loop3A_1324 : vector<32xbf16>
        %parallel_loop3A_1326 = arith.index_cast %parallel_loop3A_1306 : i32 to index
        %parallel_loop3A_1327 = arith.constant 32 : index
        %parallel_loop3A_1328 = tpu.vector_load %arg7[%parallel_loop3A_1326, %parallel_loop3A_1327] {strides = array<i32>} : memref<128x64xf32, #tpu.memory_space<vmem>>, vector<16xf32>,
        %parallel_loop3A_1329 = vector.bitcast %parallel_loop3A_1328 : vector<16xf32> to vector<32xbf16>
        %parallel_loop3A_1330 = arith.index_cast %parallel_loop3A_1306 : i32 to index
        %parallel_loop3A_1331 = arith.constant 32 : index
        %parallel_loop3A_1332 = tpu.vector_load %arg8[%parallel_loop3A_1330, %parallel_loop3A_1331] {strides = array<i32>} : memref<128x64xf32, #tpu.memory_space<vmem>>, vector<16xf32>,
        %parallel_loop3A_1333 = vector.bitcast %parallel_loop3A_1332 : vector<16xf32> to vector<32xbf16>
        %parallel_loop3A_1334 = arith.mulf %parallel_loop3A_1329, %parallel_loop3A_1333 : vector<32xbf16>
        %parallel_loop3A_1335 = arith.addf %parallel_loop3A_1325, %parallel_loop3A_1334 : vector<32xbf16>
        %parallel_loop3A_1336 = arith.index_cast %parallel_loop3A_1306 : i32 to index
        %parallel_loop3A_1337 = arith.constant 48 : index
        %parallel_loop3A_1338 = tpu.vector_load %arg7[%parallel_loop3A_1336, %parallel_loop3A_1337] {strides = array<i32>} : memref<128x64xf32, #tpu.memory_space<vmem>>, vector<16xf32>,
        %parallel_loop3A_1339 = vector.bitcast %parallel_loop3A_1338 : vector<16xf32> to vector<32xbf16>
        %parallel_loop3A_1340 = arith.index_cast %parallel_loop3A_1306 : i32 to index
        %parallel_loop3A_1341 = arith.constant 48 : index
        %parallel_loop3A_1342 = tpu.vector_load %arg8[%parallel_loop3A_1340, %parallel_loop3A_1341] {strides = array<i32>} : memref<128x64xf32, #tpu.memory_space<vmem>>, vector<16xf32>,
        %parallel_loop3A_1343 = vector.bitcast %parallel_loop3A_1342 : vector<16xf32> to vector<32xbf16>
        %parallel_loop3A_1344 = arith.mulf %parallel_loop3A_1339, %parallel_loop3A_1343 : vector<32xbf16>
        %parallel_loop3A_1345 = arith.addf %parallel_loop3A_1335, %parallel_loop3A_1344 : vector<32xbf16>
        %parallel_loop3A_1346 = tpu.unpack_subelements %parallel_loop3A_1345, 0 {pack_format = #tpu.pack_format<interleaved>} : vector<32xbf16> -> vector<16xf32>
        %parallel_loop3A_1347 = tpu.unpack_subelements %parallel_loop3A_1345, 1 {pack_format = #tpu.pack_format<interleaved>} : vector<32xbf16> -> vector<16xf32>
        %parallel_loop3A_1348 = arith.addf %parallel_loop3A_1346, %parallel_loop3A_1347 : vector<16xf32>
        %parallel_loop3A_1349 = arith.constant 102 : i32
        %parallel_loop3A_1350 = arith.addi %parallel_loop3A_1016, %parallel_loop3A_1349 : i32
        %parallel_loop3A_1351 = arith.index_cast %parallel_loop3A_1350 : i32 to index
        %parallel_loop3A_1352 = tpu.vector_load %arg12[%parallel_loop3A_1351] {strides = array<i32>} : memref<2176xf32, #tpu.memory_space<vmem>>, vector<16xf32>,
        tpu.vector_store %arg12[%parallel_loop3A_1351], %parallel_loop3A_1348 {strides = array<i32>} : memref<2176xf32, #tpu.memory_space<vmem>>, vector<16xf32>,
        %parallel_loop3A_1353 = arith.constant 7 : i32
        %parallel_loop3A_1354 = arith.addi %parallel_loop3A_1012, %parallel_loop3A_1353 : i32
        %parallel_loop3A_1355 = arith.index_cast %parallel_loop3A_1354 : i32 to index
        %parallel_loop3A_1356 = arith.constant 0 : index
        %parallel_loop3A_1357 = tpu.vector_load %arg7[%parallel_loop3A_1355, %parallel_loop3A_1356] {strides = array<i32>} : memref<128x64xf32, #tpu.memory_space<vmem>>, vector<16xf32>,
        %parallel_loop3A_1358 = vector.bitcast %parallel_loop3A_1357 : vector<16xf32> to vector<32xbf16>
        %parallel_loop3A_1359 = arith.index_cast %parallel_loop3A_1354 : i32 to index
        %parallel_loop3A_1360 = arith.constant 0 : index
        %parallel_loop3A_1361 = tpu.vector_load %arg8[%parallel_loop3A_1359, %parallel_loop3A_1360] {strides = array<i32>} : memref<128x64xf32, #tpu.memory_space<vmem>>, vector<16xf32>,
        %parallel_loop3A_1362 = vector.bitcast %parallel_loop3A_1361 : vector<16xf32> to vector<32xbf16>
        %parallel_loop3A_1363 = arith.mulf %parallel_loop3A_1358, %parallel_loop3A_1362 : vector<32xbf16>
        %parallel_loop3A_1364 = arith.index_cast %parallel_loop3A_1354 : i32 to index
        %parallel_loop3A_1365 = arith.constant 16 : index
        %parallel_loop3A_1366 = tpu.vector_load %arg7[%parallel_loop3A_1364, %parallel_loop3A_1365] {strides = array<i32>} : memref<128x64xf32, #tpu.memory_space<vmem>>, vector<16xf32>,
        %parallel_loop3A_1367 = vector.bitcast %parallel_loop3A_1366 : vector<16xf32> to vector<32xbf16>
        %parallel_loop3A_1368 = arith.index_cast %parallel_loop3A_1354 : i32 to index
        %parallel_loop3A_1369 = arith.constant 16 : index
        %parallel_loop3A_1370 = tpu.vector_load %arg8[%parallel_loop3A_1368, %parallel_loop3A_1369] {strides = array<i32>} : memref<128x64xf32, #tpu.memory_space<vmem>>, vector<16xf32>,
        %parallel_loop3A_1371 = vector.bitcast %parallel_loop3A_1370 : vector<16xf32> to vector<32xbf16>
        %parallel_loop3A_1372 = arith.mulf %parallel_loop3A_1367, %parallel_loop3A_1371 : vector<32xbf16>
        %parallel_loop3A_1373 = arith.addf %parallel_loop3A_1363, %parallel_loop3A_1372 : vector<32xbf16>
        %parallel_loop3A_1374 = arith.index_cast %parallel_loop3A_1354 : i32 to index
        %parallel_loop3A_1375 = arith.constant 32 : index
        %parallel_loop3A_1376 = tpu.vector_load %arg7[%parallel_loop3A_1374, %parallel_loop3A_1375] {strides = array<i32>} : memref<128x64xf32, #tpu.memory_space<vmem>>, vector<16xf32>,
        %parallel_loop3A_1377 = vector.bitcast %parallel_loop3A_1376 : vector<16xf32> to vector<32xbf16>
        %parallel_loop3A_1378 = arith.index_cast %parallel_loop3A_1354 : i32 to index
        %parallel_loop3A_1379 = arith.constant 32 : index
        %parallel_loop3A_1380 = tpu.vector_load %arg8[%parallel_loop3A_1378, %parallel_loop3A_1379] {strides = array<i32>} : memref<128x64xf32, #tpu.memory_space<vmem>>, vector<16xf32>,
        %parallel_loop3A_1381 = vector.bitcast %parallel_loop3A_1380 : vector<16xf32> to vector<32xbf16>
        %parallel_loop3A_1382 = arith.mulf %parallel_loop3A_1377, %parallel_loop3A_1381 : vector<32xbf16>
        %parallel_loop3A_1383 = arith.addf %parallel_loop3A_1373, %parallel_loop3A_1382 : vector<32xbf16>
        %parallel_loop3A_1384 = arith.index_cast %parallel_loop3A_1354 : i32 to index
        %parallel_loop3A_1385 = arith.constant 48 : index
        %parallel_loop3A_1386 = tpu.vector_load %arg7[%parallel_loop3A_1384, %parallel_loop3A_1385] {strides = array<i32>} : memref<128x64xf32, #tpu.memory_space<vmem>>, vector<16xf32>,
        %parallel_loop3A_1387 = vector.bitcast %parallel_loop3A_1386 : vector<16xf32> to vector<32xbf16>
        %parallel_loop3A_1388 = arith.index_cast %parallel_loop3A_1354 : i32 to index
        %parallel_loop3A_1389 = arith.constant 48 : index
        %parallel_loop3A_1390 = tpu.vector_load %arg8[%parallel_loop3A_1388, %parallel_loop3A_1389] {strides = array<i32>} : memref<128x64xf32, #tpu.memory_space<vmem>>, vector<16xf32>,
        %parallel_loop3A_1391 = vector.bitcast %parallel_loop3A_1390 : vector<16xf32> to vector<32xbf16>
        %parallel_loop3A_1392 = arith.mulf %parallel_loop3A_1387, %parallel_loop3A_1391 : vector<32xbf16>
        %parallel_loop3A_1393 = arith.addf %parallel_loop3A_1383, %parallel_loop3A_1392 : vector<32xbf16>
        %parallel_loop3A_1394 = tpu.unpack_subelements %parallel_loop3A_1393, 0 {pack_format = #tpu.pack_format<interleaved>} : vector<32xbf16> -> vector<16xf32>
        %parallel_loop3A_1395 = tpu.unpack_subelements %parallel_loop3A_1393, 1 {pack_format = #tpu.pack_format<interleaved>} : vector<32xbf16> -> vector<16xf32>
        %parallel_loop3A_1396 = arith.addf %parallel_loop3A_1394, %parallel_loop3A_1395 : vector<16xf32>
        %parallel_loop3A_1397 = arith.constant 119 : i32
        %parallel_loop3A_1398 = arith.addi %parallel_loop3A_1016, %parallel_loop3A_1397 : i32
        %parallel_loop3A_1399 = arith.index_cast %parallel_loop3A_1398 : i32 to index
        %parallel_loop3A_1400 = tpu.vector_load %arg12[%parallel_loop3A_1399] {strides = array<i32>} : memref<2176xf32, #tpu.memory_space<vmem>>, vector<16xf32>,
        tpu.vector_store %arg12[%parallel_loop3A_1399], %parallel_loop3A_1396 {strides = array<i32>} : memref<2176xf32, #tpu.memory_space<vmem>>, vector<16xf32>,
        %parallel_loop3A_1401 = arith.constant 8 : i32
        %parallel_loop3A_1402 = arith.addi %parallel_loop3A_1012, %parallel_loop3A_1401 : i32
        %parallel_loop3A_1403 = arith.index_cast %parallel_loop3A_1402 : i32 to index
        %parallel_loop3A_1404 = arith.constant 0 : index
        %parallel_loop3A_1405 = tpu.vector_load %arg7[%parallel_loop3A_1403, %parallel_loop3A_1404] {strides = array<i32>} : memref<128x64xf32, #tpu.memory_space<vmem>>, vector<16xf32>,
        %parallel_loop3A_1406 = vector.bitcast %parallel_loop3A_1405 : vector<16xf32> to vector<32xbf16>
        %parallel_loop3A_1407 = arith.index_cast %parallel_loop3A_1402 : i32 to index
        %parallel_loop3A_1408 = arith.constant 0 : index
        %parallel_loop3A_1409 = tpu.vector_load %arg8[%parallel_loop3A_1407, %parallel_loop3A_1408] {strides = array<i32>} : memref<128x64xf32, #tpu.memory_space<vmem>>, vector<16xf32>,
        %parallel_loop3A_1410 = vector.bitcast %parallel_loop3A_1409 : vector<16xf32> to vector<32xbf16>
        %parallel_loop3A_1411 = arith.mulf %parallel_loop3A_1406, %parallel_loop3A_1410 : vector<32xbf16>
        %parallel_loop3A_1412 = arith.index_cast %parallel_loop3A_1402 : i32 to index
        %parallel_loop3A_1413 = arith.constant 16 : index
        %parallel_loop3A_1414 = tpu.vector_load %arg7[%parallel_loop3A_1412, %parallel_loop3A_1413] {strides = array<i32>} : memref<128x64xf32, #tpu.memory_space<vmem>>, vector<16xf32>,
        %parallel_loop3A_1415 = vector.bitcast %parallel_loop3A_1414 : vector<16xf32> to vector<32xbf16>
        %parallel_loop3A_1416 = arith.index_cast %parallel_loop3A_1402 : i32 to index
        %parallel_loop3A_1417 = arith.constant 16 : index
        %parallel_loop3A_1418 = tpu.vector_load %arg8[%parallel_loop3A_1416, %parallel_loop3A_1417] {strides = array<i32>} : memref<128x64xf32, #tpu.memory_space<vmem>>, vector<16xf32>,
        %parallel_loop3A_1419 = vector.bitcast %parallel_loop3A_1418 : vector<16xf32> to vector<32xbf16>
        %parallel_loop3A_1420 = arith.mulf %parallel_loop3A_1415, %parallel_loop3A_1419 : vector<32xbf16>
        %parallel_loop3A_1421 = arith.addf %parallel_loop3A_1411, %parallel_loop3A_1420 : vector<32xbf16>
        %parallel_loop3A_1422 = arith.index_cast %parallel_loop3A_1402 : i32 to index
        %parallel_loop3A_1423 = arith.constant 32 : index
        %parallel_loop3A_1424 = tpu.vector_load %arg7[%parallel_loop3A_1422, %parallel_loop3A_1423] {strides = array<i32>} : memref<128x64xf32, #tpu.memory_space<vmem>>, vector<16xf32>,
        %parallel_loop3A_1425 = vector.bitcast %parallel_loop3A_1424 : vector<16xf32> to vector<32xbf16>
        %parallel_loop3A_1426 = arith.index_cast %parallel_loop3A_1402 : i32 to index
        %parallel_loop3A_1427 = arith.constant 32 : index
        %parallel_loop3A_1428 = tpu.vector_load %arg8[%parallel_loop3A_1426, %parallel_loop3A_1427] {strides = array<i32>} : memref<128x64xf32, #tpu.memory_space<vmem>>, vector<16xf32>,
        %parallel_loop3A_1429 = vector.bitcast %parallel_loop3A_1428 : vector<16xf32> to vector<32xbf16>
        %parallel_loop3A_1430 = arith.mulf %parallel_loop3A_1425, %parallel_loop3A_1429 : vector<32xbf16>
        %parallel_loop3A_1431 = arith.addf %parallel_loop3A_1421, %parallel_loop3A_1430 : vector<32xbf16>
        %parallel_loop3A_1432 = arith.index_cast %parallel_loop3A_1402 : i32 to index
        %parallel_loop3A_1433 = arith.constant 48 : index
        %parallel_loop3A_1434 = tpu.vector_load %arg7[%parallel_loop3A_1432, %parallel_loop3A_1433] {strides = array<i32>} : memref<128x64xf32, #tpu.memory_space<vmem>>, vector<16xf32>,
        %parallel_loop3A_1435 = vector.bitcast %parallel_loop3A_1434 : vector<16xf32> to vector<32xbf16>
        %parallel_loop3A_1436 = arith.index_cast %parallel_loop3A_1402 : i32 to index
        %parallel_loop3A_1437 = arith.constant 48 : index
        %parallel_loop3A_1438 = tpu.vector_load %arg8[%parallel_loop3A_1436, %parallel_loop3A_1437] {strides = array<i32>} : memref<128x64xf32, #tpu.memory_space<vmem>>, vector<16xf32>,
        %parallel_loop3A_1439 = vector.bitcast %parallel_loop3A_1438 : vector<16xf32> to vector<32xbf16>
        %parallel_loop3A_1440 = arith.mulf %parallel_loop3A_1435, %parallel_loop3A_1439 : vector<32xbf16>
        %parallel_loop3A_1441 = arith.addf %parallel_loop3A_1431, %parallel_loop3A_1440 : vector<32xbf16>
        %parallel_loop3A_1442 = tpu.unpack_subelements %parallel_loop3A_1441, 0 {pack_format = #tpu.pack_format<interleaved>} : vector<32xbf16> -> vector<16xf32>
        %parallel_loop3A_1443 = tpu.unpack_subelements %parallel_loop3A_1441, 1 {pack_format = #tpu.pack_format<interleaved>} : vector<32xbf16> -> vector<16xf32>
        %parallel_loop3A_1444 = arith.addf %parallel_loop3A_1442, %parallel_loop3A_1443 : vector<16xf32>
        %parallel_loop3A_1445 = arith.constant 136 : i32
        %parallel_loop3A_1446 = arith.addi %parallel_loop3A_1016, %parallel_loop3A_1445 : i32
        %parallel_loop3A_1447 = arith.index_cast %parallel_loop3A_1446 : i32 to index
        %parallel_loop3A_1448 = tpu.vector_load %arg12[%parallel_loop3A_1447] {strides = array<i32>} : memref<2176xf32, #tpu.memory_space<vmem>>, vector<16xf32>,
        tpu.vector_store %arg12[%parallel_loop3A_1447], %parallel_loop3A_1444 {strides = array<i32>} : memref<2176xf32, #tpu.memory_space<vmem>>, vector<16xf32>,
        %parallel_loop3A_1449 = arith.constant 9 : i32
        %parallel_loop3A_1450 = arith.addi %parallel_loop3A_1012, %parallel_loop3A_1449 : i32
        %parallel_loop3A_1451 = arith.index_cast %parallel_loop3A_1450 : i32 to index
        %parallel_loop3A_1452 = arith.constant 0 : index
        %parallel_loop3A_1453 = tpu.vector_load %arg7[%parallel_loop3A_1451, %parallel_loop3A_1452] {strides = array<i32>} : memref<128x64xf32, #tpu.memory_space<vmem>>, vector<16xf32>,
        %parallel_loop3A_1454 = vector.bitcast %parallel_loop3A_1453 : vector<16xf32> to vector<32xbf16>
        %parallel_loop3A_1455 = arith.index_cast %parallel_loop3A_1450 : i32 to index
        %parallel_loop3A_1456 = arith.constant 0 : index
        %parallel_loop3A_1457 = tpu.vector_load %arg8[%parallel_loop3A_1455, %parallel_loop3A_1456] {strides = array<i32>} : memref<128x64xf32, #tpu.memory_space<vmem>>, vector<16xf32>,
        %parallel_loop3A_1458 = vector.bitcast %parallel_loop3A_1457 : vector<16xf32> to vector<32xbf16>
        %parallel_loop3A_1459 = arith.mulf %parallel_loop3A_1454, %parallel_loop3A_1458 : vector<32xbf16>
        %parallel_loop3A_1460 = arith.index_cast %parallel_loop3A_1450 : i32 to index
        %parallel_loop3A_1461 = arith.constant 16 : index
        %parallel_loop3A_1462 = tpu.vector_load %arg7[%parallel_loop3A_1460, %parallel_loop3A_1461] {strides = array<i32>} : memref<128x64xf32, #tpu.memory_space<vmem>>, vector<16xf32>,
        %parallel_loop3A_1463 = vector.bitcast %parallel_loop3A_1462 : vector<16xf32> to vector<32xbf16>
        %parallel_loop3A_1464 = arith.index_cast %parallel_loop3A_1450 : i32 to index
        %parallel_loop3A_1465 = arith.constant 16 : index
        %parallel_loop3A_1466 = tpu.vector_load %arg8[%parallel_loop3A_1464, %parallel_loop3A_1465] {strides = array<i32>} : memref<128x64xf32, #tpu.memory_space<vmem>>, vector<16xf32>,
        %parallel_loop3A_1467 = vector.bitcast %parallel_loop3A_1466 : vector<16xf32> to vector<32xbf16>
        %parallel_loop3A_1468 = arith.mulf %parallel_loop3A_1463, %parallel_loop3A_1467 : vector<32xbf16>
        %parallel_loop3A_1469 = arith.addf %parallel_loop3A_1459, %parallel_loop3A_1468 : vector<32xbf16>
        %parallel_loop3A_1470 = arith.index_cast %parallel_loop3A_1450 : i32 to index
        %parallel_loop3A_1471 = arith.constant 32 : index
        %parallel_loop3A_1472 = tpu.vector_load %arg7[%parallel_loop3A_1470, %parallel_loop3A_1471] {strides = array<i32>} : memref<128x64xf32, #tpu.memory_space<vmem>>, vector<16xf32>,
        %parallel_loop3A_1473 = vector.bitcast %parallel_loop3A_1472 : vector<16xf32> to vector<32xbf16>
        %parallel_loop3A_1474 = arith.index_cast %parallel_loop3A_1450 : i32 to index
        %parallel_loop3A_1475 = arith.constant 32 : index
        %parallel_loop3A_1476 = tpu.vector_load %arg8[%parallel_loop3A_1474, %parallel_loop3A_1475] {strides = array<i32>} : memref<128x64xf32, #tpu.memory_space<vmem>>, vector<16xf32>,
        %parallel_loop3A_1477 = vector.bitcast %parallel_loop3A_1476 : vector<16xf32> to vector<32xbf16>
        %parallel_loop3A_1478 = arith.mulf %parallel_loop3A_1473, %parallel_loop3A_1477 : vector<32xbf16>
        %parallel_loop3A_1479 = arith.addf %parallel_loop3A_1469, %parallel_loop3A_1478 : vector<32xbf16>
        %parallel_loop3A_1480 = arith.index_cast %parallel_loop3A_1450 : i32 to index
        %parallel_loop3A_1481 = arith.constant 48 : index
        %parallel_loop3A_1482 = tpu.vector_load %arg7[%parallel_loop3A_1480, %parallel_loop3A_1481] {strides = array<i32>} : memref<128x64xf32, #tpu.memory_space<vmem>>, vector<16xf32>,
        %parallel_loop3A_1483 = vector.bitcast %parallel_loop3A_1482 : vector<16xf32> to vector<32xbf16>
        %parallel_loop3A_1484 = arith.index_cast %parallel_loop3A_1450 : i32 to index
        %parallel_loop3A_1485 = arith.constant 48 : index
        %parallel_loop3A_1486 = tpu.vector_load %arg8[%parallel_loop3A_1484, %parallel_loop3A_1485] {strides = array<i32>} : memref<128x64xf32, #tpu.memory_space<vmem>>, vector<16xf32>,
        %parallel_loop3A_1487 = vector.bitcast %parallel_loop3A_1486 : vector<16xf32> to vector<32xbf16>
        %parallel_loop3A_1488 = arith.mulf %parallel_loop3A_1483, %parallel_loop3A_1487 : vector<32xbf16>
        %parallel_loop3A_1489 = arith.addf %parallel_loop3A_1479, %parallel_loop3A_1488 : vector<32xbf16>
        %parallel_loop3A_1490 = tpu.unpack_subelements %parallel_loop3A_1489, 0 {pack_format = #tpu.pack_format<interleaved>} : vector<32xbf16> -> vector<16xf32>
        %parallel_loop3A_1491 = tpu.unpack_subelements %parallel_loop3A_1489, 1 {pack_format = #tpu.pack_format<interleaved>} : vector<32xbf16> -> vector<16xf32>
        %parallel_loop3A_1492 = arith.addf %parallel_loop3A_1490, %parallel_loop3A_1491 : vector<16xf32>
        %parallel_loop3A_1493 = arith.constant 153 : i32
        %parallel_loop3A_1494 = arith.addi %parallel_loop3A_1016, %parallel_loop3A_1493 : i32
        %parallel_loop3A_1495 = arith.index_cast %parallel_loop3A_1494 : i32 to index
        %parallel_loop3A_1496 = tpu.vector_load %arg12[%parallel_loop3A_1495] {strides = array<i32>} : memref<2176xf32, #tpu.memory_space<vmem>>, vector<16xf32>,
        tpu.vector_store %arg12[%parallel_loop3A_1495], %parallel_loop3A_1492 {strides = array<i32>} : memref<2176xf32, #tpu.memory_space<vmem>>, vector<16xf32>,
        %parallel_loop3A_1497 = arith.constant 10 : i32
        %parallel_loop3A_1498 = arith.addi %parallel_loop3A_1012, %parallel_loop3A_1497 : i32
        %parallel_loop3A_1499 = arith.index_cast %parallel_loop3A_1498 : i32 to index
        %parallel_loop3A_1500 = arith.constant 0 : index
        %parallel_loop3A_1501 = tpu.vector_load %arg7[%parallel_loop3A_1499, %parallel_loop3A_1500] {strides = array<i32>} : memref<128x64xf32, #tpu.memory_space<vmem>>, vector<16xf32>,
        %parallel_loop3A_1502 = vector.bitcast %parallel_loop3A_1501 : vector<16xf32> to vector<32xbf16>
        %parallel_loop3A_1503 = arith.index_cast %parallel_loop3A_1498 : i32 to index
        %parallel_loop3A_1504 = arith.constant 0 : index
        %parallel_loop3A_1505 = tpu.vector_load %arg8[%parallel_loop3A_1503, %parallel_loop3A_1504] {strides = array<i32>} : memref<128x64xf32, #tpu.memory_space<vmem>>, vector<16xf32>,
        %parallel_loop3A_1506 = vector.bitcast %parallel_loop3A_1505 : vector<16xf32> to vector<32xbf16>
        %parallel_loop3A_1507 = arith.mulf %parallel_loop3A_1502, %parallel_loop3A_1506 : vector<32xbf16>
        %parallel_loop3A_1508 = arith.index_cast %parallel_loop3A_1498 : i32 to index
        %parallel_loop3A_1509 = arith.constant 16 : index
        %parallel_loop3A_1510 = tpu.vector_load %arg7[%parallel_loop3A_1508, %parallel_loop3A_1509] {strides = array<i32>} : memref<128x64xf32, #tpu.memory_space<vmem>>, vector<16xf32>,
        %parallel_loop3A_1511 = vector.bitcast %parallel_loop3A_1510 : vector<16xf32> to vector<32xbf16>
        %parallel_loop3A_1512 = arith.index_cast %parallel_loop3A_1498 : i32 to index
        %parallel_loop3A_1513 = arith.constant 16 : index
        %parallel_loop3A_1514 = tpu.vector_load %arg8[%parallel_loop3A_1512, %parallel_loop3A_1513] {strides = array<i32>} : memref<128x64xf32, #tpu.memory_space<vmem>>, vector<16xf32>,
        %parallel_loop3A_1515 = vector.bitcast %parallel_loop3A_1514 : vector<16xf32> to vector<32xbf16>
        %parallel_loop3A_1516 = arith.mulf %parallel_loop3A_1511, %parallel_loop3A_1515 : vector<32xbf16>
        %parallel_loop3A_1517 = arith.addf %parallel_loop3A_1507, %parallel_loop3A_1516 : vector<32xbf16>
        %parallel_loop3A_1518 = arith.index_cast %parallel_loop3A_1498 : i32 to index
        %parallel_loop3A_1519 = arith.constant 32 : index
        %parallel_loop3A_1520 = tpu.vector_load %arg7[%parallel_loop3A_1518, %parallel_loop3A_1519] {strides = array<i32>} : memref<128x64xf32, #tpu.memory_space<vmem>>, vector<16xf32>,
        %parallel_loop3A_1521 = vector.bitcast %parallel_loop3A_1520 : vector<16xf32> to vector<32xbf16>
        %parallel_loop3A_1522 = arith.index_cast %parallel_loop3A_1498 : i32 to index
        %parallel_loop3A_1523 = arith.constant 32 : index
        %parallel_loop3A_1524 = tpu.vector_load %arg8[%parallel_loop3A_1522, %parallel_loop3A_1523] {strides = array<i32>} : memref<128x64xf32, #tpu.memory_space<vmem>>, vector<16xf32>,
        %parallel_loop3A_1525 = vector.bitcast %parallel_loop3A_1524 : vector<16xf32> to vector<32xbf16>
        %parallel_loop3A_1526 = arith.mulf %parallel_loop3A_1521, %parallel_loop3A_1525 : vector<32xbf16>
        %parallel_loop3A_1527 = arith.addf %parallel_loop3A_1517, %parallel_loop3A_1526 : vector<32xbf16>
        %parallel_loop3A_1528 = arith.index_cast %parallel_loop3A_1498 : i32 to index
        %parallel_loop3A_1529 = arith.constant 48 : index
        %parallel_loop3A_1530 = tpu.vector_load %arg7[%parallel_loop3A_1528, %parallel_loop3A_1529] {strides = array<i32>} : memref<128x64xf32, #tpu.memory_space<vmem>>, vector<16xf32>,
        %parallel_loop3A_1531 = vector.bitcast %parallel_loop3A_1530 : vector<16xf32> to vector<32xbf16>
        %parallel_loop3A_1532 = arith.index_cast %parallel_loop3A_1498 : i32 to index
        %parallel_loop3A_1533 = arith.constant 48 : index
        %parallel_loop3A_1534 = tpu.vector_load %arg8[%parallel_loop3A_1532, %parallel_loop3A_1533] {strides = array<i32>} : memref<128x64xf32, #tpu.memory_space<vmem>>, vector<16xf32>,
        %parallel_loop3A_1535 = vector.bitcast %parallel_loop3A_1534 : vector<16xf32> to vector<32xbf16>
        %parallel_loop3A_1536 = arith.mulf %parallel_loop3A_1531, %parallel_loop3A_1535 : vector<32xbf16>
        %parallel_loop3A_1537 = arith.addf %parallel_loop3A_1527, %parallel_loop3A_1536 : vector<32xbf16>
        %parallel_loop3A_1538 = tpu.unpack_subelements %parallel_loop3A_1537, 0 {pack_format = #tpu.pack_format<interleaved>} : vector<32xbf16> -> vector<16xf32>
        %parallel_loop3A_1539 = tpu.unpack_subelements %parallel_loop3A_1537, 1 {pack_format = #tpu.pack_format<interleaved>} : vector<32xbf16> -> vector<16xf32>
        %parallel_loop3A_1540 = arith.addf %parallel_loop3A_1538, %parallel_loop3A_1539 : vector<16xf32>
        %parallel_loop3A_1541 = arith.constant 170 : i32
        %parallel_loop3A_1542 = arith.addi %parallel_loop3A_1016, %parallel_loop3A_1541 : i32
        %parallel_loop3A_1543 = arith.index_cast %parallel_loop3A_1542 : i32 to index
        %parallel_loop3A_1544 = tpu.vector_load %arg12[%parallel_loop3A_1543] {strides = array<i32>} : memref<2176xf32, #tpu.memory_space<vmem>>, vector<16xf32>,
        tpu.vector_store %arg12[%parallel_loop3A_1543], %parallel_loop3A_1540 {strides = array<i32>} : memref<2176xf32, #tpu.memory_space<vmem>>, vector<16xf32>,
        %parallel_loop3A_1545 = arith.constant 11 : i32
        %parallel_loop3A_1546 = arith.addi %parallel_loop3A_1012, %parallel_loop3A_1545 : i32
        %parallel_loop3A_1547 = arith.index_cast %parallel_loop3A_1546 : i32 to index
        %parallel_loop3A_1548 = arith.constant 0 : index
        %parallel_loop3A_1549 = tpu.vector_load %arg7[%parallel_loop3A_1547, %parallel_loop3A_1548] {strides = array<i32>} : memref<128x64xf32, #tpu.memory_space<vmem>>, vector<16xf32>,
        %parallel_loop3A_1550 = vector.bitcast %parallel_loop3A_1549 : vector<16xf32> to vector<32xbf16>
        %parallel_loop3A_1551 = arith.index_cast %parallel_loop3A_1546 : i32 to index
        %parallel_loop3A_1552 = arith.constant 0 : index
        %parallel_loop3A_1553 = tpu.vector_load %arg8[%parallel_loop3A_1551, %parallel_loop3A_1552] {strides = array<i32>} : memref<128x64xf32, #tpu.memory_space<vmem>>, vector<16xf32>,
        %parallel_loop3A_1554 = vector.bitcast %parallel_loop3A_1553 : vector<16xf32> to vector<32xbf16>
        %parallel_loop3A_1555 = arith.mulf %parallel_loop3A_1550, %parallel_loop3A_1554 : vector<32xbf16>
        %parallel_loop3A_1556 = arith.index_cast %parallel_loop3A_1546 : i32 to index
        %parallel_loop3A_1557 = arith.constant 16 : index
        %parallel_loop3A_1558 = tpu.vector_load %arg7[%parallel_loop3A_1556, %parallel_loop3A_1557] {strides = array<i32>} : memref<128x64xf32, #tpu.memory_space<vmem>>, vector<16xf32>,
        %parallel_loop3A_1559 = vector.bitcast %parallel_loop3A_1558 : vector<16xf32> to vector<32xbf16>
        %parallel_loop3A_1560 = arith.index_cast %parallel_loop3A_1546 : i32 to index
        %parallel_loop3A_1561 = arith.constant 16 : index
        %parallel_loop3A_1562 = tpu.vector_load %arg8[%parallel_loop3A_1560, %parallel_loop3A_1561] {strides = array<i32>} : memref<128x64xf32, #tpu.memory_space<vmem>>, vector<16xf32>,
        %parallel_loop3A_1563 = vector.bitcast %parallel_loop3A_1562 : vector<16xf32> to vector<32xbf16>
        %parallel_loop3A_1564 = arith.mulf %parallel_loop3A_1559, %parallel_loop3A_1563 : vector<32xbf16>
        %parallel_loop3A_1565 = arith.addf %parallel_loop3A_1555, %parallel_loop3A_1564 : vector<32xbf16>
        %parallel_loop3A_1566 = arith.index_cast %parallel_loop3A_1546 : i32 to index
        %parallel_loop3A_1567 = arith.constant 32 : index
        %parallel_loop3A_1568 = tpu.vector_load %arg7[%parallel_loop3A_1566, %parallel_loop3A_1567] {strides = array<i32>} : memref<128x64xf32, #tpu.memory_space<vmem>>, vector<16xf32>,
        %parallel_loop3A_1569 = vector.bitcast %parallel_loop3A_1568 : vector<16xf32> to vector<32xbf16>
        %parallel_loop3A_1570 = arith.index_cast %parallel_loop3A_1546 : i32 to index
        %parallel_loop3A_1571 = arith.constant 32 : index
        %parallel_loop3A_1572 = tpu.vector_load %arg8[%parallel_loop3A_1570, %parallel_loop3A_1571] {strides = array<i32>} : memref<128x64xf32, #tpu.memory_space<vmem>>, vector<16xf32>,
        %parallel_loop3A_1573 = vector.bitcast %parallel_loop3A_1572 : vector<16xf32> to vector<32xbf16>
        %parallel_loop3A_1574 = arith.mulf %parallel_loop3A_1569, %parallel_loop3A_1573 : vector<32xbf16>
        %parallel_loop3A_1575 = arith.addf %parallel_loop3A_1565, %parallel_loop3A_1574 : vector<32xbf16>
        %parallel_loop3A_1576 = arith.index_cast %parallel_loop3A_1546 : i32 to index
        %parallel_loop3A_1577 = arith.constant 48 : index
        %parallel_loop3A_1578 = tpu.vector_load %arg7[%parallel_loop3A_1576, %parallel_loop3A_1577] {strides = array<i32>} : memref<128x64xf32, #tpu.memory_space<vmem>>, vector<16xf32>,
        %parallel_loop3A_1579 = vector.bitcast %parallel_loop3A_1578 : vector<16xf32> to vector<32xbf16>
        %parallel_loop3A_1580 = arith.index_cast %parallel_loop3A_1546 : i32 to index
        %parallel_loop3A_1581 = arith.constant 48 : index
        %parallel_loop3A_1582 = tpu.vector_load %arg8[%parallel_loop3A_1580, %parallel_loop3A_1581] {strides = array<i32>} : memref<128x64xf32, #tpu.memory_space<vmem>>, vector<16xf32>,
        %parallel_loop3A_1583 = vector.bitcast %parallel_loop3A_1582 : vector<16xf32> to vector<32xbf16>
        %parallel_loop3A_1584 = arith.mulf %parallel_loop3A_1579, %parallel_loop3A_1583 : vector<32xbf16>
        %parallel_loop3A_1585 = arith.addf %parallel_loop3A_1575, %parallel_loop3A_1584 : vector<32xbf16>
        %parallel_loop3A_1586 = tpu.unpack_subelements %parallel_loop3A_1585, 0 {pack_format = #tpu.pack_format<interleaved>} : vector<32xbf16> -> vector<16xf32>
        %parallel_loop3A_1587 = tpu.unpack_subelements %parallel_loop3A_1585, 1 {pack_format = #tpu.pack_format<interleaved>} : vector<32xbf16> -> vector<16xf32>
        %parallel_loop3A_1588 = arith.addf %parallel_loop3A_1586, %parallel_loop3A_1587 : vector<16xf32>
        %parallel_loop3A_1589 = arith.constant 187 : i32
        %parallel_loop3A_1590 = arith.addi %parallel_loop3A_1016, %parallel_loop3A_1589 : i32
        %parallel_loop3A_1591 = arith.index_cast %parallel_loop3A_1590 : i32 to index
        %parallel_loop3A_1592 = tpu.vector_load %arg12[%parallel_loop3A_1591] {strides = array<i32>} : memref<2176xf32, #tpu.memory_space<vmem>>, vector<16xf32>,
        tpu.vector_store %arg12[%parallel_loop3A_1591], %parallel_loop3A_1588 {strides = array<i32>} : memref<2176xf32, #tpu.memory_space<vmem>>, vector<16xf32>,
        %parallel_loop3A_1593 = arith.constant 12 : i32
        %parallel_loop3A_1594 = arith.addi %parallel_loop3A_1012, %parallel_loop3A_1593 : i32
        %parallel_loop3A_1595 = arith.index_cast %parallel_loop3A_1594 : i32 to index
        %parallel_loop3A_1596 = arith.constant 0 : index
        %parallel_loop3A_1597 = tpu.vector_load %arg7[%parallel_loop3A_1595, %parallel_loop3A_1596] {strides = array<i32>} : memref<128x64xf32, #tpu.memory_space<vmem>>, vector<16xf32>,
        %parallel_loop3A_1598 = vector.bitcast %parallel_loop3A_1597 : vector<16xf32> to vector<32xbf16>
        %parallel_loop3A_1599 = arith.index_cast %parallel_loop3A_1594 : i32 to index
        %parallel_loop3A_1600 = arith.constant 0 : index
        %parallel_loop3A_1601 = tpu.vector_load %arg8[%parallel_loop3A_1599, %parallel_loop3A_1600] {strides = array<i32>} : memref<128x64xf32, #tpu.memory_space<vmem>>, vector<16xf32>,
        %parallel_loop3A_1602 = vector.bitcast %parallel_loop3A_1601 : vector<16xf32> to vector<32xbf16>
        %parallel_loop3A_1603 = arith.mulf %parallel_loop3A_1598, %parallel_loop3A_1602 : vector<32xbf16>
        %parallel_loop3A_1604 = arith.index_cast %parallel_loop3A_1594 : i32 to index
        %parallel_loop3A_1605 = arith.constant 16 : index
        %parallel_loop3A_1606 = tpu.vector_load %arg7[%parallel_loop3A_1604, %parallel_loop3A_1605] {strides = array<i32>} : memref<128x64xf32, #tpu.memory_space<vmem>>, vector<16xf32>,
        %parallel_loop3A_1607 = vector.bitcast %parallel_loop3A_1606 : vector<16xf32> to vector<32xbf16>
        %parallel_loop3A_1608 = arith.index_cast %parallel_loop3A_1594 : i32 to index
        %parallel_loop3A_1609 = arith.constant 16 : index
        %parallel_loop3A_1610 = tpu.vector_load %arg8[%parallel_loop3A_1608, %parallel_loop3A_1609] {strides = array<i32>} : memref<128x64xf32, #tpu.memory_space<vmem>>, vector<16xf32>,
        %parallel_loop3A_1611 = vector.bitcast %parallel_loop3A_1610 : vector<16xf32> to vector<32xbf16>
        %parallel_loop3A_1612 = arith.mulf %parallel_loop3A_1607, %parallel_loop3A_1611 : vector<32xbf16>
        %parallel_loop3A_1613 = arith.addf %parallel_loop3A_1603, %parallel_loop3A_1612 : vector<32xbf16>
        %parallel_loop3A_1614 = arith.index_cast %parallel_loop3A_1594 : i32 to index
        %parallel_loop3A_1615 = arith.constant 32 : index
        %parallel_loop3A_1616 = tpu.vector_load %arg7[%parallel_loop3A_1614, %parallel_loop3A_1615] {strides = array<i32>} : memref<128x64xf32, #tpu.memory_space<vmem>>, vector<16xf32>,
        %parallel_loop3A_1617 = vector.bitcast %parallel_loop3A_1616 : vector<16xf32> to vector<32xbf16>
        %parallel_loop3A_1618 = arith.index_cast %parallel_loop3A_1594 : i32 to index
        %parallel_loop3A_1619 = arith.constant 32 : index
        %parallel_loop3A_1620 = tpu.vector_load %arg8[%parallel_loop3A_1618, %parallel_loop3A_1619] {strides = array<i32>} : memref<128x64xf32, #tpu.memory_space<vmem>>, vector<16xf32>,
        %parallel_loop3A_1621 = vector.bitcast %parallel_loop3A_1620 : vector<16xf32> to vector<32xbf16>
        %parallel_loop3A_1622 = arith.mulf %parallel_loop3A_1617, %parallel_loop3A_1621 : vector<32xbf16>
        %parallel_loop3A_1623 = arith.addf %parallel_loop3A_1613, %parallel_loop3A_1622 : vector<32xbf16>
        %parallel_loop3A_1624 = arith.index_cast %parallel_loop3A_1594 : i32 to index
        %parallel_loop3A_1625 = arith.constant 48 : index
        %parallel_loop3A_1626 = tpu.vector_load %arg7[%parallel_loop3A_1624, %parallel_loop3A_1625] {strides = array<i32>} : memref<128x64xf32, #tpu.memory_space<vmem>>, vector<16xf32>,
        %parallel_loop3A_1627 = vector.bitcast %parallel_loop3A_1626 : vector<16xf32> to vector<32xbf16>
        %parallel_loop3A_1628 = arith.index_cast %parallel_loop3A_1594 : i32 to index
        %parallel_loop3A_1629 = arith.constant 48 : index
        %parallel_loop3A_1630 = tpu.vector_load %arg8[%parallel_loop3A_1628, %parallel_loop3A_1629] {strides = array<i32>} : memref<128x64xf32, #tpu.memory_space<vmem>>, vector<16xf32>,
        %parallel_loop3A_1631 = vector.bitcast %parallel_loop3A_1630 : vector<16xf32> to vector<32xbf16>
        %parallel_loop3A_1632 = arith.mulf %parallel_loop3A_1627, %parallel_loop3A_1631 : vector<32xbf16>
        %parallel_loop3A_1633 = arith.addf %parallel_loop3A_1623, %parallel_loop3A_1632 : vector<32xbf16>
        %parallel_loop3A_1634 = tpu.unpack_subelements %parallel_loop3A_1633, 0 {pack_format = #tpu.pack_format<interleaved>} : vector<32xbf16> -> vector<16xf32>
        %parallel_loop3A_1635 = tpu.unpack_subelements %parallel_loop3A_1633, 1 {pack_format = #tpu.pack_format<interleaved>} : vector<32xbf16> -> vector<16xf32>
        %parallel_loop3A_1636 = arith.addf %parallel_loop3A_1634, %parallel_loop3A_1635 : vector<16xf32>
        %parallel_loop3A_1637 = arith.constant 204 : i32
        %parallel_loop3A_1638 = arith.addi %parallel_loop3A_1016, %parallel_loop3A_1637 : i32
        %parallel_loop3A_1639 = arith.index_cast %parallel_loop3A_1638 : i32 to index
        %parallel_loop3A_1640 = tpu.vector_load %arg12[%parallel_loop3A_1639] {strides = array<i32>} : memref<2176xf32, #tpu.memory_space<vmem>>, vector<16xf32>,
        tpu.vector_store %arg12[%parallel_loop3A_1639], %parallel_loop3A_1636 {strides = array<i32>} : memref<2176xf32, #tpu.memory_space<vmem>>, vector<16xf32>,
        %parallel_loop3A_1641 = arith.constant 13 : i32
        %parallel_loop3A_1642 = arith.addi %parallel_loop3A_1012, %parallel_loop3A_1641 : i32
        %parallel_loop3A_1643 = arith.index_cast %parallel_loop3A_1642 : i32 to index
        %parallel_loop3A_1644 = arith.constant 0 : index
        %parallel_loop3A_1645 = tpu.vector_load %arg7[%parallel_loop3A_1643, %parallel_loop3A_1644] {strides = array<i32>} : memref<128x64xf32, #tpu.memory_space<vmem>>, vector<16xf32>,
        %parallel_loop3A_1646 = vector.bitcast %parallel_loop3A_1645 : vector<16xf32> to vector<32xbf16>
        %parallel_loop3A_1647 = arith.index_cast %parallel_loop3A_1642 : i32 to index
        %parallel_loop3A_1648 = arith.constant 0 : index
        %parallel_loop3A_1649 = tpu.vector_load %arg8[%parallel_loop3A_1647, %parallel_loop3A_1648] {strides = array<i32>} : memref<128x64xf32, #tpu.memory_space<vmem>>, vector<16xf32>,
        %parallel_loop3A_1650 = vector.bitcast %parallel_loop3A_1649 : vector<16xf32> to vector<32xbf16>
        %parallel_loop3A_1651 = arith.mulf %parallel_loop3A_1646, %parallel_loop3A_1650 : vector<32xbf16>
        %parallel_loop3A_1652 = arith.index_cast %parallel_loop3A_1642 : i32 to index
        %parallel_loop3A_1653 = arith.constant 16 : index
        %parallel_loop3A_1654 = tpu.vector_load %arg7[%parallel_loop3A_1652, %parallel_loop3A_1653] {strides = array<i32>} : memref<128x64xf32, #tpu.memory_space<vmem>>, vector<16xf32>,
        %parallel_loop3A_1655 = vector.bitcast %parallel_loop3A_1654 : vector<16xf32> to vector<32xbf16>
        %parallel_loop3A_1656 = arith.index_cast %parallel_loop3A_1642 : i32 to index
        %parallel_loop3A_1657 = arith.constant 16 : index
        %parallel_loop3A_1658 = tpu.vector_load %arg8[%parallel_loop3A_1656, %parallel_loop3A_1657] {strides = array<i32>} : memref<128x64xf32, #tpu.memory_space<vmem>>, vector<16xf32>,
        %parallel_loop3A_1659 = vector.bitcast %parallel_loop3A_1658 : vector<16xf32> to vector<32xbf16>
        %parallel_loop3A_1660 = arith.mulf %parallel_loop3A_1655, %parallel_loop3A_1659 : vector<32xbf16>
        %parallel_loop3A_1661 = arith.addf %parallel_loop3A_1651, %parallel_loop3A_1660 : vector<32xbf16>
        %parallel_loop3A_1662 = arith.index_cast %parallel_loop3A_1642 : i32 to index
        %parallel_loop3A_1663 = arith.constant 32 : index
        %parallel_loop3A_1664 = tpu.vector_load %arg7[%parallel_loop3A_1662, %parallel_loop3A_1663] {strides = array<i32>} : memref<128x64xf32, #tpu.memory_space<vmem>>, vector<16xf32>,
        %parallel_loop3A_1665 = vector.bitcast %parallel_loop3A_1664 : vector<16xf32> to vector<32xbf16>
        %parallel_loop3A_1666 = arith.index_cast %parallel_loop3A_1642 : i32 to index
        %parallel_loop3A_1667 = arith.constant 32 : index
        %parallel_loop3A_1668 = tpu.vector_load %arg8[%parallel_loop3A_1666, %parallel_loop3A_1667] {strides = array<i32>} : memref<128x64xf32, #tpu.memory_space<vmem>>, vector<16xf32>,
        %parallel_loop3A_1669 = vector.bitcast %parallel_loop3A_1668 : vector<16xf32> to vector<32xbf16>
        %parallel_loop3A_1670 = arith.mulf %parallel_loop3A_1665, %parallel_loop3A_1669 : vector<32xbf16>
        %parallel_loop3A_1671 = arith.addf %parallel_loop3A_1661, %parallel_loop3A_1670 : vector<32xbf16>
        %parallel_loop3A_1672 = arith.index_cast %parallel_loop3A_1642 : i32 to index
        %parallel_loop3A_1673 = arith.constant 48 : index
        %parallel_loop3A_1674 = tpu.vector_load %arg7[%parallel_loop3A_1672, %parallel_loop3A_1673] {strides = array<i32>} : memref<128x64xf32, #tpu.memory_space<vmem>>, vector<16xf32>,
        %parallel_loop3A_1675 = vector.bitcast %parallel_loop3A_1674 : vector<16xf32> to vector<32xbf16>
        %parallel_loop3A_1676 = arith.index_cast %parallel_loop3A_1642 : i32 to index
        %parallel_loop3A_1677 = arith.constant 48 : index
        %parallel_loop3A_1678 = tpu.vector_load %arg8[%parallel_loop3A_1676, %parallel_loop3A_1677] {strides = array<i32>} : memref<128x64xf32, #tpu.memory_space<vmem>>, vector<16xf32>,
        %parallel_loop3A_1679 = vector.bitcast %parallel_loop3A_1678 : vector<16xf32> to vector<32xbf16>
        %parallel_loop3A_1680 = arith.mulf %parallel_loop3A_1675, %parallel_loop3A_1679 : vector<32xbf16>
        %parallel_loop3A_1681 = arith.addf %parallel_loop3A_1671, %parallel_loop3A_1680 : vector<32xbf16>
        %parallel_loop3A_1682 = tpu.unpack_subelements %parallel_loop3A_1681, 0 {pack_format = #tpu.pack_format<interleaved>} : vector<32xbf16> -> vector<16xf32>
        %parallel_loop3A_1683 = tpu.unpack_subelements %parallel_loop3A_1681, 1 {pack_format = #tpu.pack_format<interleaved>} : vector<32xbf16> -> vector<16xf32>
        %parallel_loop3A_1684 = arith.addf %parallel_loop3A_1682, %parallel_loop3A_1683 : vector<16xf32>
        %parallel_loop3A_1685 = arith.constant 221 : i32
        %parallel_loop3A_1686 = arith.addi %parallel_loop3A_1016, %parallel_loop3A_1685 : i32
        %parallel_loop3A_1687 = arith.index_cast %parallel_loop3A_1686 : i32 to index
        %parallel_loop3A_1688 = tpu.vector_load %arg12[%parallel_loop3A_1687] {strides = array<i32>} : memref<2176xf32, #tpu.memory_space<vmem>>, vector<16xf32>,
        tpu.vector_store %arg12[%parallel_loop3A_1687], %parallel_loop3A_1684 {strides = array<i32>} : memref<2176xf32, #tpu.memory_space<vmem>>, vector<16xf32>,
        %parallel_loop3A_1689 = arith.constant 14 : i32
        %parallel_loop3A_1690 = arith.addi %parallel_loop3A_1012, %parallel_loop3A_1689 : i32
        %parallel_loop3A_1691 = arith.index_cast %parallel_loop3A_1690 : i32 to index
        %parallel_loop3A_1692 = arith.constant 0 : index
        %parallel_loop3A_1693 = tpu.vector_load %arg7[%parallel_loop3A_1691, %parallel_loop3A_1692] {strides = array<i32>} : memref<128x64xf32, #tpu.memory_space<vmem>>, vector<16xf32>,
        %parallel_loop3A_1694 = vector.bitcast %parallel_loop3A_1693 : vector<16xf32> to vector<32xbf16>
        %parallel_loop3A_1695 = arith.index_cast %parallel_loop3A_1690 : i32 to index
        %parallel_loop3A_1696 = arith.constant 0 : index
        %parallel_loop3A_1697 = tpu.vector_load %arg8[%parallel_loop3A_1695, %parallel_loop3A_1696] {strides = array<i32>} : memref<128x64xf32, #tpu.memory_space<vmem>>, vector<16xf32>,
        %parallel_loop3A_1698 = vector.bitcast %parallel_loop3A_1697 : vector<16xf32> to vector<32xbf16>
        %parallel_loop3A_1699 = arith.mulf %parallel_loop3A_1694, %parallel_loop3A_1698 : vector<32xbf16>
        %parallel_loop3A_1700 = arith.index_cast %parallel_loop3A_1690 : i32 to index
        %parallel_loop3A_1701 = arith.constant 16 : index
        %parallel_loop3A_1702 = tpu.vector_load %arg7[%parallel_loop3A_1700, %parallel_loop3A_1701] {strides = array<i32>} : memref<128x64xf32, #tpu.memory_space<vmem>>, vector<16xf32>,
        %parallel_loop3A_1703 = vector.bitcast %parallel_loop3A_1702 : vector<16xf32> to vector<32xbf16>
        %parallel_loop3A_1704 = arith.index_cast %parallel_loop3A_1690 : i32 to index
        %parallel_loop3A_1705 = arith.constant 16 : index
        %parallel_loop3A_1706 = tpu.vector_load %arg8[%parallel_loop3A_1704, %parallel_loop3A_1705] {strides = array<i32>} : memref<128x64xf32, #tpu.memory_space<vmem>>, vector<16xf32>,
        %parallel_loop3A_1707 = vector.bitcast %parallel_loop3A_1706 : vector<16xf32> to vector<32xbf16>
        %parallel_loop3A_1708 = arith.mulf %parallel_loop3A_1703, %parallel_loop3A_1707 : vector<32xbf16>
        %parallel_loop3A_1709 = arith.addf %parallel_loop3A_1699, %parallel_loop3A_1708 : vector<32xbf16>
        %parallel_loop3A_1710 = arith.index_cast %parallel_loop3A_1690 : i32 to index
        %parallel_loop3A_1711 = arith.constant 32 : index
        %parallel_loop3A_1712 = tpu.vector_load %arg7[%parallel_loop3A_1710, %parallel_loop3A_1711] {strides = array<i32>} : memref<128x64xf32, #tpu.memory_space<vmem>>, vector<16xf32>,
        %parallel_loop3A_1713 = vector.bitcast %parallel_loop3A_1712 : vector<16xf32> to vector<32xbf16>
        %parallel_loop3A_1714 = arith.index_cast %parallel_loop3A_1690 : i32 to index
        %parallel_loop3A_1715 = arith.constant 32 : index
        %parallel_loop3A_1716 = tpu.vector_load %arg8[%parallel_loop3A_1714, %parallel_loop3A_1715] {strides = array<i32>} : memref<128x64xf32, #tpu.memory_space<vmem>>, vector<16xf32>,
        %parallel_loop3A_1717 = vector.bitcast %parallel_loop3A_1716 : vector<16xf32> to vector<32xbf16>
        %parallel_loop3A_1718 = arith.mulf %parallel_loop3A_1713, %parallel_loop3A_1717 : vector<32xbf16>
        %parallel_loop3A_1719 = arith.addf %parallel_loop3A_1709, %parallel_loop3A_1718 : vector<32xbf16>
        %parallel_loop3A_1720 = arith.index_cast %parallel_loop3A_1690 : i32 to index
        %parallel_loop3A_1721 = arith.constant 48 : index
        %parallel_loop3A_1722 = tpu.vector_load %arg7[%parallel_loop3A_1720, %parallel_loop3A_1721] {strides = array<i32>} : memref<128x64xf32, #tpu.memory_space<vmem>>, vector<16xf32>,
        %parallel_loop3A_1723 = vector.bitcast %parallel_loop3A_1722 : vector<16xf32> to vector<32xbf16>
        %parallel_loop3A_1724 = arith.index_cast %parallel_loop3A_1690 : i32 to index
        %parallel_loop3A_1725 = arith.constant 48 : index
        %parallel_loop3A_1726 = tpu.vector_load %arg8[%parallel_loop3A_1724, %parallel_loop3A_1725] {strides = array<i32>} : memref<128x64xf32, #tpu.memory_space<vmem>>, vector<16xf32>,
        %parallel_loop3A_1727 = vector.bitcast %parallel_loop3A_1726 : vector<16xf32> to vector<32xbf16>
        %parallel_loop3A_1728 = arith.mulf %parallel_loop3A_1723, %parallel_loop3A_1727 : vector<32xbf16>
        %parallel_loop3A_1729 = arith.addf %parallel_loop3A_1719, %parallel_loop3A_1728 : vector<32xbf16>
        %parallel_loop3A_1730 = tpu.unpack_subelements %parallel_loop3A_1729, 0 {pack_format = #tpu.pack_format<interleaved>} : vector<32xbf16> -> vector<16xf32>
        %parallel_loop3A_1731 = tpu.unpack_subelements %parallel_loop3A_1729, 1 {pack_format = #tpu.pack_format<interleaved>} : vector<32xbf16> -> vector<16xf32>
        %parallel_loop3A_1732 = arith.addf %parallel_loop3A_1730, %parallel_loop3A_1731 : vector<16xf32>
        %parallel_loop3A_1733 = arith.constant 238 : i32
        %parallel_loop3A_1734 = arith.addi %parallel_loop3A_1016, %parallel_loop3A_1733 : i32
        %parallel_loop3A_1735 = arith.index_cast %parallel_loop3A_1734 : i32 to index
        %parallel_loop3A_1736 = tpu.vector_load %arg12[%parallel_loop3A_1735] {strides = array<i32>} : memref<2176xf32, #tpu.memory_space<vmem>>, vector<16xf32>,
        tpu.vector_store %arg12[%parallel_loop3A_1735], %parallel_loop3A_1732 {strides = array<i32>} : memref<2176xf32, #tpu.memory_space<vmem>>, vector<16xf32>,
        %parallel_loop3A_1737 = arith.constant 15 : i32
        %parallel_loop3A_1738 = arith.addi %parallel_loop3A_1012, %parallel_loop3A_1737 : i32
        %parallel_loop3A_1739 = arith.index_cast %parallel_loop3A_1738 : i32 to index
        %parallel_loop3A_1740 = arith.constant 0 : index
        %parallel_loop3A_1741 = tpu.vector_load %arg7[%parallel_loop3A_1739, %parallel_loop3A_1740] {strides = array<i32>} : memref<128x64xf32, #tpu.memory_space<vmem>>, vector<16xf32>,
        %parallel_loop3A_1742 = vector.bitcast %parallel_loop3A_1741 : vector<16xf32> to vector<32xbf16>
        %parallel_loop3A_1743 = arith.index_cast %parallel_loop3A_1738 : i32 to index
        %parallel_loop3A_1744 = arith.constant 0 : index
        %parallel_loop3A_1745 = tpu.vector_load %arg8[%parallel_loop3A_1743, %parallel_loop3A_1744] {strides = array<i32>} : memref<128x64xf32, #tpu.memory_space<vmem>>, vector<16xf32>,
        %parallel_loop3A_1746 = vector.bitcast %parallel_loop3A_1745 : vector<16xf32> to vector<32xbf16>
        %parallel_loop3A_1747 = arith.mulf %parallel_loop3A_1742, %parallel_loop3A_1746 : vector<32xbf16>
        %parallel_loop3A_1748 = arith.index_cast %parallel_loop3A_1738 : i32 to index
        %parallel_loop3A_1749 = arith.constant 16 : index
        %parallel_loop3A_1750 = tpu.vector_load %arg7[%parallel_loop3A_1748, %parallel_loop3A_1749] {strides = array<i32>} : memref<128x64xf32, #tpu.memory_space<vmem>>, vector<16xf32>,
        %parallel_loop3A_1751 = vector.bitcast %parallel_loop3A_1750 : vector<16xf32> to vector<32xbf16>
        %parallel_loop3A_1752 = arith.index_cast %parallel_loop3A_1738 : i32 to index
        %parallel_loop3A_1753 = arith.constant 16 : index
        %parallel_loop3A_1754 = tpu.vector_load %arg8[%parallel_loop3A_1752, %parallel_loop3A_1753] {strides = array<i32>} : memref<128x64xf32, #tpu.memory_space<vmem>>, vector<16xf32>,
        %parallel_loop3A_1755 = vector.bitcast %parallel_loop3A_1754 : vector<16xf32> to vector<32xbf16>
        %parallel_loop3A_1756 = arith.mulf %parallel_loop3A_1751, %parallel_loop3A_1755 : vector<32xbf16>
        %parallel_loop3A_1757 = arith.addf %parallel_loop3A_1747, %parallel_loop3A_1756 : vector<32xbf16>
        %parallel_loop3A_1758 = arith.index_cast %parallel_loop3A_1738 : i32 to index
        %parallel_loop3A_1759 = arith.constant 32 : index
        %parallel_loop3A_1760 = tpu.vector_load %arg7[%parallel_loop3A_1758, %parallel_loop3A_1759] {strides = array<i32>} : memref<128x64xf32, #tpu.memory_space<vmem>>, vector<16xf32>,
        %parallel_loop3A_1761 = vector.bitcast %parallel_loop3A_1760 : vector<16xf32> to vector<32xbf16>
        %parallel_loop3A_1762 = arith.index_cast %parallel_loop3A_1738 : i32 to index
        %parallel_loop3A_1763 = arith.constant 32 : index
        %parallel_loop3A_1764 = tpu.vector_load %arg8[%parallel_loop3A_1762, %parallel_loop3A_1763] {strides = array<i32>} : memref<128x64xf32, #tpu.memory_space<vmem>>, vector<16xf32>,
        %parallel_loop3A_1765 = vector.bitcast %parallel_loop3A_1764 : vector<16xf32> to vector<32xbf16>
        %parallel_loop3A_1766 = arith.mulf %parallel_loop3A_1761, %parallel_loop3A_1765 : vector<32xbf16>
        %parallel_loop3A_1767 = arith.addf %parallel_loop3A_1757, %parallel_loop3A_1766 : vector<32xbf16>
        %parallel_loop3A_1768 = arith.index_cast %parallel_loop3A_1738 : i32 to index
        %parallel_loop3A_1769 = arith.constant 48 : index
        %parallel_loop3A_1770 = tpu.vector_load %arg7[%parallel_loop3A_1768, %parallel_loop3A_1769] {strides = array<i32>} : memref<128x64xf32, #tpu.memory_space<vmem>>, vector<16xf32>,
        %parallel_loop3A_1771 = vector.bitcast %parallel_loop3A_1770 : vector<16xf32> to vector<32xbf16>
        %parallel_loop3A_1772 = arith.index_cast %parallel_loop3A_1738 : i32 to index
        %parallel_loop3A_1773 = arith.constant 48 : index
        %parallel_loop3A_1774 = tpu.vector_load %arg8[%parallel_loop3A_1772, %parallel_loop3A_1773] {strides = array<i32>} : memref<128x64xf32, #tpu.memory_space<vmem>>, vector<16xf32>,
        %parallel_loop3A_1775 = vector.bitcast %parallel_loop3A_1774 : vector<16xf32> to vector<32xbf16>
        %parallel_loop3A_1776 = arith.mulf %parallel_loop3A_1771, %parallel_loop3A_1775 : vector<32xbf16>
        %parallel_loop3A_1777 = arith.addf %parallel_loop3A_1767, %parallel_loop3A_1776 : vector<32xbf16>
        %parallel_loop3A_1778 = tpu.unpack_subelements %parallel_loop3A_1777, 0 {pack_format = #tpu.pack_format<interleaved>} : vector<32xbf16> -> vector<16xf32>
        %parallel_loop3A_1779 = tpu.unpack_subelements %parallel_loop3A_1777, 1 {pack_format = #tpu.pack_format<interleaved>} : vector<32xbf16> -> vector<16xf32>
        %parallel_loop3A_1780 = arith.addf %parallel_loop3A_1778, %parallel_loop3A_1779 : vector<16xf32>
        %parallel_loop3A_1781 = arith.constant 255 : i32
        %parallel_loop3A_1782 = arith.addi %parallel_loop3A_1016, %parallel_loop3A_1781 : i32
        %parallel_loop3A_1783 = arith.index_cast %parallel_loop3A_1782 : i32 to index
        %parallel_loop3A_1784 = tpu.vector_load %arg12[%parallel_loop3A_1783] {strides = array<i32>} : memref<2176xf32, #tpu.memory_space<vmem>>, vector<16xf32>,
        tpu.vector_store %arg12[%parallel_loop3A_1783], %parallel_loop3A_1780 {strides = array<i32>} : memref<2176xf32, #tpu.memory_space<vmem>>, vector<16xf32>,
        %parallel_loop3A_1785 = vector.broadcast %parallel_loop3A_1016 : i32 to vector<16xi32>
        %parallel_loop3A_1786 = arith.addi %parallel_loop3A_1785, %mul3A_5 : vector<16xi32>
        %parallel_loop3A_1787 = tpu.vector_load_idx %arg12[%parallel_loop3A_1786] : memref<2176xf32, #tpu.memory_space<vmem>>[vector<16xi32>], vector<16xf32>,
        %parallel_loop3A_1788 = vector.broadcast %parallel_loop3A_1016 : i32 to vector<16xi32>
        %parallel_loop3A_1789 = arith.addi %parallel_loop3A_1788, %mul3A_5 : vector<16xi32>
        %parallel_loop3A_1790 = arith.constant 1 : i32
        %parallel_loop3A_1791 = vector.broadcast %parallel_loop3A_1790 : i32 to vector<16xi32>
        %parallel_loop3A_1792 = arith.addi %parallel_loop3A_1789, %parallel_loop3A_1791 : vector<16xi32>
        %parallel_loop3A_1793 = tpu.vector_load_idx %arg12[%parallel_loop3A_1792] : memref<2176xf32, #tpu.memory_space<vmem>>[vector<16xi32>], vector<16xf32>,
        %parallel_loop3A_1794 = arith.addf %parallel_loop3A_1787, %parallel_loop3A_1793 : vector<16xf32>
        %parallel_loop3A_1795 = vector.broadcast %parallel_loop3A_1016 : i32 to vector<16xi32>
        %parallel_loop3A_1796 = arith.addi %parallel_loop3A_1795, %mul3A_5 : vector<16xi32>
        %parallel_loop3A_1797 = arith.constant 2 : i32
        %parallel_loop3A_1798 = vector.broadcast %parallel_loop3A_1797 : i32 to vector<16xi32>
        %parallel_loop3A_1799 = arith.addi %parallel_loop3A_1796, %parallel_loop3A_1798 : vector<16xi32>
        %parallel_loop3A_1800 = tpu.vector_load_idx %arg12[%parallel_loop3A_1799] : memref<2176xf32, #tpu.memory_space<vmem>>[vector<16xi32>], vector<16xf32>,
        %parallel_loop3A_1801 = arith.addf %parallel_loop3A_1794, %parallel_loop3A_1800 : vector<16xf32>
        %parallel_loop3A_1802 = vector.broadcast %parallel_loop3A_1016 : i32 to vector<16xi32>
        %parallel_loop3A_1803 = arith.addi %parallel_loop3A_1802, %mul3A_5 : vector<16xi32>
        %parallel_loop3A_1804 = arith.constant 3 : i32
        %parallel_loop3A_1805 = vector.broadcast %parallel_loop3A_1804 : i32 to vector<16xi32>
        %parallel_loop3A_1806 = arith.addi %parallel_loop3A_1803, %parallel_loop3A_1805 : vector<16xi32>
        %parallel_loop3A_1807 = tpu.vector_load_idx %arg12[%parallel_loop3A_1806] : memref<2176xf32, #tpu.memory_space<vmem>>[vector<16xi32>], vector<16xf32>,
        %parallel_loop3A_1808 = arith.addf %parallel_loop3A_1801, %parallel_loop3A_1807 : vector<16xf32>
        %parallel_loop3A_1809 = vector.broadcast %parallel_loop3A_1016 : i32 to vector<16xi32>
        %parallel_loop3A_1810 = arith.addi %parallel_loop3A_1809, %mul3A_5 : vector<16xi32>
        %parallel_loop3A_1811 = arith.constant 4 : i32
        %parallel_loop3A_1812 = vector.broadcast %parallel_loop3A_1811 : i32 to vector<16xi32>
        %parallel_loop3A_1813 = arith.addi %parallel_loop3A_1810, %parallel_loop3A_1812 : vector<16xi32>
        %parallel_loop3A_1814 = tpu.vector_load_idx %arg12[%parallel_loop3A_1813] : memref<2176xf32, #tpu.memory_space<vmem>>[vector<16xi32>], vector<16xf32>,
        %parallel_loop3A_1815 = arith.addf %parallel_loop3A_1808, %parallel_loop3A_1814 : vector<16xf32>
        %parallel_loop3A_1816 = vector.broadcast %parallel_loop3A_1016 : i32 to vector<16xi32>
        %parallel_loop3A_1817 = arith.addi %parallel_loop3A_1816, %mul3A_5 : vector<16xi32>
        %parallel_loop3A_1818 = arith.constant 5 : i32
        %parallel_loop3A_1819 = vector.broadcast %parallel_loop3A_1818 : i32 to vector<16xi32>
        %parallel_loop3A_1820 = arith.addi %parallel_loop3A_1817, %parallel_loop3A_1819 : vector<16xi32>
        %parallel_loop3A_1821 = tpu.vector_load_idx %arg12[%parallel_loop3A_1820] : memref<2176xf32, #tpu.memory_space<vmem>>[vector<16xi32>], vector<16xf32>,
        %parallel_loop3A_1822 = arith.addf %parallel_loop3A_1815, %parallel_loop3A_1821 : vector<16xf32>
        %parallel_loop3A_1823 = vector.broadcast %parallel_loop3A_1016 : i32 to vector<16xi32>
        %parallel_loop3A_1824 = arith.addi %parallel_loop3A_1823, %mul3A_5 : vector<16xi32>
        %parallel_loop3A_1825 = arith.constant 6 : i32
        %parallel_loop3A_1826 = vector.broadcast %parallel_loop3A_1825 : i32 to vector<16xi32>
        %parallel_loop3A_1827 = arith.addi %parallel_loop3A_1824, %parallel_loop3A_1826 : vector<16xi32>
        %parallel_loop3A_1828 = tpu.vector_load_idx %arg12[%parallel_loop3A_1827] : memref<2176xf32, #tpu.memory_space<vmem>>[vector<16xi32>], vector<16xf32>,
        %parallel_loop3A_1829 = arith.addf %parallel_loop3A_1822, %parallel_loop3A_1828 : vector<16xf32>
        %parallel_loop3A_1830 = vector.broadcast %parallel_loop3A_1016 : i32 to vector<16xi32>
        %parallel_loop3A_1831 = arith.addi %parallel_loop3A_1830, %mul3A_5 : vector<16xi32>
        %parallel_loop3A_1832 = arith.constant 7 : i32
        %parallel_loop3A_1833 = vector.broadcast %parallel_loop3A_1832 : i32 to vector<16xi32>
        %parallel_loop3A_1834 = arith.addi %parallel_loop3A_1831, %parallel_loop3A_1833 : vector<16xi32>
        %parallel_loop3A_1835 = tpu.vector_load_idx %arg12[%parallel_loop3A_1834] : memref<2176xf32, #tpu.memory_space<vmem>>[vector<16xi32>], vector<16xf32>,
        %parallel_loop3A_1836 = arith.addf %parallel_loop3A_1829, %parallel_loop3A_1835 : vector<16xf32>
        %parallel_loop3A_1837 = vector.broadcast %parallel_loop3A_1016 : i32 to vector<16xi32>
        %parallel_loop3A_1838 = arith.addi %parallel_loop3A_1837, %mul3A_5 : vector<16xi32>
        %parallel_loop3A_1839 = arith.constant 8 : i32
        %parallel_loop3A_1840 = vector.broadcast %parallel_loop3A_1839 : i32 to vector<16xi32>
        %parallel_loop3A_1841 = arith.addi %parallel_loop3A_1838, %parallel_loop3A_1840 : vector<16xi32>
        %parallel_loop3A_1842 = tpu.vector_load_idx %arg12[%parallel_loop3A_1841] : memref<2176xf32, #tpu.memory_space<vmem>>[vector<16xi32>], vector<16xf32>,
        %parallel_loop3A_1843 = arith.addf %parallel_loop3A_1836, %parallel_loop3A_1842 : vector<16xf32>
        %parallel_loop3A_1844 = vector.broadcast %parallel_loop3A_1016 : i32 to vector<16xi32>
        %parallel_loop3A_1845 = arith.addi %parallel_loop3A_1844, %mul3A_5 : vector<16xi32>
        %parallel_loop3A_1846 = arith.constant 9 : i32
        %parallel_loop3A_1847 = vector.broadcast %parallel_loop3A_1846 : i32 to vector<16xi32>
        %parallel_loop3A_1848 = arith.addi %parallel_loop3A_1845, %parallel_loop3A_1847 : vector<16xi32>
        %parallel_loop3A_1849 = tpu.vector_load_idx %arg12[%parallel_loop3A_1848] : memref<2176xf32, #tpu.memory_space<vmem>>[vector<16xi32>], vector<16xf32>,
        %parallel_loop3A_1850 = arith.addf %parallel_loop3A_1843, %parallel_loop3A_1849 : vector<16xf32>
        %parallel_loop3A_1851 = vector.broadcast %parallel_loop3A_1016 : i32 to vector<16xi32>
        %parallel_loop3A_1852 = arith.addi %parallel_loop3A_1851, %mul3A_5 : vector<16xi32>
        %parallel_loop3A_1853 = arith.constant 10 : i32
        %parallel_loop3A_1854 = vector.broadcast %parallel_loop3A_1853 : i32 to vector<16xi32>
        %parallel_loop3A_1855 = arith.addi %parallel_loop3A_1852, %parallel_loop3A_1854 : vector<16xi32>
        %parallel_loop3A_1856 = tpu.vector_load_idx %arg12[%parallel_loop3A_1855] : memref<2176xf32, #tpu.memory_space<vmem>>[vector<16xi32>], vector<16xf32>,
        %parallel_loop3A_1857 = arith.addf %parallel_loop3A_1850, %parallel_loop3A_1856 : vector<16xf32>
        %parallel_loop3A_1858 = vector.broadcast %parallel_loop3A_1016 : i32 to vector<16xi32>
        %parallel_loop3A_1859 = arith.addi %parallel_loop3A_1858, %mul3A_5 : vector<16xi32>
        %parallel_loop3A_1860 = arith.constant 11 : i32
        %parallel_loop3A_1861 = vector.broadcast %parallel_loop3A_1860 : i32 to vector<16xi32>
        %parallel_loop3A_1862 = arith.addi %parallel_loop3A_1859, %parallel_loop3A_1861 : vector<16xi32>
        %parallel_loop3A_1863 = tpu.vector_load_idx %arg12[%parallel_loop3A_1862] : memref<2176xf32, #tpu.memory_space<vmem>>[vector<16xi32>], vector<16xf32>,
        %parallel_loop3A_1864 = arith.addf %parallel_loop3A_1857, %parallel_loop3A_1863 : vector<16xf32>
        %parallel_loop3A_1865 = vector.broadcast %parallel_loop3A_1016 : i32 to vector<16xi32>
        %parallel_loop3A_1866 = arith.addi %parallel_loop3A_1865, %mul3A_5 : vector<16xi32>
        %parallel_loop3A_1867 = arith.constant 12 : i32
        %parallel_loop3A_1868 = vector.broadcast %parallel_loop3A_1867 : i32 to vector<16xi32>
        %parallel_loop3A_1869 = arith.addi %parallel_loop3A_1866, %parallel_loop3A_1868 : vector<16xi32>
        %parallel_loop3A_1870 = tpu.vector_load_idx %arg12[%parallel_loop3A_1869] : memref<2176xf32, #tpu.memory_space<vmem>>[vector<16xi32>], vector<16xf32>,
        %parallel_loop3A_1871 = arith.addf %parallel_loop3A_1864, %parallel_loop3A_1870 : vector<16xf32>
        %parallel_loop3A_1872 = vector.broadcast %parallel_loop3A_1016 : i32 to vector<16xi32>
        %parallel_loop3A_1873 = arith.addi %parallel_loop3A_1872, %mul3A_5 : vector<16xi32>
        %parallel_loop3A_1874 = arith.constant 13 : i32
        %parallel_loop3A_1875 = vector.broadcast %parallel_loop3A_1874 : i32 to vector<16xi32>
        %parallel_loop3A_1876 = arith.addi %parallel_loop3A_1873, %parallel_loop3A_1875 : vector<16xi32>
        %parallel_loop3A_1877 = tpu.vector_load_idx %arg12[%parallel_loop3A_1876] : memref<2176xf32, #tpu.memory_space<vmem>>[vector<16xi32>], vector<16xf32>,
        %parallel_loop3A_1878 = arith.addf %parallel_loop3A_1871, %parallel_loop3A_1877 : vector<16xf32>
        %parallel_loop3A_1879 = vector.broadcast %parallel_loop3A_1016 : i32 to vector<16xi32>
        %parallel_loop3A_1880 = arith.addi %parallel_loop3A_1879, %mul3A_5 : vector<16xi32>
        %parallel_loop3A_1881 = arith.constant 14 : i32
        %parallel_loop3A_1882 = vector.broadcast %parallel_loop3A_1881 : i32 to vector<16xi32>
        %parallel_loop3A_1883 = arith.addi %parallel_loop3A_1880, %parallel_loop3A_1882 : vector<16xi32>
        %parallel_loop3A_1884 = tpu.vector_load_idx %arg12[%parallel_loop3A_1883] : memref<2176xf32, #tpu.memory_space<vmem>>[vector<16xi32>], vector<16xf32>,
        %parallel_loop3A_1885 = arith.addf %parallel_loop3A_1878, %parallel_loop3A_1884 : vector<16xf32>
        %parallel_loop3A_1886 = vector.broadcast %parallel_loop3A_1016 : i32 to vector<16xi32>
        %parallel_loop3A_1887 = arith.addi %parallel_loop3A_1886, %mul3A_5 : vector<16xi32>
        %parallel_loop3A_1888 = arith.constant 15 : i32
        %parallel_loop3A_1889 = vector.broadcast %parallel_loop3A_1888 : i32 to vector<16xi32>
        %parallel_loop3A_1890 = arith.addi %parallel_loop3A_1887, %parallel_loop3A_1889 : vector<16xi32>
        %parallel_loop3A_1891 = tpu.vector_load_idx %arg12[%parallel_loop3A_1890] : memref<2176xf32, #tpu.memory_space<vmem>>[vector<16xi32>], vector<16xf32>,
        %parallel_loop3A_1892 = arith.addf %parallel_loop3A_1885, %parallel_loop3A_1891 : vector<16xf32>
        %parallel_loop3A_1893 = arith.addi %mul3A_986, %parallel_loop3A_1012 : i32
        %parallel_loop3A_1894 = arith.index_cast %parallel_loop3A_1893 : i32 to index
        %parallel_loop3A_1895 = tpu.vector_load %arg11[%parallel_loop3A_1894] {strides = array<i32>} : memref<10000xf32, #tpu.memory_space<vmem>>, vector<16xf32>,
        tpu.vector_store %arg11[%parallel_loop3A_1894], %parallel_loop3A_1892 {strides = array<i32>} : memref<10000xf32, #tpu.memory_space<vmem>>, vector<16xf32>,
      } {sc.loop_unroll_factor = 2 : i64, sc.parallel_access}
      %lt3A = arith.constant 38 : i32
      %lt3A_989 = arith.cmpi slt, %scan3A_958, %lt3A : i32
      %convert_element_type3A = arith.extui %lt3A_989 : i1 to i32
      %cond3A = arith.constant 0 : i32
      %cond3A_990 = arith.cmpi ne, %convert_element_type3A, %cond3A : i32
      scf.if %cond3A_990 {
        %mul3A_1010 = arith.constant 2 : i32
        %mul3A_1011 = arith.muli %mul3A_1010, %scan3A_958 : i32
        %add3A_1012 = arith.constant 2 : i32
        %add3A_1013 = arith.addi %mul3A_1011, %add3A_1012 : i32
        %mul3A_1014 = arith.constant 128 : i32
        %mul3A_1015 = arith.muli %add3A_1013, %mul3A_1014 : i32
        %dma_start3A_1016 = tpu.memref_slice %arg5[%mul3A_1015] : memref<10000xi32, #tpu.memory_space<vmem>> -> memref<128xi32, #tpu.memory_space<vmem>>
        %dma_start3A_1017 = arith.constant 0 : i32
        %dma_start3A_1018 = arith.constant 0 : i32
        %dma_start3A_1019 = tpu.memref_slice %arg2[%dma_start3A_1017, %dma_start3A_1018] : memref<10000x64xf32, #tpu.memory_space<hbm>> -> memref<10000x64xf32, #tpu.memory_space<hbm>>
        tpu.enqueue_indirect_dma source(%dma_start3A_1019 : memref<10000x64xf32, #tpu.memory_space<hbm>>) target(%arg7 : memref<128x64xf32, #tpu.memory_space<vmem>>) offsets(%dma_start3A_1016 : memref<128xi32, #tpu.memory_space<vmem>>) semaphore(%arg13 : memref<!tpu.dma_semaphore, #tpu.memory_space<semaphore_mem>>)
        %dma_start3A_1020 = tpu.memref_slice %arg6[%mul3A_1015] : memref<10000xi32, #tpu.memory_space<vmem>> -> memref<128xi32, #tpu.memory_space<vmem>>
        %dma_start3A_1021 = arith.constant 0 : i32
        %dma_start3A_1022 = arith.constant 0 : i32
        %dma_start3A_1023 = tpu.memref_slice %arg2[%dma_start3A_1021, %dma_start3A_1022] : memref<10000x64xf32, #tpu.memory_space<hbm>> -> memref<10000x64xf32, #tpu.memory_space<hbm>>
        tpu.enqueue_indirect_dma source(%dma_start3A_1023 : memref<10000x64xf32, #tpu.memory_space<hbm>>) target(%arg8 : memref<128x64xf32, #tpu.memory_space<vmem>>) offsets(%dma_start3A_1020 : memref<128xi32, #tpu.memory_space<vmem>>) semaphore(%arg13 : memref<!tpu.dma_semaphore, #tpu.memory_space<semaphore_mem>>)
      } else {
      }
      %dma_wait3A_991 = arith.constant 0 : i32
      %dma_wait3A_992 = tpu.memref_slice %arg5[%dma_wait3A_991] : memref<10000xi32, #tpu.memory_space<vmem>> -> memref<128xi32, #tpu.memory_space<vmem>>
      %dma_wait3A_993 = arith.constant 0 : i32
      %dma_wait3A_994 = arith.constant 0 : i32
      %dma_wait3A_995 = tpu.memref_slice %arg2[%dma_wait3A_993, %dma_wait3A_994] : memref<10000x64xf32, #tpu.memory_space<hbm>> -> memref<10000x64xf32, #tpu.memory_space<hbm>>
      tpu.wait_indirect_dma semaphore(%arg14 : memref<!tpu.dma_semaphore, #tpu.memory_space<semaphore_mem>>) src(%dma_wait3A_995 : memref<10000x64xf32, #tpu.memory_space<hbm>>) dst(%arg9 : memref<128x64xf32, #tpu.memory_space<vmem>>)
      %dma_wait3A_996 = arith.constant 0 : i32
      %dma_wait3A_997 = tpu.memref_slice %arg6[%dma_wait3A_996] : memref<10000xi32, #tpu.memory_space<vmem>> -> memref<128xi32, #tpu.memory_space<vmem>>
      %dma_wait3A_998 = arith.constant 0 : i32
      %dma_wait3A_999 = arith.constant 0 : i32
      %dma_wait3A_1000 = tpu.memref_slice %arg2[%dma_wait3A_998, %dma_wait3A_999] : memref<10000x64xf32, #tpu.memory_space<hbm>> -> memref<10000x64xf32, #tpu.memory_space<hbm>>
      tpu.wait_indirect_dma semaphore(%arg14 : memref<!tpu.dma_semaphore, #tpu.memory_space<semaphore_mem>>) src(%dma_wait3A_1000 : memref<10000x64xf32, #tpu.memory_space<hbm>>) dst(%arg10 : memref<128x64xf32, #tpu.memory_space<vmem>>)
      %mul3A_1001 = arith.constant 2 : i32
      %mul3A_1002 = arith.muli %mul3A_1001, %scan3A_958 : i32
      %add3A_1003 = arith.constant 1 : i32
      %add3A_1004 = arith.addi %mul3A_1002, %add3A_1003 : i32
      %mul3A_1005 = arith.constant 128 : i32
      %mul3A_1006 = arith.muli %add3A_1004, %mul3A_1005 : i32
      %parallel_loop3A_1007 = arith.constant 0 : i32
      %parallel_loop3A_1008 = arith.constant 8 : i32
      %parallel_loop3A_1009 = arith.constant 1 : i32
      scf.for %parallel_loop3A_1010 = %parallel_loop3A_1007 to %parallel_loop3A_1008 step %parallel_loop3A_1009  : i32 {
        %parallel_loop3A_1011 = arith.constant 16 : i32
        %parallel_loop3A_1012 = arith.muli %parallel_loop3A_1010, %parallel_loop3A_1011 : i32
        %parallel_loop3A_1013 = arith.constant 16 : i32
        %parallel_loop3A_1014 = arith.muli %parallel_loop3A_1010, %parallel_loop3A_1013 : i32
        %parallel_loop3A_1015 = arith.constant 17 : i32
        %parallel_loop3A_1016 = arith.muli %parallel_loop3A_1014, %parallel_loop3A_1015 : i32
        %parallel_loop3A_1017 = arith.constant 0 : i32
        %parallel_loop3A_1018 = arith.addi %parallel_loop3A_1012, %parallel_loop3A_1017 : i32
        %parallel_loop3A_1019 = arith.index_cast %parallel_loop3A_1018 : i32 to index
        %parallel_loop3A_1020 = arith.constant 0 : index
        %parallel_loop3A_1021 = tpu.vector_load %arg9[%parallel_loop3A_1019, %parallel_loop3A_1020] {strides = array<i32>} : memref<128x64xf32, #tpu.memory_space<vmem>>, vector<16xf32>,
        %parallel_loop3A_1022 = vector.bitcast %parallel_loop3A_1021 : vector<16xf32> to vector<32xbf16>
        %parallel_loop3A_1023 = arith.index_cast %parallel_loop3A_1018 : i32 to index
        %parallel_loop3A_1024 = arith.constant 0 : index
        %parallel_loop3A_1025 = tpu.vector_load %arg10[%parallel_loop3A_1023, %parallel_loop3A_1024] {strides = array<i32>} : memref<128x64xf32, #tpu.memory_space<vmem>>, vector<16xf32>,
        %parallel_loop3A_1026 = vector.bitcast %parallel_loop3A_1025 : vector<16xf32> to vector<32xbf16>
        %parallel_loop3A_1027 = arith.mulf %parallel_loop3A_1022, %parallel_loop3A_1026 : vector<32xbf16>
        %parallel_loop3A_1028 = arith.index_cast %parallel_loop3A_1018 : i32 to index
        %parallel_loop3A_1029 = arith.constant 16 : index
        %parallel_loop3A_1030 = tpu.vector_load %arg9[%parallel_loop3A_1028, %parallel_loop3A_1029] {strides = array<i32>} : memref<128x64xf32, #tpu.memory_space<vmem>>, vector<16xf32>,
        %parallel_loop3A_1031 = vector.bitcast %parallel_loop3A_1030 : vector<16xf32> to vector<32xbf16>
        %parallel_loop3A_1032 = arith.index_cast %parallel_loop3A_1018 : i32 to index
        %parallel_loop3A_1033 = arith.constant 16 : index
        %parallel_loop3A_1034 = tpu.vector_load %arg10[%parallel_loop3A_1032, %parallel_loop3A_1033] {strides = array<i32>} : memref<128x64xf32, #tpu.memory_space<vmem>>, vector<16xf32>,
        %parallel_loop3A_1035 = vector.bitcast %parallel_loop3A_1034 : vector<16xf32> to vector<32xbf16>
        %parallel_loop3A_1036 = arith.mulf %parallel_loop3A_1031, %parallel_loop3A_1035 : vector<32xbf16>
        %parallel_loop3A_1037 = arith.addf %parallel_loop3A_1027, %parallel_loop3A_1036 : vector<32xbf16>
        %parallel_loop3A_1038 = arith.index_cast %parallel_loop3A_1018 : i32 to index
        %parallel_loop3A_1039 = arith.constant 32 : index
        %parallel_loop3A_1040 = tpu.vector_load %arg9[%parallel_loop3A_1038, %parallel_loop3A_1039] {strides = array<i32>} : memref<128x64xf32, #tpu.memory_space<vmem>>, vector<16xf32>,
        %parallel_loop3A_1041 = vector.bitcast %parallel_loop3A_1040 : vector<16xf32> to vector<32xbf16>
        %parallel_loop3A_1042 = arith.index_cast %parallel_loop3A_1018 : i32 to index
        %parallel_loop3A_1043 = arith.constant 32 : index
        %parallel_loop3A_1044 = tpu.vector_load %arg10[%parallel_loop3A_1042, %parallel_loop3A_1043] {strides = array<i32>} : memref<128x64xf32, #tpu.memory_space<vmem>>, vector<16xf32>,
        %parallel_loop3A_1045 = vector.bitcast %parallel_loop3A_1044 : vector<16xf32> to vector<32xbf16>
        %parallel_loop3A_1046 = arith.mulf %parallel_loop3A_1041, %parallel_loop3A_1045 : vector<32xbf16>
        %parallel_loop3A_1047 = arith.addf %parallel_loop3A_1037, %parallel_loop3A_1046 : vector<32xbf16>
        %parallel_loop3A_1048 = arith.index_cast %parallel_loop3A_1018 : i32 to index
        %parallel_loop3A_1049 = arith.constant 48 : index
        %parallel_loop3A_1050 = tpu.vector_load %arg9[%parallel_loop3A_1048, %parallel_loop3A_1049] {strides = array<i32>} : memref<128x64xf32, #tpu.memory_space<vmem>>, vector<16xf32>,
        %parallel_loop3A_1051 = vector.bitcast %parallel_loop3A_1050 : vector<16xf32> to vector<32xbf16>
        %parallel_loop3A_1052 = arith.index_cast %parallel_loop3A_1018 : i32 to index
        %parallel_loop3A_1053 = arith.constant 48 : index
        %parallel_loop3A_1054 = tpu.vector_load %arg10[%parallel_loop3A_1052, %parallel_loop3A_1053] {strides = array<i32>} : memref<128x64xf32, #tpu.memory_space<vmem>>, vector<16xf32>,
        %parallel_loop3A_1055 = vector.bitcast %parallel_loop3A_1054 : vector<16xf32> to vector<32xbf16>
        %parallel_loop3A_1056 = arith.mulf %parallel_loop3A_1051, %parallel_loop3A_1055 : vector<32xbf16>
        %parallel_loop3A_1057 = arith.addf %parallel_loop3A_1047, %parallel_loop3A_1056 : vector<32xbf16>
        %parallel_loop3A_1058 = tpu.unpack_subelements %parallel_loop3A_1057, 0 {pack_format = #tpu.pack_format<interleaved>} : vector<32xbf16> -> vector<16xf32>
        %parallel_loop3A_1059 = tpu.unpack_subelements %parallel_loop3A_1057, 1 {pack_format = #tpu.pack_format<interleaved>} : vector<32xbf16> -> vector<16xf32>
        %parallel_loop3A_1060 = arith.addf %parallel_loop3A_1058, %parallel_loop3A_1059 : vector<16xf32>
        %parallel_loop3A_1061 = arith.constant 0 : i32
        %parallel_loop3A_1062 = arith.addi %parallel_loop3A_1016, %parallel_loop3A_1061 : i32
        %parallel_loop3A_1063 = arith.index_cast %parallel_loop3A_1062 : i32 to index
        %parallel_loop3A_1064 = tpu.vector_load %arg12[%parallel_loop3A_1063] {strides = array<i32>} : memref<2176xf32, #tpu.memory_space<vmem>>, vector<16xf32>,
        tpu.vector_store %arg12[%parallel_loop3A_1063], %parallel_loop3A_1060 {strides = array<i32>} : memref<2176xf32, #tpu.memory_space<vmem>>, vector<16xf32>,
        %parallel_loop3A_1065 = arith.constant 1 : i32
        %parallel_loop3A_1066 = arith.addi %parallel_loop3A_1012, %parallel_loop3A_1065 : i32
        %parallel_loop3A_1067 = arith.index_cast %parallel_loop3A_1066 : i32 to index
        %parallel_loop3A_1068 = arith.constant 0 : index
        %parallel_loop3A_1069 = tpu.vector_load %arg9[%parallel_loop3A_1067, %parallel_loop3A_1068] {strides = array<i32>} : memref<128x64xf32, #tpu.memory_space<vmem>>, vector<16xf32>,
        %parallel_loop3A_1070 = vector.bitcast %parallel_loop3A_1069 : vector<16xf32> to vector<32xbf16>
        %parallel_loop3A_1071 = arith.index_cast %parallel_loop3A_1066 : i32 to index
        %parallel_loop3A_1072 = arith.constant 0 : index
        %parallel_loop3A_1073 = tpu.vector_load %arg10[%parallel_loop3A_1071, %parallel_loop3A_1072] {strides = array<i32>} : memref<128x64xf32, #tpu.memory_space<vmem>>, vector<16xf32>,
        %parallel_loop3A_1074 = vector.bitcast %parallel_loop3A_1073 : vector<16xf32> to vector<32xbf16>
        %parallel_loop3A_1075 = arith.mulf %parallel_loop3A_1070, %parallel_loop3A_1074 : vector<32xbf16>
        %parallel_loop3A_1076 = arith.index_cast %parallel_loop3A_1066 : i32 to index
        %parallel_loop3A_1077 = arith.constant 16 : index
        %parallel_loop3A_1078 = tpu.vector_load %arg9[%parallel_loop3A_1076, %parallel_loop3A_1077] {strides = array<i32>} : memref<128x64xf32, #tpu.memory_space<vmem>>, vector<16xf32>,
        %parallel_loop3A_1079 = vector.bitcast %parallel_loop3A_1078 : vector<16xf32> to vector<32xbf16>
        %parallel_loop3A_1080 = arith.index_cast %parallel_loop3A_1066 : i32 to index
        %parallel_loop3A_1081 = arith.constant 16 : index
        %parallel_loop3A_1082 = tpu.vector_load %arg10[%parallel_loop3A_1080, %parallel_loop3A_1081] {strides = array<i32>} : memref<128x64xf32, #tpu.memory_space<vmem>>, vector<16xf32>,
        %parallel_loop3A_1083 = vector.bitcast %parallel_loop3A_1082 : vector<16xf32> to vector<32xbf16>
        %parallel_loop3A_1084 = arith.mulf %parallel_loop3A_1079, %parallel_loop3A_1083 : vector<32xbf16>
        %parallel_loop3A_1085 = arith.addf %parallel_loop3A_1075, %parallel_loop3A_1084 : vector<32xbf16>
        %parallel_loop3A_1086 = arith.index_cast %parallel_loop3A_1066 : i32 to index
        %parallel_loop3A_1087 = arith.constant 32 : index
        %parallel_loop3A_1088 = tpu.vector_load %arg9[%parallel_loop3A_1086, %parallel_loop3A_1087] {strides = array<i32>} : memref<128x64xf32, #tpu.memory_space<vmem>>, vector<16xf32>,
        %parallel_loop3A_1089 = vector.bitcast %parallel_loop3A_1088 : vector<16xf32> to vector<32xbf16>
        %parallel_loop3A_1090 = arith.index_cast %parallel_loop3A_1066 : i32 to index
        %parallel_loop3A_1091 = arith.constant 32 : index
        %parallel_loop3A_1092 = tpu.vector_load %arg10[%parallel_loop3A_1090, %parallel_loop3A_1091] {strides = array<i32>} : memref<128x64xf32, #tpu.memory_space<vmem>>, vector<16xf32>,
        %parallel_loop3A_1093 = vector.bitcast %parallel_loop3A_1092 : vector<16xf32> to vector<32xbf16>
        %parallel_loop3A_1094 = arith.mulf %parallel_loop3A_1089, %parallel_loop3A_1093 : vector<32xbf16>
        %parallel_loop3A_1095 = arith.addf %parallel_loop3A_1085, %parallel_loop3A_1094 : vector<32xbf16>
        %parallel_loop3A_1096 = arith.index_cast %parallel_loop3A_1066 : i32 to index
        %parallel_loop3A_1097 = arith.constant 48 : index
        %parallel_loop3A_1098 = tpu.vector_load %arg9[%parallel_loop3A_1096, %parallel_loop3A_1097] {strides = array<i32>} : memref<128x64xf32, #tpu.memory_space<vmem>>, vector<16xf32>,
        %parallel_loop3A_1099 = vector.bitcast %parallel_loop3A_1098 : vector<16xf32> to vector<32xbf16>
        %parallel_loop3A_1100 = arith.index_cast %parallel_loop3A_1066 : i32 to index
        %parallel_loop3A_1101 = arith.constant 48 : index
        %parallel_loop3A_1102 = tpu.vector_load %arg10[%parallel_loop3A_1100, %parallel_loop3A_1101] {strides = array<i32>} : memref<128x64xf32, #tpu.memory_space<vmem>>, vector<16xf32>,
        %parallel_loop3A_1103 = vector.bitcast %parallel_loop3A_1102 : vector<16xf32> to vector<32xbf16>
        %parallel_loop3A_1104 = arith.mulf %parallel_loop3A_1099, %parallel_loop3A_1103 : vector<32xbf16>
        %parallel_loop3A_1105 = arith.addf %parallel_loop3A_1095, %parallel_loop3A_1104 : vector<32xbf16>
        %parallel_loop3A_1106 = tpu.unpack_subelements %parallel_loop3A_1105, 0 {pack_format = #tpu.pack_format<interleaved>} : vector<32xbf16> -> vector<16xf32>
        %parallel_loop3A_1107 = tpu.unpack_subelements %parallel_loop3A_1105, 1 {pack_format = #tpu.pack_format<interleaved>} : vector<32xbf16> -> vector<16xf32>
        %parallel_loop3A_1108 = arith.addf %parallel_loop3A_1106, %parallel_loop3A_1107 : vector<16xf32>
        %parallel_loop3A_1109 = arith.constant 17 : i32
        %parallel_loop3A_1110 = arith.addi %parallel_loop3A_1016, %parallel_loop3A_1109 : i32
        %parallel_loop3A_1111 = arith.index_cast %parallel_loop3A_1110 : i32 to index
        %parallel_loop3A_1112 = tpu.vector_load %arg12[%parallel_loop3A_1111] {strides = array<i32>} : memref<2176xf32, #tpu.memory_space<vmem>>, vector<16xf32>,
        tpu.vector_store %arg12[%parallel_loop3A_1111], %parallel_loop3A_1108 {strides = array<i32>} : memref<2176xf32, #tpu.memory_space<vmem>>, vector<16xf32>,
        %parallel_loop3A_1113 = arith.constant 2 : i32
        %parallel_loop3A_1114 = arith.addi %parallel_loop3A_1012, %parallel_loop3A_1113 : i32
        %parallel_loop3A_1115 = arith.index_cast %parallel_loop3A_1114 : i32 to index
        %parallel_loop3A_1116 = arith.constant 0 : index
        %parallel_loop3A_1117 = tpu.vector_load %arg9[%parallel_loop3A_1115, %parallel_loop3A_1116] {strides = array<i32>} : memref<128x64xf32, #tpu.memory_space<vmem>>, vector<16xf32>,
        %parallel_loop3A_1118 = vector.bitcast %parallel_loop3A_1117 : vector<16xf32> to vector<32xbf16>
        %parallel_loop3A_1119 = arith.index_cast %parallel_loop3A_1114 : i32 to index
        %parallel_loop3A_1120 = arith.constant 0 : index
        %parallel_loop3A_1121 = tpu.vector_load %arg10[%parallel_loop3A_1119, %parallel_loop3A_1120] {strides = array<i32>} : memref<128x64xf32, #tpu.memory_space<vmem>>, vector<16xf32>,
        %parallel_loop3A_1122 = vector.bitcast %parallel_loop3A_1121 : vector<16xf32> to vector<32xbf16>
        %parallel_loop3A_1123 = arith.mulf %parallel_loop3A_1118, %parallel_loop3A_1122 : vector<32xbf16>
        %parallel_loop3A_1124 = arith.index_cast %parallel_loop3A_1114 : i32 to index
        %parallel_loop3A_1125 = arith.constant 16 : index
        %parallel_loop3A_1126 = tpu.vector_load %arg9[%parallel_loop3A_1124, %parallel_loop3A_1125] {strides = array<i32>} : memref<128x64xf32, #tpu.memory_space<vmem>>, vector<16xf32>,
        %parallel_loop3A_1127 = vector.bitcast %parallel_loop3A_1126 : vector<16xf32> to vector<32xbf16>
        %parallel_loop3A_1128 = arith.index_cast %parallel_loop3A_1114 : i32 to index
        %parallel_loop3A_1129 = arith.constant 16 : index
        %parallel_loop3A_1130 = tpu.vector_load %arg10[%parallel_loop3A_1128, %parallel_loop3A_1129] {strides = array<i32>} : memref<128x64xf32, #tpu.memory_space<vmem>>, vector<16xf32>,
        %parallel_loop3A_1131 = vector.bitcast %parallel_loop3A_1130 : vector<16xf32> to vector<32xbf16>
        %parallel_loop3A_1132 = arith.mulf %parallel_loop3A_1127, %parallel_loop3A_1131 : vector<32xbf16>
        %parallel_loop3A_1133 = arith.addf %parallel_loop3A_1123, %parallel_loop3A_1132 : vector<32xbf16>
        %parallel_loop3A_1134 = arith.index_cast %parallel_loop3A_1114 : i32 to index
        %parallel_loop3A_1135 = arith.constant 32 : index
        %parallel_loop3A_1136 = tpu.vector_load %arg9[%parallel_loop3A_1134, %parallel_loop3A_1135] {strides = array<i32>} : memref<128x64xf32, #tpu.memory_space<vmem>>, vector<16xf32>,
        %parallel_loop3A_1137 = vector.bitcast %parallel_loop3A_1136 : vector<16xf32> to vector<32xbf16>
        %parallel_loop3A_1138 = arith.index_cast %parallel_loop3A_1114 : i32 to index
        %parallel_loop3A_1139 = arith.constant 32 : index
        %parallel_loop3A_1140 = tpu.vector_load %arg10[%parallel_loop3A_1138, %parallel_loop3A_1139] {strides = array<i32>} : memref<128x64xf32, #tpu.memory_space<vmem>>, vector<16xf32>,
        %parallel_loop3A_1141 = vector.bitcast %parallel_loop3A_1140 : vector<16xf32> to vector<32xbf16>
        %parallel_loop3A_1142 = arith.mulf %parallel_loop3A_1137, %parallel_loop3A_1141 : vector<32xbf16>
        %parallel_loop3A_1143 = arith.addf %parallel_loop3A_1133, %parallel_loop3A_1142 : vector<32xbf16>
        %parallel_loop3A_1144 = arith.index_cast %parallel_loop3A_1114 : i32 to index
        %parallel_loop3A_1145 = arith.constant 48 : index
        %parallel_loop3A_1146 = tpu.vector_load %arg9[%parallel_loop3A_1144, %parallel_loop3A_1145] {strides = array<i32>} : memref<128x64xf32, #tpu.memory_space<vmem>>, vector<16xf32>,
        %parallel_loop3A_1147 = vector.bitcast %parallel_loop3A_1146 : vector<16xf32> to vector<32xbf16>
        %parallel_loop3A_1148 = arith.index_cast %parallel_loop3A_1114 : i32 to index
        %parallel_loop3A_1149 = arith.constant 48 : index
        %parallel_loop3A_1150 = tpu.vector_load %arg10[%parallel_loop3A_1148, %parallel_loop3A_1149] {strides = array<i32>} : memref<128x64xf32, #tpu.memory_space<vmem>>, vector<16xf32>,
        %parallel_loop3A_1151 = vector.bitcast %parallel_loop3A_1150 : vector<16xf32> to vector<32xbf16>
        %parallel_loop3A_1152 = arith.mulf %parallel_loop3A_1147, %parallel_loop3A_1151 : vector<32xbf16>
        %parallel_loop3A_1153 = arith.addf %parallel_loop3A_1143, %parallel_loop3A_1152 : vector<32xbf16>
        %parallel_loop3A_1154 = tpu.unpack_subelements %parallel_loop3A_1153, 0 {pack_format = #tpu.pack_format<interleaved>} : vector<32xbf16> -> vector<16xf32>
        %parallel_loop3A_1155 = tpu.unpack_subelements %parallel_loop3A_1153, 1 {pack_format = #tpu.pack_format<interleaved>} : vector<32xbf16> -> vector<16xf32>
        %parallel_loop3A_1156 = arith.addf %parallel_loop3A_1154, %parallel_loop3A_1155 : vector<16xf32>
        %parallel_loop3A_1157 = arith.constant 34 : i32
        %parallel_loop3A_1158 = arith.addi %parallel_loop3A_1016, %parallel_loop3A_1157 : i32
        %parallel_loop3A_1159 = arith.index_cast %parallel_loop3A_1158 : i32 to index
        %parallel_loop3A_1160 = tpu.vector_load %arg12[%parallel_loop3A_1159] {strides = array<i32>} : memref<2176xf32, #tpu.memory_space<vmem>>, vector<16xf32>,
        tpu.vector_store %arg12[%parallel_loop3A_1159], %parallel_loop3A_1156 {strides = array<i32>} : memref<2176xf32, #tpu.memory_space<vmem>>, vector<16xf32>,
        %parallel_loop3A_1161 = arith.constant 3 : i32
        %parallel_loop3A_1162 = arith.addi %parallel_loop3A_1012, %parallel_loop3A_1161 : i32
        %parallel_loop3A_1163 = arith.index_cast %parallel_loop3A_1162 : i32 to index
        %parallel_loop3A_1164 = arith.constant 0 : index
        %parallel_loop3A_1165 = tpu.vector_load %arg9[%parallel_loop3A_1163, %parallel_loop3A_1164] {strides = array<i32>} : memref<128x64xf32, #tpu.memory_space<vmem>>, vector<16xf32>,
        %parallel_loop3A_1166 = vector.bitcast %parallel_loop3A_1165 : vector<16xf32> to vector<32xbf16>
        %parallel_loop3A_1167 = arith.index_cast %parallel_loop3A_1162 : i32 to index
        %parallel_loop3A_1168 = arith.constant 0 : index
        %parallel_loop3A_1169 = tpu.vector_load %arg10[%parallel_loop3A_1167, %parallel_loop3A_1168] {strides = array<i32>} : memref<128x64xf32, #tpu.memory_space<vmem>>, vector<16xf32>,
        %parallel_loop3A_1170 = vector.bitcast %parallel_loop3A_1169 : vector<16xf32> to vector<32xbf16>
        %parallel_loop3A_1171 = arith.mulf %parallel_loop3A_1166, %parallel_loop3A_1170 : vector<32xbf16>
        %parallel_loop3A_1172 = arith.index_cast %parallel_loop3A_1162 : i32 to index
        %parallel_loop3A_1173 = arith.constant 16 : index
        %parallel_loop3A_1174 = tpu.vector_load %arg9[%parallel_loop3A_1172, %parallel_loop3A_1173] {strides = array<i32>} : memref<128x64xf32, #tpu.memory_space<vmem>>, vector<16xf32>,
        %parallel_loop3A_1175 = vector.bitcast %parallel_loop3A_1174 : vector<16xf32> to vector<32xbf16>
        %parallel_loop3A_1176 = arith.index_cast %parallel_loop3A_1162 : i32 to index
        %parallel_loop3A_1177 = arith.constant 16 : index
        %parallel_loop3A_1178 = tpu.vector_load %arg10[%parallel_loop3A_1176, %parallel_loop3A_1177] {strides = array<i32>} : memref<128x64xf32, #tpu.memory_space<vmem>>, vector<16xf32>,
        %parallel_loop3A_1179 = vector.bitcast %parallel_loop3A_1178 : vector<16xf32> to vector<32xbf16>
        %parallel_loop3A_1180 = arith.mulf %parallel_loop3A_1175, %parallel_loop3A_1179 : vector<32xbf16>
        %parallel_loop3A_1181 = arith.addf %parallel_loop3A_1171, %parallel_loop3A_1180 : vector<32xbf16>
        %parallel_loop3A_1182 = arith.index_cast %parallel_loop3A_1162 : i32 to index
        %parallel_loop3A_1183 = arith.constant 32 : index
        %parallel_loop3A_1184 = tpu.vector_load %arg9[%parallel_loop3A_1182, %parallel_loop3A_1183] {strides = array<i32>} : memref<128x64xf32, #tpu.memory_space<vmem>>, vector<16xf32>,
        %parallel_loop3A_1185 = vector.bitcast %parallel_loop3A_1184 : vector<16xf32> to vector<32xbf16>
        %parallel_loop3A_1186 = arith.index_cast %parallel_loop3A_1162 : i32 to index
        %parallel_loop3A_1187 = arith.constant 32 : index
        %parallel_loop3A_1188 = tpu.vector_load %arg10[%parallel_loop3A_1186, %parallel_loop3A_1187] {strides = array<i32>} : memref<128x64xf32, #tpu.memory_space<vmem>>, vector<16xf32>,
        %parallel_loop3A_1189 = vector.bitcast %parallel_loop3A_1188 : vector<16xf32> to vector<32xbf16>
        %parallel_loop3A_1190 = arith.mulf %parallel_loop3A_1185, %parallel_loop3A_1189 : vector<32xbf16>
        %parallel_loop3A_1191 = arith.addf %parallel_loop3A_1181, %parallel_loop3A_1190 : vector<32xbf16>
        %parallel_loop3A_1192 = arith.index_cast %parallel_loop3A_1162 : i32 to index
        %parallel_loop3A_1193 = arith.constant 48 : index
        %parallel_loop3A_1194 = tpu.vector_load %arg9[%parallel_loop3A_1192, %parallel_loop3A_1193] {strides = array<i32>} : memref<128x64xf32, #tpu.memory_space<vmem>>, vector<16xf32>,
        %parallel_loop3A_1195 = vector.bitcast %parallel_loop3A_1194 : vector<16xf32> to vector<32xbf16>
        %parallel_loop3A_1196 = arith.index_cast %parallel_loop3A_1162 : i32 to index
        %parallel_loop3A_1197 = arith.constant 48 : index
        %parallel_loop3A_1198 = tpu.vector_load %arg10[%parallel_loop3A_1196, %parallel_loop3A_1197] {strides = array<i32>} : memref<128x64xf32, #tpu.memory_space<vmem>>, vector<16xf32>,
        %parallel_loop3A_1199 = vector.bitcast %parallel_loop3A_1198 : vector<16xf32> to vector<32xbf16>
        %parallel_loop3A_1200 = arith.mulf %parallel_loop3A_1195, %parallel_loop3A_1199 : vector<32xbf16>
        %parallel_loop3A_1201 = arith.addf %parallel_loop3A_1191, %parallel_loop3A_1200 : vector<32xbf16>
        %parallel_loop3A_1202 = tpu.unpack_subelements %parallel_loop3A_1201, 0 {pack_format = #tpu.pack_format<interleaved>} : vector<32xbf16> -> vector<16xf32>
        %parallel_loop3A_1203 = tpu.unpack_subelements %parallel_loop3A_1201, 1 {pack_format = #tpu.pack_format<interleaved>} : vector<32xbf16> -> vector<16xf32>
        %parallel_loop3A_1204 = arith.addf %parallel_loop3A_1202, %parallel_loop3A_1203 : vector<16xf32>
        %parallel_loop3A_1205 = arith.constant 51 : i32
        %parallel_loop3A_1206 = arith.addi %parallel_loop3A_1016, %parallel_loop3A_1205 : i32
        %parallel_loop3A_1207 = arith.index_cast %parallel_loop3A_1206 : i32 to index
        %parallel_loop3A_1208 = tpu.vector_load %arg12[%parallel_loop3A_1207] {strides = array<i32>} : memref<2176xf32, #tpu.memory_space<vmem>>, vector<16xf32>,
        tpu.vector_store %arg12[%parallel_loop3A_1207], %parallel_loop3A_1204 {strides = array<i32>} : memref<2176xf32, #tpu.memory_space<vmem>>, vector<16xf32>,
        %parallel_loop3A_1209 = arith.constant 4 : i32
        %parallel_loop3A_1210 = arith.addi %parallel_loop3A_1012, %parallel_loop3A_1209 : i32
        %parallel_loop3A_1211 = arith.index_cast %parallel_loop3A_1210 : i32 to index
        %parallel_loop3A_1212 = arith.constant 0 : index
        %parallel_loop3A_1213 = tpu.vector_load %arg9[%parallel_loop3A_1211, %parallel_loop3A_1212] {strides = array<i32>} : memref<128x64xf32, #tpu.memory_space<vmem>>, vector<16xf32>,
        %parallel_loop3A_1214 = vector.bitcast %parallel_loop3A_1213 : vector<16xf32> to vector<32xbf16>
        %parallel_loop3A_1215 = arith.index_cast %parallel_loop3A_1210 : i32 to index
        %parallel_loop3A_1216 = arith.constant 0 : index
        %parallel_loop3A_1217 = tpu.vector_load %arg10[%parallel_loop3A_1215, %parallel_loop3A_1216] {strides = array<i32>} : memref<128x64xf32, #tpu.memory_space<vmem>>, vector<16xf32>,
        %parallel_loop3A_1218 = vector.bitcast %parallel_loop3A_1217 : vector<16xf32> to vector<32xbf16>
        %parallel_loop3A_1219 = arith.mulf %parallel_loop3A_1214, %parallel_loop3A_1218 : vector<32xbf16>
        %parallel_loop3A_1220 = arith.index_cast %parallel_loop3A_1210 : i32 to index
        %parallel_loop3A_1221 = arith.constant 16 : index
        %parallel_loop3A_1222 = tpu.vector_load %arg9[%parallel_loop3A_1220, %parallel_loop3A_1221] {strides = array<i32>} : memref<128x64xf32, #tpu.memory_space<vmem>>, vector<16xf32>,
        %parallel_loop3A_1223 = vector.bitcast %parallel_loop3A_1222 : vector<16xf32> to vector<32xbf16>
        %parallel_loop3A_1224 = arith.index_cast %parallel_loop3A_1210 : i32 to index
        %parallel_loop3A_1225 = arith.constant 16 : index
        %parallel_loop3A_1226 = tpu.vector_load %arg10[%parallel_loop3A_1224, %parallel_loop3A_1225] {strides = array<i32>} : memref<128x64xf32, #tpu.memory_space<vmem>>, vector<16xf32>,
        %parallel_loop3A_1227 = vector.bitcast %parallel_loop3A_1226 : vector<16xf32> to vector<32xbf16>
        %parallel_loop3A_1228 = arith.mulf %parallel_loop3A_1223, %parallel_loop3A_1227 : vector<32xbf16>
        %parallel_loop3A_1229 = arith.addf %parallel_loop3A_1219, %parallel_loop3A_1228 : vector<32xbf16>
        %parallel_loop3A_1230 = arith.index_cast %parallel_loop3A_1210 : i32 to index
        %parallel_loop3A_1231 = arith.constant 32 : index
        %parallel_loop3A_1232 = tpu.vector_load %arg9[%parallel_loop3A_1230, %parallel_loop3A_1231] {strides = array<i32>} : memref<128x64xf32, #tpu.memory_space<vmem>>, vector<16xf32>,
        %parallel_loop3A_1233 = vector.bitcast %parallel_loop3A_1232 : vector<16xf32> to vector<32xbf16>
        %parallel_loop3A_1234 = arith.index_cast %parallel_loop3A_1210 : i32 to index
        %parallel_loop3A_1235 = arith.constant 32 : index
        %parallel_loop3A_1236 = tpu.vector_load %arg10[%parallel_loop3A_1234, %parallel_loop3A_1235] {strides = array<i32>} : memref<128x64xf32, #tpu.memory_space<vmem>>, vector<16xf32>,
        %parallel_loop3A_1237 = vector.bitcast %parallel_loop3A_1236 : vector<16xf32> to vector<32xbf16>
        %parallel_loop3A_1238 = arith.mulf %parallel_loop3A_1233, %parallel_loop3A_1237 : vector<32xbf16>
        %parallel_loop3A_1239 = arith.addf %parallel_loop3A_1229, %parallel_loop3A_1238 : vector<32xbf16>
        %parallel_loop3A_1240 = arith.index_cast %parallel_loop3A_1210 : i32 to index
        %parallel_loop3A_1241 = arith.constant 48 : index
        %parallel_loop3A_1242 = tpu.vector_load %arg9[%parallel_loop3A_1240, %parallel_loop3A_1241] {strides = array<i32>} : memref<128x64xf32, #tpu.memory_space<vmem>>, vector<16xf32>,
        %parallel_loop3A_1243 = vector.bitcast %parallel_loop3A_1242 : vector<16xf32> to vector<32xbf16>
        %parallel_loop3A_1244 = arith.index_cast %parallel_loop3A_1210 : i32 to index
        %parallel_loop3A_1245 = arith.constant 48 : index
        %parallel_loop3A_1246 = tpu.vector_load %arg10[%parallel_loop3A_1244, %parallel_loop3A_1245] {strides = array<i32>} : memref<128x64xf32, #tpu.memory_space<vmem>>, vector<16xf32>,
        %parallel_loop3A_1247 = vector.bitcast %parallel_loop3A_1246 : vector<16xf32> to vector<32xbf16>
        %parallel_loop3A_1248 = arith.mulf %parallel_loop3A_1243, %parallel_loop3A_1247 : vector<32xbf16>
        %parallel_loop3A_1249 = arith.addf %parallel_loop3A_1239, %parallel_loop3A_1248 : vector<32xbf16>
        %parallel_loop3A_1250 = tpu.unpack_subelements %parallel_loop3A_1249, 0 {pack_format = #tpu.pack_format<interleaved>} : vector<32xbf16> -> vector<16xf32>
        %parallel_loop3A_1251 = tpu.unpack_subelements %parallel_loop3A_1249, 1 {pack_format = #tpu.pack_format<interleaved>} : vector<32xbf16> -> vector<16xf32>
        %parallel_loop3A_1252 = arith.addf %parallel_loop3A_1250, %parallel_loop3A_1251 : vector<16xf32>
        %parallel_loop3A_1253 = arith.constant 68 : i32
        %parallel_loop3A_1254 = arith.addi %parallel_loop3A_1016, %parallel_loop3A_1253 : i32
        %parallel_loop3A_1255 = arith.index_cast %parallel_loop3A_1254 : i32 to index
        %parallel_loop3A_1256 = tpu.vector_load %arg12[%parallel_loop3A_1255] {strides = array<i32>} : memref<2176xf32, #tpu.memory_space<vmem>>, vector<16xf32>,
        tpu.vector_store %arg12[%parallel_loop3A_1255], %parallel_loop3A_1252 {strides = array<i32>} : memref<2176xf32, #tpu.memory_space<vmem>>, vector<16xf32>,
        %parallel_loop3A_1257 = arith.constant 5 : i32
        %parallel_loop3A_1258 = arith.addi %parallel_loop3A_1012, %parallel_loop3A_1257 : i32
        %parallel_loop3A_1259 = arith.index_cast %parallel_loop3A_1258 : i32 to index
        %parallel_loop3A_1260 = arith.constant 0 : index
        %parallel_loop3A_1261 = tpu.vector_load %arg9[%parallel_loop3A_1259, %parallel_loop3A_1260] {strides = array<i32>} : memref<128x64xf32, #tpu.memory_space<vmem>>, vector<16xf32>,
        %parallel_loop3A_1262 = vector.bitcast %parallel_loop3A_1261 : vector<16xf32> to vector<32xbf16>
        %parallel_loop3A_1263 = arith.index_cast %parallel_loop3A_1258 : i32 to index
        %parallel_loop3A_1264 = arith.constant 0 : index
        %parallel_loop3A_1265 = tpu.vector_load %arg10[%parallel_loop3A_1263, %parallel_loop3A_1264] {strides = array<i32>} : memref<128x64xf32, #tpu.memory_space<vmem>>, vector<16xf32>,
        %parallel_loop3A_1266 = vector.bitcast %parallel_loop3A_1265 : vector<16xf32> to vector<32xbf16>
        %parallel_loop3A_1267 = arith.mulf %parallel_loop3A_1262, %parallel_loop3A_1266 : vector<32xbf16>
        %parallel_loop3A_1268 = arith.index_cast %parallel_loop3A_1258 : i32 to index
        %parallel_loop3A_1269 = arith.constant 16 : index
        %parallel_loop3A_1270 = tpu.vector_load %arg9[%parallel_loop3A_1268, %parallel_loop3A_1269] {strides = array<i32>} : memref<128x64xf32, #tpu.memory_space<vmem>>, vector<16xf32>,
        %parallel_loop3A_1271 = vector.bitcast %parallel_loop3A_1270 : vector<16xf32> to vector<32xbf16>
        %parallel_loop3A_1272 = arith.index_cast %parallel_loop3A_1258 : i32 to index
        %parallel_loop3A_1273 = arith.constant 16 : index
        %parallel_loop3A_1274 = tpu.vector_load %arg10[%parallel_loop3A_1272, %parallel_loop3A_1273] {strides = array<i32>} : memref<128x64xf32, #tpu.memory_space<vmem>>, vector<16xf32>,
        %parallel_loop3A_1275 = vector.bitcast %parallel_loop3A_1274 : vector<16xf32> to vector<32xbf16>
        %parallel_loop3A_1276 = arith.mulf %parallel_loop3A_1271, %parallel_loop3A_1275 : vector<32xbf16>
        %parallel_loop3A_1277 = arith.addf %parallel_loop3A_1267, %parallel_loop3A_1276 : vector<32xbf16>
        %parallel_loop3A_1278 = arith.index_cast %parallel_loop3A_1258 : i32 to index
        %parallel_loop3A_1279 = arith.constant 32 : index
        %parallel_loop3A_1280 = tpu.vector_load %arg9[%parallel_loop3A_1278, %parallel_loop3A_1279] {strides = array<i32>} : memref<128x64xf32, #tpu.memory_space<vmem>>, vector<16xf32>,
        %parallel_loop3A_1281 = vector.bitcast %parallel_loop3A_1280 : vector<16xf32> to vector<32xbf16>
        %parallel_loop3A_1282 = arith.index_cast %parallel_loop3A_1258 : i32 to index
        %parallel_loop3A_1283 = arith.constant 32 : index
        %parallel_loop3A_1284 = tpu.vector_load %arg10[%parallel_loop3A_1282, %parallel_loop3A_1283] {strides = array<i32>} : memref<128x64xf32, #tpu.memory_space<vmem>>, vector<16xf32>,
        %parallel_loop3A_1285 = vector.bitcast %parallel_loop3A_1284 : vector<16xf32> to vector<32xbf16>
        %parallel_loop3A_1286 = arith.mulf %parallel_loop3A_1281, %parallel_loop3A_1285 : vector<32xbf16>
        %parallel_loop3A_1287 = arith.addf %parallel_loop3A_1277, %parallel_loop3A_1286 : vector<32xbf16>
        %parallel_loop3A_1288 = arith.index_cast %parallel_loop3A_1258 : i32 to index
        %parallel_loop3A_1289 = arith.constant 48 : index
        %parallel_loop3A_1290 = tpu.vector_load %arg9[%parallel_loop3A_1288, %parallel_loop3A_1289] {strides = array<i32>} : memref<128x64xf32, #tpu.memory_space<vmem>>, vector<16xf32>,
        %parallel_loop3A_1291 = vector.bitcast %parallel_loop3A_1290 : vector<16xf32> to vector<32xbf16>
        %parallel_loop3A_1292 = arith.index_cast %parallel_loop3A_1258 : i32 to index
        %parallel_loop3A_1293 = arith.constant 48 : index
        %parallel_loop3A_1294 = tpu.vector_load %arg10[%parallel_loop3A_1292, %parallel_loop3A_1293] {strides = array<i32>} : memref<128x64xf32, #tpu.memory_space<vmem>>, vector<16xf32>,
        %parallel_loop3A_1295 = vector.bitcast %parallel_loop3A_1294 : vector<16xf32> to vector<32xbf16>
        %parallel_loop3A_1296 = arith.mulf %parallel_loop3A_1291, %parallel_loop3A_1295 : vector<32xbf16>
        %parallel_loop3A_1297 = arith.addf %parallel_loop3A_1287, %parallel_loop3A_1296 : vector<32xbf16>
        %parallel_loop3A_1298 = tpu.unpack_subelements %parallel_loop3A_1297, 0 {pack_format = #tpu.pack_format<interleaved>} : vector<32xbf16> -> vector<16xf32>
        %parallel_loop3A_1299 = tpu.unpack_subelements %parallel_loop3A_1297, 1 {pack_format = #tpu.pack_format<interleaved>} : vector<32xbf16> -> vector<16xf32>
        %parallel_loop3A_1300 = arith.addf %parallel_loop3A_1298, %parallel_loop3A_1299 : vector<16xf32>
        %parallel_loop3A_1301 = arith.constant 85 : i32
        %parallel_loop3A_1302 = arith.addi %parallel_loop3A_1016, %parallel_loop3A_1301 : i32
        %parallel_loop3A_1303 = arith.index_cast %parallel_loop3A_1302 : i32 to index
        %parallel_loop3A_1304 = tpu.vector_load %arg12[%parallel_loop3A_1303] {strides = array<i32>} : memref<2176xf32, #tpu.memory_space<vmem>>, vector<16xf32>,
        tpu.vector_store %arg12[%parallel_loop3A_1303], %parallel_loop3A_1300 {strides = array<i32>} : memref<2176xf32, #tpu.memory_space<vmem>>, vector<16xf32>,
        %parallel_loop3A_1305 = arith.constant 6 : i32
        %parallel_loop3A_1306 = arith.addi %parallel_loop3A_1012, %parallel_loop3A_1305 : i32
        %parallel_loop3A_1307 = arith.index_cast %parallel_loop3A_1306 : i32 to index
        %parallel_loop3A_1308 = arith.constant 0 : index
        %parallel_loop3A_1309 = tpu.vector_load %arg9[%parallel_loop3A_1307, %parallel_loop3A_1308] {strides = array<i32>} : memref<128x64xf32, #tpu.memory_space<vmem>>, vector<16xf32>,
        %parallel_loop3A_1310 = vector.bitcast %parallel_loop3A_1309 : vector<16xf32> to vector<32xbf16>
        %parallel_loop3A_1311 = arith.index_cast %parallel_loop3A_1306 : i32 to index
        %parallel_loop3A_1312 = arith.constant 0 : index
        %parallel_loop3A_1313 = tpu.vector_load %arg10[%parallel_loop3A_1311, %parallel_loop3A_1312] {strides = array<i32>} : memref<128x64xf32, #tpu.memory_space<vmem>>, vector<16xf32>,
        %parallel_loop3A_1314 = vector.bitcast %parallel_loop3A_1313 : vector<16xf32> to vector<32xbf16>
        %parallel_loop3A_1315 = arith.mulf %parallel_loop3A_1310, %parallel_loop3A_1314 : vector<32xbf16>
        %parallel_loop3A_1316 = arith.index_cast %parallel_loop3A_1306 : i32 to index
        %parallel_loop3A_1317 = arith.constant 16 : index
        %parallel_loop3A_1318 = tpu.vector_load %arg9[%parallel_loop3A_1316, %parallel_loop3A_1317] {strides = array<i32>} : memref<128x64xf32, #tpu.memory_space<vmem>>, vector<16xf32>,
        %parallel_loop3A_1319 = vector.bitcast %parallel_loop3A_1318 : vector<16xf32> to vector<32xbf16>
        %parallel_loop3A_1320 = arith.index_cast %parallel_loop3A_1306 : i32 to index
        %parallel_loop3A_1321 = arith.constant 16 : index
        %parallel_loop3A_1322 = tpu.vector_load %arg10[%parallel_loop3A_1320, %parallel_loop3A_1321] {strides = array<i32>} : memref<128x64xf32, #tpu.memory_space<vmem>>, vector<16xf32>,
        %parallel_loop3A_1323 = vector.bitcast %parallel_loop3A_1322 : vector<16xf32> to vector<32xbf16>
        %parallel_loop3A_1324 = arith.mulf %parallel_loop3A_1319, %parallel_loop3A_1323 : vector<32xbf16>
        %parallel_loop3A_1325 = arith.addf %parallel_loop3A_1315, %parallel_loop3A_1324 : vector<32xbf16>
        %parallel_loop3A_1326 = arith.index_cast %parallel_loop3A_1306 : i32 to index
        %parallel_loop3A_1327 = arith.constant 32 : index
        %parallel_loop3A_1328 = tpu.vector_load %arg9[%parallel_loop3A_1326, %parallel_loop3A_1327] {strides = array<i32>} : memref<128x64xf32, #tpu.memory_space<vmem>>, vector<16xf32>,
        %parallel_loop3A_1329 = vector.bitcast %parallel_loop3A_1328 : vector<16xf32> to vector<32xbf16>
        %parallel_loop3A_1330 = arith.index_cast %parallel_loop3A_1306 : i32 to index
        %parallel_loop3A_1331 = arith.constant 32 : index
        %parallel_loop3A_1332 = tpu.vector_load %arg10[%parallel_loop3A_1330, %parallel_loop3A_1331] {strides = array<i32>} : memref<128x64xf32, #tpu.memory_space<vmem>>, vector<16xf32>,
        %parallel_loop3A_1333 = vector.bitcast %parallel_loop3A_1332 : vector<16xf32> to vector<32xbf16>
        %parallel_loop3A_1334 = arith.mulf %parallel_loop3A_1329, %parallel_loop3A_1333 : vector<32xbf16>
        %parallel_loop3A_1335 = arith.addf %parallel_loop3A_1325, %parallel_loop3A_1334 : vector<32xbf16>
        %parallel_loop3A_1336 = arith.index_cast %parallel_loop3A_1306 : i32 to index
        %parallel_loop3A_1337 = arith.constant 48 : index
        %parallel_loop3A_1338 = tpu.vector_load %arg9[%parallel_loop3A_1336, %parallel_loop3A_1337] {strides = array<i32>} : memref<128x64xf32, #tpu.memory_space<vmem>>, vector<16xf32>,
        %parallel_loop3A_1339 = vector.bitcast %parallel_loop3A_1338 : vector<16xf32> to vector<32xbf16>
        %parallel_loop3A_1340 = arith.index_cast %parallel_loop3A_1306 : i32 to index
        %parallel_loop3A_1341 = arith.constant 48 : index
        %parallel_loop3A_1342 = tpu.vector_load %arg10[%parallel_loop3A_1340, %parallel_loop3A_1341] {strides = array<i32>} : memref<128x64xf32, #tpu.memory_space<vmem>>, vector<16xf32>,
        %parallel_loop3A_1343 = vector.bitcast %parallel_loop3A_1342 : vector<16xf32> to vector<32xbf16>
        %parallel_loop3A_1344 = arith.mulf %parallel_loop3A_1339, %parallel_loop3A_1343 : vector<32xbf16>
        %parallel_loop3A_1345 = arith.addf %parallel_loop3A_1335, %parallel_loop3A_1344 : vector<32xbf16>
        %parallel_loop3A_1346 = tpu.unpack_subelements %parallel_loop3A_1345, 0 {pack_format = #tpu.pack_format<interleaved>} : vector<32xbf16> -> vector<16xf32>
        %parallel_loop3A_1347 = tpu.unpack_subelements %parallel_loop3A_1345, 1 {pack_format = #tpu.pack_format<interleaved>} : vector<32xbf16> -> vector<16xf32>
        %parallel_loop3A_1348 = arith.addf %parallel_loop3A_1346, %parallel_loop3A_1347 : vector<16xf32>
        %parallel_loop3A_1349 = arith.constant 102 : i32
        %parallel_loop3A_1350 = arith.addi %parallel_loop3A_1016, %parallel_loop3A_1349 : i32
        %parallel_loop3A_1351 = arith.index_cast %parallel_loop3A_1350 : i32 to index
        %parallel_loop3A_1352 = tpu.vector_load %arg12[%parallel_loop3A_1351] {strides = array<i32>} : memref<2176xf32, #tpu.memory_space<vmem>>, vector<16xf32>,
        tpu.vector_store %arg12[%parallel_loop3A_1351], %parallel_loop3A_1348 {strides = array<i32>} : memref<2176xf32, #tpu.memory_space<vmem>>, vector<16xf32>,
        %parallel_loop3A_1353 = arith.constant 7 : i32
        %parallel_loop3A_1354 = arith.addi %parallel_loop3A_1012, %parallel_loop3A_1353 : i32
        %parallel_loop3A_1355 = arith.index_cast %parallel_loop3A_1354 : i32 to index
        %parallel_loop3A_1356 = arith.constant 0 : index
        %parallel_loop3A_1357 = tpu.vector_load %arg9[%parallel_loop3A_1355, %parallel_loop3A_1356] {strides = array<i32>} : memref<128x64xf32, #tpu.memory_space<vmem>>, vector<16xf32>,
        %parallel_loop3A_1358 = vector.bitcast %parallel_loop3A_1357 : vector<16xf32> to vector<32xbf16>
        %parallel_loop3A_1359 = arith.index_cast %parallel_loop3A_1354 : i32 to index
        %parallel_loop3A_1360 = arith.constant 0 : index
        %parallel_loop3A_1361 = tpu.vector_load %arg10[%parallel_loop3A_1359, %parallel_loop3A_1360] {strides = array<i32>} : memref<128x64xf32, #tpu.memory_space<vmem>>, vector<16xf32>,
        %parallel_loop3A_1362 = vector.bitcast %parallel_loop3A_1361 : vector<16xf32> to vector<32xbf16>
        %parallel_loop3A_1363 = arith.mulf %parallel_loop3A_1358, %parallel_loop3A_1362 : vector<32xbf16>
        %parallel_loop3A_1364 = arith.index_cast %parallel_loop3A_1354 : i32 to index
        %parallel_loop3A_1365 = arith.constant 16 : index
        %parallel_loop3A_1366 = tpu.vector_load %arg9[%parallel_loop3A_1364, %parallel_loop3A_1365] {strides = array<i32>} : memref<128x64xf32, #tpu.memory_space<vmem>>, vector<16xf32>,
        %parallel_loop3A_1367 = vector.bitcast %parallel_loop3A_1366 : vector<16xf32> to vector<32xbf16>
        %parallel_loop3A_1368 = arith.index_cast %parallel_loop3A_1354 : i32 to index
        %parallel_loop3A_1369 = arith.constant 16 : index
        %parallel_loop3A_1370 = tpu.vector_load %arg10[%parallel_loop3A_1368, %parallel_loop3A_1369] {strides = array<i32>} : memref<128x64xf32, #tpu.memory_space<vmem>>, vector<16xf32>,
        %parallel_loop3A_1371 = vector.bitcast %parallel_loop3A_1370 : vector<16xf32> to vector<32xbf16>
        %parallel_loop3A_1372 = arith.mulf %parallel_loop3A_1367, %parallel_loop3A_1371 : vector<32xbf16>
        %parallel_loop3A_1373 = arith.addf %parallel_loop3A_1363, %parallel_loop3A_1372 : vector<32xbf16>
        %parallel_loop3A_1374 = arith.index_cast %parallel_loop3A_1354 : i32 to index
        %parallel_loop3A_1375 = arith.constant 32 : index
        %parallel_loop3A_1376 = tpu.vector_load %arg9[%parallel_loop3A_1374, %parallel_loop3A_1375] {strides = array<i32>} : memref<128x64xf32, #tpu.memory_space<vmem>>, vector<16xf32>,
        %parallel_loop3A_1377 = vector.bitcast %parallel_loop3A_1376 : vector<16xf32> to vector<32xbf16>
        %parallel_loop3A_1378 = arith.index_cast %parallel_loop3A_1354 : i32 to index
        %parallel_loop3A_1379 = arith.constant 32 : index
        %parallel_loop3A_1380 = tpu.vector_load %arg10[%parallel_loop3A_1378, %parallel_loop3A_1379] {strides = array<i32>} : memref<128x64xf32, #tpu.memory_space<vmem>>, vector<16xf32>,
        %parallel_loop3A_1381 = vector.bitcast %parallel_loop3A_1380 : vector<16xf32> to vector<32xbf16>
        %parallel_loop3A_1382 = arith.mulf %parallel_loop3A_1377, %parallel_loop3A_1381 : vector<32xbf16>
        %parallel_loop3A_1383 = arith.addf %parallel_loop3A_1373, %parallel_loop3A_1382 : vector<32xbf16>
        %parallel_loop3A_1384 = arith.index_cast %parallel_loop3A_1354 : i32 to index
        %parallel_loop3A_1385 = arith.constant 48 : index
        %parallel_loop3A_1386 = tpu.vector_load %arg9[%parallel_loop3A_1384, %parallel_loop3A_1385] {strides = array<i32>} : memref<128x64xf32, #tpu.memory_space<vmem>>, vector<16xf32>,
        %parallel_loop3A_1387 = vector.bitcast %parallel_loop3A_1386 : vector<16xf32> to vector<32xbf16>
        %parallel_loop3A_1388 = arith.index_cast %parallel_loop3A_1354 : i32 to index
        %parallel_loop3A_1389 = arith.constant 48 : index
        %parallel_loop3A_1390 = tpu.vector_load %arg10[%parallel_loop3A_1388, %parallel_loop3A_1389] {strides = array<i32>} : memref<128x64xf32, #tpu.memory_space<vmem>>, vector<16xf32>,
        %parallel_loop3A_1391 = vector.bitcast %parallel_loop3A_1390 : vector<16xf32> to vector<32xbf16>
        %parallel_loop3A_1392 = arith.mulf %parallel_loop3A_1387, %parallel_loop3A_1391 : vector<32xbf16>
        %parallel_loop3A_1393 = arith.addf %parallel_loop3A_1383, %parallel_loop3A_1392 : vector<32xbf16>
        %parallel_loop3A_1394 = tpu.unpack_subelements %parallel_loop3A_1393, 0 {pack_format = #tpu.pack_format<interleaved>} : vector<32xbf16> -> vector<16xf32>
        %parallel_loop3A_1395 = tpu.unpack_subelements %parallel_loop3A_1393, 1 {pack_format = #tpu.pack_format<interleaved>} : vector<32xbf16> -> vector<16xf32>
        %parallel_loop3A_1396 = arith.addf %parallel_loop3A_1394, %parallel_loop3A_1395 : vector<16xf32>
        %parallel_loop3A_1397 = arith.constant 119 : i32
        %parallel_loop3A_1398 = arith.addi %parallel_loop3A_1016, %parallel_loop3A_1397 : i32
        %parallel_loop3A_1399 = arith.index_cast %parallel_loop3A_1398 : i32 to index
        %parallel_loop3A_1400 = tpu.vector_load %arg12[%parallel_loop3A_1399] {strides = array<i32>} : memref<2176xf32, #tpu.memory_space<vmem>>, vector<16xf32>,
        tpu.vector_store %arg12[%parallel_loop3A_1399], %parallel_loop3A_1396 {strides = array<i32>} : memref<2176xf32, #tpu.memory_space<vmem>>, vector<16xf32>,
        %parallel_loop3A_1401 = arith.constant 8 : i32
        %parallel_loop3A_1402 = arith.addi %parallel_loop3A_1012, %parallel_loop3A_1401 : i32
        %parallel_loop3A_1403 = arith.index_cast %parallel_loop3A_1402 : i32 to index
        %parallel_loop3A_1404 = arith.constant 0 : index
        %parallel_loop3A_1405 = tpu.vector_load %arg9[%parallel_loop3A_1403, %parallel_loop3A_1404] {strides = array<i32>} : memref<128x64xf32, #tpu.memory_space<vmem>>, vector<16xf32>,
        %parallel_loop3A_1406 = vector.bitcast %parallel_loop3A_1405 : vector<16xf32> to vector<32xbf16>
        %parallel_loop3A_1407 = arith.index_cast %parallel_loop3A_1402 : i32 to index
        %parallel_loop3A_1408 = arith.constant 0 : index
        %parallel_loop3A_1409 = tpu.vector_load %arg10[%parallel_loop3A_1407, %parallel_loop3A_1408] {strides = array<i32>} : memref<128x64xf32, #tpu.memory_space<vmem>>, vector<16xf32>,
        %parallel_loop3A_1410 = vector.bitcast %parallel_loop3A_1409 : vector<16xf32> to vector<32xbf16>
        %parallel_loop3A_1411 = arith.mulf %parallel_loop3A_1406, %parallel_loop3A_1410 : vector<32xbf16>
        %parallel_loop3A_1412 = arith.index_cast %parallel_loop3A_1402 : i32 to index
        %parallel_loop3A_1413 = arith.constant 16 : index
        %parallel_loop3A_1414 = tpu.vector_load %arg9[%parallel_loop3A_1412, %parallel_loop3A_1413] {strides = array<i32>} : memref<128x64xf32, #tpu.memory_space<vmem>>, vector<16xf32>,
        %parallel_loop3A_1415 = vector.bitcast %parallel_loop3A_1414 : vector<16xf32> to vector<32xbf16>
        %parallel_loop3A_1416 = arith.index_cast %parallel_loop3A_1402 : i32 to index
        %parallel_loop3A_1417 = arith.constant 16 : index
        %parallel_loop3A_1418 = tpu.vector_load %arg10[%parallel_loop3A_1416, %parallel_loop3A_1417] {strides = array<i32>} : memref<128x64xf32, #tpu.memory_space<vmem>>, vector<16xf32>,
        %parallel_loop3A_1419 = vector.bitcast %parallel_loop3A_1418 : vector<16xf32> to vector<32xbf16>
        %parallel_loop3A_1420 = arith.mulf %parallel_loop3A_1415, %parallel_loop3A_1419 : vector<32xbf16>
        %parallel_loop3A_1421 = arith.addf %parallel_loop3A_1411, %parallel_loop3A_1420 : vector<32xbf16>
        %parallel_loop3A_1422 = arith.index_cast %parallel_loop3A_1402 : i32 to index
        %parallel_loop3A_1423 = arith.constant 32 : index
        %parallel_loop3A_1424 = tpu.vector_load %arg9[%parallel_loop3A_1422, %parallel_loop3A_1423] {strides = array<i32>} : memref<128x64xf32, #tpu.memory_space<vmem>>, vector<16xf32>,
        %parallel_loop3A_1425 = vector.bitcast %parallel_loop3A_1424 : vector<16xf32> to vector<32xbf16>
        %parallel_loop3A_1426 = arith.index_cast %parallel_loop3A_1402 : i32 to index
        %parallel_loop3A_1427 = arith.constant 32 : index
        %parallel_loop3A_1428 = tpu.vector_load %arg10[%parallel_loop3A_1426, %parallel_loop3A_1427] {strides = array<i32>} : memref<128x64xf32, #tpu.memory_space<vmem>>, vector<16xf32>,
        %parallel_loop3A_1429 = vector.bitcast %parallel_loop3A_1428 : vector<16xf32> to vector<32xbf16>
        %parallel_loop3A_1430 = arith.mulf %parallel_loop3A_1425, %parallel_loop3A_1429 : vector<32xbf16>
        %parallel_loop3A_1431 = arith.addf %parallel_loop3A_1421, %parallel_loop3A_1430 : vector<32xbf16>
        %parallel_loop3A_1432 = arith.index_cast %parallel_loop3A_1402 : i32 to index
        %parallel_loop3A_1433 = arith.constant 48 : index
        %parallel_loop3A_1434 = tpu.vector_load %arg9[%parallel_loop3A_1432, %parallel_loop3A_1433] {strides = array<i32>} : memref<128x64xf32, #tpu.memory_space<vmem>>, vector<16xf32>,
        %parallel_loop3A_1435 = vector.bitcast %parallel_loop3A_1434 : vector<16xf32> to vector<32xbf16>
        %parallel_loop3A_1436 = arith.index_cast %parallel_loop3A_1402 : i32 to index
        %parallel_loop3A_1437 = arith.constant 48 : index
        %parallel_loop3A_1438 = tpu.vector_load %arg10[%parallel_loop3A_1436, %parallel_loop3A_1437] {strides = array<i32>} : memref<128x64xf32, #tpu.memory_space<vmem>>, vector<16xf32>,
        %parallel_loop3A_1439 = vector.bitcast %parallel_loop3A_1438 : vector<16xf32> to vector<32xbf16>
        %parallel_loop3A_1440 = arith.mulf %parallel_loop3A_1435, %parallel_loop3A_1439 : vector<32xbf16>
        %parallel_loop3A_1441 = arith.addf %parallel_loop3A_1431, %parallel_loop3A_1440 : vector<32xbf16>
        %parallel_loop3A_1442 = tpu.unpack_subelements %parallel_loop3A_1441, 0 {pack_format = #tpu.pack_format<interleaved>} : vector<32xbf16> -> vector<16xf32>
        %parallel_loop3A_1443 = tpu.unpack_subelements %parallel_loop3A_1441, 1 {pack_format = #tpu.pack_format<interleaved>} : vector<32xbf16> -> vector<16xf32>
        %parallel_loop3A_1444 = arith.addf %parallel_loop3A_1442, %parallel_loop3A_1443 : vector<16xf32>
        %parallel_loop3A_1445 = arith.constant 136 : i32
        %parallel_loop3A_1446 = arith.addi %parallel_loop3A_1016, %parallel_loop3A_1445 : i32
        %parallel_loop3A_1447 = arith.index_cast %parallel_loop3A_1446 : i32 to index
        %parallel_loop3A_1448 = tpu.vector_load %arg12[%parallel_loop3A_1447] {strides = array<i32>} : memref<2176xf32, #tpu.memory_space<vmem>>, vector<16xf32>,
        tpu.vector_store %arg12[%parallel_loop3A_1447], %parallel_loop3A_1444 {strides = array<i32>} : memref<2176xf32, #tpu.memory_space<vmem>>, vector<16xf32>,
        %parallel_loop3A_1449 = arith.constant 9 : i32
        %parallel_loop3A_1450 = arith.addi %parallel_loop3A_1012, %parallel_loop3A_1449 : i32
        %parallel_loop3A_1451 = arith.index_cast %parallel_loop3A_1450 : i32 to index
        %parallel_loop3A_1452 = arith.constant 0 : index
        %parallel_loop3A_1453 = tpu.vector_load %arg9[%parallel_loop3A_1451, %parallel_loop3A_1452] {strides = array<i32>} : memref<128x64xf32, #tpu.memory_space<vmem>>, vector<16xf32>,
        %parallel_loop3A_1454 = vector.bitcast %parallel_loop3A_1453 : vector<16xf32> to vector<32xbf16>
        %parallel_loop3A_1455 = arith.index_cast %parallel_loop3A_1450 : i32 to index
        %parallel_loop3A_1456 = arith.constant 0 : index
        %parallel_loop3A_1457 = tpu.vector_load %arg10[%parallel_loop3A_1455, %parallel_loop3A_1456] {strides = array<i32>} : memref<128x64xf32, #tpu.memory_space<vmem>>, vector<16xf32>,
        %parallel_loop3A_1458 = vector.bitcast %parallel_loop3A_1457 : vector<16xf32> to vector<32xbf16>
        %parallel_loop3A_1459 = arith.mulf %parallel_loop3A_1454, %parallel_loop3A_1458 : vector<32xbf16>
        %parallel_loop3A_1460 = arith.index_cast %parallel_loop3A_1450 : i32 to index
        %parallel_loop3A_1461 = arith.constant 16 : index
        %parallel_loop3A_1462 = tpu.vector_load %arg9[%parallel_loop3A_1460, %parallel_loop3A_1461] {strides = array<i32>} : memref<128x64xf32, #tpu.memory_space<vmem>>, vector<16xf32>,
        %parallel_loop3A_1463 = vector.bitcast %parallel_loop3A_1462 : vector<16xf32> to vector<32xbf16>
        %parallel_loop3A_1464 = arith.index_cast %parallel_loop3A_1450 : i32 to index
        %parallel_loop3A_1465 = arith.constant 16 : index
        %parallel_loop3A_1466 = tpu.vector_load %arg10[%parallel_loop3A_1464, %parallel_loop3A_1465] {strides = array<i32>} : memref<128x64xf32, #tpu.memory_space<vmem>>, vector<16xf32>,
        %parallel_loop3A_1467 = vector.bitcast %parallel_loop3A_1466 : vector<16xf32> to vector<32xbf16>
        %parallel_loop3A_1468 = arith.mulf %parallel_loop3A_1463, %parallel_loop3A_1467 : vector<32xbf16>
        %parallel_loop3A_1469 = arith.addf %parallel_loop3A_1459, %parallel_loop3A_1468 : vector<32xbf16>
        %parallel_loop3A_1470 = arith.index_cast %parallel_loop3A_1450 : i32 to index
        %parallel_loop3A_1471 = arith.constant 32 : index
        %parallel_loop3A_1472 = tpu.vector_load %arg9[%parallel_loop3A_1470, %parallel_loop3A_1471] {strides = array<i32>} : memref<128x64xf32, #tpu.memory_space<vmem>>, vector<16xf32>,
        %parallel_loop3A_1473 = vector.bitcast %parallel_loop3A_1472 : vector<16xf32> to vector<32xbf16>
        %parallel_loop3A_1474 = arith.index_cast %parallel_loop3A_1450 : i32 to index
        %parallel_loop3A_1475 = arith.constant 32 : index
        %parallel_loop3A_1476 = tpu.vector_load %arg10[%parallel_loop3A_1474, %parallel_loop3A_1475] {strides = array<i32>} : memref<128x64xf32, #tpu.memory_space<vmem>>, vector<16xf32>,
        %parallel_loop3A_1477 = vector.bitcast %parallel_loop3A_1476 : vector<16xf32> to vector<32xbf16>
        %parallel_loop3A_1478 = arith.mulf %parallel_loop3A_1473, %parallel_loop3A_1477 : vector<32xbf16>
        %parallel_loop3A_1479 = arith.addf %parallel_loop3A_1469, %parallel_loop3A_1478 : vector<32xbf16>
        %parallel_loop3A_1480 = arith.index_cast %parallel_loop3A_1450 : i32 to index
        %parallel_loop3A_1481 = arith.constant 48 : index
        %parallel_loop3A_1482 = tpu.vector_load %arg9[%parallel_loop3A_1480, %parallel_loop3A_1481] {strides = array<i32>} : memref<128x64xf32, #tpu.memory_space<vmem>>, vector<16xf32>,
        %parallel_loop3A_1483 = vector.bitcast %parallel_loop3A_1482 : vector<16xf32> to vector<32xbf16>
        %parallel_loop3A_1484 = arith.index_cast %parallel_loop3A_1450 : i32 to index
        %parallel_loop3A_1485 = arith.constant 48 : index
        %parallel_loop3A_1486 = tpu.vector_load %arg10[%parallel_loop3A_1484, %parallel_loop3A_1485] {strides = array<i32>} : memref<128x64xf32, #tpu.memory_space<vmem>>, vector<16xf32>,
        %parallel_loop3A_1487 = vector.bitcast %parallel_loop3A_1486 : vector<16xf32> to vector<32xbf16>
        %parallel_loop3A_1488 = arith.mulf %parallel_loop3A_1483, %parallel_loop3A_1487 : vector<32xbf16>
        %parallel_loop3A_1489 = arith.addf %parallel_loop3A_1479, %parallel_loop3A_1488 : vector<32xbf16>
        %parallel_loop3A_1490 = tpu.unpack_subelements %parallel_loop3A_1489, 0 {pack_format = #tpu.pack_format<interleaved>} : vector<32xbf16> -> vector<16xf32>
        %parallel_loop3A_1491 = tpu.unpack_subelements %parallel_loop3A_1489, 1 {pack_format = #tpu.pack_format<interleaved>} : vector<32xbf16> -> vector<16xf32>
        %parallel_loop3A_1492 = arith.addf %parallel_loop3A_1490, %parallel_loop3A_1491 : vector<16xf32>
        %parallel_loop3A_1493 = arith.constant 153 : i32
        %parallel_loop3A_1494 = arith.addi %parallel_loop3A_1016, %parallel_loop3A_1493 : i32
        %parallel_loop3A_1495 = arith.index_cast %parallel_loop3A_1494 : i32 to index
        %parallel_loop3A_1496 = tpu.vector_load %arg12[%parallel_loop3A_1495] {strides = array<i32>} : memref<2176xf32, #tpu.memory_space<vmem>>, vector<16xf32>,
        tpu.vector_store %arg12[%parallel_loop3A_1495], %parallel_loop3A_1492 {strides = array<i32>} : memref<2176xf32, #tpu.memory_space<vmem>>, vector<16xf32>,
        %parallel_loop3A_1497 = arith.constant 10 : i32
        %parallel_loop3A_1498 = arith.addi %parallel_loop3A_1012, %parallel_loop3A_1497 : i32
        %parallel_loop3A_1499 = arith.index_cast %parallel_loop3A_1498 : i32 to index
        %parallel_loop3A_1500 = arith.constant 0 : index
        %parallel_loop3A_1501 = tpu.vector_load %arg9[%parallel_loop3A_1499, %parallel_loop3A_1500] {strides = array<i32>} : memref<128x64xf32, #tpu.memory_space<vmem>>, vector<16xf32>,
        %parallel_loop3A_1502 = vector.bitcast %parallel_loop3A_1501 : vector<16xf32> to vector<32xbf16>
        %parallel_loop3A_1503 = arith.index_cast %parallel_loop3A_1498 : i32 to index
        %parallel_loop3A_1504 = arith.constant 0 : index
        %parallel_loop3A_1505 = tpu.vector_load %arg10[%parallel_loop3A_1503, %parallel_loop3A_1504] {strides = array<i32>} : memref<128x64xf32, #tpu.memory_space<vmem>>, vector<16xf32>,
        %parallel_loop3A_1506 = vector.bitcast %parallel_loop3A_1505 : vector<16xf32> to vector<32xbf16>
        %parallel_loop3A_1507 = arith.mulf %parallel_loop3A_1502, %parallel_loop3A_1506 : vector<32xbf16>
        %parallel_loop3A_1508 = arith.index_cast %parallel_loop3A_1498 : i32 to index
        %parallel_loop3A_1509 = arith.constant 16 : index
        %parallel_loop3A_1510 = tpu.vector_load %arg9[%parallel_loop3A_1508, %parallel_loop3A_1509] {strides = array<i32>} : memref<128x64xf32, #tpu.memory_space<vmem>>, vector<16xf32>,
        %parallel_loop3A_1511 = vector.bitcast %parallel_loop3A_1510 : vector<16xf32> to vector<32xbf16>
        %parallel_loop3A_1512 = arith.index_cast %parallel_loop3A_1498 : i32 to index
        %parallel_loop3A_1513 = arith.constant 16 : index
        %parallel_loop3A_1514 = tpu.vector_load %arg10[%parallel_loop3A_1512, %parallel_loop3A_1513] {strides = array<i32>} : memref<128x64xf32, #tpu.memory_space<vmem>>, vector<16xf32>,
        %parallel_loop3A_1515 = vector.bitcast %parallel_loop3A_1514 : vector<16xf32> to vector<32xbf16>
        %parallel_loop3A_1516 = arith.mulf %parallel_loop3A_1511, %parallel_loop3A_1515 : vector<32xbf16>
        %parallel_loop3A_1517 = arith.addf %parallel_loop3A_1507, %parallel_loop3A_1516 : vector<32xbf16>
        %parallel_loop3A_1518 = arith.index_cast %parallel_loop3A_1498 : i32 to index
        %parallel_loop3A_1519 = arith.constant 32 : index
        %parallel_loop3A_1520 = tpu.vector_load %arg9[%parallel_loop3A_1518, %parallel_loop3A_1519] {strides = array<i32>} : memref<128x64xf32, #tpu.memory_space<vmem>>, vector<16xf32>,
        %parallel_loop3A_1521 = vector.bitcast %parallel_loop3A_1520 : vector<16xf32> to vector<32xbf16>
        %parallel_loop3A_1522 = arith.index_cast %parallel_loop3A_1498 : i32 to index
        %parallel_loop3A_1523 = arith.constant 32 : index
        %parallel_loop3A_1524 = tpu.vector_load %arg10[%parallel_loop3A_1522, %parallel_loop3A_1523] {strides = array<i32>} : memref<128x64xf32, #tpu.memory_space<vmem>>, vector<16xf32>,
        %parallel_loop3A_1525 = vector.bitcast %parallel_loop3A_1524 : vector<16xf32> to vector<32xbf16>
        %parallel_loop3A_1526 = arith.mulf %parallel_loop3A_1521, %parallel_loop3A_1525 : vector<32xbf16>
        %parallel_loop3A_1527 = arith.addf %parallel_loop3A_1517, %parallel_loop3A_1526 : vector<32xbf16>
        %parallel_loop3A_1528 = arith.index_cast %parallel_loop3A_1498 : i32 to index
        %parallel_loop3A_1529 = arith.constant 48 : index
        %parallel_loop3A_1530 = tpu.vector_load %arg9[%parallel_loop3A_1528, %parallel_loop3A_1529] {strides = array<i32>} : memref<128x64xf32, #tpu.memory_space<vmem>>, vector<16xf32>,
        %parallel_loop3A_1531 = vector.bitcast %parallel_loop3A_1530 : vector<16xf32> to vector<32xbf16>
        %parallel_loop3A_1532 = arith.index_cast %parallel_loop3A_1498 : i32 to index
        %parallel_loop3A_1533 = arith.constant 48 : index
        %parallel_loop3A_1534 = tpu.vector_load %arg10[%parallel_loop3A_1532, %parallel_loop3A_1533] {strides = array<i32>} : memref<128x64xf32, #tpu.memory_space<vmem>>, vector<16xf32>,
        %parallel_loop3A_1535 = vector.bitcast %parallel_loop3A_1534 : vector<16xf32> to vector<32xbf16>
        %parallel_loop3A_1536 = arith.mulf %parallel_loop3A_1531, %parallel_loop3A_1535 : vector<32xbf16>
        %parallel_loop3A_1537 = arith.addf %parallel_loop3A_1527, %parallel_loop3A_1536 : vector<32xbf16>
        %parallel_loop3A_1538 = tpu.unpack_subelements %parallel_loop3A_1537, 0 {pack_format = #tpu.pack_format<interleaved>} : vector<32xbf16> -> vector<16xf32>
        %parallel_loop3A_1539 = tpu.unpack_subelements %parallel_loop3A_1537, 1 {pack_format = #tpu.pack_format<interleaved>} : vector<32xbf16> -> vector<16xf32>
        %parallel_loop3A_1540 = arith.addf %parallel_loop3A_1538, %parallel_loop3A_1539 : vector<16xf32>
        %parallel_loop3A_1541 = arith.constant 170 : i32
        %parallel_loop3A_1542 = arith.addi %parallel_loop3A_1016, %parallel_loop3A_1541 : i32
        %parallel_loop3A_1543 = arith.index_cast %parallel_loop3A_1542 : i32 to index
        %parallel_loop3A_1544 = tpu.vector_load %arg12[%parallel_loop3A_1543] {strides = array<i32>} : memref<2176xf32, #tpu.memory_space<vmem>>, vector<16xf32>,
        tpu.vector_store %arg12[%parallel_loop3A_1543], %parallel_loop3A_1540 {strides = array<i32>} : memref<2176xf32, #tpu.memory_space<vmem>>, vector<16xf32>,
        %parallel_loop3A_1545 = arith.constant 11 : i32
        %parallel_loop3A_1546 = arith.addi %parallel_loop3A_1012, %parallel_loop3A_1545 : i32
        %parallel_loop3A_1547 = arith.index_cast %parallel_loop3A_1546 : i32 to index
        %parallel_loop3A_1548 = arith.constant 0 : index
        %parallel_loop3A_1549 = tpu.vector_load %arg9[%parallel_loop3A_1547, %parallel_loop3A_1548] {strides = array<i32>} : memref<128x64xf32, #tpu.memory_space<vmem>>, vector<16xf32>,
        %parallel_loop3A_1550 = vector.bitcast %parallel_loop3A_1549 : vector<16xf32> to vector<32xbf16>
        %parallel_loop3A_1551 = arith.index_cast %parallel_loop3A_1546 : i32 to index
        %parallel_loop3A_1552 = arith.constant 0 : index
        %parallel_loop3A_1553 = tpu.vector_load %arg10[%parallel_loop3A_1551, %parallel_loop3A_1552] {strides = array<i32>} : memref<128x64xf32, #tpu.memory_space<vmem>>, vector<16xf32>,
        %parallel_loop3A_1554 = vector.bitcast %parallel_loop3A_1553 : vector<16xf32> to vector<32xbf16>
        %parallel_loop3A_1555 = arith.mulf %parallel_loop3A_1550, %parallel_loop3A_1554 : vector<32xbf16>
        %parallel_loop3A_1556 = arith.index_cast %parallel_loop3A_1546 : i32 to index
        %parallel_loop3A_1557 = arith.constant 16 : index
        %parallel_loop3A_1558 = tpu.vector_load %arg9[%parallel_loop3A_1556, %parallel_loop3A_1557] {strides = array<i32>} : memref<128x64xf32, #tpu.memory_space<vmem>>, vector<16xf32>,
        %parallel_loop3A_1559 = vector.bitcast %parallel_loop3A_1558 : vector<16xf32> to vector<32xbf16>
        %parallel_loop3A_1560 = arith.index_cast %parallel_loop3A_1546 : i32 to index
        %parallel_loop3A_1561 = arith.constant 16 : index
        %parallel_loop3A_1562 = tpu.vector_load %arg10[%parallel_loop3A_1560, %parallel_loop3A_1561] {strides = array<i32>} : memref<128x64xf32, #tpu.memory_space<vmem>>, vector<16xf32>,
        %parallel_loop3A_1563 = vector.bitcast %parallel_loop3A_1562 : vector<16xf32> to vector<32xbf16>
        %parallel_loop3A_1564 = arith.mulf %parallel_loop3A_1559, %parallel_loop3A_1563 : vector<32xbf16>
        %parallel_loop3A_1565 = arith.addf %parallel_loop3A_1555, %parallel_loop3A_1564 : vector<32xbf16>
        %parallel_loop3A_1566 = arith.index_cast %parallel_loop3A_1546 : i32 to index
        %parallel_loop3A_1567 = arith.constant 32 : index
        %parallel_loop3A_1568 = tpu.vector_load %arg9[%parallel_loop3A_1566, %parallel_loop3A_1567] {strides = array<i32>} : memref<128x64xf32, #tpu.memory_space<vmem>>, vector<16xf32>,
        %parallel_loop3A_1569 = vector.bitcast %parallel_loop3A_1568 : vector<16xf32> to vector<32xbf16>
        %parallel_loop3A_1570 = arith.index_cast %parallel_loop3A_1546 : i32 to index
        %parallel_loop3A_1571 = arith.constant 32 : index
        %parallel_loop3A_1572 = tpu.vector_load %arg10[%parallel_loop3A_1570, %parallel_loop3A_1571] {strides = array<i32>} : memref<128x64xf32, #tpu.memory_space<vmem>>, vector<16xf32>,
        %parallel_loop3A_1573 = vector.bitcast %parallel_loop3A_1572 : vector<16xf32> to vector<32xbf16>
        %parallel_loop3A_1574 = arith.mulf %parallel_loop3A_1569, %parallel_loop3A_1573 : vector<32xbf16>
        %parallel_loop3A_1575 = arith.addf %parallel_loop3A_1565, %parallel_loop3A_1574 : vector<32xbf16>
        %parallel_loop3A_1576 = arith.index_cast %parallel_loop3A_1546 : i32 to index
        %parallel_loop3A_1577 = arith.constant 48 : index
        %parallel_loop3A_1578 = tpu.vector_load %arg9[%parallel_loop3A_1576, %parallel_loop3A_1577] {strides = array<i32>} : memref<128x64xf32, #tpu.memory_space<vmem>>, vector<16xf32>,
        %parallel_loop3A_1579 = vector.bitcast %parallel_loop3A_1578 : vector<16xf32> to vector<32xbf16>
        %parallel_loop3A_1580 = arith.index_cast %parallel_loop3A_1546 : i32 to index
        %parallel_loop3A_1581 = arith.constant 48 : index
        %parallel_loop3A_1582 = tpu.vector_load %arg10[%parallel_loop3A_1580, %parallel_loop3A_1581] {strides = array<i32>} : memref<128x64xf32, #tpu.memory_space<vmem>>, vector<16xf32>,
        %parallel_loop3A_1583 = vector.bitcast %parallel_loop3A_1582 : vector<16xf32> to vector<32xbf16>
        %parallel_loop3A_1584 = arith.mulf %parallel_loop3A_1579, %parallel_loop3A_1583 : vector<32xbf16>
        %parallel_loop3A_1585 = arith.addf %parallel_loop3A_1575, %parallel_loop3A_1584 : vector<32xbf16>
        %parallel_loop3A_1586 = tpu.unpack_subelements %parallel_loop3A_1585, 0 {pack_format = #tpu.pack_format<interleaved>} : vector<32xbf16> -> vector<16xf32>
        %parallel_loop3A_1587 = tpu.unpack_subelements %parallel_loop3A_1585, 1 {pack_format = #tpu.pack_format<interleaved>} : vector<32xbf16> -> vector<16xf32>
        %parallel_loop3A_1588 = arith.addf %parallel_loop3A_1586, %parallel_loop3A_1587 : vector<16xf32>
        %parallel_loop3A_1589 = arith.constant 187 : i32
        %parallel_loop3A_1590 = arith.addi %parallel_loop3A_1016, %parallel_loop3A_1589 : i32
        %parallel_loop3A_1591 = arith.index_cast %parallel_loop3A_1590 : i32 to index
        %parallel_loop3A_1592 = tpu.vector_load %arg12[%parallel_loop3A_1591] {strides = array<i32>} : memref<2176xf32, #tpu.memory_space<vmem>>, vector<16xf32>,
        tpu.vector_store %arg12[%parallel_loop3A_1591], %parallel_loop3A_1588 {strides = array<i32>} : memref<2176xf32, #tpu.memory_space<vmem>>, vector<16xf32>,
        %parallel_loop3A_1593 = arith.constant 12 : i32
        %parallel_loop3A_1594 = arith.addi %parallel_loop3A_1012, %parallel_loop3A_1593 : i32
        %parallel_loop3A_1595 = arith.index_cast %parallel_loop3A_1594 : i32 to index
        %parallel_loop3A_1596 = arith.constant 0 : index
        %parallel_loop3A_1597 = tpu.vector_load %arg9[%parallel_loop3A_1595, %parallel_loop3A_1596] {strides = array<i32>} : memref<128x64xf32, #tpu.memory_space<vmem>>, vector<16xf32>,
        %parallel_loop3A_1598 = vector.bitcast %parallel_loop3A_1597 : vector<16xf32> to vector<32xbf16>
        %parallel_loop3A_1599 = arith.index_cast %parallel_loop3A_1594 : i32 to index
        %parallel_loop3A_1600 = arith.constant 0 : index
        %parallel_loop3A_1601 = tpu.vector_load %arg10[%parallel_loop3A_1599, %parallel_loop3A_1600] {strides = array<i32>} : memref<128x64xf32, #tpu.memory_space<vmem>>, vector<16xf32>,
        %parallel_loop3A_1602 = vector.bitcast %parallel_loop3A_1601 : vector<16xf32> to vector<32xbf16>
        %parallel_loop3A_1603 = arith.mulf %parallel_loop3A_1598, %parallel_loop3A_1602 : vector<32xbf16>
        %parallel_loop3A_1604 = arith.index_cast %parallel_loop3A_1594 : i32 to index
        %parallel_loop3A_1605 = arith.constant 16 : index
        %parallel_loop3A_1606 = tpu.vector_load %arg9[%parallel_loop3A_1604, %parallel_loop3A_1605] {strides = array<i32>} : memref<128x64xf32, #tpu.memory_space<vmem>>, vector<16xf32>,
        %parallel_loop3A_1607 = vector.bitcast %parallel_loop3A_1606 : vector<16xf32> to vector<32xbf16>
        %parallel_loop3A_1608 = arith.index_cast %parallel_loop3A_1594 : i32 to index
        %parallel_loop3A_1609 = arith.constant 16 : index
        %parallel_loop3A_1610 = tpu.vector_load %arg10[%parallel_loop3A_1608, %parallel_loop3A_1609] {strides = array<i32>} : memref<128x64xf32, #tpu.memory_space<vmem>>, vector<16xf32>,
        %parallel_loop3A_1611 = vector.bitcast %parallel_loop3A_1610 : vector<16xf32> to vector<32xbf16>
        %parallel_loop3A_1612 = arith.mulf %parallel_loop3A_1607, %parallel_loop3A_1611 : vector<32xbf16>
        %parallel_loop3A_1613 = arith.addf %parallel_loop3A_1603, %parallel_loop3A_1612 : vector<32xbf16>
        %parallel_loop3A_1614 = arith.index_cast %parallel_loop3A_1594 : i32 to index
        %parallel_loop3A_1615 = arith.constant 32 : index
        %parallel_loop3A_1616 = tpu.vector_load %arg9[%parallel_loop3A_1614, %parallel_loop3A_1615] {strides = array<i32>} : memref<128x64xf32, #tpu.memory_space<vmem>>, vector<16xf32>,
        %parallel_loop3A_1617 = vector.bitcast %parallel_loop3A_1616 : vector<16xf32> to vector<32xbf16>
        %parallel_loop3A_1618 = arith.index_cast %parallel_loop3A_1594 : i32 to index
        %parallel_loop3A_1619 = arith.constant 32 : index
        %parallel_loop3A_1620 = tpu.vector_load %arg10[%parallel_loop3A_1618, %parallel_loop3A_1619] {strides = array<i32>} : memref<128x64xf32, #tpu.memory_space<vmem>>, vector<16xf32>,
        %parallel_loop3A_1621 = vector.bitcast %parallel_loop3A_1620 : vector<16xf32> to vector<32xbf16>
        %parallel_loop3A_1622 = arith.mulf %parallel_loop3A_1617, %parallel_loop3A_1621 : vector<32xbf16>
        %parallel_loop3A_1623 = arith.addf %parallel_loop3A_1613, %parallel_loop3A_1622 : vector<32xbf16>
        %parallel_loop3A_1624 = arith.index_cast %parallel_loop3A_1594 : i32 to index
        %parallel_loop3A_1625 = arith.constant 48 : index
        %parallel_loop3A_1626 = tpu.vector_load %arg9[%parallel_loop3A_1624, %parallel_loop3A_1625] {strides = array<i32>} : memref<128x64xf32, #tpu.memory_space<vmem>>, vector<16xf32>,
        %parallel_loop3A_1627 = vector.bitcast %parallel_loop3A_1626 : vector<16xf32> to vector<32xbf16>
        %parallel_loop3A_1628 = arith.index_cast %parallel_loop3A_1594 : i32 to index
        %parallel_loop3A_1629 = arith.constant 48 : index
        %parallel_loop3A_1630 = tpu.vector_load %arg10[%parallel_loop3A_1628, %parallel_loop3A_1629] {strides = array<i32>} : memref<128x64xf32, #tpu.memory_space<vmem>>, vector<16xf32>,
        %parallel_loop3A_1631 = vector.bitcast %parallel_loop3A_1630 : vector<16xf32> to vector<32xbf16>
        %parallel_loop3A_1632 = arith.mulf %parallel_loop3A_1627, %parallel_loop3A_1631 : vector<32xbf16>
        %parallel_loop3A_1633 = arith.addf %parallel_loop3A_1623, %parallel_loop3A_1632 : vector<32xbf16>
        %parallel_loop3A_1634 = tpu.unpack_subelements %parallel_loop3A_1633, 0 {pack_format = #tpu.pack_format<interleaved>} : vector<32xbf16> -> vector<16xf32>
        %parallel_loop3A_1635 = tpu.unpack_subelements %parallel_loop3A_1633, 1 {pack_format = #tpu.pack_format<interleaved>} : vector<32xbf16> -> vector<16xf32>
        %parallel_loop3A_1636 = arith.addf %parallel_loop3A_1634, %parallel_loop3A_1635 : vector<16xf32>
        %parallel_loop3A_1637 = arith.constant 204 : i32
        %parallel_loop3A_1638 = arith.addi %parallel_loop3A_1016, %parallel_loop3A_1637 : i32
        %parallel_loop3A_1639 = arith.index_cast %parallel_loop3A_1638 : i32 to index
        %parallel_loop3A_1640 = tpu.vector_load %arg12[%parallel_loop3A_1639] {strides = array<i32>} : memref<2176xf32, #tpu.memory_space<vmem>>, vector<16xf32>,
        tpu.vector_store %arg12[%parallel_loop3A_1639], %parallel_loop3A_1636 {strides = array<i32>} : memref<2176xf32, #tpu.memory_space<vmem>>, vector<16xf32>,
        %parallel_loop3A_1641 = arith.constant 13 : i32
        %parallel_loop3A_1642 = arith.addi %parallel_loop3A_1012, %parallel_loop3A_1641 : i32
        %parallel_loop3A_1643 = arith.index_cast %parallel_loop3A_1642 : i32 to index
        %parallel_loop3A_1644 = arith.constant 0 : index
        %parallel_loop3A_1645 = tpu.vector_load %arg9[%parallel_loop3A_1643, %parallel_loop3A_1644] {strides = array<i32>} : memref<128x64xf32, #tpu.memory_space<vmem>>, vector<16xf32>,
        %parallel_loop3A_1646 = vector.bitcast %parallel_loop3A_1645 : vector<16xf32> to vector<32xbf16>
        %parallel_loop3A_1647 = arith.index_cast %parallel_loop3A_1642 : i32 to index
        %parallel_loop3A_1648 = arith.constant 0 : index
        %parallel_loop3A_1649 = tpu.vector_load %arg10[%parallel_loop3A_1647, %parallel_loop3A_1648] {strides = array<i32>} : memref<128x64xf32, #tpu.memory_space<vmem>>, vector<16xf32>,
        %parallel_loop3A_1650 = vector.bitcast %parallel_loop3A_1649 : vector<16xf32> to vector<32xbf16>
        %parallel_loop3A_1651 = arith.mulf %parallel_loop3A_1646, %parallel_loop3A_1650 : vector<32xbf16>
        %parallel_loop3A_1652 = arith.index_cast %parallel_loop3A_1642 : i32 to index
        %parallel_loop3A_1653 = arith.constant 16 : index
        %parallel_loop3A_1654 = tpu.vector_load %arg9[%parallel_loop3A_1652, %parallel_loop3A_1653] {strides = array<i32>} : memref<128x64xf32, #tpu.memory_space<vmem>>, vector<16xf32>,
        %parallel_loop3A_1655 = vector.bitcast %parallel_loop3A_1654 : vector<16xf32> to vector<32xbf16>
        %parallel_loop3A_1656 = arith.index_cast %parallel_loop3A_1642 : i32 to index
        %parallel_loop3A_1657 = arith.constant 16 : index
        %parallel_loop3A_1658 = tpu.vector_load %arg10[%parallel_loop3A_1656, %parallel_loop3A_1657] {strides = array<i32>} : memref<128x64xf32, #tpu.memory_space<vmem>>, vector<16xf32>,
        %parallel_loop3A_1659 = vector.bitcast %parallel_loop3A_1658 : vector<16xf32> to vector<32xbf16>
        %parallel_loop3A_1660 = arith.mulf %parallel_loop3A_1655, %parallel_loop3A_1659 : vector<32xbf16>
        %parallel_loop3A_1661 = arith.addf %parallel_loop3A_1651, %parallel_loop3A_1660 : vector<32xbf16>
        %parallel_loop3A_1662 = arith.index_cast %parallel_loop3A_1642 : i32 to index
        %parallel_loop3A_1663 = arith.constant 32 : index
        %parallel_loop3A_1664 = tpu.vector_load %arg9[%parallel_loop3A_1662, %parallel_loop3A_1663] {strides = array<i32>} : memref<128x64xf32, #tpu.memory_space<vmem>>, vector<16xf32>,
        %parallel_loop3A_1665 = vector.bitcast %parallel_loop3A_1664 : vector<16xf32> to vector<32xbf16>
        %parallel_loop3A_1666 = arith.index_cast %parallel_loop3A_1642 : i32 to index
        %parallel_loop3A_1667 = arith.constant 32 : index
        %parallel_loop3A_1668 = tpu.vector_load %arg10[%parallel_loop3A_1666, %parallel_loop3A_1667] {strides = array<i32>} : memref<128x64xf32, #tpu.memory_space<vmem>>, vector<16xf32>,
        %parallel_loop3A_1669 = vector.bitcast %parallel_loop3A_1668 : vector<16xf32> to vector<32xbf16>
        %parallel_loop3A_1670 = arith.mulf %parallel_loop3A_1665, %parallel_loop3A_1669 : vector<32xbf16>
        %parallel_loop3A_1671 = arith.addf %parallel_loop3A_1661, %parallel_loop3A_1670 : vector<32xbf16>
        %parallel_loop3A_1672 = arith.index_cast %parallel_loop3A_1642 : i32 to index
        %parallel_loop3A_1673 = arith.constant 48 : index
        %parallel_loop3A_1674 = tpu.vector_load %arg9[%parallel_loop3A_1672, %parallel_loop3A_1673] {strides = array<i32>} : memref<128x64xf32, #tpu.memory_space<vmem>>, vector<16xf32>,
        %parallel_loop3A_1675 = vector.bitcast %parallel_loop3A_1674 : vector<16xf32> to vector<32xbf16>
        %parallel_loop3A_1676 = arith.index_cast %parallel_loop3A_1642 : i32 to index
        %parallel_loop3A_1677 = arith.constant 48 : index
        %parallel_loop3A_1678 = tpu.vector_load %arg10[%parallel_loop3A_1676, %parallel_loop3A_1677] {strides = array<i32>} : memref<128x64xf32, #tpu.memory_space<vmem>>, vector<16xf32>,
        %parallel_loop3A_1679 = vector.bitcast %parallel_loop3A_1678 : vector<16xf32> to vector<32xbf16>
        %parallel_loop3A_1680 = arith.mulf %parallel_loop3A_1675, %parallel_loop3A_1679 : vector<32xbf16>
        %parallel_loop3A_1681 = arith.addf %parallel_loop3A_1671, %parallel_loop3A_1680 : vector<32xbf16>
        %parallel_loop3A_1682 = tpu.unpack_subelements %parallel_loop3A_1681, 0 {pack_format = #tpu.pack_format<interleaved>} : vector<32xbf16> -> vector<16xf32>
        %parallel_loop3A_1683 = tpu.unpack_subelements %parallel_loop3A_1681, 1 {pack_format = #tpu.pack_format<interleaved>} : vector<32xbf16> -> vector<16xf32>
        %parallel_loop3A_1684 = arith.addf %parallel_loop3A_1682, %parallel_loop3A_1683 : vector<16xf32>
        %parallel_loop3A_1685 = arith.constant 221 : i32
        %parallel_loop3A_1686 = arith.addi %parallel_loop3A_1016, %parallel_loop3A_1685 : i32
        %parallel_loop3A_1687 = arith.index_cast %parallel_loop3A_1686 : i32 to index
        %parallel_loop3A_1688 = tpu.vector_load %arg12[%parallel_loop3A_1687] {strides = array<i32>} : memref<2176xf32, #tpu.memory_space<vmem>>, vector<16xf32>,
        tpu.vector_store %arg12[%parallel_loop3A_1687], %parallel_loop3A_1684 {strides = array<i32>} : memref<2176xf32, #tpu.memory_space<vmem>>, vector<16xf32>,
        %parallel_loop3A_1689 = arith.constant 14 : i32
        %parallel_loop3A_1690 = arith.addi %parallel_loop3A_1012, %parallel_loop3A_1689 : i32
        %parallel_loop3A_1691 = arith.index_cast %parallel_loop3A_1690 : i32 to index
        %parallel_loop3A_1692 = arith.constant 0 : index
        %parallel_loop3A_1693 = tpu.vector_load %arg9[%parallel_loop3A_1691, %parallel_loop3A_1692] {strides = array<i32>} : memref<128x64xf32, #tpu.memory_space<vmem>>, vector<16xf32>,
        %parallel_loop3A_1694 = vector.bitcast %parallel_loop3A_1693 : vector<16xf32> to vector<32xbf16>
        %parallel_loop3A_1695 = arith.index_cast %parallel_loop3A_1690 : i32 to index
        %parallel_loop3A_1696 = arith.constant 0 : index
        %parallel_loop3A_1697 = tpu.vector_load %arg10[%parallel_loop3A_1695, %parallel_loop3A_1696] {strides = array<i32>} : memref<128x64xf32, #tpu.memory_space<vmem>>, vector<16xf32>,
        %parallel_loop3A_1698 = vector.bitcast %parallel_loop3A_1697 : vector<16xf32> to vector<32xbf16>
        %parallel_loop3A_1699 = arith.mulf %parallel_loop3A_1694, %parallel_loop3A_1698 : vector<32xbf16>
        %parallel_loop3A_1700 = arith.index_cast %parallel_loop3A_1690 : i32 to index
        %parallel_loop3A_1701 = arith.constant 16 : index
        %parallel_loop3A_1702 = tpu.vector_load %arg9[%parallel_loop3A_1700, %parallel_loop3A_1701] {strides = array<i32>} : memref<128x64xf32, #tpu.memory_space<vmem>>, vector<16xf32>,
        %parallel_loop3A_1703 = vector.bitcast %parallel_loop3A_1702 : vector<16xf32> to vector<32xbf16>
        %parallel_loop3A_1704 = arith.index_cast %parallel_loop3A_1690 : i32 to index
        %parallel_loop3A_1705 = arith.constant 16 : index
        %parallel_loop3A_1706 = tpu.vector_load %arg10[%parallel_loop3A_1704, %parallel_loop3A_1705] {strides = array<i32>} : memref<128x64xf32, #tpu.memory_space<vmem>>, vector<16xf32>,
        %parallel_loop3A_1707 = vector.bitcast %parallel_loop3A_1706 : vector<16xf32> to vector<32xbf16>
        %parallel_loop3A_1708 = arith.mulf %parallel_loop3A_1703, %parallel_loop3A_1707 : vector<32xbf16>
        %parallel_loop3A_1709 = arith.addf %parallel_loop3A_1699, %parallel_loop3A_1708 : vector<32xbf16>
        %parallel_loop3A_1710 = arith.index_cast %parallel_loop3A_1690 : i32 to index
        %parallel_loop3A_1711 = arith.constant 32 : index
        %parallel_loop3A_1712 = tpu.vector_load %arg9[%parallel_loop3A_1710, %parallel_loop3A_1711] {strides = array<i32>} : memref<128x64xf32, #tpu.memory_space<vmem>>, vector<16xf32>,
        %parallel_loop3A_1713 = vector.bitcast %parallel_loop3A_1712 : vector<16xf32> to vector<32xbf16>
        %parallel_loop3A_1714 = arith.index_cast %parallel_loop3A_1690 : i32 to index
        %parallel_loop3A_1715 = arith.constant 32 : index
        %parallel_loop3A_1716 = tpu.vector_load %arg10[%parallel_loop3A_1714, %parallel_loop3A_1715] {strides = array<i32>} : memref<128x64xf32, #tpu.memory_space<vmem>>, vector<16xf32>,
        %parallel_loop3A_1717 = vector.bitcast %parallel_loop3A_1716 : vector<16xf32> to vector<32xbf16>
        %parallel_loop3A_1718 = arith.mulf %parallel_loop3A_1713, %parallel_loop3A_1717 : vector<32xbf16>
        %parallel_loop3A_1719 = arith.addf %parallel_loop3A_1709, %parallel_loop3A_1718 : vector<32xbf16>
        %parallel_loop3A_1720 = arith.index_cast %parallel_loop3A_1690 : i32 to index
        %parallel_loop3A_1721 = arith.constant 48 : index
        %parallel_loop3A_1722 = tpu.vector_load %arg9[%parallel_loop3A_1720, %parallel_loop3A_1721] {strides = array<i32>} : memref<128x64xf32, #tpu.memory_space<vmem>>, vector<16xf32>,
        %parallel_loop3A_1723 = vector.bitcast %parallel_loop3A_1722 : vector<16xf32> to vector<32xbf16>
        %parallel_loop3A_1724 = arith.index_cast %parallel_loop3A_1690 : i32 to index
        %parallel_loop3A_1725 = arith.constant 48 : index
        %parallel_loop3A_1726 = tpu.vector_load %arg10[%parallel_loop3A_1724, %parallel_loop3A_1725] {strides = array<i32>} : memref<128x64xf32, #tpu.memory_space<vmem>>, vector<16xf32>,
        %parallel_loop3A_1727 = vector.bitcast %parallel_loop3A_1726 : vector<16xf32> to vector<32xbf16>
        %parallel_loop3A_1728 = arith.mulf %parallel_loop3A_1723, %parallel_loop3A_1727 : vector<32xbf16>
        %parallel_loop3A_1729 = arith.addf %parallel_loop3A_1719, %parallel_loop3A_1728 : vector<32xbf16>
        %parallel_loop3A_1730 = tpu.unpack_subelements %parallel_loop3A_1729, 0 {pack_format = #tpu.pack_format<interleaved>} : vector<32xbf16> -> vector<16xf32>
        %parallel_loop3A_1731 = tpu.unpack_subelements %parallel_loop3A_1729, 1 {pack_format = #tpu.pack_format<interleaved>} : vector<32xbf16> -> vector<16xf32>
        %parallel_loop3A_1732 = arith.addf %parallel_loop3A_1730, %parallel_loop3A_1731 : vector<16xf32>
        %parallel_loop3A_1733 = arith.constant 238 : i32
        %parallel_loop3A_1734 = arith.addi %parallel_loop3A_1016, %parallel_loop3A_1733 : i32
        %parallel_loop3A_1735 = arith.index_cast %parallel_loop3A_1734 : i32 to index
        %parallel_loop3A_1736 = tpu.vector_load %arg12[%parallel_loop3A_1735] {strides = array<i32>} : memref<2176xf32, #tpu.memory_space<vmem>>, vector<16xf32>,
        tpu.vector_store %arg12[%parallel_loop3A_1735], %parallel_loop3A_1732 {strides = array<i32>} : memref<2176xf32, #tpu.memory_space<vmem>>, vector<16xf32>,
        %parallel_loop3A_1737 = arith.constant 15 : i32
        %parallel_loop3A_1738 = arith.addi %parallel_loop3A_1012, %parallel_loop3A_1737 : i32
        %parallel_loop3A_1739 = arith.index_cast %parallel_loop3A_1738 : i32 to index
        %parallel_loop3A_1740 = arith.constant 0 : index
        %parallel_loop3A_1741 = tpu.vector_load %arg9[%parallel_loop3A_1739, %parallel_loop3A_1740] {strides = array<i32>} : memref<128x64xf32, #tpu.memory_space<vmem>>, vector<16xf32>,
        %parallel_loop3A_1742 = vector.bitcast %parallel_loop3A_1741 : vector<16xf32> to vector<32xbf16>
        %parallel_loop3A_1743 = arith.index_cast %parallel_loop3A_1738 : i32 to index
        %parallel_loop3A_1744 = arith.constant 0 : index
        %parallel_loop3A_1745 = tpu.vector_load %arg10[%parallel_loop3A_1743, %parallel_loop3A_1744] {strides = array<i32>} : memref<128x64xf32, #tpu.memory_space<vmem>>, vector<16xf32>,
        %parallel_loop3A_1746 = vector.bitcast %parallel_loop3A_1745 : vector<16xf32> to vector<32xbf16>
        %parallel_loop3A_1747 = arith.mulf %parallel_loop3A_1742, %parallel_loop3A_1746 : vector<32xbf16>
        %parallel_loop3A_1748 = arith.index_cast %parallel_loop3A_1738 : i32 to index
        %parallel_loop3A_1749 = arith.constant 16 : index
        %parallel_loop3A_1750 = tpu.vector_load %arg9[%parallel_loop3A_1748, %parallel_loop3A_1749] {strides = array<i32>} : memref<128x64xf32, #tpu.memory_space<vmem>>, vector<16xf32>,
        %parallel_loop3A_1751 = vector.bitcast %parallel_loop3A_1750 : vector<16xf32> to vector<32xbf16>
        %parallel_loop3A_1752 = arith.index_cast %parallel_loop3A_1738 : i32 to index
        %parallel_loop3A_1753 = arith.constant 16 : index
        %parallel_loop3A_1754 = tpu.vector_load %arg10[%parallel_loop3A_1752, %parallel_loop3A_1753] {strides = array<i32>} : memref<128x64xf32, #tpu.memory_space<vmem>>, vector<16xf32>,
        %parallel_loop3A_1755 = vector.bitcast %parallel_loop3A_1754 : vector<16xf32> to vector<32xbf16>
        %parallel_loop3A_1756 = arith.mulf %parallel_loop3A_1751, %parallel_loop3A_1755 : vector<32xbf16>
        %parallel_loop3A_1757 = arith.addf %parallel_loop3A_1747, %parallel_loop3A_1756 : vector<32xbf16>
        %parallel_loop3A_1758 = arith.index_cast %parallel_loop3A_1738 : i32 to index
        %parallel_loop3A_1759 = arith.constant 32 : index
        %parallel_loop3A_1760 = tpu.vector_load %arg9[%parallel_loop3A_1758, %parallel_loop3A_1759] {strides = array<i32>} : memref<128x64xf32, #tpu.memory_space<vmem>>, vector<16xf32>,
        %parallel_loop3A_1761 = vector.bitcast %parallel_loop3A_1760 : vector<16xf32> to vector<32xbf16>
        %parallel_loop3A_1762 = arith.index_cast %parallel_loop3A_1738 : i32 to index
        %parallel_loop3A_1763 = arith.constant 32 : index
        %parallel_loop3A_1764 = tpu.vector_load %arg10[%parallel_loop3A_1762, %parallel_loop3A_1763] {strides = array<i32>} : memref<128x64xf32, #tpu.memory_space<vmem>>, vector<16xf32>,
        %parallel_loop3A_1765 = vector.bitcast %parallel_loop3A_1764 : vector<16xf32> to vector<32xbf16>
        %parallel_loop3A_1766 = arith.mulf %parallel_loop3A_1761, %parallel_loop3A_1765 : vector<32xbf16>
        %parallel_loop3A_1767 = arith.addf %parallel_loop3A_1757, %parallel_loop3A_1766 : vector<32xbf16>
        %parallel_loop3A_1768 = arith.index_cast %parallel_loop3A_1738 : i32 to index
        %parallel_loop3A_1769 = arith.constant 48 : index
        %parallel_loop3A_1770 = tpu.vector_load %arg9[%parallel_loop3A_1768, %parallel_loop3A_1769] {strides = array<i32>} : memref<128x64xf32, #tpu.memory_space<vmem>>, vector<16xf32>,
        %parallel_loop3A_1771 = vector.bitcast %parallel_loop3A_1770 : vector<16xf32> to vector<32xbf16>
        %parallel_loop3A_1772 = arith.index_cast %parallel_loop3A_1738 : i32 to index
        %parallel_loop3A_1773 = arith.constant 48 : index
        %parallel_loop3A_1774 = tpu.vector_load %arg10[%parallel_loop3A_1772, %parallel_loop3A_1773] {strides = array<i32>} : memref<128x64xf32, #tpu.memory_space<vmem>>, vector<16xf32>,
        %parallel_loop3A_1775 = vector.bitcast %parallel_loop3A_1774 : vector<16xf32> to vector<32xbf16>
        %parallel_loop3A_1776 = arith.mulf %parallel_loop3A_1771, %parallel_loop3A_1775 : vector<32xbf16>
        %parallel_loop3A_1777 = arith.addf %parallel_loop3A_1767, %parallel_loop3A_1776 : vector<32xbf16>
        %parallel_loop3A_1778 = tpu.unpack_subelements %parallel_loop3A_1777, 0 {pack_format = #tpu.pack_format<interleaved>} : vector<32xbf16> -> vector<16xf32>
        %parallel_loop3A_1779 = tpu.unpack_subelements %parallel_loop3A_1777, 1 {pack_format = #tpu.pack_format<interleaved>} : vector<32xbf16> -> vector<16xf32>
        %parallel_loop3A_1780 = arith.addf %parallel_loop3A_1778, %parallel_loop3A_1779 : vector<16xf32>
        %parallel_loop3A_1781 = arith.constant 255 : i32
        %parallel_loop3A_1782 = arith.addi %parallel_loop3A_1016, %parallel_loop3A_1781 : i32
        %parallel_loop3A_1783 = arith.index_cast %parallel_loop3A_1782 : i32 to index
        %parallel_loop3A_1784 = tpu.vector_load %arg12[%parallel_loop3A_1783] {strides = array<i32>} : memref<2176xf32, #tpu.memory_space<vmem>>, vector<16xf32>,
        tpu.vector_store %arg12[%parallel_loop3A_1783], %parallel_loop3A_1780 {strides = array<i32>} : memref<2176xf32, #tpu.memory_space<vmem>>, vector<16xf32>,
        %parallel_loop3A_1785 = vector.broadcast %parallel_loop3A_1016 : i32 to vector<16xi32>
        %parallel_loop3A_1786 = arith.addi %parallel_loop3A_1785, %mul3A_5 : vector<16xi32>
        %parallel_loop3A_1787 = tpu.vector_load_idx %arg12[%parallel_loop3A_1786] : memref<2176xf32, #tpu.memory_space<vmem>>[vector<16xi32>], vector<16xf32>,
        %parallel_loop3A_1788 = vector.broadcast %parallel_loop3A_1016 : i32 to vector<16xi32>
        %parallel_loop3A_1789 = arith.addi %parallel_loop3A_1788, %mul3A_5 : vector<16xi32>
        %parallel_loop3A_1790 = arith.constant 1 : i32
        %parallel_loop3A_1791 = vector.broadcast %parallel_loop3A_1790 : i32 to vector<16xi32>
        %parallel_loop3A_1792 = arith.addi %parallel_loop3A_1789, %parallel_loop3A_1791 : vector<16xi32>
        %parallel_loop3A_1793 = tpu.vector_load_idx %arg12[%parallel_loop3A_1792] : memref<2176xf32, #tpu.memory_space<vmem>>[vector<16xi32>], vector<16xf32>,
        %parallel_loop3A_1794 = arith.addf %parallel_loop3A_1787, %parallel_loop3A_1793 : vector<16xf32>
        %parallel_loop3A_1795 = vector.broadcast %parallel_loop3A_1016 : i32 to vector<16xi32>
        %parallel_loop3A_1796 = arith.addi %parallel_loop3A_1795, %mul3A_5 : vector<16xi32>
        %parallel_loop3A_1797 = arith.constant 2 : i32
        %parallel_loop3A_1798 = vector.broadcast %parallel_loop3A_1797 : i32 to vector<16xi32>
        %parallel_loop3A_1799 = arith.addi %parallel_loop3A_1796, %parallel_loop3A_1798 : vector<16xi32>
        %parallel_loop3A_1800 = tpu.vector_load_idx %arg12[%parallel_loop3A_1799] : memref<2176xf32, #tpu.memory_space<vmem>>[vector<16xi32>], vector<16xf32>,
        %parallel_loop3A_1801 = arith.addf %parallel_loop3A_1794, %parallel_loop3A_1800 : vector<16xf32>
        %parallel_loop3A_1802 = vector.broadcast %parallel_loop3A_1016 : i32 to vector<16xi32>
        %parallel_loop3A_1803 = arith.addi %parallel_loop3A_1802, %mul3A_5 : vector<16xi32>
        %parallel_loop3A_1804 = arith.constant 3 : i32
        %parallel_loop3A_1805 = vector.broadcast %parallel_loop3A_1804 : i32 to vector<16xi32>
        %parallel_loop3A_1806 = arith.addi %parallel_loop3A_1803, %parallel_loop3A_1805 : vector<16xi32>
        %parallel_loop3A_1807 = tpu.vector_load_idx %arg12[%parallel_loop3A_1806] : memref<2176xf32, #tpu.memory_space<vmem>>[vector<16xi32>], vector<16xf32>,
        %parallel_loop3A_1808 = arith.addf %parallel_loop3A_1801, %parallel_loop3A_1807 : vector<16xf32>
        %parallel_loop3A_1809 = vector.broadcast %parallel_loop3A_1016 : i32 to vector<16xi32>
        %parallel_loop3A_1810 = arith.addi %parallel_loop3A_1809, %mul3A_5 : vector<16xi32>
        %parallel_loop3A_1811 = arith.constant 4 : i32
        %parallel_loop3A_1812 = vector.broadcast %parallel_loop3A_1811 : i32 to vector<16xi32>
        %parallel_loop3A_1813 = arith.addi %parallel_loop3A_1810, %parallel_loop3A_1812 : vector<16xi32>
        %parallel_loop3A_1814 = tpu.vector_load_idx %arg12[%parallel_loop3A_1813] : memref<2176xf32, #tpu.memory_space<vmem>>[vector<16xi32>], vector<16xf32>,
        %parallel_loop3A_1815 = arith.addf %parallel_loop3A_1808, %parallel_loop3A_1814 : vector<16xf32>
        %parallel_loop3A_1816 = vector.broadcast %parallel_loop3A_1016 : i32 to vector<16xi32>
        %parallel_loop3A_1817 = arith.addi %parallel_loop3A_1816, %mul3A_5 : vector<16xi32>
        %parallel_loop3A_1818 = arith.constant 5 : i32
        %parallel_loop3A_1819 = vector.broadcast %parallel_loop3A_1818 : i32 to vector<16xi32>
        %parallel_loop3A_1820 = arith.addi %parallel_loop3A_1817, %parallel_loop3A_1819 : vector<16xi32>
        %parallel_loop3A_1821 = tpu.vector_load_idx %arg12[%parallel_loop3A_1820] : memref<2176xf32, #tpu.memory_space<vmem>>[vector<16xi32>], vector<16xf32>,
        %parallel_loop3A_1822 = arith.addf %parallel_loop3A_1815, %parallel_loop3A_1821 : vector<16xf32>
        %parallel_loop3A_1823 = vector.broadcast %parallel_loop3A_1016 : i32 to vector<16xi32>
        %parallel_loop3A_1824 = arith.addi %parallel_loop3A_1823, %mul3A_5 : vector<16xi32>
        %parallel_loop3A_1825 = arith.constant 6 : i32
        %parallel_loop3A_1826 = vector.broadcast %parallel_loop3A_1825 : i32 to vector<16xi32>
        %parallel_loop3A_1827 = arith.addi %parallel_loop3A_1824, %parallel_loop3A_1826 : vector<16xi32>
        %parallel_loop3A_1828 = tpu.vector_load_idx %arg12[%parallel_loop3A_1827] : memref<2176xf32, #tpu.memory_space<vmem>>[vector<16xi32>], vector<16xf32>,
        %parallel_loop3A_1829 = arith.addf %parallel_loop3A_1822, %parallel_loop3A_1828 : vector<16xf32>
        %parallel_loop3A_1830 = vector.broadcast %parallel_loop3A_1016 : i32 to vector<16xi32>
        %parallel_loop3A_1831 = arith.addi %parallel_loop3A_1830, %mul3A_5 : vector<16xi32>
        %parallel_loop3A_1832 = arith.constant 7 : i32
        %parallel_loop3A_1833 = vector.broadcast %parallel_loop3A_1832 : i32 to vector<16xi32>
        %parallel_loop3A_1834 = arith.addi %parallel_loop3A_1831, %parallel_loop3A_1833 : vector<16xi32>
        %parallel_loop3A_1835 = tpu.vector_load_idx %arg12[%parallel_loop3A_1834] : memref<2176xf32, #tpu.memory_space<vmem>>[vector<16xi32>], vector<16xf32>,
        %parallel_loop3A_1836 = arith.addf %parallel_loop3A_1829, %parallel_loop3A_1835 : vector<16xf32>
        %parallel_loop3A_1837 = vector.broadcast %parallel_loop3A_1016 : i32 to vector<16xi32>
        %parallel_loop3A_1838 = arith.addi %parallel_loop3A_1837, %mul3A_5 : vector<16xi32>
        %parallel_loop3A_1839 = arith.constant 8 : i32
        %parallel_loop3A_1840 = vector.broadcast %parallel_loop3A_1839 : i32 to vector<16xi32>
        %parallel_loop3A_1841 = arith.addi %parallel_loop3A_1838, %parallel_loop3A_1840 : vector<16xi32>
        %parallel_loop3A_1842 = tpu.vector_load_idx %arg12[%parallel_loop3A_1841] : memref<2176xf32, #tpu.memory_space<vmem>>[vector<16xi32>], vector<16xf32>,
        %parallel_loop3A_1843 = arith.addf %parallel_loop3A_1836, %parallel_loop3A_1842 : vector<16xf32>
        %parallel_loop3A_1844 = vector.broadcast %parallel_loop3A_1016 : i32 to vector<16xi32>
        %parallel_loop3A_1845 = arith.addi %parallel_loop3A_1844, %mul3A_5 : vector<16xi32>
        %parallel_loop3A_1846 = arith.constant 9 : i32
        %parallel_loop3A_1847 = vector.broadcast %parallel_loop3A_1846 : i32 to vector<16xi32>
        %parallel_loop3A_1848 = arith.addi %parallel_loop3A_1845, %parallel_loop3A_1847 : vector<16xi32>
        %parallel_loop3A_1849 = tpu.vector_load_idx %arg12[%parallel_loop3A_1848] : memref<2176xf32, #tpu.memory_space<vmem>>[vector<16xi32>], vector<16xf32>,
        %parallel_loop3A_1850 = arith.addf %parallel_loop3A_1843, %parallel_loop3A_1849 : vector<16xf32>
        %parallel_loop3A_1851 = vector.broadcast %parallel_loop3A_1016 : i32 to vector<16xi32>
        %parallel_loop3A_1852 = arith.addi %parallel_loop3A_1851, %mul3A_5 : vector<16xi32>
        %parallel_loop3A_1853 = arith.constant 10 : i32
        %parallel_loop3A_1854 = vector.broadcast %parallel_loop3A_1853 : i32 to vector<16xi32>
        %parallel_loop3A_1855 = arith.addi %parallel_loop3A_1852, %parallel_loop3A_1854 : vector<16xi32>
        %parallel_loop3A_1856 = tpu.vector_load_idx %arg12[%parallel_loop3A_1855] : memref<2176xf32, #tpu.memory_space<vmem>>[vector<16xi32>], vector<16xf32>,
        %parallel_loop3A_1857 = arith.addf %parallel_loop3A_1850, %parallel_loop3A_1856 : vector<16xf32>
        %parallel_loop3A_1858 = vector.broadcast %parallel_loop3A_1016 : i32 to vector<16xi32>
        %parallel_loop3A_1859 = arith.addi %parallel_loop3A_1858, %mul3A_5 : vector<16xi32>
        %parallel_loop3A_1860 = arith.constant 11 : i32
        %parallel_loop3A_1861 = vector.broadcast %parallel_loop3A_1860 : i32 to vector<16xi32>
        %parallel_loop3A_1862 = arith.addi %parallel_loop3A_1859, %parallel_loop3A_1861 : vector<16xi32>
        %parallel_loop3A_1863 = tpu.vector_load_idx %arg12[%parallel_loop3A_1862] : memref<2176xf32, #tpu.memory_space<vmem>>[vector<16xi32>], vector<16xf32>,
        %parallel_loop3A_1864 = arith.addf %parallel_loop3A_1857, %parallel_loop3A_1863 : vector<16xf32>
        %parallel_loop3A_1865 = vector.broadcast %parallel_loop3A_1016 : i32 to vector<16xi32>
        %parallel_loop3A_1866 = arith.addi %parallel_loop3A_1865, %mul3A_5 : vector<16xi32>
        %parallel_loop3A_1867 = arith.constant 12 : i32
        %parallel_loop3A_1868 = vector.broadcast %parallel_loop3A_1867 : i32 to vector<16xi32>
        %parallel_loop3A_1869 = arith.addi %parallel_loop3A_1866, %parallel_loop3A_1868 : vector<16xi32>
        %parallel_loop3A_1870 = tpu.vector_load_idx %arg12[%parallel_loop3A_1869] : memref<2176xf32, #tpu.memory_space<vmem>>[vector<16xi32>], vector<16xf32>,
        %parallel_loop3A_1871 = arith.addf %parallel_loop3A_1864, %parallel_loop3A_1870 : vector<16xf32>
        %parallel_loop3A_1872 = vector.broadcast %parallel_loop3A_1016 : i32 to vector<16xi32>
        %parallel_loop3A_1873 = arith.addi %parallel_loop3A_1872, %mul3A_5 : vector<16xi32>
        %parallel_loop3A_1874 = arith.constant 13 : i32
        %parallel_loop3A_1875 = vector.broadcast %parallel_loop3A_1874 : i32 to vector<16xi32>
        %parallel_loop3A_1876 = arith.addi %parallel_loop3A_1873, %parallel_loop3A_1875 : vector<16xi32>
        %parallel_loop3A_1877 = tpu.vector_load_idx %arg12[%parallel_loop3A_1876] : memref<2176xf32, #tpu.memory_space<vmem>>[vector<16xi32>], vector<16xf32>,
        %parallel_loop3A_1878 = arith.addf %parallel_loop3A_1871, %parallel_loop3A_1877 : vector<16xf32>
        %parallel_loop3A_1879 = vector.broadcast %parallel_loop3A_1016 : i32 to vector<16xi32>
        %parallel_loop3A_1880 = arith.addi %parallel_loop3A_1879, %mul3A_5 : vector<16xi32>
        %parallel_loop3A_1881 = arith.constant 14 : i32
        %parallel_loop3A_1882 = vector.broadcast %parallel_loop3A_1881 : i32 to vector<16xi32>
        %parallel_loop3A_1883 = arith.addi %parallel_loop3A_1880, %parallel_loop3A_1882 : vector<16xi32>
        %parallel_loop3A_1884 = tpu.vector_load_idx %arg12[%parallel_loop3A_1883] : memref<2176xf32, #tpu.memory_space<vmem>>[vector<16xi32>], vector<16xf32>,
        %parallel_loop3A_1885 = arith.addf %parallel_loop3A_1878, %parallel_loop3A_1884 : vector<16xf32>
        %parallel_loop3A_1886 = vector.broadcast %parallel_loop3A_1016 : i32 to vector<16xi32>
        %parallel_loop3A_1887 = arith.addi %parallel_loop3A_1886, %mul3A_5 : vector<16xi32>
        %parallel_loop3A_1888 = arith.constant 15 : i32
        %parallel_loop3A_1889 = vector.broadcast %parallel_loop3A_1888 : i32 to vector<16xi32>
        %parallel_loop3A_1890 = arith.addi %parallel_loop3A_1887, %parallel_loop3A_1889 : vector<16xi32>
        %parallel_loop3A_1891 = tpu.vector_load_idx %arg12[%parallel_loop3A_1890] : memref<2176xf32, #tpu.memory_space<vmem>>[vector<16xi32>], vector<16xf32>,
        %parallel_loop3A_1892 = arith.addf %parallel_loop3A_1885, %parallel_loop3A_1891 : vector<16xf32>
        %parallel_loop3A_1893 = arith.addi %mul3A_1006, %parallel_loop3A_1012 : i32
        %parallel_loop3A_1894 = arith.index_cast %parallel_loop3A_1893 : i32 to index
        %parallel_loop3A_1895 = tpu.vector_load %arg11[%parallel_loop3A_1894] {strides = array<i32>} : memref<10000xf32, #tpu.memory_space<vmem>>, vector<16xf32>,
        tpu.vector_store %arg11[%parallel_loop3A_1894], %parallel_loop3A_1892 {strides = array<i32>} : memref<10000xf32, #tpu.memory_space<vmem>>, vector<16xf32>,
      } {sc.loop_unroll_factor = 2 : i64, sc.parallel_access}
    }
    %scan3A_21 = arith.constant 39 : i32
    %dma_start3A_22 = arith.constant 0 : i32
    %dma_start3A_23 = arith.constant 0 : i32
    %dma_start3A_24 = tpu.memref_slice %arg7[%dma_start3A_22, %dma_start3A_23] : memref<128x64xf32, #tpu.memory_space<vmem>> -> memref<16x64xf32, #tpu.memory_space<vmem>>
    %dma_start3A_25 = arith.constant 9984 : i32
    %dma_start3A_26 = tpu.memref_slice %arg5[%dma_start3A_25] : memref<10000xi32, #tpu.memory_space<vmem>> -> memref<16xi32, #tpu.memory_space<vmem>>
    %dma_start3A_27 = arith.constant 0 : i32
    %dma_start3A_28 = arith.constant 0 : i32
    %dma_start3A_29 = tpu.memref_slice %arg2[%dma_start3A_27, %dma_start3A_28] : memref<10000x64xf32, #tpu.memory_space<hbm>> -> memref<10000x64xf32, #tpu.memory_space<hbm>>
    tpu.enqueue_indirect_dma source(%dma_start3A_29 : memref<10000x64xf32, #tpu.memory_space<hbm>>) target(%dma_start3A_24 : memref<16x64xf32, #tpu.memory_space<vmem>>) offsets(%dma_start3A_26 : memref<16xi32, #tpu.memory_space<vmem>>) semaphore(%arg13 : memref<!tpu.dma_semaphore, #tpu.memory_space<semaphore_mem>>)
    %dma_start3A_30 = arith.constant 0 : i32
    %dma_start3A_31 = arith.constant 0 : i32
    %dma_start3A_32 = tpu.memref_slice %arg8[%dma_start3A_30, %dma_start3A_31] : memref<128x64xf32, #tpu.memory_space<vmem>> -> memref<16x64xf32, #tpu.memory_space<vmem>>
    %dma_start3A_33 = arith.constant 9984 : i32
    %dma_start3A_34 = tpu.memref_slice %arg6[%dma_start3A_33] : memref<10000xi32, #tpu.memory_space<vmem>> -> memref<16xi32, #tpu.memory_space<vmem>>
    %dma_start3A_35 = arith.constant 0 : i32
    %dma_start3A_36 = arith.constant 0 : i32
    %dma_start3A_37 = tpu.memref_slice %arg2[%dma_start3A_35, %dma_start3A_36] : memref<10000x64xf32, #tpu.memory_space<hbm>> -> memref<10000x64xf32, #tpu.memory_space<hbm>>
    tpu.enqueue_indirect_dma source(%dma_start3A_37 : memref<10000x64xf32, #tpu.memory_space<hbm>>) target(%dma_start3A_32 : memref<16x64xf32, #tpu.memory_space<vmem>>) offsets(%dma_start3A_34 : memref<16xi32, #tpu.memory_space<vmem>>) semaphore(%arg13 : memref<!tpu.dma_semaphore, #tpu.memory_space<semaphore_mem>>)
    %dma_wait3A = arith.constant 0 : i32
    %dma_wait3A_38 = arith.constant 0 : i32
    %dma_wait3A_39 = tpu.memref_slice %arg7[%dma_wait3A, %dma_wait3A_38] : memref<128x64xf32, #tpu.memory_space<vmem>> -> memref<16x64xf32, #tpu.memory_space<vmem>>
    %dma_wait3A_40 = arith.constant 9984 : i32
    %dma_wait3A_41 = tpu.memref_slice %arg5[%dma_wait3A_40] : memref<10000xi32, #tpu.memory_space<vmem>> -> memref<16xi32, #tpu.memory_space<vmem>>
    %dma_wait3A_42 = arith.constant 0 : i32
    %dma_wait3A_43 = arith.constant 0 : i32
    %dma_wait3A_44 = tpu.memref_slice %arg2[%dma_wait3A_42, %dma_wait3A_43] : memref<10000x64xf32, #tpu.memory_space<hbm>> -> memref<10000x64xf32, #tpu.memory_space<hbm>>
    tpu.wait_indirect_dma semaphore(%arg13 : memref<!tpu.dma_semaphore, #tpu.memory_space<semaphore_mem>>) src(%dma_wait3A_44 : memref<10000x64xf32, #tpu.memory_space<hbm>>) dst(%dma_wait3A_39 : memref<16x64xf32, #tpu.memory_space<vmem>>)
    %dma_wait3A_45 = arith.constant 0 : i32
    %dma_wait3A_46 = arith.constant 0 : i32
    %dma_wait3A_47 = tpu.memref_slice %arg8[%dma_wait3A_45, %dma_wait3A_46] : memref<128x64xf32, #tpu.memory_space<vmem>> -> memref<16x64xf32, #tpu.memory_space<vmem>>
    %dma_wait3A_48 = arith.constant 9984 : i32
    %dma_wait3A_49 = tpu.memref_slice %arg6[%dma_wait3A_48] : memref<10000xi32, #tpu.memory_space<vmem>> -> memref<16xi32, #tpu.memory_space<vmem>>
    %dma_wait3A_50 = arith.constant 0 : i32
    %dma_wait3A_51 = arith.constant 0 : i32
    %dma_wait3A_52 = tpu.memref_slice %arg2[%dma_wait3A_50, %dma_wait3A_51] : memref<10000x64xf32, #tpu.memory_space<hbm>> -> memref<10000x64xf32, #tpu.memory_space<hbm>>
    tpu.wait_indirect_dma semaphore(%arg13 : memref<!tpu.dma_semaphore, #tpu.memory_space<semaphore_mem>>) src(%dma_wait3A_52 : memref<10000x64xf32, #tpu.memory_space<hbm>>) dst(%dma_wait3A_47 : memref<16x64xf32, #tpu.memory_space<vmem>>)
    %get3A = arith.constant 0 : i32
    %get3A_53 = arith.index_cast %get3A : i32 to index
    %get3A_54 = arith.constant 0 : index
    %get3A_55 = tpu.vector_load %arg7[%get3A_53, %get3A_54] {strides = array<i32>} : memref<128x64xf32, #tpu.memory_space<vmem>>, vector<16xf32>,
    %bitcast3A = vector.bitcast %get3A_55 : vector<16xf32> to vector<32xbf16>
    %get3A_56 = arith.constant 0 : i32
    %get3A_57 = arith.index_cast %get3A_56 : i32 to index
    %get3A_58 = arith.constant 0 : index
    %get3A_59 = tpu.vector_load %arg8[%get3A_57, %get3A_58] {strides = array<i32>} : memref<128x64xf32, #tpu.memory_space<vmem>>, vector<16xf32>,
    %bitcast3A_60 = vector.bitcast %get3A_59 : vector<16xf32> to vector<32xbf16>
    %mul3A_61 = arith.mulf %bitcast3A, %bitcast3A_60 : vector<32xbf16>
    %get3A_62 = arith.constant 0 : i32
    %get3A_63 = arith.index_cast %get3A_62 : i32 to index
    %get3A_64 = arith.constant 16 : index
    %get3A_65 = tpu.vector_load %arg7[%get3A_63, %get3A_64] {strides = array<i32>} : memref<128x64xf32, #tpu.memory_space<vmem>>, vector<16xf32>,
    %bitcast3A_66 = vector.bitcast %get3A_65 : vector<16xf32> to vector<32xbf16>
    %get3A_67 = arith.constant 0 : i32
    %get3A_68 = arith.index_cast %get3A_67 : i32 to index
    %get3A_69 = arith.constant 16 : index
    %get3A_70 = tpu.vector_load %arg8[%get3A_68, %get3A_69] {strides = array<i32>} : memref<128x64xf32, #tpu.memory_space<vmem>>, vector<16xf32>,
    %bitcast3A_71 = vector.bitcast %get3A_70 : vector<16xf32> to vector<32xbf16>
    %mul3A_72 = arith.mulf %bitcast3A_66, %bitcast3A_71 : vector<32xbf16>
    %add3A_73 = arith.addf %mul3A_61, %mul3A_72 : vector<32xbf16>
    %get3A_74 = arith.constant 0 : i32
    %get3A_75 = arith.index_cast %get3A_74 : i32 to index
    %get3A_76 = arith.constant 32 : index
    %get3A_77 = tpu.vector_load %arg7[%get3A_75, %get3A_76] {strides = array<i32>} : memref<128x64xf32, #tpu.memory_space<vmem>>, vector<16xf32>,
    %bitcast3A_78 = vector.bitcast %get3A_77 : vector<16xf32> to vector<32xbf16>
    %get3A_79 = arith.constant 0 : i32
    %get3A_80 = arith.index_cast %get3A_79 : i32 to index
    %get3A_81 = arith.constant 32 : index
    %get3A_82 = tpu.vector_load %arg8[%get3A_80, %get3A_81] {strides = array<i32>} : memref<128x64xf32, #tpu.memory_space<vmem>>, vector<16xf32>,
    %bitcast3A_83 = vector.bitcast %get3A_82 : vector<16xf32> to vector<32xbf16>
    %mul3A_84 = arith.mulf %bitcast3A_78, %bitcast3A_83 : vector<32xbf16>
    %add3A_85 = arith.addf %add3A_73, %mul3A_84 : vector<32xbf16>
    %get3A_86 = arith.constant 0 : i32
    %get3A_87 = arith.index_cast %get3A_86 : i32 to index
    %get3A_88 = arith.constant 48 : index
    %get3A_89 = tpu.vector_load %arg7[%get3A_87, %get3A_88] {strides = array<i32>} : memref<128x64xf32, #tpu.memory_space<vmem>>, vector<16xf32>,
    %bitcast3A_90 = vector.bitcast %get3A_89 : vector<16xf32> to vector<32xbf16>
    %get3A_91 = arith.constant 0 : i32
    %get3A_92 = arith.index_cast %get3A_91 : i32 to index
    %get3A_93 = arith.constant 48 : index
    %get3A_94 = tpu.vector_load %arg8[%get3A_92, %get3A_93] {strides = array<i32>} : memref<128x64xf32, #tpu.memory_space<vmem>>, vector<16xf32>,
    %bitcast3A_95 = vector.bitcast %get3A_94 : vector<16xf32> to vector<32xbf16>
    %mul3A_96 = arith.mulf %bitcast3A_90, %bitcast3A_95 : vector<32xbf16>
    %add3A_97 = arith.addf %add3A_85, %mul3A_96 : vector<32xbf16>
    %unpack3A = tpu.unpack_subelements %add3A_97, 0 {pack_format = #tpu.pack_format<interleaved>} : vector<32xbf16> -> vector<16xf32>
    %unpack3A_98 = tpu.unpack_subelements %add3A_97, 1 {pack_format = #tpu.pack_format<interleaved>} : vector<32xbf16> -> vector<16xf32>
    %add3A_99 = arith.addf %unpack3A, %unpack3A_98 : vector<16xf32>
    %swap3A = arith.constant 0 : index
    %swap3A_100 = tpu.vector_load %arg12[%swap3A] {strides = array<i32>} : memref<2176xf32, #tpu.memory_space<vmem>>, vector<16xf32>,
    tpu.vector_store %arg12[%swap3A], %add3A_99 {strides = array<i32>} : memref<2176xf32, #tpu.memory_space<vmem>>, vector<16xf32>,
    %get3A_101 = arith.constant 1 : i32
    %get3A_102 = arith.index_cast %get3A_101 : i32 to index
    %get3A_103 = arith.constant 0 : index
    %get3A_104 = tpu.vector_load %arg7[%get3A_102, %get3A_103] {strides = array<i32>} : memref<128x64xf32, #tpu.memory_space<vmem>>, vector<16xf32>,
    %bitcast3A_105 = vector.bitcast %get3A_104 : vector<16xf32> to vector<32xbf16>
    %get3A_106 = arith.constant 1 : i32
    %get3A_107 = arith.index_cast %get3A_106 : i32 to index
    %get3A_108 = arith.constant 0 : index
    %get3A_109 = tpu.vector_load %arg8[%get3A_107, %get3A_108] {strides = array<i32>} : memref<128x64xf32, #tpu.memory_space<vmem>>, vector<16xf32>,
    %bitcast3A_110 = vector.bitcast %get3A_109 : vector<16xf32> to vector<32xbf16>
    %mul3A_111 = arith.mulf %bitcast3A_105, %bitcast3A_110 : vector<32xbf16>
    %get3A_112 = arith.constant 1 : i32
    %get3A_113 = arith.index_cast %get3A_112 : i32 to index
    %get3A_114 = arith.constant 16 : index
    %get3A_115 = tpu.vector_load %arg7[%get3A_113, %get3A_114] {strides = array<i32>} : memref<128x64xf32, #tpu.memory_space<vmem>>, vector<16xf32>,
    %bitcast3A_116 = vector.bitcast %get3A_115 : vector<16xf32> to vector<32xbf16>
    %get3A_117 = arith.constant 1 : i32
    %get3A_118 = arith.index_cast %get3A_117 : i32 to index
    %get3A_119 = arith.constant 16 : index
    %get3A_120 = tpu.vector_load %arg8[%get3A_118, %get3A_119] {strides = array<i32>} : memref<128x64xf32, #tpu.memory_space<vmem>>, vector<16xf32>,
    %bitcast3A_121 = vector.bitcast %get3A_120 : vector<16xf32> to vector<32xbf16>
    %mul3A_122 = arith.mulf %bitcast3A_116, %bitcast3A_121 : vector<32xbf16>
    %add3A_123 = arith.addf %mul3A_111, %mul3A_122 : vector<32xbf16>
    %get3A_124 = arith.constant 1 : i32
    %get3A_125 = arith.index_cast %get3A_124 : i32 to index
    %get3A_126 = arith.constant 32 : index
    %get3A_127 = tpu.vector_load %arg7[%get3A_125, %get3A_126] {strides = array<i32>} : memref<128x64xf32, #tpu.memory_space<vmem>>, vector<16xf32>,
    %bitcast3A_128 = vector.bitcast %get3A_127 : vector<16xf32> to vector<32xbf16>
    %get3A_129 = arith.constant 1 : i32
    %get3A_130 = arith.index_cast %get3A_129 : i32 to index
    %get3A_131 = arith.constant 32 : index
    %get3A_132 = tpu.vector_load %arg8[%get3A_130, %get3A_131] {strides = array<i32>} : memref<128x64xf32, #tpu.memory_space<vmem>>, vector<16xf32>,
    %bitcast3A_133 = vector.bitcast %get3A_132 : vector<16xf32> to vector<32xbf16>
    %mul3A_134 = arith.mulf %bitcast3A_128, %bitcast3A_133 : vector<32xbf16>
    %add3A_135 = arith.addf %add3A_123, %mul3A_134 : vector<32xbf16>
    %get3A_136 = arith.constant 1 : i32
    %get3A_137 = arith.index_cast %get3A_136 : i32 to index
    %get3A_138 = arith.constant 48 : index
    %get3A_139 = tpu.vector_load %arg7[%get3A_137, %get3A_138] {strides = array<i32>} : memref<128x64xf32, #tpu.memory_space<vmem>>, vector<16xf32>,
    %bitcast3A_140 = vector.bitcast %get3A_139 : vector<16xf32> to vector<32xbf16>
    %get3A_141 = arith.constant 1 : i32
    %get3A_142 = arith.index_cast %get3A_141 : i32 to index
    %get3A_143 = arith.constant 48 : index
    %get3A_144 = tpu.vector_load %arg8[%get3A_142, %get3A_143] {strides = array<i32>} : memref<128x64xf32, #tpu.memory_space<vmem>>, vector<16xf32>,
    %bitcast3A_145 = vector.bitcast %get3A_144 : vector<16xf32> to vector<32xbf16>
    %mul3A_146 = arith.mulf %bitcast3A_140, %bitcast3A_145 : vector<32xbf16>
    %add3A_147 = arith.addf %add3A_135, %mul3A_146 : vector<32xbf16>
    %unpack3A_148 = tpu.unpack_subelements %add3A_147, 0 {pack_format = #tpu.pack_format<interleaved>} : vector<32xbf16> -> vector<16xf32>
    %unpack3A_149 = tpu.unpack_subelements %add3A_147, 1 {pack_format = #tpu.pack_format<interleaved>} : vector<32xbf16> -> vector<16xf32>
    %add3A_150 = arith.addf %unpack3A_148, %unpack3A_149 : vector<16xf32>
    %swap3A_151 = arith.constant 17 : index
    %swap3A_152 = tpu.vector_load %arg12[%swap3A_151] {strides = array<i32>} : memref<2176xf32, #tpu.memory_space<vmem>>, vector<16xf32>,
    tpu.vector_store %arg12[%swap3A_151], %add3A_150 {strides = array<i32>} : memref<2176xf32, #tpu.memory_space<vmem>>, vector<16xf32>,
    %get3A_153 = arith.constant 2 : i32
    %get3A_154 = arith.index_cast %get3A_153 : i32 to index
    %get3A_155 = arith.constant 0 : index
    %get3A_156 = tpu.vector_load %arg7[%get3A_154, %get3A_155] {strides = array<i32>} : memref<128x64xf32, #tpu.memory_space<vmem>>, vector<16xf32>,
    %bitcast3A_157 = vector.bitcast %get3A_156 : vector<16xf32> to vector<32xbf16>
    %get3A_158 = arith.constant 2 : i32
    %get3A_159 = arith.index_cast %get3A_158 : i32 to index
    %get3A_160 = arith.constant 0 : index
    %get3A_161 = tpu.vector_load %arg8[%get3A_159, %get3A_160] {strides = array<i32>} : memref<128x64xf32, #tpu.memory_space<vmem>>, vector<16xf32>,
    %bitcast3A_162 = vector.bitcast %get3A_161 : vector<16xf32> to vector<32xbf16>
    %mul3A_163 = arith.mulf %bitcast3A_157, %bitcast3A_162 : vector<32xbf16>
    %get3A_164 = arith.constant 2 : i32
    %get3A_165 = arith.index_cast %get3A_164 : i32 to index
    %get3A_166 = arith.constant 16 : index
    %get3A_167 = tpu.vector_load %arg7[%get3A_165, %get3A_166] {strides = array<i32>} : memref<128x64xf32, #tpu.memory_space<vmem>>, vector<16xf32>,
    %bitcast3A_168 = vector.bitcast %get3A_167 : vector<16xf32> to vector<32xbf16>
    %get3A_169 = arith.constant 2 : i32
    %get3A_170 = arith.index_cast %get3A_169 : i32 to index
    %get3A_171 = arith.constant 16 : index
    %get3A_172 = tpu.vector_load %arg8[%get3A_170, %get3A_171] {strides = array<i32>} : memref<128x64xf32, #tpu.memory_space<vmem>>, vector<16xf32>,
    %bitcast3A_173 = vector.bitcast %get3A_172 : vector<16xf32> to vector<32xbf16>
    %mul3A_174 = arith.mulf %bitcast3A_168, %bitcast3A_173 : vector<32xbf16>
    %add3A_175 = arith.addf %mul3A_163, %mul3A_174 : vector<32xbf16>
    %get3A_176 = arith.constant 2 : i32
    %get3A_177 = arith.index_cast %get3A_176 : i32 to index
    %get3A_178 = arith.constant 32 : index
    %get3A_179 = tpu.vector_load %arg7[%get3A_177, %get3A_178] {strides = array<i32>} : memref<128x64xf32, #tpu.memory_space<vmem>>, vector<16xf32>,
    %bitcast3A_180 = vector.bitcast %get3A_179 : vector<16xf32> to vector<32xbf16>
    %get3A_181 = arith.constant 2 : i32
    %get3A_182 = arith.index_cast %get3A_181 : i32 to index
    %get3A_183 = arith.constant 32 : index
    %get3A_184 = tpu.vector_load %arg8[%get3A_182, %get3A_183] {strides = array<i32>} : memref<128x64xf32, #tpu.memory_space<vmem>>, vector<16xf32>,
    %bitcast3A_185 = vector.bitcast %get3A_184 : vector<16xf32> to vector<32xbf16>
    %mul3A_186 = arith.mulf %bitcast3A_180, %bitcast3A_185 : vector<32xbf16>
    %add3A_187 = arith.addf %add3A_175, %mul3A_186 : vector<32xbf16>
    %get3A_188 = arith.constant 2 : i32
    %get3A_189 = arith.index_cast %get3A_188 : i32 to index
    %get3A_190 = arith.constant 48 : index
    %get3A_191 = tpu.vector_load %arg7[%get3A_189, %get3A_190] {strides = array<i32>} : memref<128x64xf32, #tpu.memory_space<vmem>>, vector<16xf32>,
    %bitcast3A_192 = vector.bitcast %get3A_191 : vector<16xf32> to vector<32xbf16>
    %get3A_193 = arith.constant 2 : i32
    %get3A_194 = arith.index_cast %get3A_193 : i32 to index
    %get3A_195 = arith.constant 48 : index
    %get3A_196 = tpu.vector_load %arg8[%get3A_194, %get3A_195] {strides = array<i32>} : memref<128x64xf32, #tpu.memory_space<vmem>>, vector<16xf32>,
    %bitcast3A_197 = vector.bitcast %get3A_196 : vector<16xf32> to vector<32xbf16>
    %mul3A_198 = arith.mulf %bitcast3A_192, %bitcast3A_197 : vector<32xbf16>
    %add3A_199 = arith.addf %add3A_187, %mul3A_198 : vector<32xbf16>
    %unpack3A_200 = tpu.unpack_subelements %add3A_199, 0 {pack_format = #tpu.pack_format<interleaved>} : vector<32xbf16> -> vector<16xf32>
    %unpack3A_201 = tpu.unpack_subelements %add3A_199, 1 {pack_format = #tpu.pack_format<interleaved>} : vector<32xbf16> -> vector<16xf32>
    %add3A_202 = arith.addf %unpack3A_200, %unpack3A_201 : vector<16xf32>
    %swap3A_203 = arith.constant 34 : index
    %swap3A_204 = tpu.vector_load %arg12[%swap3A_203] {strides = array<i32>} : memref<2176xf32, #tpu.memory_space<vmem>>, vector<16xf32>,
    tpu.vector_store %arg12[%swap3A_203], %add3A_202 {strides = array<i32>} : memref<2176xf32, #tpu.memory_space<vmem>>, vector<16xf32>,
    %get3A_205 = arith.constant 3 : i32
    %get3A_206 = arith.index_cast %get3A_205 : i32 to index
    %get3A_207 = arith.constant 0 : index
    %get3A_208 = tpu.vector_load %arg7[%get3A_206, %get3A_207] {strides = array<i32>} : memref<128x64xf32, #tpu.memory_space<vmem>>, vector<16xf32>,
    %bitcast3A_209 = vector.bitcast %get3A_208 : vector<16xf32> to vector<32xbf16>
    %get3A_210 = arith.constant 3 : i32
    %get3A_211 = arith.index_cast %get3A_210 : i32 to index
    %get3A_212 = arith.constant 0 : index
    %get3A_213 = tpu.vector_load %arg8[%get3A_211, %get3A_212] {strides = array<i32>} : memref<128x64xf32, #tpu.memory_space<vmem>>, vector<16xf32>,
    %bitcast3A_214 = vector.bitcast %get3A_213 : vector<16xf32> to vector<32xbf16>
    %mul3A_215 = arith.mulf %bitcast3A_209, %bitcast3A_214 : vector<32xbf16>
    %get3A_216 = arith.constant 3 : i32
    %get3A_217 = arith.index_cast %get3A_216 : i32 to index
    %get3A_218 = arith.constant 16 : index
    %get3A_219 = tpu.vector_load %arg7[%get3A_217, %get3A_218] {strides = array<i32>} : memref<128x64xf32, #tpu.memory_space<vmem>>, vector<16xf32>,
    %bitcast3A_220 = vector.bitcast %get3A_219 : vector<16xf32> to vector<32xbf16>
    %get3A_221 = arith.constant 3 : i32
    %get3A_222 = arith.index_cast %get3A_221 : i32 to index
    %get3A_223 = arith.constant 16 : index
    %get3A_224 = tpu.vector_load %arg8[%get3A_222, %get3A_223] {strides = array<i32>} : memref<128x64xf32, #tpu.memory_space<vmem>>, vector<16xf32>,
    %bitcast3A_225 = vector.bitcast %get3A_224 : vector<16xf32> to vector<32xbf16>
    %mul3A_226 = arith.mulf %bitcast3A_220, %bitcast3A_225 : vector<32xbf16>
    %add3A_227 = arith.addf %mul3A_215, %mul3A_226 : vector<32xbf16>
    %get3A_228 = arith.constant 3 : i32
    %get3A_229 = arith.index_cast %get3A_228 : i32 to index
    %get3A_230 = arith.constant 32 : index
    %get3A_231 = tpu.vector_load %arg7[%get3A_229, %get3A_230] {strides = array<i32>} : memref<128x64xf32, #tpu.memory_space<vmem>>, vector<16xf32>,
    %bitcast3A_232 = vector.bitcast %get3A_231 : vector<16xf32> to vector<32xbf16>
    %get3A_233 = arith.constant 3 : i32
    %get3A_234 = arith.index_cast %get3A_233 : i32 to index
    %get3A_235 = arith.constant 32 : index
    %get3A_236 = tpu.vector_load %arg8[%get3A_234, %get3A_235] {strides = array<i32>} : memref<128x64xf32, #tpu.memory_space<vmem>>, vector<16xf32>,
    %bitcast3A_237 = vector.bitcast %get3A_236 : vector<16xf32> to vector<32xbf16>
    %mul3A_238 = arith.mulf %bitcast3A_232, %bitcast3A_237 : vector<32xbf16>
    %add3A_239 = arith.addf %add3A_227, %mul3A_238 : vector<32xbf16>
    %get3A_240 = arith.constant 3 : i32
    %get3A_241 = arith.index_cast %get3A_240 : i32 to index
    %get3A_242 = arith.constant 48 : index
    %get3A_243 = tpu.vector_load %arg7[%get3A_241, %get3A_242] {strides = array<i32>} : memref<128x64xf32, #tpu.memory_space<vmem>>, vector<16xf32>,
    %bitcast3A_244 = vector.bitcast %get3A_243 : vector<16xf32> to vector<32xbf16>
    %get3A_245 = arith.constant 3 : i32
    %get3A_246 = arith.index_cast %get3A_245 : i32 to index
    %get3A_247 = arith.constant 48 : index
    %get3A_248 = tpu.vector_load %arg8[%get3A_246, %get3A_247] {strides = array<i32>} : memref<128x64xf32, #tpu.memory_space<vmem>>, vector<16xf32>,
    %bitcast3A_249 = vector.bitcast %get3A_248 : vector<16xf32> to vector<32xbf16>
    %mul3A_250 = arith.mulf %bitcast3A_244, %bitcast3A_249 : vector<32xbf16>
    %add3A_251 = arith.addf %add3A_239, %mul3A_250 : vector<32xbf16>
    %unpack3A_252 = tpu.unpack_subelements %add3A_251, 0 {pack_format = #tpu.pack_format<interleaved>} : vector<32xbf16> -> vector<16xf32>
    %unpack3A_253 = tpu.unpack_subelements %add3A_251, 1 {pack_format = #tpu.pack_format<interleaved>} : vector<32xbf16> -> vector<16xf32>
    %add3A_254 = arith.addf %unpack3A_252, %unpack3A_253 : vector<16xf32>
    %swap3A_255 = arith.constant 51 : index
    %swap3A_256 = tpu.vector_load %arg12[%swap3A_255] {strides = array<i32>} : memref<2176xf32, #tpu.memory_space<vmem>>, vector<16xf32>,
    tpu.vector_store %arg12[%swap3A_255], %add3A_254 {strides = array<i32>} : memref<2176xf32, #tpu.memory_space<vmem>>, vector<16xf32>,
    %get3A_257 = arith.constant 4 : i32
    %get3A_258 = arith.index_cast %get3A_257 : i32 to index
    %get3A_259 = arith.constant 0 : index
    %get3A_260 = tpu.vector_load %arg7[%get3A_258, %get3A_259] {strides = array<i32>} : memref<128x64xf32, #tpu.memory_space<vmem>>, vector<16xf32>,
    %bitcast3A_261 = vector.bitcast %get3A_260 : vector<16xf32> to vector<32xbf16>
    %get3A_262 = arith.constant 4 : i32
    %get3A_263 = arith.index_cast %get3A_262 : i32 to index
    %get3A_264 = arith.constant 0 : index
    %get3A_265 = tpu.vector_load %arg8[%get3A_263, %get3A_264] {strides = array<i32>} : memref<128x64xf32, #tpu.memory_space<vmem>>, vector<16xf32>,
    %bitcast3A_266 = vector.bitcast %get3A_265 : vector<16xf32> to vector<32xbf16>
    %mul3A_267 = arith.mulf %bitcast3A_261, %bitcast3A_266 : vector<32xbf16>
    %get3A_268 = arith.constant 4 : i32
    %get3A_269 = arith.index_cast %get3A_268 : i32 to index
    %get3A_270 = arith.constant 16 : index
    %get3A_271 = tpu.vector_load %arg7[%get3A_269, %get3A_270] {strides = array<i32>} : memref<128x64xf32, #tpu.memory_space<vmem>>, vector<16xf32>,
    %bitcast3A_272 = vector.bitcast %get3A_271 : vector<16xf32> to vector<32xbf16>
    %get3A_273 = arith.constant 4 : i32
    %get3A_274 = arith.index_cast %get3A_273 : i32 to index
    %get3A_275 = arith.constant 16 : index
    %get3A_276 = tpu.vector_load %arg8[%get3A_274, %get3A_275] {strides = array<i32>} : memref<128x64xf32, #tpu.memory_space<vmem>>, vector<16xf32>,
    %bitcast3A_277 = vector.bitcast %get3A_276 : vector<16xf32> to vector<32xbf16>
    %mul3A_278 = arith.mulf %bitcast3A_272, %bitcast3A_277 : vector<32xbf16>
    %add3A_279 = arith.addf %mul3A_267, %mul3A_278 : vector<32xbf16>
    %get3A_280 = arith.constant 4 : i32
    %get3A_281 = arith.index_cast %get3A_280 : i32 to index
    %get3A_282 = arith.constant 32 : index
    %get3A_283 = tpu.vector_load %arg7[%get3A_281, %get3A_282] {strides = array<i32>} : memref<128x64xf32, #tpu.memory_space<vmem>>, vector<16xf32>,
    %bitcast3A_284 = vector.bitcast %get3A_283 : vector<16xf32> to vector<32xbf16>
    %get3A_285 = arith.constant 4 : i32
    %get3A_286 = arith.index_cast %get3A_285 : i32 to index
    %get3A_287 = arith.constant 32 : index
    %get3A_288 = tpu.vector_load %arg8[%get3A_286, %get3A_287] {strides = array<i32>} : memref<128x64xf32, #tpu.memory_space<vmem>>, vector<16xf32>,
    %bitcast3A_289 = vector.bitcast %get3A_288 : vector<16xf32> to vector<32xbf16>
    %mul3A_290 = arith.mulf %bitcast3A_284, %bitcast3A_289 : vector<32xbf16>
    %add3A_291 = arith.addf %add3A_279, %mul3A_290 : vector<32xbf16>
    %get3A_292 = arith.constant 4 : i32
    %get3A_293 = arith.index_cast %get3A_292 : i32 to index
    %get3A_294 = arith.constant 48 : index
    %get3A_295 = tpu.vector_load %arg7[%get3A_293, %get3A_294] {strides = array<i32>} : memref<128x64xf32, #tpu.memory_space<vmem>>, vector<16xf32>,
    %bitcast3A_296 = vector.bitcast %get3A_295 : vector<16xf32> to vector<32xbf16>
    %get3A_297 = arith.constant 4 : i32
    %get3A_298 = arith.index_cast %get3A_297 : i32 to index
    %get3A_299 = arith.constant 48 : index
    %get3A_300 = tpu.vector_load %arg8[%get3A_298, %get3A_299] {strides = array<i32>} : memref<128x64xf32, #tpu.memory_space<vmem>>, vector<16xf32>,
    %bitcast3A_301 = vector.bitcast %get3A_300 : vector<16xf32> to vector<32xbf16>
    %mul3A_302 = arith.mulf %bitcast3A_296, %bitcast3A_301 : vector<32xbf16>
    %add3A_303 = arith.addf %add3A_291, %mul3A_302 : vector<32xbf16>
    %unpack3A_304 = tpu.unpack_subelements %add3A_303, 0 {pack_format = #tpu.pack_format<interleaved>} : vector<32xbf16> -> vector<16xf32>
    %unpack3A_305 = tpu.unpack_subelements %add3A_303, 1 {pack_format = #tpu.pack_format<interleaved>} : vector<32xbf16> -> vector<16xf32>
    %add3A_306 = arith.addf %unpack3A_304, %unpack3A_305 : vector<16xf32>
    %swap3A_307 = arith.constant 68 : index
    %swap3A_308 = tpu.vector_load %arg12[%swap3A_307] {strides = array<i32>} : memref<2176xf32, #tpu.memory_space<vmem>>, vector<16xf32>,
    tpu.vector_store %arg12[%swap3A_307], %add3A_306 {strides = array<i32>} : memref<2176xf32, #tpu.memory_space<vmem>>, vector<16xf32>,
    %get3A_309 = arith.constant 5 : i32
    %get3A_310 = arith.index_cast %get3A_309 : i32 to index
    %get3A_311 = arith.constant 0 : index
    %get3A_312 = tpu.vector_load %arg7[%get3A_310, %get3A_311] {strides = array<i32>} : memref<128x64xf32, #tpu.memory_space<vmem>>, vector<16xf32>,
    %bitcast3A_313 = vector.bitcast %get3A_312 : vector<16xf32> to vector<32xbf16>
    %get3A_314 = arith.constant 5 : i32
    %get3A_315 = arith.index_cast %get3A_314 : i32 to index
    %get3A_316 = arith.constant 0 : index
    %get3A_317 = tpu.vector_load %arg8[%get3A_315, %get3A_316] {strides = array<i32>} : memref<128x64xf32, #tpu.memory_space<vmem>>, vector<16xf32>,
    %bitcast3A_318 = vector.bitcast %get3A_317 : vector<16xf32> to vector<32xbf16>
    %mul3A_319 = arith.mulf %bitcast3A_313, %bitcast3A_318 : vector<32xbf16>
    %get3A_320 = arith.constant 5 : i32
    %get3A_321 = arith.index_cast %get3A_320 : i32 to index
    %get3A_322 = arith.constant 16 : index
    %get3A_323 = tpu.vector_load %arg7[%get3A_321, %get3A_322] {strides = array<i32>} : memref<128x64xf32, #tpu.memory_space<vmem>>, vector<16xf32>,
    %bitcast3A_324 = vector.bitcast %get3A_323 : vector<16xf32> to vector<32xbf16>
    %get3A_325 = arith.constant 5 : i32
    %get3A_326 = arith.index_cast %get3A_325 : i32 to index
    %get3A_327 = arith.constant 16 : index
    %get3A_328 = tpu.vector_load %arg8[%get3A_326, %get3A_327] {strides = array<i32>} : memref<128x64xf32, #tpu.memory_space<vmem>>, vector<16xf32>,
    %bitcast3A_329 = vector.bitcast %get3A_328 : vector<16xf32> to vector<32xbf16>
    %mul3A_330 = arith.mulf %bitcast3A_324, %bitcast3A_329 : vector<32xbf16>
    %add3A_331 = arith.addf %mul3A_319, %mul3A_330 : vector<32xbf16>
    %get3A_332 = arith.constant 5 : i32
    %get3A_333 = arith.index_cast %get3A_332 : i32 to index
    %get3A_334 = arith.constant 32 : index
    %get3A_335 = tpu.vector_load %arg7[%get3A_333, %get3A_334] {strides = array<i32>} : memref<128x64xf32, #tpu.memory_space<vmem>>, vector<16xf32>,
    %bitcast3A_336 = vector.bitcast %get3A_335 : vector<16xf32> to vector<32xbf16>
    %get3A_337 = arith.constant 5 : i32
    %get3A_338 = arith.index_cast %get3A_337 : i32 to index
    %get3A_339 = arith.constant 32 : index
    %get3A_340 = tpu.vector_load %arg8[%get3A_338, %get3A_339] {strides = array<i32>} : memref<128x64xf32, #tpu.memory_space<vmem>>, vector<16xf32>,
    %bitcast3A_341 = vector.bitcast %get3A_340 : vector<16xf32> to vector<32xbf16>
    %mul3A_342 = arith.mulf %bitcast3A_336, %bitcast3A_341 : vector<32xbf16>
    %add3A_343 = arith.addf %add3A_331, %mul3A_342 : vector<32xbf16>
    %get3A_344 = arith.constant 5 : i32
    %get3A_345 = arith.index_cast %get3A_344 : i32 to index
    %get3A_346 = arith.constant 48 : index
    %get3A_347 = tpu.vector_load %arg7[%get3A_345, %get3A_346] {strides = array<i32>} : memref<128x64xf32, #tpu.memory_space<vmem>>, vector<16xf32>,
    %bitcast3A_348 = vector.bitcast %get3A_347 : vector<16xf32> to vector<32xbf16>
    %get3A_349 = arith.constant 5 : i32
    %get3A_350 = arith.index_cast %get3A_349 : i32 to index
    %get3A_351 = arith.constant 48 : index
    %get3A_352 = tpu.vector_load %arg8[%get3A_350, %get3A_351] {strides = array<i32>} : memref<128x64xf32, #tpu.memory_space<vmem>>, vector<16xf32>,
    %bitcast3A_353 = vector.bitcast %get3A_352 : vector<16xf32> to vector<32xbf16>
    %mul3A_354 = arith.mulf %bitcast3A_348, %bitcast3A_353 : vector<32xbf16>
    %add3A_355 = arith.addf %add3A_343, %mul3A_354 : vector<32xbf16>
    %unpack3A_356 = tpu.unpack_subelements %add3A_355, 0 {pack_format = #tpu.pack_format<interleaved>} : vector<32xbf16> -> vector<16xf32>
    %unpack3A_357 = tpu.unpack_subelements %add3A_355, 1 {pack_format = #tpu.pack_format<interleaved>} : vector<32xbf16> -> vector<16xf32>
    %add3A_358 = arith.addf %unpack3A_356, %unpack3A_357 : vector<16xf32>
    %swap3A_359 = arith.constant 85 : index
    %swap3A_360 = tpu.vector_load %arg12[%swap3A_359] {strides = array<i32>} : memref<2176xf32, #tpu.memory_space<vmem>>, vector<16xf32>,
    tpu.vector_store %arg12[%swap3A_359], %add3A_358 {strides = array<i32>} : memref<2176xf32, #tpu.memory_space<vmem>>, vector<16xf32>,
    %get3A_361 = arith.constant 6 : i32
    %get3A_362 = arith.index_cast %get3A_361 : i32 to index
    %get3A_363 = arith.constant 0 : index
    %get3A_364 = tpu.vector_load %arg7[%get3A_362, %get3A_363] {strides = array<i32>} : memref<128x64xf32, #tpu.memory_space<vmem>>, vector<16xf32>,
    %bitcast3A_365 = vector.bitcast %get3A_364 : vector<16xf32> to vector<32xbf16>
    %get3A_366 = arith.constant 6 : i32
    %get3A_367 = arith.index_cast %get3A_366 : i32 to index
    %get3A_368 = arith.constant 0 : index
    %get3A_369 = tpu.vector_load %arg8[%get3A_367, %get3A_368] {strides = array<i32>} : memref<128x64xf32, #tpu.memory_space<vmem>>, vector<16xf32>,
    %bitcast3A_370 = vector.bitcast %get3A_369 : vector<16xf32> to vector<32xbf16>
    %mul3A_371 = arith.mulf %bitcast3A_365, %bitcast3A_370 : vector<32xbf16>
    %get3A_372 = arith.constant 6 : i32
    %get3A_373 = arith.index_cast %get3A_372 : i32 to index
    %get3A_374 = arith.constant 16 : index
    %get3A_375 = tpu.vector_load %arg7[%get3A_373, %get3A_374] {strides = array<i32>} : memref<128x64xf32, #tpu.memory_space<vmem>>, vector<16xf32>,
    %bitcast3A_376 = vector.bitcast %get3A_375 : vector<16xf32> to vector<32xbf16>
    %get3A_377 = arith.constant 6 : i32
    %get3A_378 = arith.index_cast %get3A_377 : i32 to index
    %get3A_379 = arith.constant 16 : index
    %get3A_380 = tpu.vector_load %arg8[%get3A_378, %get3A_379] {strides = array<i32>} : memref<128x64xf32, #tpu.memory_space<vmem>>, vector<16xf32>,
    %bitcast3A_381 = vector.bitcast %get3A_380 : vector<16xf32> to vector<32xbf16>
    %mul3A_382 = arith.mulf %bitcast3A_376, %bitcast3A_381 : vector<32xbf16>
    %add3A_383 = arith.addf %mul3A_371, %mul3A_382 : vector<32xbf16>
    %get3A_384 = arith.constant 6 : i32
    %get3A_385 = arith.index_cast %get3A_384 : i32 to index
    %get3A_386 = arith.constant 32 : index
    %get3A_387 = tpu.vector_load %arg7[%get3A_385, %get3A_386] {strides = array<i32>} : memref<128x64xf32, #tpu.memory_space<vmem>>, vector<16xf32>,
    %bitcast3A_388 = vector.bitcast %get3A_387 : vector<16xf32> to vector<32xbf16>
    %get3A_389 = arith.constant 6 : i32
    %get3A_390 = arith.index_cast %get3A_389 : i32 to index
    %get3A_391 = arith.constant 32 : index
    %get3A_392 = tpu.vector_load %arg8[%get3A_390, %get3A_391] {strides = array<i32>} : memref<128x64xf32, #tpu.memory_space<vmem>>, vector<16xf32>,
    %bitcast3A_393 = vector.bitcast %get3A_392 : vector<16xf32> to vector<32xbf16>
    %mul3A_394 = arith.mulf %bitcast3A_388, %bitcast3A_393 : vector<32xbf16>
    %add3A_395 = arith.addf %add3A_383, %mul3A_394 : vector<32xbf16>
    %get3A_396 = arith.constant 6 : i32
    %get3A_397 = arith.index_cast %get3A_396 : i32 to index
    %get3A_398 = arith.constant 48 : index
    %get3A_399 = tpu.vector_load %arg7[%get3A_397, %get3A_398] {strides = array<i32>} : memref<128x64xf32, #tpu.memory_space<vmem>>, vector<16xf32>,
    %bitcast3A_400 = vector.bitcast %get3A_399 : vector<16xf32> to vector<32xbf16>
    %get3A_401 = arith.constant 6 : i32
    %get3A_402 = arith.index_cast %get3A_401 : i32 to index
    %get3A_403 = arith.constant 48 : index
    %get3A_404 = tpu.vector_load %arg8[%get3A_402, %get3A_403] {strides = array<i32>} : memref<128x64xf32, #tpu.memory_space<vmem>>, vector<16xf32>,
    %bitcast3A_405 = vector.bitcast %get3A_404 : vector<16xf32> to vector<32xbf16>
    %mul3A_406 = arith.mulf %bitcast3A_400, %bitcast3A_405 : vector<32xbf16>
    %add3A_407 = arith.addf %add3A_395, %mul3A_406 : vector<32xbf16>
    %unpack3A_408 = tpu.unpack_subelements %add3A_407, 0 {pack_format = #tpu.pack_format<interleaved>} : vector<32xbf16> -> vector<16xf32>
    %unpack3A_409 = tpu.unpack_subelements %add3A_407, 1 {pack_format = #tpu.pack_format<interleaved>} : vector<32xbf16> -> vector<16xf32>
    %add3A_410 = arith.addf %unpack3A_408, %unpack3A_409 : vector<16xf32>
    %swap3A_411 = arith.constant 102 : index
    %swap3A_412 = tpu.vector_load %arg12[%swap3A_411] {strides = array<i32>} : memref<2176xf32, #tpu.memory_space<vmem>>, vector<16xf32>,
    tpu.vector_store %arg12[%swap3A_411], %add3A_410 {strides = array<i32>} : memref<2176xf32, #tpu.memory_space<vmem>>, vector<16xf32>,
    %get3A_413 = arith.constant 7 : i32
    %get3A_414 = arith.index_cast %get3A_413 : i32 to index
    %get3A_415 = arith.constant 0 : index
    %get3A_416 = tpu.vector_load %arg7[%get3A_414, %get3A_415] {strides = array<i32>} : memref<128x64xf32, #tpu.memory_space<vmem>>, vector<16xf32>,
    %bitcast3A_417 = vector.bitcast %get3A_416 : vector<16xf32> to vector<32xbf16>
    %get3A_418 = arith.constant 7 : i32
    %get3A_419 = arith.index_cast %get3A_418 : i32 to index
    %get3A_420 = arith.constant 0 : index
    %get3A_421 = tpu.vector_load %arg8[%get3A_419, %get3A_420] {strides = array<i32>} : memref<128x64xf32, #tpu.memory_space<vmem>>, vector<16xf32>,
    %bitcast3A_422 = vector.bitcast %get3A_421 : vector<16xf32> to vector<32xbf16>
    %mul3A_423 = arith.mulf %bitcast3A_417, %bitcast3A_422 : vector<32xbf16>
    %get3A_424 = arith.constant 7 : i32
    %get3A_425 = arith.index_cast %get3A_424 : i32 to index
    %get3A_426 = arith.constant 16 : index
    %get3A_427 = tpu.vector_load %arg7[%get3A_425, %get3A_426] {strides = array<i32>} : memref<128x64xf32, #tpu.memory_space<vmem>>, vector<16xf32>,
    %bitcast3A_428 = vector.bitcast %get3A_427 : vector<16xf32> to vector<32xbf16>
    %get3A_429 = arith.constant 7 : i32
    %get3A_430 = arith.index_cast %get3A_429 : i32 to index
    %get3A_431 = arith.constant 16 : index
    %get3A_432 = tpu.vector_load %arg8[%get3A_430, %get3A_431] {strides = array<i32>} : memref<128x64xf32, #tpu.memory_space<vmem>>, vector<16xf32>,
    %bitcast3A_433 = vector.bitcast %get3A_432 : vector<16xf32> to vector<32xbf16>
    %mul3A_434 = arith.mulf %bitcast3A_428, %bitcast3A_433 : vector<32xbf16>
    %add3A_435 = arith.addf %mul3A_423, %mul3A_434 : vector<32xbf16>
    %get3A_436 = arith.constant 7 : i32
    %get3A_437 = arith.index_cast %get3A_436 : i32 to index
    %get3A_438 = arith.constant 32 : index
    %get3A_439 = tpu.vector_load %arg7[%get3A_437, %get3A_438] {strides = array<i32>} : memref<128x64xf32, #tpu.memory_space<vmem>>, vector<16xf32>,
    %bitcast3A_440 = vector.bitcast %get3A_439 : vector<16xf32> to vector<32xbf16>
    %get3A_441 = arith.constant 7 : i32
    %get3A_442 = arith.index_cast %get3A_441 : i32 to index
    %get3A_443 = arith.constant 32 : index
    %get3A_444 = tpu.vector_load %arg8[%get3A_442, %get3A_443] {strides = array<i32>} : memref<128x64xf32, #tpu.memory_space<vmem>>, vector<16xf32>,
    %bitcast3A_445 = vector.bitcast %get3A_444 : vector<16xf32> to vector<32xbf16>
    %mul3A_446 = arith.mulf %bitcast3A_440, %bitcast3A_445 : vector<32xbf16>
    %add3A_447 = arith.addf %add3A_435, %mul3A_446 : vector<32xbf16>
    %get3A_448 = arith.constant 7 : i32
    %get3A_449 = arith.index_cast %get3A_448 : i32 to index
    %get3A_450 = arith.constant 48 : index
    %get3A_451 = tpu.vector_load %arg7[%get3A_449, %get3A_450] {strides = array<i32>} : memref<128x64xf32, #tpu.memory_space<vmem>>, vector<16xf32>,
    %bitcast3A_452 = vector.bitcast %get3A_451 : vector<16xf32> to vector<32xbf16>
    %get3A_453 = arith.constant 7 : i32
    %get3A_454 = arith.index_cast %get3A_453 : i32 to index
    %get3A_455 = arith.constant 48 : index
    %get3A_456 = tpu.vector_load %arg8[%get3A_454, %get3A_455] {strides = array<i32>} : memref<128x64xf32, #tpu.memory_space<vmem>>, vector<16xf32>,
    %bitcast3A_457 = vector.bitcast %get3A_456 : vector<16xf32> to vector<32xbf16>
    %mul3A_458 = arith.mulf %bitcast3A_452, %bitcast3A_457 : vector<32xbf16>
    %add3A_459 = arith.addf %add3A_447, %mul3A_458 : vector<32xbf16>
    %unpack3A_460 = tpu.unpack_subelements %add3A_459, 0 {pack_format = #tpu.pack_format<interleaved>} : vector<32xbf16> -> vector<16xf32>
    %unpack3A_461 = tpu.unpack_subelements %add3A_459, 1 {pack_format = #tpu.pack_format<interleaved>} : vector<32xbf16> -> vector<16xf32>
    %add3A_462 = arith.addf %unpack3A_460, %unpack3A_461 : vector<16xf32>
    %swap3A_463 = arith.constant 119 : index
    %swap3A_464 = tpu.vector_load %arg12[%swap3A_463] {strides = array<i32>} : memref<2176xf32, #tpu.memory_space<vmem>>, vector<16xf32>,
    tpu.vector_store %arg12[%swap3A_463], %add3A_462 {strides = array<i32>} : memref<2176xf32, #tpu.memory_space<vmem>>, vector<16xf32>,
    %get3A_465 = arith.constant 8 : i32
    %get3A_466 = arith.index_cast %get3A_465 : i32 to index
    %get3A_467 = arith.constant 0 : index
    %get3A_468 = tpu.vector_load %arg7[%get3A_466, %get3A_467] {strides = array<i32>} : memref<128x64xf32, #tpu.memory_space<vmem>>, vector<16xf32>,
    %bitcast3A_469 = vector.bitcast %get3A_468 : vector<16xf32> to vector<32xbf16>
    %get3A_470 = arith.constant 8 : i32
    %get3A_471 = arith.index_cast %get3A_470 : i32 to index
    %get3A_472 = arith.constant 0 : index
    %get3A_473 = tpu.vector_load %arg8[%get3A_471, %get3A_472] {strides = array<i32>} : memref<128x64xf32, #tpu.memory_space<vmem>>, vector<16xf32>,
    %bitcast3A_474 = vector.bitcast %get3A_473 : vector<16xf32> to vector<32xbf16>
    %mul3A_475 = arith.mulf %bitcast3A_469, %bitcast3A_474 : vector<32xbf16>
    %get3A_476 = arith.constant 8 : i32
    %get3A_477 = arith.index_cast %get3A_476 : i32 to index
    %get3A_478 = arith.constant 16 : index
    %get3A_479 = tpu.vector_load %arg7[%get3A_477, %get3A_478] {strides = array<i32>} : memref<128x64xf32, #tpu.memory_space<vmem>>, vector<16xf32>,
    %bitcast3A_480 = vector.bitcast %get3A_479 : vector<16xf32> to vector<32xbf16>
    %get3A_481 = arith.constant 8 : i32
    %get3A_482 = arith.index_cast %get3A_481 : i32 to index
    %get3A_483 = arith.constant 16 : index
    %get3A_484 = tpu.vector_load %arg8[%get3A_482, %get3A_483] {strides = array<i32>} : memref<128x64xf32, #tpu.memory_space<vmem>>, vector<16xf32>,
    %bitcast3A_485 = vector.bitcast %get3A_484 : vector<16xf32> to vector<32xbf16>
    %mul3A_486 = arith.mulf %bitcast3A_480, %bitcast3A_485 : vector<32xbf16>
    %add3A_487 = arith.addf %mul3A_475, %mul3A_486 : vector<32xbf16>
    %get3A_488 = arith.constant 8 : i32
    %get3A_489 = arith.index_cast %get3A_488 : i32 to index
    %get3A_490 = arith.constant 32 : index
    %get3A_491 = tpu.vector_load %arg7[%get3A_489, %get3A_490] {strides = array<i32>} : memref<128x64xf32, #tpu.memory_space<vmem>>, vector<16xf32>,
    %bitcast3A_492 = vector.bitcast %get3A_491 : vector<16xf32> to vector<32xbf16>
    %get3A_493 = arith.constant 8 : i32
    %get3A_494 = arith.index_cast %get3A_493 : i32 to index
    %get3A_495 = arith.constant 32 : index
    %get3A_496 = tpu.vector_load %arg8[%get3A_494, %get3A_495] {strides = array<i32>} : memref<128x64xf32, #tpu.memory_space<vmem>>, vector<16xf32>,
    %bitcast3A_497 = vector.bitcast %get3A_496 : vector<16xf32> to vector<32xbf16>
    %mul3A_498 = arith.mulf %bitcast3A_492, %bitcast3A_497 : vector<32xbf16>
    %add3A_499 = arith.addf %add3A_487, %mul3A_498 : vector<32xbf16>
    %get3A_500 = arith.constant 8 : i32
    %get3A_501 = arith.index_cast %get3A_500 : i32 to index
    %get3A_502 = arith.constant 48 : index
    %get3A_503 = tpu.vector_load %arg7[%get3A_501, %get3A_502] {strides = array<i32>} : memref<128x64xf32, #tpu.memory_space<vmem>>, vector<16xf32>,
    %bitcast3A_504 = vector.bitcast %get3A_503 : vector<16xf32> to vector<32xbf16>
    %get3A_505 = arith.constant 8 : i32
    %get3A_506 = arith.index_cast %get3A_505 : i32 to index
    %get3A_507 = arith.constant 48 : index
    %get3A_508 = tpu.vector_load %arg8[%get3A_506, %get3A_507] {strides = array<i32>} : memref<128x64xf32, #tpu.memory_space<vmem>>, vector<16xf32>,
    %bitcast3A_509 = vector.bitcast %get3A_508 : vector<16xf32> to vector<32xbf16>
    %mul3A_510 = arith.mulf %bitcast3A_504, %bitcast3A_509 : vector<32xbf16>
    %add3A_511 = arith.addf %add3A_499, %mul3A_510 : vector<32xbf16>
    %unpack3A_512 = tpu.unpack_subelements %add3A_511, 0 {pack_format = #tpu.pack_format<interleaved>} : vector<32xbf16> -> vector<16xf32>
    %unpack3A_513 = tpu.unpack_subelements %add3A_511, 1 {pack_format = #tpu.pack_format<interleaved>} : vector<32xbf16> -> vector<16xf32>
    %add3A_514 = arith.addf %unpack3A_512, %unpack3A_513 : vector<16xf32>
    %swap3A_515 = arith.constant 136 : index
    %swap3A_516 = tpu.vector_load %arg12[%swap3A_515] {strides = array<i32>} : memref<2176xf32, #tpu.memory_space<vmem>>, vector<16xf32>,
    tpu.vector_store %arg12[%swap3A_515], %add3A_514 {strides = array<i32>} : memref<2176xf32, #tpu.memory_space<vmem>>, vector<16xf32>,
    %get3A_517 = arith.constant 9 : i32
    %get3A_518 = arith.index_cast %get3A_517 : i32 to index
    %get3A_519 = arith.constant 0 : index
    %get3A_520 = tpu.vector_load %arg7[%get3A_518, %get3A_519] {strides = array<i32>} : memref<128x64xf32, #tpu.memory_space<vmem>>, vector<16xf32>,
    %bitcast3A_521 = vector.bitcast %get3A_520 : vector<16xf32> to vector<32xbf16>
    %get3A_522 = arith.constant 9 : i32
    %get3A_523 = arith.index_cast %get3A_522 : i32 to index
    %get3A_524 = arith.constant 0 : index
    %get3A_525 = tpu.vector_load %arg8[%get3A_523, %get3A_524] {strides = array<i32>} : memref<128x64xf32, #tpu.memory_space<vmem>>, vector<16xf32>,
    %bitcast3A_526 = vector.bitcast %get3A_525 : vector<16xf32> to vector<32xbf16>
    %mul3A_527 = arith.mulf %bitcast3A_521, %bitcast3A_526 : vector<32xbf16>
    %get3A_528 = arith.constant 9 : i32
    %get3A_529 = arith.index_cast %get3A_528 : i32 to index
    %get3A_530 = arith.constant 16 : index
    %get3A_531 = tpu.vector_load %arg7[%get3A_529, %get3A_530] {strides = array<i32>} : memref<128x64xf32, #tpu.memory_space<vmem>>, vector<16xf32>,
    %bitcast3A_532 = vector.bitcast %get3A_531 : vector<16xf32> to vector<32xbf16>
    %get3A_533 = arith.constant 9 : i32
    %get3A_534 = arith.index_cast %get3A_533 : i32 to index
    %get3A_535 = arith.constant 16 : index
    %get3A_536 = tpu.vector_load %arg8[%get3A_534, %get3A_535] {strides = array<i32>} : memref<128x64xf32, #tpu.memory_space<vmem>>, vector<16xf32>,
    %bitcast3A_537 = vector.bitcast %get3A_536 : vector<16xf32> to vector<32xbf16>
    %mul3A_538 = arith.mulf %bitcast3A_532, %bitcast3A_537 : vector<32xbf16>
    %add3A_539 = arith.addf %mul3A_527, %mul3A_538 : vector<32xbf16>
    %get3A_540 = arith.constant 9 : i32
    %get3A_541 = arith.index_cast %get3A_540 : i32 to index
    %get3A_542 = arith.constant 32 : index
    %get3A_543 = tpu.vector_load %arg7[%get3A_541, %get3A_542] {strides = array<i32>} : memref<128x64xf32, #tpu.memory_space<vmem>>, vector<16xf32>,
    %bitcast3A_544 = vector.bitcast %get3A_543 : vector<16xf32> to vector<32xbf16>
    %get3A_545 = arith.constant 9 : i32
    %get3A_546 = arith.index_cast %get3A_545 : i32 to index
    %get3A_547 = arith.constant 32 : index
    %get3A_548 = tpu.vector_load %arg8[%get3A_546, %get3A_547] {strides = array<i32>} : memref<128x64xf32, #tpu.memory_space<vmem>>, vector<16xf32>,
    %bitcast3A_549 = vector.bitcast %get3A_548 : vector<16xf32> to vector<32xbf16>
    %mul3A_550 = arith.mulf %bitcast3A_544, %bitcast3A_549 : vector<32xbf16>
    %add3A_551 = arith.addf %add3A_539, %mul3A_550 : vector<32xbf16>
    %get3A_552 = arith.constant 9 : i32
    %get3A_553 = arith.index_cast %get3A_552 : i32 to index
    %get3A_554 = arith.constant 48 : index
    %get3A_555 = tpu.vector_load %arg7[%get3A_553, %get3A_554] {strides = array<i32>} : memref<128x64xf32, #tpu.memory_space<vmem>>, vector<16xf32>,
    %bitcast3A_556 = vector.bitcast %get3A_555 : vector<16xf32> to vector<32xbf16>
    %get3A_557 = arith.constant 9 : i32
    %get3A_558 = arith.index_cast %get3A_557 : i32 to index
    %get3A_559 = arith.constant 48 : index
    %get3A_560 = tpu.vector_load %arg8[%get3A_558, %get3A_559] {strides = array<i32>} : memref<128x64xf32, #tpu.memory_space<vmem>>, vector<16xf32>,
    %bitcast3A_561 = vector.bitcast %get3A_560 : vector<16xf32> to vector<32xbf16>
    %mul3A_562 = arith.mulf %bitcast3A_556, %bitcast3A_561 : vector<32xbf16>
    %add3A_563 = arith.addf %add3A_551, %mul3A_562 : vector<32xbf16>
    %unpack3A_564 = tpu.unpack_subelements %add3A_563, 0 {pack_format = #tpu.pack_format<interleaved>} : vector<32xbf16> -> vector<16xf32>
    %unpack3A_565 = tpu.unpack_subelements %add3A_563, 1 {pack_format = #tpu.pack_format<interleaved>} : vector<32xbf16> -> vector<16xf32>
    %add3A_566 = arith.addf %unpack3A_564, %unpack3A_565 : vector<16xf32>
    %swap3A_567 = arith.constant 153 : index
    %swap3A_568 = tpu.vector_load %arg12[%swap3A_567] {strides = array<i32>} : memref<2176xf32, #tpu.memory_space<vmem>>, vector<16xf32>,
    tpu.vector_store %arg12[%swap3A_567], %add3A_566 {strides = array<i32>} : memref<2176xf32, #tpu.memory_space<vmem>>, vector<16xf32>,
    %get3A_569 = arith.constant 10 : i32
    %get3A_570 = arith.index_cast %get3A_569 : i32 to index
    %get3A_571 = arith.constant 0 : index
    %get3A_572 = tpu.vector_load %arg7[%get3A_570, %get3A_571] {strides = array<i32>} : memref<128x64xf32, #tpu.memory_space<vmem>>, vector<16xf32>,
    %bitcast3A_573 = vector.bitcast %get3A_572 : vector<16xf32> to vector<32xbf16>
    %get3A_574 = arith.constant 10 : i32
    %get3A_575 = arith.index_cast %get3A_574 : i32 to index
    %get3A_576 = arith.constant 0 : index
    %get3A_577 = tpu.vector_load %arg8[%get3A_575, %get3A_576] {strides = array<i32>} : memref<128x64xf32, #tpu.memory_space<vmem>>, vector<16xf32>,
    %bitcast3A_578 = vector.bitcast %get3A_577 : vector<16xf32> to vector<32xbf16>
    %mul3A_579 = arith.mulf %bitcast3A_573, %bitcast3A_578 : vector<32xbf16>
    %get3A_580 = arith.constant 10 : i32
    %get3A_581 = arith.index_cast %get3A_580 : i32 to index
    %get3A_582 = arith.constant 16 : index
    %get3A_583 = tpu.vector_load %arg7[%get3A_581, %get3A_582] {strides = array<i32>} : memref<128x64xf32, #tpu.memory_space<vmem>>, vector<16xf32>,
    %bitcast3A_584 = vector.bitcast %get3A_583 : vector<16xf32> to vector<32xbf16>
    %get3A_585 = arith.constant 10 : i32
    %get3A_586 = arith.index_cast %get3A_585 : i32 to index
    %get3A_587 = arith.constant 16 : index
    %get3A_588 = tpu.vector_load %arg8[%get3A_586, %get3A_587] {strides = array<i32>} : memref<128x64xf32, #tpu.memory_space<vmem>>, vector<16xf32>,
    %bitcast3A_589 = vector.bitcast %get3A_588 : vector<16xf32> to vector<32xbf16>
    %mul3A_590 = arith.mulf %bitcast3A_584, %bitcast3A_589 : vector<32xbf16>
    %add3A_591 = arith.addf %mul3A_579, %mul3A_590 : vector<32xbf16>
    %get3A_592 = arith.constant 10 : i32
    %get3A_593 = arith.index_cast %get3A_592 : i32 to index
    %get3A_594 = arith.constant 32 : index
    %get3A_595 = tpu.vector_load %arg7[%get3A_593, %get3A_594] {strides = array<i32>} : memref<128x64xf32, #tpu.memory_space<vmem>>, vector<16xf32>,
    %bitcast3A_596 = vector.bitcast %get3A_595 : vector<16xf32> to vector<32xbf16>
    %get3A_597 = arith.constant 10 : i32
    %get3A_598 = arith.index_cast %get3A_597 : i32 to index
    %get3A_599 = arith.constant 32 : index
    %get3A_600 = tpu.vector_load %arg8[%get3A_598, %get3A_599] {strides = array<i32>} : memref<128x64xf32, #tpu.memory_space<vmem>>, vector<16xf32>,
    %bitcast3A_601 = vector.bitcast %get3A_600 : vector<16xf32> to vector<32xbf16>
    %mul3A_602 = arith.mulf %bitcast3A_596, %bitcast3A_601 : vector<32xbf16>
    %add3A_603 = arith.addf %add3A_591, %mul3A_602 : vector<32xbf16>
    %get3A_604 = arith.constant 10 : i32
    %get3A_605 = arith.index_cast %get3A_604 : i32 to index
    %get3A_606 = arith.constant 48 : index
    %get3A_607 = tpu.vector_load %arg7[%get3A_605, %get3A_606] {strides = array<i32>} : memref<128x64xf32, #tpu.memory_space<vmem>>, vector<16xf32>,
    %bitcast3A_608 = vector.bitcast %get3A_607 : vector<16xf32> to vector<32xbf16>
    %get3A_609 = arith.constant 10 : i32
    %get3A_610 = arith.index_cast %get3A_609 : i32 to index
    %get3A_611 = arith.constant 48 : index
    %get3A_612 = tpu.vector_load %arg8[%get3A_610, %get3A_611] {strides = array<i32>} : memref<128x64xf32, #tpu.memory_space<vmem>>, vector<16xf32>,
    %bitcast3A_613 = vector.bitcast %get3A_612 : vector<16xf32> to vector<32xbf16>
    %mul3A_614 = arith.mulf %bitcast3A_608, %bitcast3A_613 : vector<32xbf16>
    %add3A_615 = arith.addf %add3A_603, %mul3A_614 : vector<32xbf16>
    %unpack3A_616 = tpu.unpack_subelements %add3A_615, 0 {pack_format = #tpu.pack_format<interleaved>} : vector<32xbf16> -> vector<16xf32>
    %unpack3A_617 = tpu.unpack_subelements %add3A_615, 1 {pack_format = #tpu.pack_format<interleaved>} : vector<32xbf16> -> vector<16xf32>
    %add3A_618 = arith.addf %unpack3A_616, %unpack3A_617 : vector<16xf32>
    %swap3A_619 = arith.constant 170 : index
    %swap3A_620 = tpu.vector_load %arg12[%swap3A_619] {strides = array<i32>} : memref<2176xf32, #tpu.memory_space<vmem>>, vector<16xf32>,
    tpu.vector_store %arg12[%swap3A_619], %add3A_618 {strides = array<i32>} : memref<2176xf32, #tpu.memory_space<vmem>>, vector<16xf32>,
    %get3A_621 = arith.constant 11 : i32
    %get3A_622 = arith.index_cast %get3A_621 : i32 to index
    %get3A_623 = arith.constant 0 : index
    %get3A_624 = tpu.vector_load %arg7[%get3A_622, %get3A_623] {strides = array<i32>} : memref<128x64xf32, #tpu.memory_space<vmem>>, vector<16xf32>,
    %bitcast3A_625 = vector.bitcast %get3A_624 : vector<16xf32> to vector<32xbf16>
    %get3A_626 = arith.constant 11 : i32
    %get3A_627 = arith.index_cast %get3A_626 : i32 to index
    %get3A_628 = arith.constant 0 : index
    %get3A_629 = tpu.vector_load %arg8[%get3A_627, %get3A_628] {strides = array<i32>} : memref<128x64xf32, #tpu.memory_space<vmem>>, vector<16xf32>,
    %bitcast3A_630 = vector.bitcast %get3A_629 : vector<16xf32> to vector<32xbf16>
    %mul3A_631 = arith.mulf %bitcast3A_625, %bitcast3A_630 : vector<32xbf16>
    %get3A_632 = arith.constant 11 : i32
    %get3A_633 = arith.index_cast %get3A_632 : i32 to index
    %get3A_634 = arith.constant 16 : index
    %get3A_635 = tpu.vector_load %arg7[%get3A_633, %get3A_634] {strides = array<i32>} : memref<128x64xf32, #tpu.memory_space<vmem>>, vector<16xf32>,
    %bitcast3A_636 = vector.bitcast %get3A_635 : vector<16xf32> to vector<32xbf16>
    %get3A_637 = arith.constant 11 : i32
    %get3A_638 = arith.index_cast %get3A_637 : i32 to index
    %get3A_639 = arith.constant 16 : index
    %get3A_640 = tpu.vector_load %arg8[%get3A_638, %get3A_639] {strides = array<i32>} : memref<128x64xf32, #tpu.memory_space<vmem>>, vector<16xf32>,
    %bitcast3A_641 = vector.bitcast %get3A_640 : vector<16xf32> to vector<32xbf16>
    %mul3A_642 = arith.mulf %bitcast3A_636, %bitcast3A_641 : vector<32xbf16>
    %add3A_643 = arith.addf %mul3A_631, %mul3A_642 : vector<32xbf16>
    %get3A_644 = arith.constant 11 : i32
    %get3A_645 = arith.index_cast %get3A_644 : i32 to index
    %get3A_646 = arith.constant 32 : index
    %get3A_647 = tpu.vector_load %arg7[%get3A_645, %get3A_646] {strides = array<i32>} : memref<128x64xf32, #tpu.memory_space<vmem>>, vector<16xf32>,
    %bitcast3A_648 = vector.bitcast %get3A_647 : vector<16xf32> to vector<32xbf16>
    %get3A_649 = arith.constant 11 : i32
    %get3A_650 = arith.index_cast %get3A_649 : i32 to index
    %get3A_651 = arith.constant 32 : index
    %get3A_652 = tpu.vector_load %arg8[%get3A_650, %get3A_651] {strides = array<i32>} : memref<128x64xf32, #tpu.memory_space<vmem>>, vector<16xf32>,
    %bitcast3A_653 = vector.bitcast %get3A_652 : vector<16xf32> to vector<32xbf16>
    %mul3A_654 = arith.mulf %bitcast3A_648, %bitcast3A_653 : vector<32xbf16>
    %add3A_655 = arith.addf %add3A_643, %mul3A_654 : vector<32xbf16>
    %get3A_656 = arith.constant 11 : i32
    %get3A_657 = arith.index_cast %get3A_656 : i32 to index
    %get3A_658 = arith.constant 48 : index
    %get3A_659 = tpu.vector_load %arg7[%get3A_657, %get3A_658] {strides = array<i32>} : memref<128x64xf32, #tpu.memory_space<vmem>>, vector<16xf32>,
    %bitcast3A_660 = vector.bitcast %get3A_659 : vector<16xf32> to vector<32xbf16>
    %get3A_661 = arith.constant 11 : i32
    %get3A_662 = arith.index_cast %get3A_661 : i32 to index
    %get3A_663 = arith.constant 48 : index
    %get3A_664 = tpu.vector_load %arg8[%get3A_662, %get3A_663] {strides = array<i32>} : memref<128x64xf32, #tpu.memory_space<vmem>>, vector<16xf32>,
    %bitcast3A_665 = vector.bitcast %get3A_664 : vector<16xf32> to vector<32xbf16>
    %mul3A_666 = arith.mulf %bitcast3A_660, %bitcast3A_665 : vector<32xbf16>
    %add3A_667 = arith.addf %add3A_655, %mul3A_666 : vector<32xbf16>
    %unpack3A_668 = tpu.unpack_subelements %add3A_667, 0 {pack_format = #tpu.pack_format<interleaved>} : vector<32xbf16> -> vector<16xf32>
    %unpack3A_669 = tpu.unpack_subelements %add3A_667, 1 {pack_format = #tpu.pack_format<interleaved>} : vector<32xbf16> -> vector<16xf32>
    %add3A_670 = arith.addf %unpack3A_668, %unpack3A_669 : vector<16xf32>
    %swap3A_671 = arith.constant 187 : index
    %swap3A_672 = tpu.vector_load %arg12[%swap3A_671] {strides = array<i32>} : memref<2176xf32, #tpu.memory_space<vmem>>, vector<16xf32>,
    tpu.vector_store %arg12[%swap3A_671], %add3A_670 {strides = array<i32>} : memref<2176xf32, #tpu.memory_space<vmem>>, vector<16xf32>,
    %get3A_673 = arith.constant 12 : i32
    %get3A_674 = arith.index_cast %get3A_673 : i32 to index
    %get3A_675 = arith.constant 0 : index
    %get3A_676 = tpu.vector_load %arg7[%get3A_674, %get3A_675] {strides = array<i32>} : memref<128x64xf32, #tpu.memory_space<vmem>>, vector<16xf32>,
    %bitcast3A_677 = vector.bitcast %get3A_676 : vector<16xf32> to vector<32xbf16>
    %get3A_678 = arith.constant 12 : i32
    %get3A_679 = arith.index_cast %get3A_678 : i32 to index
    %get3A_680 = arith.constant 0 : index
    %get3A_681 = tpu.vector_load %arg8[%get3A_679, %get3A_680] {strides = array<i32>} : memref<128x64xf32, #tpu.memory_space<vmem>>, vector<16xf32>,
    %bitcast3A_682 = vector.bitcast %get3A_681 : vector<16xf32> to vector<32xbf16>
    %mul3A_683 = arith.mulf %bitcast3A_677, %bitcast3A_682 : vector<32xbf16>
    %get3A_684 = arith.constant 12 : i32
    %get3A_685 = arith.index_cast %get3A_684 : i32 to index
    %get3A_686 = arith.constant 16 : index
    %get3A_687 = tpu.vector_load %arg7[%get3A_685, %get3A_686] {strides = array<i32>} : memref<128x64xf32, #tpu.memory_space<vmem>>, vector<16xf32>,
    %bitcast3A_688 = vector.bitcast %get3A_687 : vector<16xf32> to vector<32xbf16>
    %get3A_689 = arith.constant 12 : i32
    %get3A_690 = arith.index_cast %get3A_689 : i32 to index
    %get3A_691 = arith.constant 16 : index
    %get3A_692 = tpu.vector_load %arg8[%get3A_690, %get3A_691] {strides = array<i32>} : memref<128x64xf32, #tpu.memory_space<vmem>>, vector<16xf32>,
    %bitcast3A_693 = vector.bitcast %get3A_692 : vector<16xf32> to vector<32xbf16>
    %mul3A_694 = arith.mulf %bitcast3A_688, %bitcast3A_693 : vector<32xbf16>
    %add3A_695 = arith.addf %mul3A_683, %mul3A_694 : vector<32xbf16>
    %get3A_696 = arith.constant 12 : i32
    %get3A_697 = arith.index_cast %get3A_696 : i32 to index
    %get3A_698 = arith.constant 32 : index
    %get3A_699 = tpu.vector_load %arg7[%get3A_697, %get3A_698] {strides = array<i32>} : memref<128x64xf32, #tpu.memory_space<vmem>>, vector<16xf32>,
    %bitcast3A_700 = vector.bitcast %get3A_699 : vector<16xf32> to vector<32xbf16>
    %get3A_701 = arith.constant 12 : i32
    %get3A_702 = arith.index_cast %get3A_701 : i32 to index
    %get3A_703 = arith.constant 32 : index
    %get3A_704 = tpu.vector_load %arg8[%get3A_702, %get3A_703] {strides = array<i32>} : memref<128x64xf32, #tpu.memory_space<vmem>>, vector<16xf32>,
    %bitcast3A_705 = vector.bitcast %get3A_704 : vector<16xf32> to vector<32xbf16>
    %mul3A_706 = arith.mulf %bitcast3A_700, %bitcast3A_705 : vector<32xbf16>
    %add3A_707 = arith.addf %add3A_695, %mul3A_706 : vector<32xbf16>
    %get3A_708 = arith.constant 12 : i32
    %get3A_709 = arith.index_cast %get3A_708 : i32 to index
    %get3A_710 = arith.constant 48 : index
    %get3A_711 = tpu.vector_load %arg7[%get3A_709, %get3A_710] {strides = array<i32>} : memref<128x64xf32, #tpu.memory_space<vmem>>, vector<16xf32>,
    %bitcast3A_712 = vector.bitcast %get3A_711 : vector<16xf32> to vector<32xbf16>
    %get3A_713 = arith.constant 12 : i32
    %get3A_714 = arith.index_cast %get3A_713 : i32 to index
    %get3A_715 = arith.constant 48 : index
    %get3A_716 = tpu.vector_load %arg8[%get3A_714, %get3A_715] {strides = array<i32>} : memref<128x64xf32, #tpu.memory_space<vmem>>, vector<16xf32>,
    %bitcast3A_717 = vector.bitcast %get3A_716 : vector<16xf32> to vector<32xbf16>
    %mul3A_718 = arith.mulf %bitcast3A_712, %bitcast3A_717 : vector<32xbf16>
    %add3A_719 = arith.addf %add3A_707, %mul3A_718 : vector<32xbf16>
    %unpack3A_720 = tpu.unpack_subelements %add3A_719, 0 {pack_format = #tpu.pack_format<interleaved>} : vector<32xbf16> -> vector<16xf32>
    %unpack3A_721 = tpu.unpack_subelements %add3A_719, 1 {pack_format = #tpu.pack_format<interleaved>} : vector<32xbf16> -> vector<16xf32>
    %add3A_722 = arith.addf %unpack3A_720, %unpack3A_721 : vector<16xf32>
    %swap3A_723 = arith.constant 204 : index
    %swap3A_724 = tpu.vector_load %arg12[%swap3A_723] {strides = array<i32>} : memref<2176xf32, #tpu.memory_space<vmem>>, vector<16xf32>,
    tpu.vector_store %arg12[%swap3A_723], %add3A_722 {strides = array<i32>} : memref<2176xf32, #tpu.memory_space<vmem>>, vector<16xf32>,
    %get3A_725 = arith.constant 13 : i32
    %get3A_726 = arith.index_cast %get3A_725 : i32 to index
    %get3A_727 = arith.constant 0 : index
    %get3A_728 = tpu.vector_load %arg7[%get3A_726, %get3A_727] {strides = array<i32>} : memref<128x64xf32, #tpu.memory_space<vmem>>, vector<16xf32>,
    %bitcast3A_729 = vector.bitcast %get3A_728 : vector<16xf32> to vector<32xbf16>
    %get3A_730 = arith.constant 13 : i32
    %get3A_731 = arith.index_cast %get3A_730 : i32 to index
    %get3A_732 = arith.constant 0 : index
    %get3A_733 = tpu.vector_load %arg8[%get3A_731, %get3A_732] {strides = array<i32>} : memref<128x64xf32, #tpu.memory_space<vmem>>, vector<16xf32>,
    %bitcast3A_734 = vector.bitcast %get3A_733 : vector<16xf32> to vector<32xbf16>
    %mul3A_735 = arith.mulf %bitcast3A_729, %bitcast3A_734 : vector<32xbf16>
    %get3A_736 = arith.constant 13 : i32
    %get3A_737 = arith.index_cast %get3A_736 : i32 to index
    %get3A_738 = arith.constant 16 : index
    %get3A_739 = tpu.vector_load %arg7[%get3A_737, %get3A_738] {strides = array<i32>} : memref<128x64xf32, #tpu.memory_space<vmem>>, vector<16xf32>,
    %bitcast3A_740 = vector.bitcast %get3A_739 : vector<16xf32> to vector<32xbf16>
    %get3A_741 = arith.constant 13 : i32
    %get3A_742 = arith.index_cast %get3A_741 : i32 to index
    %get3A_743 = arith.constant 16 : index
    %get3A_744 = tpu.vector_load %arg8[%get3A_742, %get3A_743] {strides = array<i32>} : memref<128x64xf32, #tpu.memory_space<vmem>>, vector<16xf32>,
    %bitcast3A_745 = vector.bitcast %get3A_744 : vector<16xf32> to vector<32xbf16>
    %mul3A_746 = arith.mulf %bitcast3A_740, %bitcast3A_745 : vector<32xbf16>
    %add3A_747 = arith.addf %mul3A_735, %mul3A_746 : vector<32xbf16>
    %get3A_748 = arith.constant 13 : i32
    %get3A_749 = arith.index_cast %get3A_748 : i32 to index
    %get3A_750 = arith.constant 32 : index
    %get3A_751 = tpu.vector_load %arg7[%get3A_749, %get3A_750] {strides = array<i32>} : memref<128x64xf32, #tpu.memory_space<vmem>>, vector<16xf32>,
    %bitcast3A_752 = vector.bitcast %get3A_751 : vector<16xf32> to vector<32xbf16>
    %get3A_753 = arith.constant 13 : i32
    %get3A_754 = arith.index_cast %get3A_753 : i32 to index
    %get3A_755 = arith.constant 32 : index
    %get3A_756 = tpu.vector_load %arg8[%get3A_754, %get3A_755] {strides = array<i32>} : memref<128x64xf32, #tpu.memory_space<vmem>>, vector<16xf32>,
    %bitcast3A_757 = vector.bitcast %get3A_756 : vector<16xf32> to vector<32xbf16>
    %mul3A_758 = arith.mulf %bitcast3A_752, %bitcast3A_757 : vector<32xbf16>
    %add3A_759 = arith.addf %add3A_747, %mul3A_758 : vector<32xbf16>
    %get3A_760 = arith.constant 13 : i32
    %get3A_761 = arith.index_cast %get3A_760 : i32 to index
    %get3A_762 = arith.constant 48 : index
    %get3A_763 = tpu.vector_load %arg7[%get3A_761, %get3A_762] {strides = array<i32>} : memref<128x64xf32, #tpu.memory_space<vmem>>, vector<16xf32>,
    %bitcast3A_764 = vector.bitcast %get3A_763 : vector<16xf32> to vector<32xbf16>
    %get3A_765 = arith.constant 13 : i32
    %get3A_766 = arith.index_cast %get3A_765 : i32 to index
    %get3A_767 = arith.constant 48 : index
    %get3A_768 = tpu.vector_load %arg8[%get3A_766, %get3A_767] {strides = array<i32>} : memref<128x64xf32, #tpu.memory_space<vmem>>, vector<16xf32>,
    %bitcast3A_769 = vector.bitcast %get3A_768 : vector<16xf32> to vector<32xbf16>
    %mul3A_770 = arith.mulf %bitcast3A_764, %bitcast3A_769 : vector<32xbf16>
    %add3A_771 = arith.addf %add3A_759, %mul3A_770 : vector<32xbf16>
    %unpack3A_772 = tpu.unpack_subelements %add3A_771, 0 {pack_format = #tpu.pack_format<interleaved>} : vector<32xbf16> -> vector<16xf32>
    %unpack3A_773 = tpu.unpack_subelements %add3A_771, 1 {pack_format = #tpu.pack_format<interleaved>} : vector<32xbf16> -> vector<16xf32>
    %add3A_774 = arith.addf %unpack3A_772, %unpack3A_773 : vector<16xf32>
    %swap3A_775 = arith.constant 221 : index
    %swap3A_776 = tpu.vector_load %arg12[%swap3A_775] {strides = array<i32>} : memref<2176xf32, #tpu.memory_space<vmem>>, vector<16xf32>,
    tpu.vector_store %arg12[%swap3A_775], %add3A_774 {strides = array<i32>} : memref<2176xf32, #tpu.memory_space<vmem>>, vector<16xf32>,
    %get3A_777 = arith.constant 14 : i32
    %get3A_778 = arith.index_cast %get3A_777 : i32 to index
    %get3A_779 = arith.constant 0 : index
    %get3A_780 = tpu.vector_load %arg7[%get3A_778, %get3A_779] {strides = array<i32>} : memref<128x64xf32, #tpu.memory_space<vmem>>, vector<16xf32>,
    %bitcast3A_781 = vector.bitcast %get3A_780 : vector<16xf32> to vector<32xbf16>
    %get3A_782 = arith.constant 14 : i32
    %get3A_783 = arith.index_cast %get3A_782 : i32 to index
    %get3A_784 = arith.constant 0 : index
    %get3A_785 = tpu.vector_load %arg8[%get3A_783, %get3A_784] {strides = array<i32>} : memref<128x64xf32, #tpu.memory_space<vmem>>, vector<16xf32>,
    %bitcast3A_786 = vector.bitcast %get3A_785 : vector<16xf32> to vector<32xbf16>
    %mul3A_787 = arith.mulf %bitcast3A_781, %bitcast3A_786 : vector<32xbf16>
    %get3A_788 = arith.constant 14 : i32
    %get3A_789 = arith.index_cast %get3A_788 : i32 to index
    %get3A_790 = arith.constant 16 : index
    %get3A_791 = tpu.vector_load %arg7[%get3A_789, %get3A_790] {strides = array<i32>} : memref<128x64xf32, #tpu.memory_space<vmem>>, vector<16xf32>,
    %bitcast3A_792 = vector.bitcast %get3A_791 : vector<16xf32> to vector<32xbf16>
    %get3A_793 = arith.constant 14 : i32
    %get3A_794 = arith.index_cast %get3A_793 : i32 to index
    %get3A_795 = arith.constant 16 : index
    %get3A_796 = tpu.vector_load %arg8[%get3A_794, %get3A_795] {strides = array<i32>} : memref<128x64xf32, #tpu.memory_space<vmem>>, vector<16xf32>,
    %bitcast3A_797 = vector.bitcast %get3A_796 : vector<16xf32> to vector<32xbf16>
    %mul3A_798 = arith.mulf %bitcast3A_792, %bitcast3A_797 : vector<32xbf16>
    %add3A_799 = arith.addf %mul3A_787, %mul3A_798 : vector<32xbf16>
    %get3A_800 = arith.constant 14 : i32
    %get3A_801 = arith.index_cast %get3A_800 : i32 to index
    %get3A_802 = arith.constant 32 : index
    %get3A_803 = tpu.vector_load %arg7[%get3A_801, %get3A_802] {strides = array<i32>} : memref<128x64xf32, #tpu.memory_space<vmem>>, vector<16xf32>,
    %bitcast3A_804 = vector.bitcast %get3A_803 : vector<16xf32> to vector<32xbf16>
    %get3A_805 = arith.constant 14 : i32
    %get3A_806 = arith.index_cast %get3A_805 : i32 to index
    %get3A_807 = arith.constant 32 : index
    %get3A_808 = tpu.vector_load %arg8[%get3A_806, %get3A_807] {strides = array<i32>} : memref<128x64xf32, #tpu.memory_space<vmem>>, vector<16xf32>,
    %bitcast3A_809 = vector.bitcast %get3A_808 : vector<16xf32> to vector<32xbf16>
    %mul3A_810 = arith.mulf %bitcast3A_804, %bitcast3A_809 : vector<32xbf16>
    %add3A_811 = arith.addf %add3A_799, %mul3A_810 : vector<32xbf16>
    %get3A_812 = arith.constant 14 : i32
    %get3A_813 = arith.index_cast %get3A_812 : i32 to index
    %get3A_814 = arith.constant 48 : index
    %get3A_815 = tpu.vector_load %arg7[%get3A_813, %get3A_814] {strides = array<i32>} : memref<128x64xf32, #tpu.memory_space<vmem>>, vector<16xf32>,
    %bitcast3A_816 = vector.bitcast %get3A_815 : vector<16xf32> to vector<32xbf16>
    %get3A_817 = arith.constant 14 : i32
    %get3A_818 = arith.index_cast %get3A_817 : i32 to index
    %get3A_819 = arith.constant 48 : index
    %get3A_820 = tpu.vector_load %arg8[%get3A_818, %get3A_819] {strides = array<i32>} : memref<128x64xf32, #tpu.memory_space<vmem>>, vector<16xf32>,
    %bitcast3A_821 = vector.bitcast %get3A_820 : vector<16xf32> to vector<32xbf16>
    %mul3A_822 = arith.mulf %bitcast3A_816, %bitcast3A_821 : vector<32xbf16>
    %add3A_823 = arith.addf %add3A_811, %mul3A_822 : vector<32xbf16>
    %unpack3A_824 = tpu.unpack_subelements %add3A_823, 0 {pack_format = #tpu.pack_format<interleaved>} : vector<32xbf16> -> vector<16xf32>
    %unpack3A_825 = tpu.unpack_subelements %add3A_823, 1 {pack_format = #tpu.pack_format<interleaved>} : vector<32xbf16> -> vector<16xf32>
    %add3A_826 = arith.addf %unpack3A_824, %unpack3A_825 : vector<16xf32>
    %swap3A_827 = arith.constant 238 : index
    %swap3A_828 = tpu.vector_load %arg12[%swap3A_827] {strides = array<i32>} : memref<2176xf32, #tpu.memory_space<vmem>>, vector<16xf32>,
    tpu.vector_store %arg12[%swap3A_827], %add3A_826 {strides = array<i32>} : memref<2176xf32, #tpu.memory_space<vmem>>, vector<16xf32>,
    %get3A_829 = arith.constant 15 : i32
    %get3A_830 = arith.index_cast %get3A_829 : i32 to index
    %get3A_831 = arith.constant 0 : index
    %get3A_832 = tpu.vector_load %arg7[%get3A_830, %get3A_831] {strides = array<i32>} : memref<128x64xf32, #tpu.memory_space<vmem>>, vector<16xf32>,
    %bitcast3A_833 = vector.bitcast %get3A_832 : vector<16xf32> to vector<32xbf16>
    %get3A_834 = arith.constant 15 : i32
    %get3A_835 = arith.index_cast %get3A_834 : i32 to index
    %get3A_836 = arith.constant 0 : index
    %get3A_837 = tpu.vector_load %arg8[%get3A_835, %get3A_836] {strides = array<i32>} : memref<128x64xf32, #tpu.memory_space<vmem>>, vector<16xf32>,
    %bitcast3A_838 = vector.bitcast %get3A_837 : vector<16xf32> to vector<32xbf16>
    %mul3A_839 = arith.mulf %bitcast3A_833, %bitcast3A_838 : vector<32xbf16>
    %get3A_840 = arith.constant 15 : i32
    %get3A_841 = arith.index_cast %get3A_840 : i32 to index
    %get3A_842 = arith.constant 16 : index
    %get3A_843 = tpu.vector_load %arg7[%get3A_841, %get3A_842] {strides = array<i32>} : memref<128x64xf32, #tpu.memory_space<vmem>>, vector<16xf32>,
    %bitcast3A_844 = vector.bitcast %get3A_843 : vector<16xf32> to vector<32xbf16>
    %get3A_845 = arith.constant 15 : i32
    %get3A_846 = arith.index_cast %get3A_845 : i32 to index
    %get3A_847 = arith.constant 16 : index
    %get3A_848 = tpu.vector_load %arg8[%get3A_846, %get3A_847] {strides = array<i32>} : memref<128x64xf32, #tpu.memory_space<vmem>>, vector<16xf32>,
    %bitcast3A_849 = vector.bitcast %get3A_848 : vector<16xf32> to vector<32xbf16>
    %mul3A_850 = arith.mulf %bitcast3A_844, %bitcast3A_849 : vector<32xbf16>
    %add3A_851 = arith.addf %mul3A_839, %mul3A_850 : vector<32xbf16>
    %get3A_852 = arith.constant 15 : i32
    %get3A_853 = arith.index_cast %get3A_852 : i32 to index
    %get3A_854 = arith.constant 32 : index
    %get3A_855 = tpu.vector_load %arg7[%get3A_853, %get3A_854] {strides = array<i32>} : memref<128x64xf32, #tpu.memory_space<vmem>>, vector<16xf32>,
    %bitcast3A_856 = vector.bitcast %get3A_855 : vector<16xf32> to vector<32xbf16>
    %get3A_857 = arith.constant 15 : i32
    %get3A_858 = arith.index_cast %get3A_857 : i32 to index
    %get3A_859 = arith.constant 32 : index
    %get3A_860 = tpu.vector_load %arg8[%get3A_858, %get3A_859] {strides = array<i32>} : memref<128x64xf32, #tpu.memory_space<vmem>>, vector<16xf32>,
    %bitcast3A_861 = vector.bitcast %get3A_860 : vector<16xf32> to vector<32xbf16>
    %mul3A_862 = arith.mulf %bitcast3A_856, %bitcast3A_861 : vector<32xbf16>
    %add3A_863 = arith.addf %add3A_851, %mul3A_862 : vector<32xbf16>
    %get3A_864 = arith.constant 15 : i32
    %get3A_865 = arith.index_cast %get3A_864 : i32 to index
    %get3A_866 = arith.constant 48 : index
    %get3A_867 = tpu.vector_load %arg7[%get3A_865, %get3A_866] {strides = array<i32>} : memref<128x64xf32, #tpu.memory_space<vmem>>, vector<16xf32>,
    %bitcast3A_868 = vector.bitcast %get3A_867 : vector<16xf32> to vector<32xbf16>
    %get3A_869 = arith.constant 15 : i32
    %get3A_870 = arith.index_cast %get3A_869 : i32 to index
    %get3A_871 = arith.constant 48 : index
    %get3A_872 = tpu.vector_load %arg8[%get3A_870, %get3A_871] {strides = array<i32>} : memref<128x64xf32, #tpu.memory_space<vmem>>, vector<16xf32>,
    %bitcast3A_873 = vector.bitcast %get3A_872 : vector<16xf32> to vector<32xbf16>
    %mul3A_874 = arith.mulf %bitcast3A_868, %bitcast3A_873 : vector<32xbf16>
    %add3A_875 = arith.addf %add3A_863, %mul3A_874 : vector<32xbf16>
    %unpack3A_876 = tpu.unpack_subelements %add3A_875, 0 {pack_format = #tpu.pack_format<interleaved>} : vector<32xbf16> -> vector<16xf32>
    %unpack3A_877 = tpu.unpack_subelements %add3A_875, 1 {pack_format = #tpu.pack_format<interleaved>} : vector<32xbf16> -> vector<16xf32>
    %add3A_878 = arith.addf %unpack3A_876, %unpack3A_877 : vector<16xf32>
    %swap3A_879 = arith.constant 255 : index
    %swap3A_880 = tpu.vector_load %arg12[%swap3A_879] {strides = array<i32>} : memref<2176xf32, #tpu.memory_space<vmem>>, vector<16xf32>,
    tpu.vector_store %arg12[%swap3A_879], %add3A_878 {strides = array<i32>} : memref<2176xf32, #tpu.memory_space<vmem>>, vector<16xf32>,
    %gather3A = tpu.vector_load_idx %arg12[%mul3A_5] : memref<2176xf32, #tpu.memory_space<vmem>>[vector<16xi32>], vector<16xf32>,
    %add3A_881 = arith.constant 1 : i32
    %add3A_882 = vector.broadcast %add3A_881 : i32 to vector<16xi32>
    %add3A_883 = arith.addi %mul3A_5, %add3A_882 : vector<16xi32>
    %gather3A_884 = tpu.vector_load_idx %arg12[%add3A_883] : memref<2176xf32, #tpu.memory_space<vmem>>[vector<16xi32>], vector<16xf32>,
    %add3A_885 = arith.addf %gather3A, %gather3A_884 : vector<16xf32>
    %add3A_886 = arith.constant 2 : i32
    %add3A_887 = vector.broadcast %add3A_886 : i32 to vector<16xi32>
    %add3A_888 = arith.addi %mul3A_5, %add3A_887 : vector<16xi32>
    %gather3A_889 = tpu.vector_load_idx %arg12[%add3A_888] : memref<2176xf32, #tpu.memory_space<vmem>>[vector<16xi32>], vector<16xf32>,
    %add3A_890 = arith.addf %add3A_885, %gather3A_889 : vector<16xf32>
    %add3A_891 = arith.constant 3 : i32
    %add3A_892 = vector.broadcast %add3A_891 : i32 to vector<16xi32>
    %add3A_893 = arith.addi %mul3A_5, %add3A_892 : vector<16xi32>
    %gather3A_894 = tpu.vector_load_idx %arg12[%add3A_893] : memref<2176xf32, #tpu.memory_space<vmem>>[vector<16xi32>], vector<16xf32>,
    %add3A_895 = arith.addf %add3A_890, %gather3A_894 : vector<16xf32>
    %add3A_896 = arith.constant 4 : i32
    %add3A_897 = vector.broadcast %add3A_896 : i32 to vector<16xi32>
    %add3A_898 = arith.addi %mul3A_5, %add3A_897 : vector<16xi32>
    %gather3A_899 = tpu.vector_load_idx %arg12[%add3A_898] : memref<2176xf32, #tpu.memory_space<vmem>>[vector<16xi32>], vector<16xf32>,
    %add3A_900 = arith.addf %add3A_895, %gather3A_899 : vector<16xf32>
    %add3A_901 = arith.constant 5 : i32
    %add3A_902 = vector.broadcast %add3A_901 : i32 to vector<16xi32>
    %add3A_903 = arith.addi %mul3A_5, %add3A_902 : vector<16xi32>
    %gather3A_904 = tpu.vector_load_idx %arg12[%add3A_903] : memref<2176xf32, #tpu.memory_space<vmem>>[vector<16xi32>], vector<16xf32>,
    %add3A_905 = arith.addf %add3A_900, %gather3A_904 : vector<16xf32>
    %add3A_906 = arith.constant 6 : i32
    %add3A_907 = vector.broadcast %add3A_906 : i32 to vector<16xi32>
    %add3A_908 = arith.addi %mul3A_5, %add3A_907 : vector<16xi32>
    %gather3A_909 = tpu.vector_load_idx %arg12[%add3A_908] : memref<2176xf32, #tpu.memory_space<vmem>>[vector<16xi32>], vector<16xf32>,
    %add3A_910 = arith.addf %add3A_905, %gather3A_909 : vector<16xf32>
    %add3A_911 = arith.constant 7 : i32
    %add3A_912 = vector.broadcast %add3A_911 : i32 to vector<16xi32>
    %add3A_913 = arith.addi %mul3A_5, %add3A_912 : vector<16xi32>
    %gather3A_914 = tpu.vector_load_idx %arg12[%add3A_913] : memref<2176xf32, #tpu.memory_space<vmem>>[vector<16xi32>], vector<16xf32>,
    %add3A_915 = arith.addf %add3A_910, %gather3A_914 : vector<16xf32>
    %add3A_916 = arith.constant 8 : i32
    %add3A_917 = vector.broadcast %add3A_916 : i32 to vector<16xi32>
    %add3A_918 = arith.addi %mul3A_5, %add3A_917 : vector<16xi32>
    %gather3A_919 = tpu.vector_load_idx %arg12[%add3A_918] : memref<2176xf32, #tpu.memory_space<vmem>>[vector<16xi32>], vector<16xf32>,
    %add3A_920 = arith.addf %add3A_915, %gather3A_919 : vector<16xf32>
    %add3A_921 = arith.constant 9 : i32
    %add3A_922 = vector.broadcast %add3A_921 : i32 to vector<16xi32>
    %add3A_923 = arith.addi %mul3A_5, %add3A_922 : vector<16xi32>
    %gather3A_924 = tpu.vector_load_idx %arg12[%add3A_923] : memref<2176xf32, #tpu.memory_space<vmem>>[vector<16xi32>], vector<16xf32>,
    %add3A_925 = arith.addf %add3A_920, %gather3A_924 : vector<16xf32>
    %add3A_926 = arith.constant 10 : i32
    %add3A_927 = vector.broadcast %add3A_926 : i32 to vector<16xi32>
    %add3A_928 = arith.addi %mul3A_5, %add3A_927 : vector<16xi32>
    %gather3A_929 = tpu.vector_load_idx %arg12[%add3A_928] : memref<2176xf32, #tpu.memory_space<vmem>>[vector<16xi32>], vector<16xf32>,
    %add3A_930 = arith.addf %add3A_925, %gather3A_929 : vector<16xf32>
    %add3A_931 = arith.constant 11 : i32
    %add3A_932 = vector.broadcast %add3A_931 : i32 to vector<16xi32>
    %add3A_933 = arith.addi %mul3A_5, %add3A_932 : vector<16xi32>
    %gather3A_934 = tpu.vector_load_idx %arg12[%add3A_933] : memref<2176xf32, #tpu.memory_space<vmem>>[vector<16xi32>], vector<16xf32>,
    %add3A_935 = arith.addf %add3A_930, %gather3A_934 : vector<16xf32>
    %add3A_936 = arith.constant 12 : i32
    %add3A_937 = vector.broadcast %add3A_936 : i32 to vector<16xi32>
    %add3A_938 = arith.addi %mul3A_5, %add3A_937 : vector<16xi32>
    %gather3A_939 = tpu.vector_load_idx %arg12[%add3A_938] : memref<2176xf32, #tpu.memory_space<vmem>>[vector<16xi32>], vector<16xf32>,
    %add3A_940 = arith.addf %add3A_935, %gather3A_939 : vector<16xf32>
    %add3A_941 = arith.constant 13 : i32
    %add3A_942 = vector.broadcast %add3A_941 : i32 to vector<16xi32>
    %add3A_943 = arith.addi %mul3A_5, %add3A_942 : vector<16xi32>
    %gather3A_944 = tpu.vector_load_idx %arg12[%add3A_943] : memref<2176xf32, #tpu.memory_space<vmem>>[vector<16xi32>], vector<16xf32>,
    %add3A_945 = arith.addf %add3A_940, %gather3A_944 : vector<16xf32>
    %add3A_946 = arith.constant 14 : i32
    %add3A_947 = vector.broadcast %add3A_946 : i32 to vector<16xi32>
    %add3A_948 = arith.addi %mul3A_5, %add3A_947 : vector<16xi32>
    %gather3A_949 = tpu.vector_load_idx %arg12[%add3A_948] : memref<2176xf32, #tpu.memory_space<vmem>>[vector<16xi32>], vector<16xf32>,
    %add3A_950 = arith.addf %add3A_945, %gather3A_949 : vector<16xf32>
    %add3A_951 = arith.constant 15 : i32
    %add3A_952 = vector.broadcast %add3A_951 : i32 to vector<16xi32>
    %add3A_953 = arith.addi %mul3A_5, %add3A_952 : vector<16xi32>
    %gather3A_954 = tpu.vector_load_idx %arg12[%add3A_953] : memref<2176xf32, #tpu.memory_space<vmem>>[vector<16xi32>], vector<16xf32>,
    %add3A_955 = arith.addf %add3A_950, %gather3A_954 : vector<16xf32>
    %swap3A_956 = arith.constant 9984 : index
    %swap3A_957 = tpu.vector_load %arg11[%swap3A_956] {strides = array<i32>} : memref<10000xf32, #tpu.memory_space<vmem>>, vector<16xf32>,
    tpu.vector_store %arg11[%swap3A_956], %add3A_955 {strides = array<i32>} : memref<10000xf32, #tpu.memory_space<vmem>>, vector<16xf32>,
    "tpu.region"() ({
      %run_scoped3A = tpu.sem_alloc : memref<!tpu.dma_semaphore, #tpu.memory_space<semaphore_mem>>
      %dma_start3A_958 = tpu.memref_slice %arg4[%mul3A_2] : memref<320000xf32, #tpu.memory_space<hbm>> -> memref<10000xf32, #tpu.memory_space<hbm>>
      %dma_start3A_959 = tpu.memref_slice %arg4[%mul3A_2] : memref<320000xf32, #tpu.memory_space<hbm>> -> memref<10000xf32, #tpu.memory_space<hbm>>
      tpu.enqueue_dma source(%arg11 : memref<10000xf32, #tpu.memory_space<vmem>>) target(%dma_start3A_959 : memref<10000xf32, #tpu.memory_space<hbm>>) target_semaphore(%run_scoped3A : memref<!tpu.dma_semaphore, #tpu.memory_space<semaphore_mem>>)
      %dma_wait3A_960 = tpu.memref_slice %arg4[%mul3A_2] : memref<320000xf32, #tpu.memory_space<hbm>> -> memref<10000xf32, #tpu.memory_space<hbm>>
      %dma_wait3A_961 = tpu.memref_slice %arg4[%mul3A_2] : memref<320000xf32, #tpu.memory_space<hbm>> -> memref<10000xf32, #tpu.memory_space<hbm>>
      tpu.wait_dma2 semaphore(%run_scoped3A : memref<!tpu.dma_semaphore, #tpu.memory_space<semaphore_mem>>) src(%arg11 : memref<10000xf32, #tpu.memory_space<vmem>>) dst(%dma_wait3A_961 : memref<10000xf32, #tpu.memory_space<hbm>>)
      tpu.yield
    }) : () -> ()
    return
  }
}

module attributes {stable_mosaic.version = 14 : i64} {
  func.func @_encode_body(%arg0: i32, %arg1: memref<1000x128xf32, #tpu.memory_space<vmem>>, %arg2: memref<128x256xf32, #tpu.memory_space<vmem>>, %arg3: memref<1x256xf32, #tpu.memory_space<vmem>>, %arg4: memref<256x128xf32, #tpu.memory_space<vmem>>, %arg5: memref<1x128xf32, #tpu.memory_space<vmem>>, %arg6: memref<1000x128xbf16, #tpu.memory_space<vmem>>) attributes {dimension_semantics = [#tpu.dimension_semantics<arbitrary>], iteration_bounds = array<i64: 10>, scalar_prefetch = 0 : i64, scratch_operands = 0 : i64, tpu.core_type = #tpu.core_type<tc>, window_params = [{transform_indices = @transform_0, window_bounds = array<i64: 1000, 128>}, {pipeline_mode = #tpu.pipeline_mode<synchronous>, transform_indices = @transform_1, window_bounds = array<i64: 128, 256>}, {pipeline_mode = #tpu.pipeline_mode<synchronous>, transform_indices = @transform_2, window_bounds = array<i64: 1, 256>}, {pipeline_mode = #tpu.pipeline_mode<synchronous>, transform_indices = @transform_3, window_bounds = array<i64: 256, 128>}, {pipeline_mode = #tpu.pipeline_mode<synchronous>, transform_indices = @transform_4, window_bounds = array<i64: 1, 128>}, {transform_indices = @transform_5, window_bounds = array<i64: 1000, 128>}]} {
    %get3A = arith.constant 0 : index
    %get3A_0 = arith.constant 0 : index
    %get3A_1 = vector.load %arg1[%get3A, %get3A_0] : memref<1000x128xf32, #tpu.memory_space<vmem>>, vector<1000x128xf32>
    %get3A_2 = arith.constant 0 : index
    %get3A_3 = arith.constant 0 : index
    %get3A_4 = vector.load %arg2[%get3A_2, %get3A_3] : memref<128x256xf32, #tpu.memory_space<vmem>>, vector<128x256xf32>
    %dot_general3A = arith.constant dense<0.000000e+00> : vector<1000x256xf32>
    %dot_general3A_5 = tpu.matmul %get3A_1, %get3A_4, %dot_general3A {dimension_numbers = #tpu.dot_dimension_numbers<[1], [0], [0], [1], [0, 0, 1, 1], [], []>, transpose_lhs_hint = false} : vector<1000x128xf32>, vector<128x256xf32>, vector<1000x256xf32> -> vector<1000x256xf32>
    %get3A_6 = arith.constant 0 : index
    %get3A_7 = arith.constant 0 : index
    %get3A_8 = vector.load %arg3[%get3A_6, %get3A_7] : memref<1x256xf32, #tpu.memory_space<vmem>>, vector<1x256xf32>
    %add3A = vector.broadcast %get3A_8 : vector<1x256xf32> to vector<1000x256xf32>
    %add3A_9 = arith.addf %dot_general3A_5, %add3A : vector<1000x256xf32>
    %max3A = arith.constant 0.000000e+00 : f32
    %max3A_10 = vector.broadcast %max3A : f32 to vector<1000x256xf32>
    %max3A_11 = arith.maximumf %add3A_9, %max3A_10 : vector<1000x256xf32>
    %get3A_12 = arith.constant 0 : index
    %get3A_13 = arith.constant 0 : index
    %get3A_14 = vector.load %arg4[%get3A_12, %get3A_13] : memref<256x128xf32, #tpu.memory_space<vmem>>, vector<256x128xf32>
    %dot_general3A_15 = arith.constant dense<0.000000e+00> : vector<1000x128xf32>
    %dot_general3A_16 = tpu.matmul %max3A_11, %get3A_14, %dot_general3A_15 {dimension_numbers = #tpu.dot_dimension_numbers<[1], [0], [0], [1], [0, 0, 1, 1], [], []>, transpose_lhs_hint = false} : vector<1000x256xf32>, vector<256x128xf32>, vector<1000x128xf32> -> vector<1000x128xf32>
    %get3A_17 = arith.constant 0 : index
    %get3A_18 = arith.constant 0 : index
    %get3A_19 = vector.load %arg5[%get3A_17, %get3A_18] : memref<1x128xf32, #tpu.memory_space<vmem>>, vector<1x128xf32>
    %add3A_20 = vector.broadcast %get3A_19 : vector<1x128xf32> to vector<1000x128xf32>
    %add3A_21 = arith.addf %dot_general3A_16, %add3A_20 : vector<1000x128xf32>
    %convert_element_type3A = arith.truncf %add3A_21 : vector<1000x128xf32> to vector<1000x128xbf16>
    %swap3A = arith.constant 0 : index
    %swap3A_22 = arith.constant 0 : index
    %swap3A_23 = vector.load %arg6[%swap3A, %swap3A_22] : memref<1000x128xbf16, #tpu.memory_space<vmem>>, vector<1000x128xbf16>
    tpu.vector_store %arg6[%swap3A, %swap3A_22], %convert_element_type3A {strides = array<i32>} : memref<1000x128xbf16, #tpu.memory_space<vmem>>, vector<1000x128xbf16>,
    return
  }
  func.func @transform_0(%arg0: i32) -> (i32, i32) {
    %c0_i32 = arith.constant 0 : i32
    %c0_i32_0 = arith.constant 0 : i32
    return %arg0, %c0_i32 : i32, i32
  }
  func.func @transform_1(%arg0: i32) -> (i32, i32) {
    %c0_i32 = arith.constant 0 : i32
    %c0_i32_0 = arith.constant 0 : i32
    %c0_i32_1 = arith.constant 0 : i32
    return %c0_i32, %c0_i32_0 : i32, i32
  }
  func.func @transform_2(%arg0: i32) -> (i32, i32) {
    %c0_i32 = arith.constant 0 : i32
    %c0_i32_0 = arith.constant 0 : i32
    %c0_i32_1 = arith.constant 0 : i32
    return %c0_i32, %c0_i32_0 : i32, i32
  }
  func.func @transform_3(%arg0: i32) -> (i32, i32) {
    %c0_i32 = arith.constant 0 : i32
    %c0_i32_0 = arith.constant 0 : i32
    %c0_i32_1 = arith.constant 0 : i32
    return %c0_i32, %c0_i32_0 : i32, i32
  }
  func.func @transform_4(%arg0: i32) -> (i32, i32) {
    %c0_i32 = arith.constant 0 : i32
    %c0_i32_0 = arith.constant 0 : i32
    %c0_i32_1 = arith.constant 0 : i32
    return %c0_i32, %c0_i32_0 : i32, i32
  }
  func.func @transform_5(%arg0: i32) -> (i32, i32) {
    %c0_i32 = arith.constant 0 : i32
    %c0_i32_0 = arith.constant 0 : i32
    return %arg0, %c0_i32 : i32, i32
  }
}

</mosaic_0001>

<sc_bundles>
// kernel: kernel.4.cloned.1.call-start
scs
__scs_entry_jumppad:
0x0: {  	(pc) =	sbr.rel $0x88, $3  }
0x1: {  	(tag) =	ssettag $0x0;
	lr =	simm.s32 $0x1  }
0x2: {  	[smem:$0x3F9B] =	sst lr;
	_ =	strace $0xD0000000  }
0x3: {  	_ = 	snop  }
0x4: {  	_ = 	snop  }
0x5: {  	_ = 	snop  }
0x6: {  	_ = 	snop  }
0x7: {  	_ = 	snop  }
__scs_overlays_trampoline_lowered:
0x8: {  	[smem:$0x3FAA] =	sst s0  }
0x9: {  	[smem:$0x3FAB] =	sst s1  }
0xa: {  	[smem:$0x3FAC] =	sst s2  }
0xb: {  	[smem:$0x3FAD] =	sst s3  }
0xc: {  	[smem:$0x3FAE] =	sst s4  }
0xd: {  	[smem:$0x3FAF] =	sst s5  }
0xe: {  	[smem:$0x3FB0] =	sst s6  }
0xf: {  	[smem:$0x3FB1] =	sst s7  }
0x10: {  	[smem:$0x3FB2] =	sst s8  }
0x11: {  	[smem:$0x3FB3] =	sst s9;
	s0 =	simm.s32 @!p0 $0x0  }
0x12: {  	s1 =	sld [smem:$0x3F99];
	s0 =	simm.s32 @p0 $0x1  }
0x13: {  	[smem:$0x3FB4] =	sst s0;
	s0 =	simm.s32 @!p1 $0x0  }
0x14: {  	s2 =	sld [smem:$0x3F98];
	s0 =	simm.s32 @p1 $0x1  }
0x15: {  	[smem:$0x3FB5] =	sst s0;
	s0 =	simm.s32 @!p2 $0x0  }
0x16: {  	s3 =	sld [smem:$0x3FDB];
	s0 =	simm.s32 @p2 $0x1  }
0x17: {  	s4 =	simm.s32 $0x1BF5;
	[smem:$0x3FB7] =	sst s0  }
0x18: {  	s0 =	sld [smem:$0x3F9A];
	_ =	swait.ge [sflag:s4], $0x0  }
0x19: {  	s7 =	sld [smem:$0x3F9B]  }
0x1a: {  	s8 =	sadd.s32 $0xFFFFE003, lr  }
0x1b: {  	s9 =	sadd.s32 $0xFFFFFEF7, lr;
	s5 =	simm.s32 $0xFFFFFFFF;
	p2 =	slt.u32 s8, $0xFFFFF086  }
0x1c: {  	p1 =	slt.u32 s9, $0xF7A;
	s5 =	simm.s32 @!p2 $0x0  }
0x1d: {  	s5 =	simm.s32 @p1 $0x1;
	p0 =	seq.s32 s7, s2  }
0x1e: {  	s7 =	smul.u32 @!p0 $0xF7A, s2;
	p2 =	seq.s32 @!p0 s5, $0x0  }
0x1f: {  	s9 =	smul.u32 $0xF7A, s1;
	s8 =	simm.s32 @!p0 $0x1BF5;
	p2 =	por !p2, p0  }
0x20: {  	[sflag:s8] =	ssyncset.s32 @!p0 $0xFFFFF086;
	s6 =	sadd.s32 @!p0 s3, s7;
	s7 =	simm.s32 @!p0 $0x108  }
0x21: {  	s3 =	sadd.s32 s3, s9;
	s6 =	sadd.s32 @!p0 $0x88, s6;
	s7 =	simm.s32 @p2 $0x1082  }
0x22: {  	[simem:s7], [sflag:s8] =	dma.local @!p0 [hbm:s6], $0xF7A  }
0x23: {  	s9 =	sor.u32 $0xD0000000, s2;
	s6 =	simm.s32 $0x108;
	_ =	swait.ge @!p0 [sflag:s8], $0x0  }
0x24: {  	s3 =	sadd.s32 $0x88, s3;
	s6 =	simm.s32 @!p1 $0x1082;
	[sflag:s4] =	ssyncset.s32 $0xFFFFF086  }
0x25: {  	[simem:s6], [sflag:s4] =	dma.local [hbm:s3], $0xF7A  }
0x26: {  	[smem:$0x3F9B] =	sst s1;
	(tag) =	ssettag s2;
	_ =	strace s9  }
0x27: {  	s1 =	sld [smem:$0x3FAB]  }
0x28: {  	s2 =	sld [smem:$0x3FAC]  }
0x29: {  	s4 =	sld [smem:$0x3FAE]  }
0x2a: {  	p0 =	seq.s32 s5, $0x0;
	s5 =	sld [smem:$0x3FAF]  }
0x2b: {  	s6 =	sld [smem:$0x3FB0]  }
0x2c: {  	s7 =	sld [smem:$0x3FB1]  }
0x2d: {  	s3 =	simm.s32 $0x108;
	s8 =	sld [smem:$0x3FB2]  }
0x2e: {  	s3 =	simm.s32 @!p0 $0x1082;
	s9 =	sld [smem:$0x3FB3]  }
0x2f: {  	lr =	sadd.s32 s0, s3;
	s0 =	sld [smem:$0x3FAA]  }
0x30: {  	s3 =	sld [smem:$0x3FAD]  }
0x31: {  	[smem:$0x3FB6] =	sst s10  }
0x32: {  	s10 =	sld [smem:$0x3FB4];
	_ =	sdelay $0x3  }
0x33: {  	p0 =	seq.s32 s10, $0x1;
	s10 =	sld [smem:$0x3FB6];
	_ =	sdelay $0x3  }
0x34: {  	[smem:$0x3FB6] =	sst s10  }
0x35: {  	s10 =	sld [smem:$0x3FB5];
	_ =	sdelay $0x3  }
0x36: {  	p1 =	seq.s32 s10, $0x1;
	s10 =	sld [smem:$0x3FB6];
	_ =	sdelay $0x3  }
0x37: {  	[smem:$0x3FB6] =	sst s10  }
0x38: {  	s10 =	sld [smem:$0x3FB7]  }
0x39: {  	_ = 	snop;
	(pc) =	sbr.ind lr, $3  }
0x3a: {  	_ = 	snop  }
0x3b: {  	_ = 	snop  }
0x3c: {  	p2 =	seq.s32 s10, $0x1;
	s10 =	sld [smem:$0x3FB6]  }
0x3d: {  	_ =	shalt  }
0x3e: {  	_ =	shalt  }
0x3f: {  	_ =	shalt  }
0x40: {  	_ =	shalt  }
0x41: {  	_ =	shalt  }
0x42: {  	_ =	shalt  }
0x43: {  	_ =	shalt  }
0x44: {  	_ =	shalt  }
0x45: {  	_ =	shalt  }
0x46: {  	_ =	shalt  }
0x47: {  	_ =	shalt  }
0x48: {  	_ =	shalt  }
0x49: {  	_ =	shalt  }
0x4a: {  	_ =	shalt  }
0x4b: {  	_ =	shalt  }
0x4c: {  	_ =	shalt  }
0x4d: {  	_ =	shalt  }
0x4e: {  	_ =	shalt  }
0x4f: {  	_ =	shalt  }
0x50: {  	_ =	shalt  }
0x51: {  	_ =	shalt  }
0x52: {  	_ =	shalt  }
0x53: {  	_ =	shalt  }
0x54: {  	_ =	shalt  }
0x55: {  	_ =	shalt  }
0x56: {  	_ =	shalt  }
0x57: {  	_ =	shalt  }
0x58: {  	_ =	shalt  }
0x59: {  	_ =	shalt  }
0x5a: {  	_ =	shalt  }
0x5b: {  	_ =	shalt  }
0x5c: {  	_ =	shalt  }
0x5d: {  	_ =	shalt  }
0x5e: {  	_ =	shalt  }
0x5f: {  	_ =	shalt  }
0x60: {  	_ =	shalt  }
0x61: {  	_ =	shalt  }
0x62: {  	_ =	shalt  }
0x63: {  	_ =	shalt  }
0x64: {  	_ =	shalt  }
0x65: {  	_ =	shalt  }
0x66: {  	_ =	shalt  }
0x67: {  	_ =	shalt  }
0x68: {  	_ =	shalt  }
0x69: {  	_ =	shalt  }
0x6a: {  	_ =	shalt  }
0x6b: {  	_ =	shalt  }
0x6c: {  	_ =	shalt  }
0x6d: {  	_ =	shalt  }
0x6e: {  	_ =	shalt  }
0x6f: {  	_ =	shalt  }
0x70: {  	_ =	shalt  }
0x71: {  	_ =	shalt  }
0x72: {  	_ =	shalt  }
0x73: {  	_ =	shalt  }
0x74: {  	_ =	shalt  }
0x75: {  	_ =	shalt  }
0x76: {  	_ =	shalt  }
0x77: {  	_ =	shalt  }
0x78: {  	_ =	shalt  }
0x79: {  	_ =	shalt  }
0x7a: {  	_ =	shalt  }
0x7b: {  	_ =	shalt  }
0x7c: {  	_ =	shalt  }
0x7d: {  	_ =	shalt  }
0x7e: {  	_ =	shalt  }
0x7f: {  	_ =	shalt  }
0x80: {  	_ =	shalt  }
0x81: {  	_ =	shalt  }
0x82: {  	_ =	shalt  }
0x83: {  	_ =	shalt  }
0x84: {  	_ =	shalt  }
0x85: {  	_ =	shalt  }
0x86: {  	_ =	shalt  }
0x87: {  	_ =	shalt  }
.Lfunc_end0:
.L_simem_size_0:
called_computation_lowered:
.L_overlay_start_0:
0x88: {  	s2 =	sld [smem:$0x3FD9]  }
0x89: {  	s3 =	sld [smem:$0x3FFE];
	_ =	sdelay $0x1  }
0x8a: {  	s1 =	srdreg.scid  }
0x8b: {  	s0 =	sand.u32 $0x1, s1  }
0x8c: {  	s17 =	sshll.u32 s0, $0xA;
	s2 =	sadd.s32 s3, s2  }
0x8d: {  	s2 =	sadd.s32 s2, s17  }
0x8e: {  	[smem:$0x3FC2] =	sst s2  }
0x8f: {  	_ = 	snop  }
0x90: {  	s2 =	sld [smem:$0x3FD0];
	(tm) =	ssettm $0x1  }
0x91: {  	s18 =	sld [smem:$0x3FFB];
	_ =	sdelay $0x3  }
0x92: {  	_ =	strace s18  }
0x93: {  	s3 =	sld [smem:$0x3FFC];
	_ =	sdelay $0x3  }
0x94: {  	_ =	strace s3  }
0x95: {  	s3 =	sld [smem:$0x3FFD];
	_ =	sdelay $0x3  }
0x96: {  	_ =	strace s3  }
0x97: {  	_ =	strace $0x8FFFFFFF  }
0x98: {  	s19 =	sld [smem:$0x3FDB];
	_ =	sdelay $0x1  }
0x99: {  	s4 =	simm.s32 $_scs_section_size  }
0x9a: {  	s5 =	simm.s32 $_size__tile_overlayer_lowered;
	s6 =	simm.s32 $_tile_overlayer_lowered  }
0x9b: {  	s22 =	simm.s32 $0x1BFF;
	s21 =	sshll.u32 s6, $0x1;
	s3 =	sadd.s32 s4, s19  }
0x9c: {  	s7 =	simm.s32 $0x0;
	s20 =	sshll.u32 s5, $0x1;
	s5 =	sadd.s32 s21, s3  }
0x9d: {  	[timem:s7], [sflag:s22] =	dma.local [hbm:s5], s20  }
0x9e: {  	_ =	swait.ge [sflag:s22], s20  }
0x9f: {  	s4 =	ssub.s32 $0x0, s20;
	[sflag:s22] =	ssyncset.done $0x0  }
0xa0: {  	[sflag:s22] =	ssyncadd.s32 s4;
	_ =	sdelay $0x1  }
0xa1: {  	s23 =	simm.s32 $0x1B8B  }
0xa2: {  	_ =	swait.ge [sflag:s23], $0x1  }
0xa3: {  	[sflag:s23] =	ssyncset.done $0x0  }
0xa4: {  	s25 =	simm.s32 $0x1B8E;
	s24 =	sld [smem:$0x3FFE];
	[sflag:s23] =	ssyncadd.s32 $0xFFFFFFFF  }
0xa5: {  	s26 =	simm.s32 $execute0_lowered;
	[smem:$0x3FD2] =	sst s25  }
0xa6: {  	s5 =	sshll.u32 s26, $0x1;
	_ =	strace $0x80000046;
	[dreg:$0x1] =	wrdreg $0xFFFFFFFF  }
0xa7: {  	s28 =	simm.s32 $_size_execute0_lowered;
	s3 =	sadd.s32 s3, s5;
	[dreg:$0x0] =	wrdreg $0x0  }
0xa8: {  	s5 =	sshll.u32 s28, $0x1;
	[dreg:$0x2] =	wrdreg s3  }
0xa9: {  	[dreg:$0x3] =	wrdreg s5  }
0xaa: {  	[dreg:$0x4] =	wrdreg $0xC0  }
0xab: {  	_ =	task [dreg:s7], $0x5FFFF  }
0xac: {  	[dreg:$0x1] =	wrdreg $0xFFFFFFFF  }
0xad: {  	[dreg:$0x0] =	wrdreg $0x60  }
0xae: {  	[dreg:$0x2] =	wrdreg s24  }
0xaf: {  	[dreg:$0x3] =	wrdreg s2  }
0xb0: {  	[dreg:$0x4] =	wrdreg $0x9  }
0xb1: {  	_ =	task.clear_ibuf [dreg:s7], $0x5FFFF;
	_ =	strace $0x90000046  }
0xb2: {  	s29 =	simm.s32 $0x9;
	_ =	strace $0x80000048  }
0xb3: {  	_ =	swait.ge [sflag:s29], $0x1  }
0xb4: {  	[sflag:s29] =	ssyncadd.s32 $0xFFFFFFFF  }
0xb5: {  	_ =	strace $0x90000048  }
0xb6: {  	_ =	sfence  }
0xb7: {  	s30 =	sld [smem:$0x0];
	_ =	sdelay $0x2  }
0xb8: {  	s31 =	sshll.u32 s1, $0xD;
	s1 =	sshrl.u32 s1, $0x2  }
0xb9: {  	s3 =	sand.u32 $0x4000, s31;
	s1 =	sadd.s32 s1, s30  }
0xba: {  	s0 =	sor.u32 s3, s0;
	s1 =	sshll.u32 s1, $0x11  }
0xbb: {  	s0 =	sor.u32 s1, s0  }
0xbc: {  	s0 =	sadd.s32 $0x8F2B, s0  }
0xbd: {  	[sflag:s0] =	ssyncadd.remote.s32 $0x1  }
0xbe: {  	_ =	sfence.sel $0xFFFF  }
0xbf: {  	[dreg:$0x0] =	wrdreg $0xFFFFFFFF;
	(pc) =	sbr.abs _section_cstart, $3  }
0xc0: {  	[dreg:$0x1] =	wrdreg $0xFFFFFFFF  }
0xc1: {  	_ =	task.clear_ibuf [dreg:s7], $0x2FFFF;
	_ =	strace $0x9FFFFFFF  }
0xc2: {  	(tm) =	ssettm $0x7FFFFFFF  }
0xc3: {  	_ =	shalt  }
tec
execute0_lowered:
.L_overlay_start_1:
0x0: {  	(tag) =	ssettag $0x1  }
0x1: {  	s1 =	srdreg.scid;
	v1 =	vlaneseq.u32;
	v2 =	vimm.s32 $0x7654321;
	v4 =	vimm.s32 $0x10765432  }
0x2: {  	s0 =	stileid.u32;
	s3 =	rddreg [dreg:$0x0];
	v6 =	vimm.s32 $0x21076543;
	v8 =	vimm.s32 $0x32107654;
	v10 =	vimm.s32 $0x43210765  }
0x3: {  	s6 =	rddreg [dreg:$0x1];
	v12 =	vimm.s32 $0x65432107;
	s8 =	simm.s32 $0x3;
	s9 =	simm.s32 $0x2710;
	v0 =	vmul.u32 $0x11, v1;
	v1 =	vand.u32 $0x7, v1  }
0x4: {  	s10 =	simm.s32 $0x80;
	s11 =	simm.s32 $0x4E20;
	s12 =	simm.s32 $0x6E20;
	v3 =	vunpack.c.l.s4.s8 v2;
	v5 =	vunpack.c.l.s4.s8 v4;
	v7 =	vunpack.c.l.s4.s8 v6  }
0x5: {  	s13 =	simm.s32 $0x8E20;
	s14 =	simm.s32 $0xAE20;
	s15 =	simm.s32 $0x1;
	v9 =	vunpack.c.l.s4.s8 v8;
	v11 =	vunpack.c.l.s4.s8 v10;
	v10 =	vimm.s32 $0x54321076  }
0x6: {  	s16 =	simm.s32 $0xF530;
	s17 =	simm.s32 $0x2;
	s18 =	simm.s32 $0x10;
	v15 =	vunpack.c.l.s4.s8 v12;
	v13 =	vunpack.c.l.s4.s8 v10;
	v2 =	vadd.s32 $0x1, v0  }
0x7: {  	s19 =	simm.s32 $0x2700;
	s1 =	sand.u32 $0x1, s1;
	s2 =	sshll.u32 s0, $0x1;
	v3 =	vunpack.c.0.s8.s32 v3;
	v4 =	vadd.s32 $0x2, v0;
	v5 =	vunpack.c.0.s8.s32 v5  }
0x8: {  	s20 =	simm.s32 $0x4E10;
	s21 =	simm.s32 $0xCE20;
	s2 =	sor.u32 s1, s2;
	v6 =	vadd.s32 $0x3, v0;
	v7 =	vunpack.c.0.s8.s32 v7;
	v8 =	vadd.s32 $0x4, v0  }
0x9: {  	s1 =	ssub.s32 $0x2, s1;
	s4 =	smul.u32 $0x2710, s2;
	s2 =	simm.s32 $0x0;
	v9 =	vunpack.c.0.s8.s32 v9;
	v10 =	vadd.s32 $0x5, v0;
	v11 =	vunpack.c.0.s8.s32 v11  }
0xa: {  	s22 =	simm.s32 $0x0;
	s31 =	sshrl.u32 s1, $0x1;
	v12 =	vadd.s32 $0x6, v0;
	v14 =	vadd.s32 $0x7, v0;
	v15 =	vunpack.c.0.s8.s32 v15;
	[smem:$0x7FF] =	sst s2  }
0xb: {  	v16 =	vadd.s32 $0x8, v0;
	v17 =	vadd.s32 $0x9, v0;
	v18 =	vadd.s32 $0xA, v0;
	s1 =	ssub.s32 s1, s31;
	s7 =	sshrl.u32 s4, $0x3;
	_ =	strace $0x80000047  }
0xc: {  	v19 =	vadd.s32 $0xB, v0;
	v20 =	vadd.s32 $0xC, v0;
	v21 =	vadd.s32 $0xD, v0;
	s5 =	sadd.s32 s7, s3;
	s3 =	sadd.s32 $0xC00, s3;
	s6 =	sadd.s32 s6, s7  }
0xd: {  	v22 =	vadd.s32 $0xE, v0;
	v23 =	vadd.s32 $0xF, v0;
	v13 =	vunpack.c.0.s8.s32 v13;
	s7 =	smax.u32 s1, $0x1;
	s4 =	sadd.s32 $0x14600, s5;
	s5 =	sadd.s32 $0x1E240, s5  }
.LBB2_1:
0xe: {  	[tilespmem:s2], [sflag:$0x3] =	stream.linear.gather [hbm4b:s4+s2], $0x2710, $0x38;
	[tilespmem:$0xFDB0] =	vst v63  }
0xf: {  	_ =	swait.ge [sflag:s8], $0x2710  }
0x10: {  	[sflag:s8] =	ssyncset.done $0x0  }
0x11: {  	[sflag:s8] =	ssyncadd.s32 $0xFFFFD8F0  }
0x12: {  	[tilespmem:s9], [sflag:$0x3] =	stream.linear.gather [hbm4b:s5+s2], $0x2710, $0x38;
	[tilespmem:$0xFDB0] =	vst v63  }
0x13: {  	_ =	swait.ge [sflag:s8], $0x2710  }
0x14: {  	[sflag:s8] =	ssyncset.done $0x0  }
0x15: {  	[sflag:s8] =	ssyncadd.s32 $0xFFFFD8F0  }
0x16: {  	[tilespmem:s11], [sflag:$0x1] =	stream.indirect.gather [hbm4b:s3+s10], $0x40, s2, s10, $0xb8;
	[tilespmem:$0xFDB0] =	vst v63  }
0x17: {  	s23 =	simm.s32 $0x0  }
0x18: {  	[tilespmem:s12], [sflag:$0x1] =	stream.indirect.gather [hbm4b:s3+s10], $0x40, s9, s10, $0xb8;
	[tilespmem:$0xFDB0] =	vst v63  }
.LBB2_2:
0x19: {  	s25 =	sshll.u32 s23, $0x8  }
0x1a: {  	s24 =	sor.u32 $0x80, s25  }
0x1b: {  	[tilespmem:s13], [sflag:$0x2] =	stream.indirect.gather [hbm4b:s3+s10], $0x40, s24, s10, $0xb8;
	[tilespmem:$0xFDB0] =	vst v63  }
0x1c: {  	s1 =	sadd.s32 $0x2790, s25  }
0x1d: {  	[tilespmem:s14], [sflag:$0x2] =	stream.indirect.gather [hbm4b:s3+s10], $0x40, s1, s10, $0xb8;
	[tilespmem:$0xFDB0] =	vst v63  }
0x1e: {  	_ =	swait.ge [sflag:s15], $0x2000  }
0x1f: {  	[sflag:s15] =	ssyncset.done $0x0  }
0x20: {  	[sflag:s15] =	ssyncadd.s32 $0xFFFFE000  }
0x21: {  	_ =	swait.ge [sflag:s15], $0x2000  }
0x22: {  	s31 =	sadd.s32 $0xCE20, s25;
	[sflag:s15] =	ssyncset.done $0x0  }
0x23: {  	s26 =	simm.s32 $0x0;
	v24 =	vmov s31;
	[sflag:s15] =	ssyncadd.s32 $0xFFFFE000  }
.LBB2_3:
0x24: {  	s1 =	sshll.u32 s26, $0xA  }
0x25: {  	v25 =	vld [tilespmem:s1+$0x4E20]  }
0x26: {  	v26 =	vld [tilespmem:s1+$0x6E20]  }
0x27: {  	v27 =	vld [tilespmem:s1+$0x4E30]  }
0x28: {  	v28 =	vld [tilespmem:s1+$0x6E30]  }
0x29: {  	v29 =	vld [tilespmem:s1+$0x4E40]  }
0x2a: {  	v30 =	vld [tilespmem:s1+$0x6E40]  }
0x2b: {  	v31 =	vld [tilespmem:s1+$0x4E50]  }
0x2c: {  	v32 =	vld [tilespmem:s1+$0x6E50]  }
0x2d: {  	v25 =	vmul.bf16 v26, v25;
	v26 =	vmul.bf16 v28, v27;
	_ =	sdelay $0x1  }
0x2e: {  	v25 =	vadd.bf16 v26, v25;
	v26 =	vmul.bf16 v30, v29;
	_ =	sdelay $0x1  }
0x2f: {  	v25 =	vadd.bf16 v26, v25;
	v26 =	vmul.bf16 v32, v31;
	_ =	sdelay $0x1  }
0x30: {  	v25 =	vadd.bf16 v26, v25;
	_ =	sdelay $0x1  }
0x31: {  	v26 =	vunpack.i.u.bf16.f32 v25;
	v25 =	vunpack.i.l.bf16.f32 v25  }
0x32: {  	s29 =	smul.u32 $0x110, s26;
	v25 =	vadd.f32 v25, v26;
	_ =	sdelay $0x1  }
0x33: {  	[tilespmem:s29+$0xF530] =	vst v25  }
0x34: {  	v25 =	vld [tilespmem:s1+$0x4E60]  }
0x35: {  	v26 =	vld [tilespmem:s1+$0x6E60]  }
0x36: {  	v27 =	vld [tilespmem:s1+$0x4E70]  }
0x37: {  	v42 =	vld [tilespmem:s1+$0x6E70]  }
0x38: {  	v43 =	vld [tilespmem:s1+$0x4E80]  }
0x39: {  	v44 =	vld [tilespmem:s1+$0x6E80]  }
0x3a: {  	v45 =	vld [tilespmem:s1+$0x4E90]  }
0x3b: {  	s28 =	sor.u32 $0x1, s26;
	v46 =	vld [tilespmem:s1+$0x6E90]  }
0x3c: {  	s31 =	sshll.u32 s28, $0xA;
	v25 =	vmul.bf16 v26, v25;
	v26 =	vmul.bf16 v42, v27  }
0x3d: {  	v47 =	vld [tilespmem:s31+$0x6E20]  }
0x3e: {  	v48 =	vld [tilespmem:s31+$0x4E30];
	v25 =	vadd.bf16 v26, v25;
	v26 =	vmul.bf16 v44, v43  }
0x3f: {  	v49 =	vld [tilespmem:s31+$0x6E30]  }
0x40: {  	v27 =	vld [tilespmem:s31+$0x4E20];
	v25 =	vadd.bf16 v26, v25;
	v26 =	vmul.bf16 v46, v45  }
0x41: {  	v50 =	vld [tilespmem:s31+$0x4E40]  }
0x42: {  	v25 =	vadd.bf16 v26, v25;
	v26 =	vld [tilespmem:s31+$0x6E40]  }
0x43: {  	v51 =	vld [tilespmem:s31+$0x4E50]  }
0x44: {  	v34 =	vld [tilespmem:s31+$0x6E50];
	v33 =	vunpack.i.u.bf16.f32 v25;
	v25 =	vunpack.i.l.bf16.f32 v25  }
0x45: {  	v52 =	vmul.bf16 v49, v48;
	v27 =	vmul.bf16 v47, v27;
	v25 =	vadd.f32 v25, v33;
	_ =	sdelay $0x1  }
0x46: {  	[tilespmem:s29+$0xF541] =	vst v25;
	v25 =	vadd.bf16 v52, v27;
	v26 =	vmul.bf16 v26, v50  }
0x47: {  	v27 =	vld [tilespmem:s1+$0x4EA0]  }
0x48: {  	v53 =	vld [tilespmem:s1+$0x6EA0];
	v25 =	vadd.bf16 v26, v25;
	v26 =	vmul.bf16 v34, v51  }
0x49: {  	v54 =	vld [tilespmem:s1+$0x4EB0]  }
0x4a: {  	v55 =	vld [tilespmem:s1+$0x6EB0];
	v25 =	vadd.bf16 v26, v25  }
0x4b: {  	v56 =	vld [tilespmem:s1+$0x6EC0]  }
0x4c: {  	v26 =	vld [tilespmem:s1+$0x4EC0];
	v57 =	vunpack.i.u.bf16.f32 v25;
	v25 =	vunpack.i.l.bf16.f32 v25  }
0x4d: {  	s30 =	smul.u32 $0x110, s28;
	v58 =	vld [tilespmem:s1+$0x4ED0];
	v25 =	vadd.f32 v25, v57  }
0x4e: {  	v59 =	vld [tilespmem:s1+$0x6ED0]  }
0x4f: {  	v27 =	vmul.bf16 v53, v27;
	v60 =	vmul.bf16 v55, v54;
	[tilespmem:s30+$0xF530] =	vst v25  }
0x50: {  	v25 =	vld [tilespmem:s31+$0x4E60]  }
0x51: {  	v27 =	vadd.bf16 v60, v27;
	v26 =	vmul.bf16 v56, v26;
	v61 =	vld [tilespmem:s31+$0x6E60]  }
0x52: {  	v62 =	vld [tilespmem:s31+$0x4E70]  }
0x53: {  	v63 =	vld [tilespmem:s31+$0x6E70];
	v26 =	vadd.bf16 v26, v27;
	v27 =	vmul.bf16 v59, v58  }
0x54: {  	v36 =	vld [tilespmem:s31+$0x4E80]  }
0x55: {  	v26 =	vadd.bf16 v27, v26;
	v27 =	vld [tilespmem:s31+$0x6E80]  }
0x56: {  	v37 =	vld [tilespmem:s31+$0x4E90]  }
0x57: {  	v39 =	vld [tilespmem:s31+$0x6E90];
	v38 =	vunpack.i.u.bf16.f32 v26;
	v26 =	vunpack.i.l.bf16.f32 v26  }
0x58: {  	v25 =	vmul.bf16 v61, v25;
	v40 =	vmul.bf16 v63, v62;
	v26 =	vadd.f32 v26, v38;
	_ =	sdelay $0x1  }
0x59: {  	v25 =	vadd.bf16 v40, v25;
	[tilespmem:s29+$0xF552] =	vst v26;
	v26 =	vmul.bf16 v27, v36  }
0x5a: {  	v27 =	vld [tilespmem:s1+$0x4EE0]  }
0x5b: {  	v41 =	vld [tilespmem:s1+$0x6EE0];
	v25 =	vadd.bf16 v26, v25;
	v26 =	vmul.bf16 v39, v37  }
0x5c: {  	v42 =	vld [tilespmem:s1+$0x4EF0]  }
0x5d: {  	v43 =	vld [tilespmem:s1+$0x6EF0];
	v25 =	vadd.bf16 v26, v25  }
0x5e: {  	v44 =	vld [tilespmem:s1+$0x6F00]  }
0x5f: {  	v26 =	vld [tilespmem:s1+$0x4F00];
	v45 =	vunpack.i.u.bf16.f32 v25;
	v25 =	vunpack.i.l.bf16.f32 v25  }
0x60: {  	v46 =	vld [tilespmem:s1+$0x4F10];
	v25 =	vadd.f32 v25, v45  }
0x61: {  	v47 =	vld [tilespmem:s1+$0x6F10]  }
0x62: {  	v27 =	vmul.bf16 v41, v27;
	v48 =	vmul.bf16 v43, v42;
	[tilespmem:s30+$0xF541] =	vst v25  }
0x63: {  	v25 =	vld [tilespmem:s31+$0x4EA0]  }
0x64: {  	v27 =	vadd.bf16 v48, v27;
	v26 =	vmul.bf16 v44, v26;
	v49 =	vld [tilespmem:s31+$0x6EA0]  }
0x65: {  	v50 =	vld [tilespmem:s31+$0x4EB0]  }
0x66: {  	v51 =	vld [tilespmem:s31+$0x6EB0];
	v26 =	vadd.bf16 v26, v27;
	v27 =	vmul.bf16 v47, v46  }
0x67: {  	v52 =	vld [tilespmem:s31+$0x4EC0]  }
0x68: {  	v26 =	vadd.bf16 v27, v26;
	v27 =	vld [tilespmem:s31+$0x6EC0]  }
0x69: {  	v53 =	vld [tilespmem:s31+$0x4ED0]  }
0x6a: {  	v55 =	vld [tilespmem:s31+$0x6ED0];
	v54 =	vunpack.i.u.bf16.f32 v26;
	v26 =	vunpack.i.l.bf16.f32 v26  }
0x6b: {  	v25 =	vmul.bf16 v49, v25;
	v56 =	vmul.bf16 v51, v50;
	v26 =	vadd.f32 v26, v54;
	_ =	sdelay $0x1  }
0x6c: {  	v25 =	vadd.bf16 v56, v25;
	[tilespmem:s29+$0xF563] =	vst v26;
	v26 =	vmul.bf16 v27, v52  }
0x6d: {  	v27 =	vld [tilespmem:s1+$0x4F20]  }
0x6e: {  	v57 =	vld [tilespmem:s1+$0x6F20];
	v25 =	vadd.bf16 v26, v25;
	v26 =	vmul.bf16 v55, v53  }
0x6f: {  	v58 =	vld [tilespmem:s1+$0x4F30]  }
0x70: {  	v59 =	vld [tilespmem:s1+$0x6F30];
	v25 =	vadd.bf16 v26, v25  }
0x71: {  	v60 =	vld [tilespmem:s1+$0x6F40]  }
0x72: {  	v26 =	vld [tilespmem:s1+$0x4F40];
	v61 =	vunpack.i.u.bf16.f32 v25;
	v25 =	vunpack.i.l.bf16.f32 v25  }
0x73: {  	v62 =	vld [tilespmem:s1+$0x4F50];
	v25 =	vadd.f32 v25, v61  }
0x74: {  	v63 =	vld [tilespmem:s1+$0x6F50]  }
0x75: {  	v27 =	vmul.bf16 v57, v27;
	v36 =	vmul.bf16 v59, v58;
	[tilespmem:s30+$0xF552] =	vst v25  }
0x76: {  	v25 =	vld [tilespmem:s31+$0x4EE0]  }
0x77: {  	v27 =	vadd.bf16 v36, v27;
	v26 =	vmul.bf16 v60, v26;
	v37 =	vld [tilespmem:s31+$0x6EE0]  }
0x78: {  	v38 =	vld [tilespmem:s31+$0x4EF0]  }
0x79: {  	v39 =	vld [tilespmem:s31+$0x6EF0];
	v26 =	vadd.bf16 v26, v27;
	v27 =	vmul.bf16 v63, v62  }
0x7a: {  	v40 =	vld [tilespmem:s31+$0x4F00]  }
0x7b: {  	v26 =	vadd.bf16 v27, v26;
	v27 =	vld [tilespmem:s31+$0x6F00]  }
0x7c: {  	v41 =	vld [tilespmem:s31+$0x4F10]  }
0x7d: {  	v43 =	vld [tilespmem:s31+$0x6F10];
	v42 =	vunpack.i.u.bf16.f32 v26;
	v26 =	vunpack.i.l.bf16.f32 v26  }
0x7e: {  	v25 =	vmul.bf16 v37, v25;
	v44 =	vmul.bf16 v39, v38;
	v26 =	vadd.f32 v26, v42;
	_ =	sdelay $0x1  }
0x7f: {  	v25 =	vadd.bf16 v44, v25;
	[tilespmem:s29+$0xF574] =	vst v26;
	v26 =	vmul.bf16 v27, v40  }
0x80: {  	v27 =	vld [tilespmem:s1+$0x4F60]  }
0x81: {  	v45 =	vld [tilespmem:s1+$0x6F60];
	v25 =	vadd.bf16 v26, v25;
	v26 =	vmul.bf16 v43, v41  }
0x82: {  	v46 =	vld [tilespmem:s1+$0x4F70]  }
0x83: {  	v47 =	vld [tilespmem:s1+$0x6F70];
	v25 =	vadd.bf16 v26, v25  }
0x84: {  	v48 =	vld [tilespmem:s1+$0x6F80]  }
0x85: {  	v26 =	vld [tilespmem:s1+$0x4F80];
	v49 =	vunpack.i.u.bf16.f32 v25;
	v25 =	vunpack.i.l.bf16.f32 v25  }
0x86: {  	v50 =	vld [tilespmem:s1+$0x4F90];
	v25 =	vadd.f32 v25, v49  }
0x87: {  	v51 =	vld [tilespmem:s1+$0x6F90]  }
0x88: {  	v27 =	vmul.bf16 v45, v27;
	v52 =	vmul.bf16 v47, v46;
	[tilespmem:s30+$0xF563] =	vst v25  }
0x89: {  	v25 =	vld [tilespmem:s31+$0x4F20]  }
0x8a: {  	v27 =	vadd.bf16 v52, v27;
	v26 =	vmul.bf16 v48, v26;
	v53 =	vld [tilespmem:s31+$0x6F20]  }
0x8b: {  	v54 =	vld [tilespmem:s31+$0x4F30]  }
0x8c: {  	v55 =	vld [tilespmem:s31+$0x6F30];
	v26 =	vadd.bf16 v26, v27;
	v27 =	vmul.bf16 v51, v50  }
0x8d: {  	v56 =	vld [tilespmem:s31+$0x4F40]  }
0x8e: {  	v26 =	vadd.bf16 v27, v26;
	v27 =	vld [tilespmem:s31+$0x6F40]  }
0x8f: {  	v57 =	vld [tilespmem:s31+$0x4F50]  }
0x90: {  	v59 =	vld [tilespmem:s31+$0x6F50];
	v58 =	vunpack.i.u.bf16.f32 v26;
	v26 =	vunpack.i.l.bf16.f32 v26  }
0x91: {  	v25 =	vmul.bf16 v53, v25;
	v60 =	vmul.bf16 v55, v54;
	v26 =	vadd.f32 v26, v58;
	_ =	sdelay $0x1  }
0x92: {  	v25 =	vadd.bf16 v60, v25;
	[tilespmem:s29+$0xF585] =	vst v26;
	v26 =	vmul.bf16 v27, v56  }
0x93: {  	v27 =	vld [tilespmem:s1+$0x4FA0]  }
0x94: {  	v61 =	vld [tilespmem:s1+$0x6FA0];
	v25 =	vadd.bf16 v26, v25;
	v26 =	vmul.bf16 v59, v57  }
0x95: {  	v62 =	vld [tilespmem:s1+$0x4FB0]  }
0x96: {  	v63 =	vld [tilespmem:s1+$0x6FB0];
	v25 =	vadd.bf16 v26, v25  }
0x97: {  	v36 =	vld [tilespmem:s1+$0x6FC0]  }
0x98: {  	v26 =	vld [tilespmem:s1+$0x4FC0];
	v37 =	vunpack.i.u.bf16.f32 v25;
	v25 =	vunpack.i.l.bf16.f32 v25  }
0x99: {  	v38 =	vld [tilespmem:s1+$0x4FD0];
	v25 =	vadd.f32 v25, v37  }
0x9a: {  	v39 =	vld [tilespmem:s1+$0x6FD0]  }
0x9b: {  	v27 =	vmul.bf16 v61, v27;
	v40 =	vmul.bf16 v63, v62;
	[tilespmem:s30+$0xF574] =	vst v25  }
0x9c: {  	v25 =	vld [tilespmem:s31+$0x4F60]  }
0x9d: {  	v27 =	vadd.bf16 v40, v27;
	v26 =	vmul.bf16 v36, v26;
	v41 =	vld [tilespmem:s31+$0x6F60]  }
0x9e: {  	v42 =	vld [tilespmem:s31+$0x4F70]  }
0x9f: {  	v43 =	vld [tilespmem:s31+$0x6F70];
	v26 =	vadd.bf16 v26, v27;
	v27 =	vmul.bf16 v39, v38  }
0xa0: {  	v44 =	vld [tilespmem:s31+$0x4F80]  }
0xa1: {  	v26 =	vadd.bf16 v27, v26;
	v27 =	vld [tilespmem:s31+$0x6F80]  }
0xa2: {  	v45 =	vld [tilespmem:s31+$0x4F90]  }
0xa3: {  	v47 =	vld [tilespmem:s31+$0x6F90];
	v46 =	vunpack.i.u.bf16.f32 v26;
	v26 =	vunpack.i.l.bf16.f32 v26  }
0xa4: {  	v25 =	vmul.bf16 v41, v25;
	v48 =	vmul.bf16 v43, v42;
	v26 =	vadd.f32 v26, v46;
	_ =	sdelay $0x1  }
0xa5: {  	v25 =	vadd.bf16 v48, v25;
	[tilespmem:s29+$0xF596] =	vst v26;
	v26 =	vmul.bf16 v27, v44  }
0xa6: {  	v27 =	vld [tilespmem:s1+$0x4FE0]  }
0xa7: {  	v49 =	vld [tilespmem:s1+$0x6FE0];
	v25 =	vadd.bf16 v26, v25;
	v26 =	vmul.bf16 v47, v45  }
0xa8: {  	v50 =	vld [tilespmem:s1+$0x4FF0]  }
0xa9: {  	v51 =	vld [tilespmem:s1+$0x6FF0];
	v25 =	vadd.bf16 v26, v25  }
0xaa: {  	v52 =	vld [tilespmem:s1+$0x7000]  }
0xab: {  	v26 =	vld [tilespmem:s1+$0x5000];
	v53 =	vunpack.i.u.bf16.f32 v25;
	v25 =	vunpack.i.l.bf16.f32 v25  }
0xac: {  	v54 =	vld [tilespmem:s1+$0x5010];
	v25 =	vadd.f32 v25, v53  }
0xad: {  	v55 =	vld [tilespmem:s1+$0x7010]  }
0xae: {  	v27 =	vmul.bf16 v49, v27;
	v56 =	vmul.bf16 v51, v50;
	[tilespmem:s30+$0xF585] =	vst v25  }
0xaf: {  	v25 =	vld [tilespmem:s31+$0x4FA0]  }
0xb0: {  	v27 =	vadd.bf16 v56, v27;
	v26 =	vmul.bf16 v52, v26;
	v57 =	vld [tilespmem:s31+$0x6FA0]  }
0xb1: {  	v58 =	vld [tilespmem:s31+$0x4FB0]  }
0xb2: {  	v59 =	vld [tilespmem:s31+$0x6FB0];
	v26 =	vadd.bf16 v26, v27;
	v27 =	vmul.bf16 v55, v54  }
0xb3: {  	v60 =	vld [tilespmem:s31+$0x4FC0]  }
0xb4: {  	v26 =	vadd.bf16 v27, v26;
	v27 =	vld [tilespmem:s31+$0x6FC0]  }
0xb5: {  	v61 =	vld [tilespmem:s31+$0x4FD0]  }
0xb6: {  	v63 =	vld [tilespmem:s31+$0x6FD0];
	v62 =	vunpack.i.u.bf16.f32 v26;
	v26 =	vunpack.i.l.bf16.f32 v26  }
0xb7: {  	v25 =	vmul.bf16 v57, v25;
	v36 =	vmul.bf16 v59, v58;
	v26 =	vadd.f32 v26, v62;
	_ =	sdelay $0x1  }
0xb8: {  	v25 =	vadd.bf16 v36, v25;
	[tilespmem:s29+$0xF5A7] =	vst v26;
	v26 =	vmul.bf16 v27, v60  }
0xb9: {  	v27 =	vld [tilespmem:s1+$0x5020]  }
0xba: {  	v37 =	vld [tilespmem:s1+$0x7020];
	v25 =	vadd.bf16 v26, v25;
	v26 =	vmul.bf16 v63, v61  }
0xbb: {  	v38 =	vld [tilespmem:s1+$0x5030]  }
0xbc: {  	v39 =	vld [tilespmem:s1+$0x7030];
	v25 =	vadd.bf16 v26, v25  }
0xbd: {  	v40 =	vld [tilespmem:s1+$0x7040]  }
0xbe: {  	v26 =	vld [tilespmem:s1+$0x5040];
	v41 =	vunpack.i.u.bf16.f32 v25;
	v25 =	vunpack.i.l.bf16.f32 v25  }
0xbf: {  	v42 =	vld [tilespmem:s1+$0x5050];
	v25 =	vadd.f32 v25, v41  }
0xc0: {  	v43 =	vld [tilespmem:s1+$0x7050]  }
0xc1: {  	v27 =	vmul.bf16 v37, v27;
	v44 =	vmul.bf16 v39, v38;
	[tilespmem:s30+$0xF596] =	vst v25  }
0xc2: {  	v25 =	vld [tilespmem:s31+$0x4FE0]  }
0xc3: {  	v27 =	vadd.bf16 v44, v27;
	v26 =	vmul.bf16 v40, v26;
	v45 =	vld [tilespmem:s31+$0x6FE0]  }
0xc4: {  	v46 =	vld [tilespmem:s31+$0x4FF0]  }
0xc5: {  	v47 =	vld [tilespmem:s31+$0x6FF0];
	v26 =	vadd.bf16 v26, v27;
	v27 =	vmul.bf16 v43, v42  }
0xc6: {  	v48 =	vld [tilespmem:s31+$0x5000]  }
0xc7: {  	v26 =	vadd.bf16 v27, v26;
	v27 =	vld [tilespmem:s31+$0x7000]  }
0xc8: {  	v49 =	vld [tilespmem:s31+$0x5010]  }
0xc9: {  	v51 =	vld [tilespmem:s31+$0x7010];
	v50 =	vunpack.i.u.bf16.f32 v26;
	v26 =	vunpack.i.l.bf16.f32 v26  }
0xca: {  	v25 =	vmul.bf16 v45, v25;
	v52 =	vmul.bf16 v47, v46;
	v26 =	vadd.f32 v26, v50;
	_ =	sdelay $0x1  }
0xcb: {  	v25 =	vadd.bf16 v52, v25;
	[tilespmem:s29+$0xF5B8] =	vst v26;
	v26 =	vmul.bf16 v27, v48  }
0xcc: {  	v27 =	vld [tilespmem:s1+$0x5060]  }
0xcd: {  	v53 =	vld [tilespmem:s1+$0x7060];
	v25 =	vadd.bf16 v26, v25;
	v26 =	vmul.bf16 v51, v49  }
0xce: {  	v54 =	vld [tilespmem:s1+$0x5070]  }
0xcf: {  	v55 =	vld [tilespmem:s1+$0x7070];
	v25 =	vadd.bf16 v26, v25  }
0xd0: {  	v56 =	vld [tilespmem:s1+$0x7080]  }
0xd1: {  	v26 =	vld [tilespmem:s1+$0x5080];
	v57 =	vunpack.i.u.bf16.f32 v25;
	v25 =	vunpack.i.l.bf16.f32 v25  }
0xd2: {  	v58 =	vld [tilespmem:s1+$0x5090];
	v25 =	vadd.f32 v25, v57  }
0xd3: {  	v59 =	vld [tilespmem:s1+$0x7090]  }
0xd4: {  	v27 =	vmul.bf16 v53, v27;
	v60 =	vmul.bf16 v55, v54;
	[tilespmem:s30+$0xF5A7] =	vst v25  }
0xd5: {  	v25 =	vld [tilespmem:s31+$0x5020]  }
0xd6: {  	v27 =	vadd.bf16 v60, v27;
	v26 =	vmul.bf16 v56, v26;
	v61 =	vld [tilespmem:s31+$0x7020]  }
0xd7: {  	v62 =	vld [tilespmem:s31+$0x5030]  }
0xd8: {  	v63 =	vld [tilespmem:s31+$0x7030];
	v26 =	vadd.bf16 v26, v27;
	v27 =	vmul.bf16 v59, v58  }
0xd9: {  	v36 =	vld [tilespmem:s31+$0x5040]  }
0xda: {  	v26 =	vadd.bf16 v27, v26;
	v27 =	vld [tilespmem:s31+$0x7040]  }
0xdb: {  	v37 =	vld [tilespmem:s31+$0x5050]  }
0xdc: {  	v39 =	vld [tilespmem:s31+$0x7050];
	v38 =	vunpack.i.u.bf16.f32 v26;
	v26 =	vunpack.i.l.bf16.f32 v26  }
0xdd: {  	v25 =	vmul.bf16 v61, v25;
	v40 =	vmul.bf16 v63, v62;
	v26 =	vadd.f32 v26, v38;
	_ =	sdelay $0x1  }
0xde: {  	v25 =	vadd.bf16 v40, v25;
	[tilespmem:s29+$0xF5C9] =	vst v26;
	v26 =	vmul.bf16 v27, v36  }
0xdf: {  	v27 =	vld [tilespmem:s1+$0x50A0]  }
0xe0: {  	v41 =	vld [tilespmem:s1+$0x70A0];
	v25 =	vadd.bf16 v26, v25;
	v26 =	vmul.bf16 v39, v37  }
0xe1: {  	v42 =	vld [tilespmem:s1+$0x50B0]  }
0xe2: {  	v43 =	vld [tilespmem:s1+$0x70B0];
	v25 =	vadd.bf16 v26, v25  }
0xe3: {  	v44 =	vld [tilespmem:s1+$0x70C0]  }
0xe4: {  	v26 =	vld [tilespmem:s1+$0x50C0];
	v45 =	vunpack.i.u.bf16.f32 v25;
	v25 =	vunpack.i.l.bf16.f32 v25  }
0xe5: {  	v46 =	vld [tilespmem:s1+$0x50D0];
	v25 =	vadd.f32 v25, v45  }
0xe6: {  	v47 =	vld [tilespmem:s1+$0x70D0]  }
0xe7: {  	v27 =	vmul.bf16 v41, v27;
	v48 =	vmul.bf16 v43, v42;
	[tilespmem:s30+$0xF5B8] =	vst v25  }
0xe8: {  	v25 =	vld [tilespmem:s31+$0x5060]  }
0xe9: {  	v27 =	vadd.bf16 v48, v27;
	v26 =	vmul.bf16 v44, v26;
	v49 =	vld [tilespmem:s31+$0x7060]  }
0xea: {  	v50 =	vld [tilespmem:s31+$0x5070]  }
0xeb: {  	v51 =	vld [tilespmem:s31+$0x7070];
	v26 =	vadd.bf16 v26, v27;
	v27 =	vmul.bf16 v47, v46  }
0xec: {  	v52 =	vld [tilespmem:s31+$0x5080]  }
0xed: {  	v26 =	vadd.bf16 v27, v26;
	v27 =	vld [tilespmem:s31+$0x7080]  }
0xee: {  	v53 =	vld [tilespmem:s31+$0x5090]  }
0xef: {  	v55 =	vld [tilespmem:s31+$0x7090];
	v54 =	vunpack.i.u.bf16.f32 v26;
	v26 =	vunpack.i.l.bf16.f32 v26  }
0xf0: {  	v25 =	vmul.bf16 v49, v25;
	v56 =	vmul.bf16 v51, v50;
	v26 =	vadd.f32 v26, v54;
	_ =	sdelay $0x1  }
0xf1: {  	v25 =	vadd.bf16 v56, v25;
	[tilespmem:s29+$0xF5DA] =	vst v26;
	v26 =	vmul.bf16 v27, v52  }
0xf2: {  	v27 =	vld [tilespmem:s1+$0x50E0]  }
0xf3: {  	v57 =	vld [tilespmem:s1+$0x70E0];
	v25 =	vadd.bf16 v26, v25;
	v26 =	vmul.bf16 v55, v53  }
0xf4: {  	v58 =	vld [tilespmem:s1+$0x50F0]  }
0xf5: {  	v59 =	vld [tilespmem:s1+$0x70F0];
	v25 =	vadd.bf16 v26, v25  }
0xf6: {  	v60 =	vld [tilespmem:s1+$0x7100]  }
0xf7: {  	v26 =	vld [tilespmem:s1+$0x5100];
	v61 =	vunpack.i.u.bf16.f32 v25;
	v25 =	vunpack.i.l.bf16.f32 v25  }
0xf8: {  	v62 =	vld [tilespmem:s1+$0x5110];
	v25 =	vadd.f32 v25, v61  }
0xf9: {  	v63 =	vld [tilespmem:s1+$0x7110]  }
0xfa: {  	v27 =	vmul.bf16 v57, v27;
	v36 =	vmul.bf16 v59, v58;
	[tilespmem:s30+$0xF5C9] =	vst v25  }
0xfb: {  	v25 =	vld [tilespmem:s31+$0x50A0]  }
0xfc: {  	v27 =	vadd.bf16 v36, v27;
	v26 =	vmul.bf16 v60, v26;
	v37 =	vld [tilespmem:s31+$0x70A0]  }
0xfd: {  	v38 =	vld [tilespmem:s31+$0x50B0]  }
0xfe: {  	v39 =	vld [tilespmem:s31+$0x70B0];
	v26 =	vadd.bf16 v26, v27;
	v27 =	vmul.bf16 v63, v62  }
0xff: {  	v40 =	vld [tilespmem:s31+$0x50C0]  }
0x100: {  	v26 =	vadd.bf16 v27, v26;
	v27 =	vld [tilespmem:s31+$0x70C0]  }
0x101: {  	v41 =	vld [tilespmem:s31+$0x50D0]  }
0x102: {  	v43 =	vld [tilespmem:s31+$0x70D0];
	v42 =	vunpack.i.u.bf16.f32 v26;
	v26 =	vunpack.i.l.bf16.f32 v26  }
0x103: {  	v25 =	vmul.bf16 v37, v25;
	v44 =	vmul.bf16 v39, v38;
	v26 =	vadd.f32 v26, v42;
	_ =	sdelay $0x1  }
0x104: {  	v25 =	vadd.bf16 v44, v25;
	[tilespmem:s29+$0xF5EB] =	vst v26;
	v26 =	vmul.bf16 v27, v40  }
0x105: {  	v27 =	vld [tilespmem:s1+$0x5120]  }
0x106: {  	v45 =	vld [tilespmem:s1+$0x7120];
	v25 =	vadd.bf16 v26, v25;
	v26 =	vmul.bf16 v43, v41  }
0x107: {  	v46 =	vld [tilespmem:s1+$0x5130]  }
0x108: {  	v47 =	vld [tilespmem:s1+$0x7130];
	v25 =	vadd.bf16 v26, v25  }
0x109: {  	v48 =	vld [tilespmem:s1+$0x7140]  }
0x10a: {  	v26 =	vld [tilespmem:s1+$0x5140];
	v49 =	vunpack.i.u.bf16.f32 v25;
	v25 =	vunpack.i.l.bf16.f32 v25  }
0x10b: {  	v50 =	vld [tilespmem:s1+$0x5150];
	v25 =	vadd.f32 v25, v49  }
0x10c: {  	v51 =	vld [tilespmem:s1+$0x7150]  }
0x10d: {  	v27 =	vmul.bf16 v45, v27;
	v52 =	vmul.bf16 v47, v46;
	[tilespmem:s30+$0xF5DA] =	vst v25  }
0x10e: {  	v25 =	vld [tilespmem:s31+$0x50E0]  }
0x10f: {  	v27 =	vadd.bf16 v52, v27;
	v26 =	vmul.bf16 v48, v26;
	v53 =	vld [tilespmem:s31+$0x70E0]  }
0x110: {  	v54 =	vld [tilespmem:s31+$0x50F0]  }
0x111: {  	v55 =	vld [tilespmem:s31+$0x70F0];
	v26 =	vadd.bf16 v26, v27;
	v27 =	vmul.bf16 v51, v50  }
0x112: {  	v56 =	vld [tilespmem:s31+$0x5100]  }
0x113: {  	v26 =	vadd.bf16 v27, v26;
	v27 =	vld [tilespmem:s31+$0x7100]  }
0x114: {  	v57 =	vld [tilespmem:s31+$0x5110]  }
0x115: {  	v59 =	vld [tilespmem:s31+$0x7110];
	v58 =	vunpack.i.u.bf16.f32 v26;
	v26 =	vunpack.i.l.bf16.f32 v26  }
0x116: {  	v25 =	vmul.bf16 v53, v25;
	v60 =	vmul.bf16 v55, v54;
	v26 =	vadd.f32 v26, v58;
	_ =	sdelay $0x1  }
0x117: {  	v25 =	vadd.bf16 v60, v25;
	[tilespmem:s29+$0xF5FC] =	vst v26;
	v26 =	vmul.bf16 v27, v56  }
0x118: {  	v27 =	vld [tilespmem:s1+$0x5160]  }
0x119: {  	v61 =	vld [tilespmem:s1+$0x7160];
	v25 =	vadd.bf16 v26, v25;
	v26 =	vmul.bf16 v59, v57  }
0x11a: {  	v62 =	vld [tilespmem:s1+$0x5170]  }
0x11b: {  	v63 =	vld [tilespmem:s1+$0x7170];
	v25 =	vadd.bf16 v26, v25  }
0x11c: {  	v36 =	vld [tilespmem:s1+$0x7180]  }
0x11d: {  	v26 =	vld [tilespmem:s1+$0x5180];
	v37 =	vunpack.i.u.bf16.f32 v25;
	v25 =	vunpack.i.l.bf16.f32 v25  }
0x11e: {  	v38 =	vld [tilespmem:s1+$0x5190];
	v25 =	vadd.f32 v25, v37  }
0x11f: {  	v39 =	vld [tilespmem:s1+$0x7190]  }
0x120: {  	v27 =	vmul.bf16 v61, v27;
	v40 =	vmul.bf16 v63, v62;
	[tilespmem:s30+$0xF5EB] =	vst v25  }
0x121: {  	v25 =	vld [tilespmem:s31+$0x5120]  }
0x122: {  	v27 =	vadd.bf16 v40, v27;
	v26 =	vmul.bf16 v36, v26;
	v41 =	vld [tilespmem:s31+$0x7120]  }
0x123: {  	v42 =	vld [tilespmem:s31+$0x5130]  }
0x124: {  	v43 =	vld [tilespmem:s31+$0x7130];
	v26 =	vadd.bf16 v26, v27;
	v27 =	vmul.bf16 v39, v38  }
0x125: {  	v44 =	vld [tilespmem:s31+$0x5140]  }
0x126: {  	v26 =	vadd.bf16 v27, v26;
	v27 =	vld [tilespmem:s31+$0x7140]  }
0x127: {  	v45 =	vld [tilespmem:s31+$0x5150]  }
0x128: {  	v47 =	vld [tilespmem:s31+$0x7150];
	v46 =	vunpack.i.u.bf16.f32 v26;
	v26 =	vunpack.i.l.bf16.f32 v26  }
0x129: {  	v25 =	vmul.bf16 v41, v25;
	v48 =	vmul.bf16 v43, v42;
	v26 =	vadd.f32 v26, v46;
	_ =	sdelay $0x1  }
0x12a: {  	v25 =	vadd.bf16 v48, v25;
	[tilespmem:s29+$0xF60D] =	vst v26;
	v26 =	vmul.bf16 v27, v44  }
0x12b: {  	v27 =	vld [tilespmem:s1+$0x51A0]  }
0x12c: {  	v49 =	vld [tilespmem:s1+$0x71A0];
	v25 =	vadd.bf16 v26, v25;
	v26 =	vmul.bf16 v47, v45  }
0x12d: {  	v50 =	vld [tilespmem:s1+$0x51B0]  }
0x12e: {  	v51 =	vld [tilespmem:s1+$0x71B0];
	v25 =	vadd.bf16 v26, v25  }
0x12f: {  	v52 =	vld [tilespmem:s1+$0x71C0]  }
0x130: {  	v26 =	vld [tilespmem:s1+$0x51C0];
	v53 =	vunpack.i.u.bf16.f32 v25;
	v25 =	vunpack.i.l.bf16.f32 v25  }
0x131: {  	v54 =	vld [tilespmem:s1+$0x51D0];
	v25 =	vadd.f32 v25, v53  }
0x132: {  	v55 =	vld [tilespmem:s1+$0x71D0]  }
0x133: {  	v27 =	vmul.bf16 v49, v27;
	v56 =	vmul.bf16 v51, v50;
	[tilespmem:s30+$0xF5FC] =	vst v25  }
0x134: {  	v25 =	vld [tilespmem:s31+$0x5160]  }
0x135: {  	v27 =	vadd.bf16 v56, v27;
	v26 =	vmul.bf16 v52, v26;
	v57 =	vld [tilespmem:s31+$0x7160]  }
0x136: {  	v58 =	vld [tilespmem:s31+$0x5170]  }
0x137: {  	v59 =	vld [tilespmem:s31+$0x7170];
	v26 =	vadd.bf16 v26, v27;
	v27 =	vmul.bf16 v55, v54  }
0x138: {  	v60 =	vld [tilespmem:s31+$0x5180]  }
0x139: {  	v26 =	vadd.bf16 v27, v26;
	v27 =	vld [tilespmem:s31+$0x7180]  }
0x13a: {  	v61 =	vld [tilespmem:s31+$0x5190]  }
0x13b: {  	v63 =	vld [tilespmem:s31+$0x7190];
	v62 =	vunpack.i.u.bf16.f32 v26;
	v26 =	vunpack.i.l.bf16.f32 v26  }
0x13c: {  	v25 =	vmul.bf16 v57, v25;
	v36 =	vmul.bf16 v59, v58;
	v26 =	vadd.f32 v26, v62;
	_ =	sdelay $0x1  }
0x13d: {  	v25 =	vadd.bf16 v36, v25;
	[tilespmem:s29+$0xF61E] =	vst v26;
	v26 =	vmul.bf16 v27, v60  }
0x13e: {  	v27 =	vld [tilespmem:s1+$0x51E0]  }
0x13f: {  	v37 =	vld [tilespmem:s1+$0x71E0];
	v25 =	vadd.bf16 v26, v25;
	v26 =	vmul.bf16 v63, v61  }
0x140: {  	v38 =	vld [tilespmem:s1+$0x51F0]  }
0x141: {  	v39 =	vld [tilespmem:s1+$0x71F0];
	v25 =	vadd.bf16 v26, v25  }
0x142: {  	v40 =	vld [tilespmem:s1+$0x7200]  }
0x143: {  	v26 =	vld [tilespmem:s1+$0x5200];
	v41 =	vunpack.i.u.bf16.f32 v25;
	v25 =	vunpack.i.l.bf16.f32 v25  }
0x144: {  	v42 =	vld [tilespmem:s1+$0x5210];
	v25 =	vadd.f32 v25, v41  }
0x145: {  	v43 =	vld [tilespmem:s1+$0x7210]  }
0x146: {  	v27 =	vmul.bf16 v37, v27;
	v44 =	vmul.bf16 v39, v38;
	[tilespmem:s30+$0xF60D] =	vst v25  }
0x147: {  	v25 =	vld [tilespmem:s31+$0x51A0]  }
0x148: {  	v27 =	vadd.bf16 v44, v27;
	v26 =	vmul.bf16 v40, v26;
	v45 =	vld [tilespmem:s31+$0x71A0]  }
0x149: {  	v46 =	vld [tilespmem:s31+$0x51B0]  }
0x14a: {  	v47 =	vld [tilespmem:s31+$0x71B0];
	v26 =	vadd.bf16 v26, v27;
	v27 =	vmul.bf16 v43, v42  }
0x14b: {  	v48 =	vld [tilespmem:s31+$0x51C0]  }
0x14c: {  	v26 =	vadd.bf16 v27, v26;
	v27 =	vld [tilespmem:s31+$0x71C0]  }
0x14d: {  	v49 =	vld [tilespmem:s31+$0x51D0]  }
0x14e: {  	v35 =	vld [tilespmem:s31+$0x71D0]  }
0x14f: {  	v51 =	vadd.s32 s29, v0;
	v25 =	vmul.bf16 v45, v25;
	v52 =	vmul.bf16 v47, v46  }
0x150: {  	v53 =	vand.u32 $0xFF8, v51  }
0x151: {  	v55 =	vadd.s32 s29, v4;
	v25 =	vadd.bf16 v52, v25;
	v27 =	vmul.bf16 v27, v48  }
0x152: {  	v56 =	vor.u32 v1, v53;
	v58 =	vand.u32 $0xFF8, v55;
	v36 =	vadd.s32 s29, v2  }
0x153: {  	v54 =	vand.u32 $0xFF8, v36;
	v25 =	vadd.bf16 v27, v25;
	v27 =	vmul.bf16 v35, v49  }
0x154: {  	v57 =	vor.u32 v3, v54;
	v50 =	vunpack.i.u.bf16.f32 v26;
	v26 =	vunpack.i.l.bf16.f32 v26  }
0x155: {  	v30 =	vor.u32 v5, v58;
	v26 =	vadd.f32 v26, v50;
	v25 =	vadd.bf16 v27, v25;
	_ =	sdelay $0x1  }
0x156: {  	[tilespmem:s29+$0xF62F] =	vst v26;
	v27 =	vunpack.i.u.bf16.f32 v25;
	v25 =	vunpack.i.l.bf16.f32 v25  }
0x157: {  	v26 =	vld.idx.msk [tilespmem:v56+s16+$0x0], $0xffff;
	v25 =	vadd.f32 v25, v27  }
0x158: {  	v60 =	vld.idx.msk [tilespmem:v57+s16+$0x0], $0xffff  }
0x159: {  	v27 =	vld.idx.msk [tilespmem:v30+s16+$0x0], $0xffff;
	[tilespmem:s30+$0xF61E] =	vst v25  }
0x15a: {  	v25 =	vld [tilespmem:s31+$0x51E0]  }
0x15b: {  	v59 =	vadd.s32 s29, v6;
	v63 =	vld [tilespmem:s31+$0x71E0]  }
0x15c: {  	v31 =	vand.u32 $0xFF8, v59;
	v40 =	vld [tilespmem:s31+$0x51F0]  }
0x15d: {  	v62 =	vadd.s32 s29, v8;
	v31 =	vor.u32 v7, v31;
	v41 =	vld [tilespmem:s31+$0x71F0]  }
0x15e: {  	v30 =	vand.u32 $0xFF8, v62;
	v42 =	vld [tilespmem:s31+$0x5200]  }
0x15f: {  	v51 =	vadd.s32 s29, v16;
	v43 =	vadd.s32 s29, v10;
	v30 =	vor.u32 v9, v30;
	v44 =	vld [tilespmem:s31+$0x7200]  }
0x160: {  	v55 =	vadd.s32 s30, v0;
	v58 =	vadd.s32 s30, v4;
	v35 =	vand.u32 $0xFF8, v43;
	v37 =	vld [tilespmem:s31+$0x5210]  }
0x161: {  	v46 =	vadd.s32 s29, v12;
	v45 =	vor.u32 v11, v35;
	v26 =	vadd.f32 v60, v26;
	v38 =	vld [tilespmem:s31+$0x7210]  }
0x162: {  	v61 =	vld.idx.msk [tilespmem:v31+s16+$0x0], $0xffff;
	v35 =	vand.u32 $0xFF8, v46;
	v25 =	vmul.bf16 v63, v25;
	v47 =	vmul.bf16 v41, v40  }
0x163: {  	v48 =	vadd.s32 s29, v14;
	v26 =	vadd.f32 v27, v26;
	v27 =	vor.u32 v13, v35  }
0x164: {  	v32 =	vand.u32 $0xFF8, v48;
	v30 =	vld.idx.msk [tilespmem:v30+s16+$0x0], $0xffff;
	v49 =	vmul.bf16 v44, v42;
	v25 =	vadd.bf16 v47, v25  }
0x165: {  	v54 =	vadd.s32 s29, v17;
	v31 =	vand.u32 $0xFF8, v55;
	v50 =	vor.u32 v15, v32  }
0x166: {  	v32 =	vand.u32 $0xFF8, v51;
	v28 =	vld.idx.msk [tilespmem:v45+s16+$0x0], $0xffff;
	v52 =	vmul.bf16 v38, v37;
	v25 =	vadd.bf16 v49, v25  }
0x167: {  	v53 =	vor.u32 v1, v32;
	v32 =	vand.u32 $0xFF8, v54;
	v26 =	vadd.f32 v61, v26  }
0x168: {  	v56 =	vadd.s32 s30, v2;
	v32 =	vor.u32 v3, v32;
	v27 =	vld.idx.msk [tilespmem:v27+s16+$0x0], $0xffff;
	v25 =	vadd.bf16 v52, v25  }
0x169: {  	v31 =	vor.u32 v1, v31;
	v33 =	vand.u32 $0xFF8, v56;
	v26 =	vadd.f32 v30, v26  }
0x16a: {  	v33 =	vor.u32 v3, v33;
	v57 =	vunpack.i.u.bf16.f32 v25;
	v25 =	vunpack.i.l.bf16.f32 v25  }
0x16b: {  	v59 =	vand.u32 $0xFF8, v58;
	v29 =	vld.idx.msk [tilespmem:v50+s16+$0x0], $0xffff;
	v26 =	vadd.f32 v28, v26;
	v25 =	vadd.f32 v25, v57  }
0x16c: {  	v60 =	vadd.s32 s30, v6;
	v30 =	vld.idx.msk [tilespmem:v53+s16+$0x0], $0xffff;
	v28 =	vor.u32 v5, v59  }
0x16d: {  	v26 =	vadd.f32 v27, v26;
	v27 =	vld.idx.msk [tilespmem:v32+s16+$0x0], $0xffff;
	[tilespmem:s30+$0xF62F] =	vst v25;
	v25 =	vand.u32 $0xFF8, v60  }
0x16e: {  	v61 =	vadd.s32 s30, v8;
	v31 =	vld.idx.msk [tilespmem:v31+s16+$0x0], $0xffff;
	v25 =	vor.u32 v7, v25  }
0x16f: {  	v32 =	vand.u32 $0xFF8, v61;
	v62 =	vld.idx.msk [tilespmem:v33+s16+$0x0], $0xffff  }
0x170: {  	v63 =	vadd.s32 s30, v10;
	v32 =	vor.u32 v9, v32;
	v26 =	vadd.f32 v29, v26  }
0x171: {  	v36 =	vand.u32 $0xFF8, v63;
	v28 =	vld.idx.msk [tilespmem:v28+s16+$0x0], $0xffff  }
0x172: {  	v37 =	vadd.s32 s30, v12;
	v26 =	vadd.f32 v30, v26;
	v30 =	vor.u32 v11, v36  }
0x173: {  	v58 =	vadd.s32 s30, v22;
	v39 =	vadd.s32 s30, v14;
	v33 =	vand.u32 $0xFF8, v37;
	v25 =	vld.idx.msk [tilespmem:v25+s16+$0x0], $0xffff  }
0x174: {  	v48 =	vadd.s32 s29, v21;
	v38 =	vor.u32 v13, v33;
	v29 =	vadd.f32 v62, v31  }
0x175: {  	v55 =	vadd.s32 s30, v21;
	v50 =	vadd.s32 s30, v19;
	v32 =	vld.idx.msk [tilespmem:v32+s16+$0x0], $0xffff;
	v33 =	vand.u32 $0xFF8, v39  }
0x176: {  	v42 =	vadd.s32 s30, v16;
	v41 =	vor.u32 v15, v33;
	v28 =	vadd.f32 v28, v29  }
0x177: {  	v45 =	vadd.s32 s29, v20;
	v44 =	vadd.s32 s30, v17;
	v33 =	vand.u32 $0xFF8, v42;
	v30 =	vld.idx.msk [tilespmem:v30+s16+$0x0], $0xffff  }
0x178: {  	v47 =	vadd.s32 s30, v18;
	v43 =	vor.u32 v1, v33;
	v25 =	vadd.f32 v25, v28  }
0x179: {  	v26 =	vadd.f32 v27, v26;
	v27 =	vadd.s32 s29, v18;
	v33 =	vand.u32 $0xFF8, v44;
	v31 =	vld.idx.msk [tilespmem:v38+s16+$0x0], $0xffff  }
0x17a: {  	v27 =	vand.u32 $0xFF8, v27;
	v46 =	vor.u32 v3, v33;
	v25 =	vadd.f32 v32, v25  }
0x17b: {  	v40 =	vadd.s32 s29, v19;
	v27 =	vor.u32 v5, v27;
	v33 =	vand.u32 $0xFF8, v47;
	v29 =	vld.idx.msk [tilespmem:v41+s16+$0x0], $0xffff  }
0x17c: {  	v34 =	vand.u32 $0xFF8, v40;
	v49 =	vor.u32 v5, v33;
	v25 =	vadd.f32 v30, v25  }
0x17d: {  	v35 =	vand.u32 $0xFF8, v45;
	v34 =	vor.u32 v7, v34;
	v33 =	vand.u32 $0xFF8, v50;
	v28 =	vld.idx.msk [tilespmem:v43+s16+$0x0], $0xffff  }
0x17e: {  	v52 =	vadd.s32 s30, v20;
	v51 =	vor.u32 v7, v33;
	v25 =	vadd.f32 v31, v25  }
0x17f: {  	v56 =	vadd.s32 s29, v23;
	v35 =	vor.u32 v9, v35;
	v33 =	vand.u32 $0xFF8, v52;
	v32 =	vld.idx.msk [tilespmem:v46+s16+$0x0], $0xffff  }
0x180: {  	v36 =	vand.u32 $0xFF8, v48;
	v54 =	vor.u32 v9, v33;
	v27 =	vld.idx.msk [tilespmem:v27+s16+$0x0], $0xffff;
	v25 =	vadd.f32 v29, v25  }
0x181: {  	v53 =	vadd.s32 s29, v22;
	v36 =	vor.u32 v11, v36;
	v33 =	vand.u32 $0xFF8, v55;
	v30 =	vld.idx.msk [tilespmem:v49+s16+$0x0], $0xffff  }
0x182: {  	v34 =	vld.idx.msk [tilespmem:v34+s16+$0x0], $0xffff;
	v37 =	vand.u32 $0xFF8, v53;
	v57 =	vor.u32 v11, v33;
	v25 =	vadd.f32 v28, v25  }
0x183: {  	v60 =	vadd.s32 s30, v23;
	v37 =	vor.u32 v13, v37;
	v33 =	vand.u32 $0xFF8, v58;
	v31 =	vld.idx.msk [tilespmem:v51+s16+$0x0], $0xffff  }
0x184: {  	v35 =	vld.idx.msk [tilespmem:v35+s16+$0x0], $0xffff;
	v38 =	vand.u32 $0xFF8, v56;
	v59 =	vor.u32 v13, v33;
	v25 =	vadd.f32 v32, v25  }
0x185: {  	v33 =	vand.u32 $0xFF8, v60;
	v26 =	vadd.f32 v27, v26;
	v27 =	vor.u32 v15, v38;
	v29 =	vld.idx.msk [tilespmem:v54+s16+$0x0], $0xffff  }
0x186: {  	v61 =	vld.idx.msk [tilespmem:v36+s16+$0x0], $0xffff;
	v33 =	vor.u32 v15, v33;
	v25 =	vadd.f32 v30, v25  }
0x187: {  	v26 =	vadd.f32 v34, v26;
	v28 =	vld.idx.msk [tilespmem:v57+s16+$0x0], $0xffff  }
0x188: {  	v62 =	vld.idx.msk [tilespmem:v37+s16+$0x0], $0xffff;
	v25 =	vadd.f32 v31, v25  }
0x189: {  	v26 =	vadd.f32 v35, v26;
	v32 =	vld.idx.msk [tilespmem:v59+s16+$0x0], $0xffff  }
0x18a: {  	v27 =	vld.idx.msk [tilespmem:v27+s16+$0x0], $0xffff;
	v25 =	vadd.f32 v29, v25  }
0x18b: {  	v63 =	vld.idx.msk [tilespmem:v33+s16+$0x0], $0xffff;
	v26 =	vadd.f32 v61, v26  }
0x18c: {  	v25 =	vadd.f32 v28, v25  }
0x18d: {  	p0 =	slt.u32 s26, $0x6;
	v26 =	vadd.f32 v62, v26  }
.Ltmp0:
0x18e: {  	v25 =	vadd.f32 v32, v25;
	(pc) =	sbr.rel @p0 .LBB2_3-.Ltmp0, $4  }
0x18f: {  	s29 =	sshll.u32 s26, $0x4;
	v26 =	vadd.f32 v27, v26  }
0x190: {  	s28 =	sshll.u32 s28, $0x4;
	s1 =	sand.u32 $0x3FFFFFF0, s29;
	v25 =	vadd.f32 v63, v25  }
0x191: {  	s31 =	sadd.s32 $0x2, s26;
	s30 =	sand.u32 $0x3FFFFFF0, s28;
	[tilespmem:v24+s1+$0x0 ss:$0x1] =	vst.idx.msk $0xffff, v26  }
0x192: {  	s26 =	smov.u32 s31;
	[tilespmem:v24+s30+$0x0 ss:$0x1] =	vst.idx.msk $0xffff, v25  }
0x193: {  	p0 =	seq.s32 s23, $0x26  }
0x194: {  	s1 =	sadd.s32 @!p0 $0x100, s25;
	s26 =	simm.s32 @!p0 $0x80;
	s28 =	simm.s32 @!p0 $0x4E20  }
0x195: {  	[tilespmem:s28], [sflag:$0x1] =	stream.indirect.gather @!p0 [hbm4b:s3+s26], $0x40, s1, s26, $0xb8;
	[tilespmem:$0xFDB0] =	vst v63  }
0x196: {  	s1 =	sadd.s32 @!p0 $0x2810, s25;
	s25 =	simm.s32 @!p0 $0x6E20  }
0x197: {  	[tilespmem:s25], [sflag:$0x1] =	stream.indirect.gather @!p0 [hbm4b:s3+s26], $0x40, s1, s26, $0xb8;
	[tilespmem:$0xFDB0] =	vst v63  }
0x198: {  	_ =	swait.ge [sflag:s17], $0x2000  }
0x199: {  	[sflag:s17] =	ssyncset.done $0x0  }
0x19a: {  	[sflag:s17] =	ssyncadd.s32 $0xFFFFE000  }
0x19b: {  	_ =	swait.ge [sflag:s17], $0x2000  }
0x19c: {  	s31 =	sadd.s32 $0xCE20, s24;
	[sflag:s17] =	ssyncset.done $0x0  }
0x19d: {  	s24 =	simm.s32 $0x0;
	v24 =	vmov s31;
	[sflag:s17] =	ssyncadd.s32 $0xFFFFE000  }
.LBB2_5:
0x19e: {  	s1 =	sshll.u32 s24, $0xA  }
0x19f: {  	v25 =	vld [tilespmem:s1+$0x8E20]  }
0x1a0: {  	v26 =	vld [tilespmem:s1+$0xAE20]  }
0x1a1: {  	v27 =	vld [tilespmem:s1+$0x8E30]  }
0x1a2: {  	v28 =	vld [tilespmem:s1+$0xAE30]  }
0x1a3: {  	v29 =	vld [tilespmem:s1+$0x8E40]  }
0x1a4: {  	v30 =	vld [tilespmem:s1+$0xAE40]  }
0x1a5: {  	v31 =	vld [tilespmem:s1+$0x8E50]  }
0x1a6: {  	v32 =	vld [tilespmem:s1+$0xAE50]  }
0x1a7: {  	v25 =	vmul.bf16 v26, v25;
	v26 =	vmul.bf16 v28, v27;
	_ =	sdelay $0x1  }
0x1a8: {  	v25 =	vadd.bf16 v26, v25;
	v26 =	vmul.bf16 v30, v29;
	_ =	sdelay $0x1  }
0x1a9: {  	v25 =	vadd.bf16 v26, v25;
	v26 =	vmul.bf16 v32, v31;
	_ =	sdelay $0x1  }
0x1aa: {  	v25 =	vadd.bf16 v26, v25;
	_ =	sdelay $0x1  }
0x1ab: {  	v26 =	vunpack.i.u.bf16.f32 v25;
	v25 =	vunpack.i.l.bf16.f32 v25  }
0x1ac: {  	s26 =	smul.u32 $0x110, s24;
	v25 =	vadd.f32 v25, v26;
	_ =	sdelay $0x1  }
0x1ad: {  	[tilespmem:s26+$0xF530] =	vst v25  }
0x1ae: {  	v25 =	vld [tilespmem:s1+$0x8E60]  }
0x1af: {  	v26 =	vld [tilespmem:s1+$0xAE60]  }
0x1b0: {  	v27 =	vld [tilespmem:s1+$0x8E70]  }
0x1b1: {  	v42 =	vld [tilespmem:s1+$0xAE70]  }
0x1b2: {  	v43 =	vld [tilespmem:s1+$0x8E80]  }
0x1b3: {  	v44 =	vld [tilespmem:s1+$0xAE80]  }
0x1b4: {  	v45 =	vld [tilespmem:s1+$0x8E90]  }
0x1b5: {  	s25 =	sor.u32 $0x1, s24;
	v46 =	vld [tilespmem:s1+$0xAE90]  }
0x1b6: {  	s29 =	sshll.u32 s25, $0xA;
	v25 =	vmul.bf16 v26, v25;
	v26 =	vmul.bf16 v42, v27  }
0x1b7: {  	v47 =	vld [tilespmem:s29+$0xAE20]  }
0x1b8: {  	v48 =	vld [tilespmem:s29+$0x8E30];
	v25 =	vadd.bf16 v26, v25;
	v26 =	vmul.bf16 v44, v43  }
0x1b9: {  	v49 =	vld [tilespmem:s29+$0xAE30]  }
0x1ba: {  	v27 =	vld [tilespmem:s29+$0x8E20];
	v25 =	vadd.bf16 v26, v25;
	v26 =	vmul.bf16 v46, v45  }
0x1bb: {  	v50 =	vld [tilespmem:s29+$0x8E40]  }
0x1bc: {  	v25 =	vadd.bf16 v26, v25;
	v26 =	vld [tilespmem:s29+$0xAE40]  }
0x1bd: {  	v51 =	vld [tilespmem:s29+$0x8E50]  }
0x1be: {  	v34 =	vld [tilespmem:s29+$0xAE50];
	v33 =	vunpack.i.u.bf16.f32 v25;
	v25 =	vunpack.i.l.bf16.f32 v25  }
0x1bf: {  	v52 =	vmul.bf16 v49, v48;
	v27 =	vmul.bf16 v47, v27;
	v25 =	vadd.f32 v25, v33;
	_ =	sdelay $0x1  }
0x1c0: {  	[tilespmem:s26+$0xF541] =	vst v25;
	v25 =	vadd.bf16 v52, v27;
	v26 =	vmul.bf16 v26, v50  }
0x1c1: {  	v27 =	vld [tilespmem:s1+$0x8EA0]  }
0x1c2: {  	v53 =	vld [tilespmem:s1+$0xAEA0];
	v25 =	vadd.bf16 v26, v25;
	v26 =	vmul.bf16 v34, v51  }
0x1c3: {  	v54 =	vld [tilespmem:s1+$0x8EB0]  }
0x1c4: {  	v55 =	vld [tilespmem:s1+$0xAEB0];
	v25 =	vadd.bf16 v26, v25  }
0x1c5: {  	v56 =	vld [tilespmem:s1+$0xAEC0]  }
0x1c6: {  	v26 =	vld [tilespmem:s1+$0x8EC0];
	v57 =	vunpack.i.u.bf16.f32 v25;
	v25 =	vunpack.i.l.bf16.f32 v25  }
0x1c7: {  	s28 =	smul.u32 $0x110, s25;
	v58 =	vld [tilespmem:s1+$0x8ED0];
	v25 =	vadd.f32 v25, v57  }
0x1c8: {  	v59 =	vld [tilespmem:s1+$0xAED0]  }
0x1c9: {  	v27 =	vmul.bf16 v53, v27;
	v60 =	vmul.bf16 v55, v54;
	[tilespmem:s28+$0xF530] =	vst v25  }
0x1ca: {  	v25 =	vld [tilespmem:s29+$0x8E60]  }
0x1cb: {  	v27 =	vadd.bf16 v60, v27;
	v26 =	vmul.bf16 v56, v26;
	v61 =	vld [tilespmem:s29+$0xAE60]  }
0x1cc: {  	v62 =	vld [tilespmem:s29+$0x8E70]  }
0x1cd: {  	v63 =	vld [tilespmem:s29+$0xAE70];
	v26 =	vadd.bf16 v26, v27;
	v27 =	vmul.bf16 v59, v58  }
0x1ce: {  	v36 =	vld [tilespmem:s29+$0x8E80]  }
0x1cf: {  	v26 =	vadd.bf16 v27, v26;
	v27 =	vld [tilespmem:s29+$0xAE80]  }
0x1d0: {  	v37 =	vld [tilespmem:s29+$0x8E90]  }
0x1d1: {  	v39 =	vld [tilespmem:s29+$0xAE90];
	v38 =	vunpack.i.u.bf16.f32 v26;
	v26 =	vunpack.i.l.bf16.f32 v26  }
0x1d2: {  	v25 =	vmul.bf16 v61, v25;
	v40 =	vmul.bf16 v63, v62;
	v26 =	vadd.f32 v26, v38;
	_ =	sdelay $0x1  }
0x1d3: {  	v25 =	vadd.bf16 v40, v25;
	[tilespmem:s26+$0xF552] =	vst v26;
	v26 =	vmul.bf16 v27, v36  }
0x1d4: {  	v27 =	vld [tilespmem:s1+$0x8EE0]  }
0x1d5: {  	v41 =	vld [tilespmem:s1+$0xAEE0];
	v25 =	vadd.bf16 v26, v25;
	v26 =	vmul.bf16 v39, v37  }
0x1d6: {  	v42 =	vld [tilespmem:s1+$0x8EF0]  }
0x1d7: {  	v43 =	vld [tilespmem:s1+$0xAEF0];
	v25 =	vadd.bf16 v26, v25  }
0x1d8: {  	v44 =	vld [tilespmem:s1+$0xAF00]  }
0x1d9: {  	v26 =	vld [tilespmem:s1+$0x8F00];
	v45 =	vunpack.i.u.bf16.f32 v25;
	v25 =	vunpack.i.l.bf16.f32 v25  }
0x1da: {  	v46 =	vld [tilespmem:s1+$0x8F10];
	v25 =	vadd.f32 v25, v45  }
0x1db: {  	v47 =	vld [tilespmem:s1+$0xAF10]  }
0x1dc: {  	v27 =	vmul.bf16 v41, v27;
	v48 =	vmul.bf16 v43, v42;
	[tilespmem:s28+$0xF541] =	vst v25  }
0x1dd: {  	v25 =	vld [tilespmem:s29+$0x8EA0]  }
0x1de: {  	v27 =	vadd.bf16 v48, v27;
	v26 =	vmul.bf16 v44, v26;
	v49 =	vld [tilespmem:s29+$0xAEA0]  }
0x1df: {  	v50 =	vld [tilespmem:s29+$0x8EB0]  }
0x1e0: {  	v51 =	vld [tilespmem:s29+$0xAEB0];
	v26 =	vadd.bf16 v26, v27;
	v27 =	vmul.bf16 v47, v46  }
0x1e1: {  	v52 =	vld [tilespmem:s29+$0x8EC0]  }
0x1e2: {  	v26 =	vadd.bf16 v27, v26;
	v27 =	vld [tilespmem:s29+$0xAEC0]  }
0x1e3: {  	v53 =	vld [tilespmem:s29+$0x8ED0]  }
0x1e4: {  	v55 =	vld [tilespmem:s29+$0xAED0];
	v54 =	vunpack.i.u.bf16.f32 v26;
	v26 =	vunpack.i.l.bf16.f32 v26  }
0x1e5: {  	v25 =	vmul.bf16 v49, v25;
	v56 =	vmul.bf16 v51, v50;
	v26 =	vadd.f32 v26, v54;
	_ =	sdelay $0x1  }
0x1e6: {  	v25 =	vadd.bf16 v56, v25;
	[tilespmem:s26+$0xF563] =	vst v26;
	v26 =	vmul.bf16 v27, v52  }
0x1e7: {  	v27 =	vld [tilespmem:s1+$0x8F20]  }
0x1e8: {  	v57 =	vld [tilespmem:s1+$0xAF20];
	v25 =	vadd.bf16 v26, v25;
	v26 =	vmul.bf16 v55, v53  }
0x1e9: {  	v58 =	vld [tilespmem:s1+$0x8F30]  }
0x1ea: {  	v59 =	vld [tilespmem:s1+$0xAF30];
	v25 =	vadd.bf16 v26, v25  }
0x1eb: {  	v60 =	vld [tilespmem:s1+$0xAF40]  }
0x1ec: {  	v26 =	vld [tilespmem:s1+$0x8F40];
	v61 =	vunpack.i.u.bf16.f32 v25;
	v25 =	vunpack.i.l.bf16.f32 v25  }
0x1ed: {  	v62 =	vld [tilespmem:s1+$0x8F50];
	v25 =	vadd.f32 v25, v61  }
0x1ee: {  	v63 =	vld [tilespmem:s1+$0xAF50]  }
0x1ef: {  	v27 =	vmul.bf16 v57, v27;
	v36 =	vmul.bf16 v59, v58;
	[tilespmem:s28+$0xF552] =	vst v25  }
0x1f0: {  	v25 =	vld [tilespmem:s29+$0x8EE0]  }
0x1f1: {  	v27 =	vadd.bf16 v36, v27;
	v26 =	vmul.bf16 v60, v26;
	v37 =	vld [tilespmem:s29+$0xAEE0]  }
0x1f2: {  	v38 =	vld [tilespmem:s29+$0x8EF0]  }
0x1f3: {  	v39 =	vld [tilespmem:s29+$0xAEF0];
	v26 =	vadd.bf16 v26, v27;
	v27 =	vmul.bf16 v63, v62  }
0x1f4: {  	v40 =	vld [tilespmem:s29+$0x8F00]  }
0x1f5: {  	v26 =	vadd.bf16 v27, v26;
	v27 =	vld [tilespmem:s29+$0xAF00]  }
0x1f6: {  	v41 =	vld [tilespmem:s29+$0x8F10]  }
0x1f7: {  	v43 =	vld [tilespmem:s29+$0xAF10];
	v42 =	vunpack.i.u.bf16.f32 v26;
	v26 =	vunpack.i.l.bf16.f32 v26  }
0x1f8: {  	v25 =	vmul.bf16 v37, v25;
	v44 =	vmul.bf16 v39, v38;
	v26 =	vadd.f32 v26, v42;
	_ =	sdelay $0x1  }
0x1f9: {  	v25 =	vadd.bf16 v44, v25;
	[tilespmem:s26+$0xF574] =	vst v26;
	v26 =	vmul.bf16 v27, v40  }
0x1fa: {  	v27 =	vld [tilespmem:s1+$0x8F60]  }
0x1fb: {  	v45 =	vld [tilespmem:s1+$0xAF60];
	v25 =	vadd.bf16 v26, v25;
	v26 =	vmul.bf16 v43, v41  }
0x1fc: {  	v46 =	vld [tilespmem:s1+$0x8F70]  }
0x1fd: {  	v47 =	vld [tilespmem:s1+$0xAF70];
	v25 =	vadd.bf16 v26, v25  }
0x1fe: {  	v48 =	vld [tilespmem:s1+$0xAF80]  }
0x1ff: {  	v26 =	vld [tilespmem:s1+$0x8F80];
	v49 =	vunpack.i.u.bf16.f32 v25;
	v25 =	vunpack.i.l.bf16.f32 v25  }
0x200: {  	v50 =	vld [tilespmem:s1+$0x8F90];
	v25 =	vadd.f32 v25, v49  }
0x201: {  	v51 =	vld [tilespmem:s1+$0xAF90]  }
0x202: {  	v27 =	vmul.bf16 v45, v27;
	v52 =	vmul.bf16 v47, v46;
	[tilespmem:s28+$0xF563] =	vst v25  }
0x203: {  	v25 =	vld [tilespmem:s29+$0x8F20]  }
0x204: {  	v27 =	vadd.bf16 v52, v27;
	v26 =	vmul.bf16 v48, v26;
	v53 =	vld [tilespmem:s29+$0xAF20]  }
0x205: {  	v54 =	vld [tilespmem:s29+$0x8F30]  }
0x206: {  	v55 =	vld [tilespmem:s29+$0xAF30];
	v26 =	vadd.bf16 v26, v27;
	v27 =	vmul.bf16 v51, v50  }
0x207: {  	v56 =	vld [tilespmem:s29+$0x8F40]  }
0x208: {  	v26 =	vadd.bf16 v27, v26;
	v27 =	vld [tilespmem:s29+$0xAF40]  }
0x209: {  	v57 =	vld [tilespmem:s29+$0x8F50]  }
0x20a: {  	v59 =	vld [tilespmem:s29+$0xAF50];
	v58 =	vunpack.i.u.bf16.f32 v26;
	v26 =	vunpack.i.l.bf16.f32 v26  }
0x20b: {  	v25 =	vmul.bf16 v53, v25;
	v60 =	vmul.bf16 v55, v54;
	v26 =	vadd.f32 v26, v58;
	_ =	sdelay $0x1  }
0x20c: {  	v25 =	vadd.bf16 v60, v25;
	[tilespmem:s26+$0xF585] =	vst v26;
	v26 =	vmul.bf16 v27, v56  }
0x20d: {  	v27 =	vld [tilespmem:s1+$0x8FA0]  }
0x20e: {  	v61 =	vld [tilespmem:s1+$0xAFA0];
	v25 =	vadd.bf16 v26, v25;
	v26 =	vmul.bf16 v59, v57  }
0x20f: {  	v62 =	vld [tilespmem:s1+$0x8FB0]  }
0x210: {  	v63 =	vld [tilespmem:s1+$0xAFB0];
	v25 =	vadd.bf16 v26, v25  }
0x211: {  	v36 =	vld [tilespmem:s1+$0xAFC0]  }
0x212: {  	v26 =	vld [tilespmem:s1+$0x8FC0];
	v37 =	vunpack.i.u.bf16.f32 v25;
	v25 =	vunpack.i.l.bf16.f32 v25  }
0x213: {  	v38 =	vld [tilespmem:s1+$0x8FD0];
	v25 =	vadd.f32 v25, v37  }
0x214: {  	v39 =	vld [tilespmem:s1+$0xAFD0]  }
0x215: {  	v27 =	vmul.bf16 v61, v27;
	v40 =	vmul.bf16 v63, v62;
	[tilespmem:s28+$0xF574] =	vst v25  }
0x216: {  	v25 =	vld [tilespmem:s29+$0x8F60]  }
0x217: {  	v27 =	vadd.bf16 v40, v27;
	v26 =	vmul.bf16 v36, v26;
	v41 =	vld [tilespmem:s29+$0xAF60]  }
0x218: {  	v42 =	vld [tilespmem:s29+$0x8F70]  }
0x219: {  	v43 =	vld [tilespmem:s29+$0xAF70];
	v26 =	vadd.bf16 v26, v27;
	v27 =	vmul.bf16 v39, v38  }
0x21a: {  	v44 =	vld [tilespmem:s29+$0x8F80]  }
0x21b: {  	v26 =	vadd.bf16 v27, v26;
	v27 =	vld [tilespmem:s29+$0xAF80]  }
0x21c: {  	v45 =	vld [tilespmem:s29+$0x8F90]  }
0x21d: {  	v47 =	vld [tilespmem:s29+$0xAF90];
	v46 =	vunpack.i.u.bf16.f32 v26;
	v26 =	vunpack.i.l.bf16.f32 v26  }
0x21e: {  	v25 =	vmul.bf16 v41, v25;
	v48 =	vmul.bf16 v43, v42;
	v26 =	vadd.f32 v26, v46;
	_ =	sdelay $0x1  }
0x21f: {  	v25 =	vadd.bf16 v48, v25;
	[tilespmem:s26+$0xF596] =	vst v26;
	v26 =	vmul.bf16 v27, v44  }
0x220: {  	v27 =	vld [tilespmem:s1+$0x8FE0]  }
0x221: {  	v49 =	vld [tilespmem:s1+$0xAFE0];
	v25 =	vadd.bf16 v26, v25;
	v26 =	vmul.bf16 v47, v45  }
0x222: {  	v50 =	vld [tilespmem:s1+$0x8FF0]  }
0x223: {  	v51 =	vld [tilespmem:s1+$0xAFF0];
	v25 =	vadd.bf16 v26, v25  }
0x224: {  	v52 =	vld [tilespmem:s1+$0xB000]  }
0x225: {  	v26 =	vld [tilespmem:s1+$0x9000];
	v53 =	vunpack.i.u.bf16.f32 v25;
	v25 =	vunpack.i.l.bf16.f32 v25  }
0x226: {  	v54 =	vld [tilespmem:s1+$0x9010];
	v25 =	vadd.f32 v25, v53  }
0x227: {  	v55 =	vld [tilespmem:s1+$0xB010]  }
0x228: {  	v27 =	vmul.bf16 v49, v27;
	v56 =	vmul.bf16 v51, v50;
	[tilespmem:s28+$0xF585] =	vst v25  }
0x229: {  	v25 =	vld [tilespmem:s29+$0x8FA0]  }
0x22a: {  	v27 =	vadd.bf16 v56, v27;
	v26 =	vmul.bf16 v52, v26;
	v57 =	vld [tilespmem:s29+$0xAFA0]  }
0x22b: {  	v58 =	vld [tilespmem:s29+$0x8FB0]  }
0x22c: {  	v59 =	vld [tilespmem:s29+$0xAFB0];
	v26 =	vadd.bf16 v26, v27;
	v27 =	vmul.bf16 v55, v54  }
0x22d: {  	v60 =	vld [tilespmem:s29+$0x8FC0]  }
0x22e: {  	v26 =	vadd.bf16 v27, v26;
	v27 =	vld [tilespmem:s29+$0xAFC0]  }
0x22f: {  	v61 =	vld [tilespmem:s29+$0x8FD0]  }
0x230: {  	v63 =	vld [tilespmem:s29+$0xAFD0];
	v62 =	vunpack.i.u.bf16.f32 v26;
	v26 =	vunpack.i.l.bf16.f32 v26  }
0x231: {  	v25 =	vmul.bf16 v57, v25;
	v36 =	vmul.bf16 v59, v58;
	v26 =	vadd.f32 v26, v62;
	_ =	sdelay $0x1  }
0x232: {  	v25 =	vadd.bf16 v36, v25;
	[tilespmem:s26+$0xF5A7] =	vst v26;
	v26 =	vmul.bf16 v27, v60  }
0x233: {  	v27 =	vld [tilespmem:s1+$0x9020]  }
0x234: {  	v37 =	vld [tilespmem:s1+$0xB020];
	v25 =	vadd.bf16 v26, v25;
	v26 =	vmul.bf16 v63, v61  }
0x235: {  	v38 =	vld [tilespmem:s1+$0x9030]  }
0x236: {  	v39 =	vld [tilespmem:s1+$0xB030];
	v25 =	vadd.bf16 v26, v25  }
0x237: {  	v40 =	vld [tilespmem:s1+$0xB040]  }
0x238: {  	v26 =	vld [tilespmem:s1+$0x9040];
	v41 =	vunpack.i.u.bf16.f32 v25;
	v25 =	vunpack.i.l.bf16.f32 v25  }
0x239: {  	v42 =	vld [tilespmem:s1+$0x9050];
	v25 =	vadd.f32 v25, v41  }
0x23a: {  	v43 =	vld [tilespmem:s1+$0xB050]  }
0x23b: {  	v27 =	vmul.bf16 v37, v27;
	v44 =	vmul.bf16 v39, v38;
	[tilespmem:s28+$0xF596] =	vst v25  }
0x23c: {  	v25 =	vld [tilespmem:s29+$0x8FE0]  }
0x23d: {  	v27 =	vadd.bf16 v44, v27;
	v26 =	vmul.bf16 v40, v26;
	v45 =	vld [tilespmem:s29+$0xAFE0]  }
0x23e: {  	v46 =	vld [tilespmem:s29+$0x8FF0]  }
0x23f: {  	v47 =	vld [tilespmem:s29+$0xAFF0];
	v26 =	vadd.bf16 v26, v27;
	v27 =	vmul.bf16 v43, v42  }
0x240: {  	v48 =	vld [tilespmem:s29+$0x9000]  }
0x241: {  	v26 =	vadd.bf16 v27, v26;
	v27 =	vld [tilespmem:s29+$0xB000]  }
0x242: {  	v49 =	vld [tilespmem:s29+$0x9010]  }
0x243: {  	v51 =	vld [tilespmem:s29+$0xB010];
	v50 =	vunpack.i.u.bf16.f32 v26;
	v26 =	vunpack.i.l.bf16.f32 v26  }
0x244: {  	v25 =	vmul.bf16 v45, v25;
	v52 =	vmul.bf16 v47, v46;
	v26 =	vadd.f32 v26, v50;
	_ =	sdelay $0x1  }
0x245: {  	v25 =	vadd.bf16 v52, v25;
	[tilespmem:s26+$0xF5B8] =	vst v26;
	v26 =	vmul.bf16 v27, v48  }
0x246: {  	v27 =	vld [tilespmem:s1+$0x9060]  }
0x247: {  	v53 =	vld [tilespmem:s1+$0xB060];
	v25 =	vadd.bf16 v26, v25;
	v26 =	vmul.bf16 v51, v49  }
0x248: {  	v54 =	vld [tilespmem:s1+$0x9070]  }
0x249: {  	v55 =	vld [tilespmem:s1+$0xB070];
	v25 =	vadd.bf16 v26, v25  }
0x24a: {  	v56 =	vld [tilespmem:s1+$0xB080]  }
0x24b: {  	v26 =	vld [tilespmem:s1+$0x9080];
	v57 =	vunpack.i.u.bf16.f32 v25;
	v25 =	vunpack.i.l.bf16.f32 v25  }
0x24c: {  	v58 =	vld [tilespmem:s1+$0x9090];
	v25 =	vadd.f32 v25, v57  }
0x24d: {  	v59 =	vld [tilespmem:s1+$0xB090]  }
0x24e: {  	v27 =	vmul.bf16 v53, v27;
	v60 =	vmul.bf16 v55, v54;
	[tilespmem:s28+$0xF5A7] =	vst v25  }
0x24f: {  	v25 =	vld [tilespmem:s29+$0x9020]  }
0x250: {  	v27 =	vadd.bf16 v60, v27;
	v26 =	vmul.bf16 v56, v26;
	v61 =	vld [tilespmem:s29+$0xB020]  }
0x251: {  	v62 =	vld [tilespmem:s29+$0x9030]  }
0x252: {  	v63 =	vld [tilespmem:s29+$0xB030];
	v26 =	vadd.bf16 v26, v27;
	v27 =	vmul.bf16 v59, v58  }
0x253: {  	v36 =	vld [tilespmem:s29+$0x9040]  }
0x254: {  	v26 =	vadd.bf16 v27, v26;
	v27 =	vld [tilespmem:s29+$0xB040]  }
0x255: {  	v37 =	vld [tilespmem:s29+$0x9050]  }
0x256: {  	v39 =	vld [tilespmem:s29+$0xB050];
	v38 =	vunpack.i.u.bf16.f32 v26;
	v26 =	vunpack.i.l.bf16.f32 v26  }
0x257: {  	v25 =	vmul.bf16 v61, v25;
	v40 =	vmul.bf16 v63, v62;
	v26 =	vadd.f32 v26, v38;
	_ =	sdelay $0x1  }
0x258: {  	v25 =	vadd.bf16 v40, v25;
	[tilespmem:s26+$0xF5C9] =	vst v26;
	v26 =	vmul.bf16 v27, v36  }
0x259: {  	v27 =	vld [tilespmem:s1+$0x90A0]  }
0x25a: {  	v41 =	vld [tilespmem:s1+$0xB0A0];
	v25 =	vadd.bf16 v26, v25;
	v26 =	vmul.bf16 v39, v37  }
0x25b: {  	v42 =	vld [tilespmem:s1+$0x90B0]  }
0x25c: {  	v43 =	vld [tilespmem:s1+$0xB0B0];
	v25 =	vadd.bf16 v26, v25  }
0x25d: {  	v44 =	vld [tilespmem:s1+$0xB0C0]  }
0x25e: {  	v26 =	vld [tilespmem:s1+$0x90C0];
	v45 =	vunpack.i.u.bf16.f32 v25;
	v25 =	vunpack.i.l.bf16.f32 v25  }
0x25f: {  	v46 =	vld [tilespmem:s1+$0x90D0];
	v25 =	vadd.f32 v25, v45  }
0x260: {  	v47 =	vld [tilespmem:s1+$0xB0D0]  }
0x261: {  	v27 =	vmul.bf16 v41, v27;
	v48 =	vmul.bf16 v43, v42;
	[tilespmem:s28+$0xF5B8] =	vst v25  }
0x262: {  	v25 =	vld [tilespmem:s29+$0x9060]  }
0x263: {  	v27 =	vadd.bf16 v48, v27;
	v26 =	vmul.bf16 v44, v26;
	v49 =	vld [tilespmem:s29+$0xB060]  }
0x264: {  	v50 =	vld [tilespmem:s29+$0x9070]  }
0x265: {  	v51 =	vld [tilespmem:s29+$0xB070];
	v26 =	vadd.bf16 v26, v27;
	v27 =	vmul.bf16 v47, v46  }
0x266: {  	v52 =	vld [tilespmem:s29+$0x9080]  }
0x267: {  	v26 =	vadd.bf16 v27, v26;
	v27 =	vld [tilespmem:s29+$0xB080]  }
0x268: {  	v53 =	vld [tilespmem:s29+$0x9090]  }
0x269: {  	v55 =	vld [tilespmem:s29+$0xB090];
	v54 =	vunpack.i.u.bf16.f32 v26;
	v26 =	vunpack.i.l.bf16.f32 v26  }
0x26a: {  	v25 =	vmul.bf16 v49, v25;
	v56 =	vmul.bf16 v51, v50;
	v26 =	vadd.f32 v26, v54;
	_ =	sdelay $0x1  }
0x26b: {  	v25 =	vadd.bf16 v56, v25;
	[tilespmem:s26+$0xF5DA] =	vst v26;
	v26 =	vmul.bf16 v27, v52  }
0x26c: {  	v27 =	vld [tilespmem:s1+$0x90E0]  }
0x26d: {  	v57 =	vld [tilespmem:s1+$0xB0E0];
	v25 =	vadd.bf16 v26, v25;
	v26 =	vmul.bf16 v55, v53  }
0x26e: {  	v58 =	vld [tilespmem:s1+$0x90F0]  }
0x26f: {  	v59 =	vld [tilespmem:s1+$0xB0F0];
	v25 =	vadd.bf16 v26, v25  }
0x270: {  	v60 =	vld [tilespmem:s1+$0xB100]  }
0x271: {  	v26 =	vld [tilespmem:s1+$0x9100];
	v61 =	vunpack.i.u.bf16.f32 v25;
	v25 =	vunpack.i.l.bf16.f32 v25  }
0x272: {  	v62 =	vld [tilespmem:s1+$0x9110];
	v25 =	vadd.f32 v25, v61  }
0x273: {  	v63 =	vld [tilespmem:s1+$0xB110]  }
0x274: {  	v27 =	vmul.bf16 v57, v27;
	v36 =	vmul.bf16 v59, v58;
	[tilespmem:s28+$0xF5C9] =	vst v25  }
0x275: {  	v25 =	vld [tilespmem:s29+$0x90A0]  }
0x276: {  	v27 =	vadd.bf16 v36, v27;
	v26 =	vmul.bf16 v60, v26;
	v37 =	vld [tilespmem:s29+$0xB0A0]  }
0x277: {  	v38 =	vld [tilespmem:s29+$0x90B0]  }
0x278: {  	v39 =	vld [tilespmem:s29+$0xB0B0];
	v26 =	vadd.bf16 v26, v27;
	v27 =	vmul.bf16 v63, v62  }
0x279: {  	v40 =	vld [tilespmem:s29+$0x90C0]  }
0x27a: {  	v26 =	vadd.bf16 v27, v26;
	v27 =	vld [tilespmem:s29+$0xB0C0]  }
0x27b: {  	v41 =	vld [tilespmem:s29+$0x90D0]  }
0x27c: {  	v43 =	vld [tilespmem:s29+$0xB0D0];
	v42 =	vunpack.i.u.bf16.f32 v26;
	v26 =	vunpack.i.l.bf16.f32 v26  }
0x27d: {  	v25 =	vmul.bf16 v37, v25;
	v44 =	vmul.bf16 v39, v38;
	v26 =	vadd.f32 v26, v42;
	_ =	sdelay $0x1  }
0x27e: {  	v25 =	vadd.bf16 v44, v25;
	[tilespmem:s26+$0xF5EB] =	vst v26;
	v26 =	vmul.bf16 v27, v40  }
0x27f: {  	v27 =	vld [tilespmem:s1+$0x9120]  }
0x280: {  	v45 =	vld [tilespmem:s1+$0xB120];
	v25 =	vadd.bf16 v26, v25;
	v26 =	vmul.bf16 v43, v41  }
0x281: {  	v46 =	vld [tilespmem:s1+$0x9130]  }
0x282: {  	v47 =	vld [tilespmem:s1+$0xB130];
	v25 =	vadd.bf16 v26, v25  }
0x283: {  	v48 =	vld [tilespmem:s1+$0xB140]  }
0x284: {  	v26 =	vld [tilespmem:s1+$0x9140];
	v49 =	vunpack.i.u.bf16.f32 v25;
	v25 =	vunpack.i.l.bf16.f32 v25  }
0x285: {  	v50 =	vld [tilespmem:s1+$0x9150];
	v25 =	vadd.f32 v25, v49  }
0x286: {  	v51 =	vld [tilespmem:s1+$0xB150]  }
0x287: {  	v27 =	vmul.bf16 v45, v27;
	v52 =	vmul.bf16 v47, v46;
	[tilespmem:s28+$0xF5DA] =	vst v25  }
0x288: {  	v25 =	vld [tilespmem:s29+$0x90E0]  }
0x289: {  	v27 =	vadd.bf16 v52, v27;
	v26 =	vmul.bf16 v48, v26;
	v53 =	vld [tilespmem:s29+$0xB0E0]  }
0x28a: {  	v54 =	vld [tilespmem:s29+$0x90F0]  }
0x28b: {  	v55 =	vld [tilespmem:s29+$0xB0F0];
	v26 =	vadd.bf16 v26, v27;
	v27 =	vmul.bf16 v51, v50  }
0x28c: {  	v56 =	vld [tilespmem:s29+$0x9100]  }
0x28d: {  	v26 =	vadd.bf16 v27, v26;
	v27 =	vld [tilespmem:s29+$0xB100]  }
0x28e: {  	v57 =	vld [tilespmem:s29+$0x9110]  }
0x28f: {  	v59 =	vld [tilespmem:s29+$0xB110];
	v58 =	vunpack.i.u.bf16.f32 v26;
	v26 =	vunpack.i.l.bf16.f32 v26  }
0x290: {  	v25 =	vmul.bf16 v53, v25;
	v60 =	vmul.bf16 v55, v54;
	v26 =	vadd.f32 v26, v58;
	_ =	sdelay $0x1  }
0x291: {  	v25 =	vadd.bf16 v60, v25;
	[tilespmem:s26+$0xF5FC] =	vst v26;
	v26 =	vmul.bf16 v27, v56  }
0x292: {  	v27 =	vld [tilespmem:s1+$0x9160]  }
0x293: {  	v61 =	vld [tilespmem:s1+$0xB160];
	v25 =	vadd.bf16 v26, v25;
	v26 =	vmul.bf16 v59, v57  }
0x294: {  	v62 =	vld [tilespmem:s1+$0x9170]  }
0x295: {  	v63 =	vld [tilespmem:s1+$0xB170];
	v25 =	vadd.bf16 v26, v25  }
0x296: {  	v36 =	vld [tilespmem:s1+$0xB180]  }
0x297: {  	v26 =	vld [tilespmem:s1+$0x9180];
	v37 =	vunpack.i.u.bf16.f32 v25;
	v25 =	vunpack.i.l.bf16.f32 v25  }
0x298: {  	v38 =	vld [tilespmem:s1+$0x9190];
	v25 =	vadd.f32 v25, v37  }
0x299: {  	v39 =	vld [tilespmem:s1+$0xB190]  }
0x29a: {  	v27 =	vmul.bf16 v61, v27;
	v40 =	vmul.bf16 v63, v62;
	[tilespmem:s28+$0xF5EB] =	vst v25  }
0x29b: {  	v25 =	vld [tilespmem:s29+$0x9120]  }
0x29c: {  	v27 =	vadd.bf16 v40, v27;
	v26 =	vmul.bf16 v36, v26;
	v41 =	vld [tilespmem:s29+$0xB120]  }
0x29d: {  	v42 =	vld [tilespmem:s29+$0x9130]  }
0x29e: {  	v43 =	vld [tilespmem:s29+$0xB130];
	v26 =	vadd.bf16 v26, v27;
	v27 =	vmul.bf16 v39, v38  }
0x29f: {  	v44 =	vld [tilespmem:s29+$0x9140]  }
0x2a0: {  	v26 =	vadd.bf16 v27, v26;
	v27 =	vld [tilespmem:s29+$0xB140]  }
0x2a1: {  	v45 =	vld [tilespmem:s29+$0x9150]  }
0x2a2: {  	v47 =	vld [tilespmem:s29+$0xB150];
	v46 =	vunpack.i.u.bf16.f32 v26;
	v26 =	vunpack.i.l.bf16.f32 v26  }
0x2a3: {  	v25 =	vmul.bf16 v41, v25;
	v48 =	vmul.bf16 v43, v42;
	v26 =	vadd.f32 v26, v46;
	_ =	sdelay $0x1  }
0x2a4: {  	v25 =	vadd.bf16 v48, v25;
	[tilespmem:s26+$0xF60D] =	vst v26;
	v26 =	vmul.bf16 v27, v44  }
0x2a5: {  	v27 =	vld [tilespmem:s1+$0x91A0]  }
0x2a6: {  	v49 =	vld [tilespmem:s1+$0xB1A0];
	v25 =	vadd.bf16 v26, v25;
	v26 =	vmul.bf16 v47, v45  }
0x2a7: {  	v50 =	vld [tilespmem:s1+$0x91B0]  }
0x2a8: {  	v51 =	vld [tilespmem:s1+$0xB1B0];
	v25 =	vadd.bf16 v26, v25  }
0x2a9: {  	v52 =	vld [tilespmem:s1+$0xB1C0]  }
0x2aa: {  	v26 =	vld [tilespmem:s1+$0x91C0];
	v53 =	vunpack.i.u.bf16.f32 v25;
	v25 =	vunpack.i.l.bf16.f32 v25  }
0x2ab: {  	v54 =	vld [tilespmem:s1+$0x91D0];
	v25 =	vadd.f32 v25, v53  }
0x2ac: {  	v55 =	vld [tilespmem:s1+$0xB1D0]  }
0x2ad: {  	v27 =	vmul.bf16 v49, v27;
	v56 =	vmul.bf16 v51, v50;
	[tilespmem:s28+$0xF5FC] =	vst v25  }
0x2ae: {  	v25 =	vld [tilespmem:s29+$0x9160]  }
0x2af: {  	v27 =	vadd.bf16 v56, v27;
	v26 =	vmul.bf16 v52, v26;
	v57 =	vld [tilespmem:s29+$0xB160]  }
0x2b0: {  	v58 =	vld [tilespmem:s29+$0x9170]  }
0x2b1: {  	v59 =	vld [tilespmem:s29+$0xB170];
	v26 =	vadd.bf16 v26, v27;
	v27 =	vmul.bf16 v55, v54  }
0x2b2: {  	v60 =	vld [tilespmem:s29+$0x9180]  }
0x2b3: {  	v26 =	vadd.bf16 v27, v26;
	v27 =	vld [tilespmem:s29+$0xB180]  }
0x2b4: {  	v61 =	vld [tilespmem:s29+$0x9190]  }
0x2b5: {  	v63 =	vld [tilespmem:s29+$0xB190];
	v62 =	vunpack.i.u.bf16.f32 v26;
	v26 =	vunpack.i.l.bf16.f32 v26  }
0x2b6: {  	v25 =	vmul.bf16 v57, v25;
	v36 =	vmul.bf16 v59, v58;
	v26 =	vadd.f32 v26, v62;
	_ =	sdelay $0x1  }
0x2b7: {  	v25 =	vadd.bf16 v36, v25;
	[tilespmem:s26+$0xF61E] =	vst v26;
	v26 =	vmul.bf16 v27, v60  }
0x2b8: {  	v27 =	vld [tilespmem:s1+$0x91E0]  }
0x2b9: {  	v37 =	vld [tilespmem:s1+$0xB1E0];
	v25 =	vadd.bf16 v26, v25;
	v26 =	vmul.bf16 v63, v61  }
0x2ba: {  	v38 =	vld [tilespmem:s1+$0x91F0]  }
0x2bb: {  	v39 =	vld [tilespmem:s1+$0xB1F0];
	v25 =	vadd.bf16 v26, v25  }
0x2bc: {  	v40 =	vld [tilespmem:s1+$0xB200]  }
0x2bd: {  	v26 =	vld [tilespmem:s1+$0x9200];
	v41 =	vunpack.i.u.bf16.f32 v25;
	v25 =	vunpack.i.l.bf16.f32 v25  }
0x2be: {  	v42 =	vld [tilespmem:s1+$0x9210];
	v25 =	vadd.f32 v25, v41  }
0x2bf: {  	v43 =	vld [tilespmem:s1+$0xB210]  }
0x2c0: {  	v27 =	vmul.bf16 v37, v27;
	v44 =	vmul.bf16 v39, v38;
	[tilespmem:s28+$0xF60D] =	vst v25  }
0x2c1: {  	v25 =	vld [tilespmem:s29+$0x91A0]  }
0x2c2: {  	v27 =	vadd.bf16 v44, v27;
	v26 =	vmul.bf16 v40, v26;
	v45 =	vld [tilespmem:s29+$0xB1A0]  }
0x2c3: {  	v46 =	vld [tilespmem:s29+$0x91B0]  }
0x2c4: {  	v47 =	vld [tilespmem:s29+$0xB1B0];
	v26 =	vadd.bf16 v26, v27;
	v27 =	vmul.bf16 v43, v42  }
0x2c5: {  	v48 =	vld [tilespmem:s29+$0x91C0]  }
0x2c6: {  	v26 =	vadd.bf16 v27, v26;
	v27 =	vld [tilespmem:s29+$0xB1C0]  }
0x2c7: {  	v49 =	vld [tilespmem:s29+$0x91D0]  }
0x2c8: {  	v35 =	vld [tilespmem:s29+$0xB1D0]  }
0x2c9: {  	v51 =	vadd.s32 s26, v0;
	v25 =	vmul.bf16 v45, v25;
	v52 =	vmul.bf16 v47, v46  }
0x2ca: {  	v53 =	vand.u32 $0xFF8, v51  }
0x2cb: {  	v55 =	vadd.s32 s26, v4;
	v25 =	vadd.bf16 v52, v25;
	v27 =	vmul.bf16 v27, v48  }
0x2cc: {  	v56 =	vor.u32 v1, v53;
	v58 =	vand.u32 $0xFF8, v55;
	v36 =	vadd.s32 s26, v2  }
0x2cd: {  	v54 =	vand.u32 $0xFF8, v36;
	v25 =	vadd.bf16 v27, v25;
	v27 =	vmul.bf16 v35, v49  }
0x2ce: {  	v57 =	vor.u32 v3, v54;
	v50 =	vunpack.i.u.bf16.f32 v26;
	v26 =	vunpack.i.l.bf16.f32 v26  }
0x2cf: {  	v30 =	vor.u32 v5, v58;
	v26 =	vadd.f32 v26, v50;
	v25 =	vadd.bf16 v27, v25;
	_ =	sdelay $0x1  }
0x2d0: {  	[tilespmem:s26+$0xF62F] =	vst v26;
	v27 =	vunpack.i.u.bf16.f32 v25;
	v25 =	vunpack.i.l.bf16.f32 v25  }
0x2d1: {  	v26 =	vld.idx.msk [tilespmem:v56+s16+$0x0], $0xffff;
	v25 =	vadd.f32 v25, v27  }
0x2d2: {  	v60 =	vld.idx.msk [tilespmem:v57+s16+$0x0], $0xffff  }
0x2d3: {  	v27 =	vld.idx.msk [tilespmem:v30+s16+$0x0], $0xffff;
	[tilespmem:s28+$0xF61E] =	vst v25  }
0x2d4: {  	v25 =	vld [tilespmem:s29+$0x91E0]  }
0x2d5: {  	v59 =	vadd.s32 s26, v6;
	v63 =	vld [tilespmem:s29+$0xB1E0]  }
0x2d6: {  	v31 =	vand.u32 $0xFF8, v59;
	v40 =	vld [tilespmem:s29+$0x91F0]  }
0x2d7: {  	v62 =	vadd.s32 s26, v8;
	v31 =	vor.u32 v7, v31;
	v41 =	vld [tilespmem:s29+$0xB1F0]  }
0x2d8: {  	v30 =	vand.u32 $0xFF8, v62;
	v42 =	vld [tilespmem:s29+$0x9200]  }
0x2d9: {  	v51 =	vadd.s32 s26, v16;
	v43 =	vadd.s32 s26, v10;
	v30 =	vor.u32 v9, v30;
	v44 =	vld [tilespmem:s29+$0xB200]  }
0x2da: {  	v55 =	vadd.s32 s28, v0;
	v58 =	vadd.s32 s28, v4;
	v35 =	vand.u32 $0xFF8, v43;
	v37 =	vld [tilespmem:s29+$0x9210]  }
0x2db: {  	v46 =	vadd.s32 s26, v12;
	v45 =	vor.u32 v11, v35;
	v26 =	vadd.f32 v60, v26;
	v38 =	vld [tilespmem:s29+$0xB210]  }
0x2dc: {  	v61 =	vld.idx.msk [tilespmem:v31+s16+$0x0], $0xffff;
	v35 =	vand.u32 $0xFF8, v46;
	v25 =	vmul.bf16 v63, v25;
	v47 =	vmul.bf16 v41, v40  }
0x2dd: {  	v48 =	vadd.s32 s26, v14;
	v26 =	vadd.f32 v27, v26;
	v27 =	vor.u32 v13, v35  }
0x2de: {  	v32 =	vand.u32 $0xFF8, v48;
	v30 =	vld.idx.msk [tilespmem:v30+s16+$0x0], $0xffff;
	v49 =	vmul.bf16 v44, v42;
	v25 =	vadd.bf16 v47, v25  }
0x2df: {  	v54 =	vadd.s32 s26, v17;
	v31 =	vand.u32 $0xFF8, v55;
	v50 =	vor.u32 v15, v32  }
0x2e0: {  	v32 =	vand.u32 $0xFF8, v51;
	v28 =	vld.idx.msk [tilespmem:v45+s16+$0x0], $0xffff;
	v52 =	vmul.bf16 v38, v37;
	v25 =	vadd.bf16 v49, v25  }
0x2e1: {  	v53 =	vor.u32 v1, v32;
	v32 =	vand.u32 $0xFF8, v54;
	v26 =	vadd.f32 v61, v26  }
0x2e2: {  	v56 =	vadd.s32 s28, v2;
	v32 =	vor.u32 v3, v32;
	v27 =	vld.idx.msk [tilespmem:v27+s16+$0x0], $0xffff;
	v25 =	vadd.bf16 v52, v25  }
0x2e3: {  	v31 =	vor.u32 v1, v31;
	v33 =	vand.u32 $0xFF8, v56;
	v26 =	vadd.f32 v30, v26  }
0x2e4: {  	v33 =	vor.u32 v3, v33;
	v57 =	vunpack.i.u.bf16.f32 v25;
	v25 =	vunpack.i.l.bf16.f32 v25  }
0x2e5: {  	v59 =	vand.u32 $0xFF8, v58;
	v29 =	vld.idx.msk [tilespmem:v50+s16+$0x0], $0xffff;
	v26 =	vadd.f32 v28, v26;
	v25 =	vadd.f32 v25, v57  }
0x2e6: {  	v60 =	vadd.s32 s28, v6;
	v30 =	vld.idx.msk [tilespmem:v53+s16+$0x0], $0xffff;
	v28 =	vor.u32 v5, v59  }
0x2e7: {  	v26 =	vadd.f32 v27, v26;
	v27 =	vld.idx.msk [tilespmem:v32+s16+$0x0], $0xffff;
	[tilespmem:s28+$0xF62F] =	vst v25;
	v25 =	vand.u32 $0xFF8, v60  }
0x2e8: {  	v61 =	vadd.s32 s28, v8;
	v31 =	vld.idx.msk [tilespmem:v31+s16+$0x0], $0xffff;
	v25 =	vor.u32 v7, v25  }
0x2e9: {  	v32 =	vand.u32 $0xFF8, v61;
	v62 =	vld.idx.msk [tilespmem:v33+s16+$0x0], $0xffff  }
0x2ea: {  	v63 =	vadd.s32 s28, v10;
	v32 =	vor.u32 v9, v32;
	v26 =	vadd.f32 v29, v26  }
0x2eb: {  	v36 =	vand.u32 $0xFF8, v63;
	v28 =	vld.idx.msk [tilespmem:v28+s16+$0x0], $0xffff  }
0x2ec: {  	v37 =	vadd.s32 s28, v12;
	v26 =	vadd.f32 v30, v26;
	v30 =	vor.u32 v11, v36  }
0x2ed: {  	v58 =	vadd.s32 s28, v22;
	v39 =	vadd.s32 s28, v14;
	v33 =	vand.u32 $0xFF8, v37;
	v25 =	vld.idx.msk [tilespmem:v25+s16+$0x0], $0xffff  }
0x2ee: {  	v48 =	vadd.s32 s26, v21;
	v38 =	vor.u32 v13, v33;
	v29 =	vadd.f32 v62, v31  }
0x2ef: {  	v55 =	vadd.s32 s28, v21;
	v50 =	vadd.s32 s28, v19;
	v32 =	vld.idx.msk [tilespmem:v32+s16+$0x0], $0xffff;
	v33 =	vand.u32 $0xFF8, v39  }
0x2f0: {  	v42 =	vadd.s32 s28, v16;
	v41 =	vor.u32 v15, v33;
	v28 =	vadd.f32 v28, v29  }
0x2f1: {  	v45 =	vadd.s32 s26, v20;
	v44 =	vadd.s32 s28, v17;
	v33 =	vand.u32 $0xFF8, v42;
	v30 =	vld.idx.msk [tilespmem:v30+s16+$0x0], $0xffff  }
0x2f2: {  	v47 =	vadd.s32 s28, v18;
	v43 =	vor.u32 v1, v33;
	v25 =	vadd.f32 v25, v28  }
0x2f3: {  	v26 =	vadd.f32 v27, v26;
	v27 =	vadd.s32 s26, v18;
	v33 =	vand.u32 $0xFF8, v44;
	v31 =	vld.idx.msk [tilespmem:v38+s16+$0x0], $0xffff  }
0x2f4: {  	v27 =	vand.u32 $0xFF8, v27;
	v46 =	vor.u32 v3, v33;
	v25 =	vadd.f32 v32, v25  }
0x2f5: {  	v40 =	vadd.s32 s26, v19;
	v27 =	vor.u32 v5, v27;
	v33 =	vand.u32 $0xFF8, v47;
	v29 =	vld.idx.msk [tilespmem:v41+s16+$0x0], $0xffff  }
0x2f6: {  	v34 =	vand.u32 $0xFF8, v40;
	v49 =	vor.u32 v5, v33;
	v25 =	vadd.f32 v30, v25  }
0x2f7: {  	v35 =	vand.u32 $0xFF8, v45;
	v34 =	vor.u32 v7, v34;
	v33 =	vand.u32 $0xFF8, v50;
	v28 =	vld.idx.msk [tilespmem:v43+s16+$0x0], $0xffff  }
0x2f8: {  	v52 =	vadd.s32 s28, v20;
	v51 =	vor.u32 v7, v33;
	v25 =	vadd.f32 v31, v25  }
0x2f9: {  	v56 =	vadd.s32 s26, v23;
	v35 =	vor.u32 v9, v35;
	v33 =	vand.u32 $0xFF8, v52;
	v32 =	vld.idx.msk [tilespmem:v46+s16+$0x0], $0xffff  }
0x2fa: {  	v36 =	vand.u32 $0xFF8, v48;
	v54 =	vor.u32 v9, v33;
	v27 =	vld.idx.msk [tilespmem:v27+s16+$0x0], $0xffff;
	v25 =	vadd.f32 v29, v25  }
0x2fb: {  	v53 =	vadd.s32 s26, v22;
	v36 =	vor.u32 v11, v36;
	v33 =	vand.u32 $0xFF8, v55;
	v30 =	vld.idx.msk [tilespmem:v49+s16+$0x0], $0xffff  }
0x2fc: {  	v34 =	vld.idx.msk [tilespmem:v34+s16+$0x0], $0xffff;
	v37 =	vand.u32 $0xFF8, v53;
	v57 =	vor.u32 v11, v33;
	v25 =	vadd.f32 v28, v25  }
0x2fd: {  	v60 =	vadd.s32 s28, v23;
	v37 =	vor.u32 v13, v37;
	v33 =	vand.u32 $0xFF8, v58;
	v31 =	vld.idx.msk [tilespmem:v51+s16+$0x0], $0xffff  }
0x2fe: {  	v35 =	vld.idx.msk [tilespmem:v35+s16+$0x0], $0xffff;
	v38 =	vand.u32 $0xFF8, v56;
	v59 =	vor.u32 v13, v33;
	v25 =	vadd.f32 v32, v25  }
0x2ff: {  	v33 =	vand.u32 $0xFF8, v60;
	v26 =	vadd.f32 v27, v26;
	v27 =	vor.u32 v15, v38;
	v29 =	vld.idx.msk [tilespmem:v54+s16+$0x0], $0xffff  }
0x300: {  	v61 =	vld.idx.msk [tilespmem:v36+s16+$0x0], $0xffff;
	v33 =	vor.u32 v15, v33;
	v25 =	vadd.f32 v30, v25  }
0x301: {  	v26 =	vadd.f32 v34, v26;
	v28 =	vld.idx.msk [tilespmem:v57+s16+$0x0], $0xffff  }
0x302: {  	v62 =	vld.idx.msk [tilespmem:v37+s16+$0x0], $0xffff;
	v25 =	vadd.f32 v31, v25  }
0x303: {  	v26 =	vadd.f32 v35, v26;
	v32 =	vld.idx.msk [tilespmem:v59+s16+$0x0], $0xffff  }
0x304: {  	v27 =	vld.idx.msk [tilespmem:v27+s16+$0x0], $0xffff;
	v25 =	vadd.f32 v29, v25  }
0x305: {  	v63 =	vld.idx.msk [tilespmem:v33+s16+$0x0], $0xffff;
	v26 =	vadd.f32 v61, v26  }
0x306: {  	v25 =	vadd.f32 v28, v25  }
0x307: {  	p0 =	slt.u32 s24, $0x6;
	v26 =	vadd.f32 v62, v26  }
.Ltmp1:
0x308: {  	v25 =	vadd.f32 v32, v25;
	(pc) =	sbr.rel @p0 .LBB2_5-.Ltmp1, $4  }
0x309: {  	s29 =	sshll.u32 s24, $0x4;
	v26 =	vadd.f32 v27, v26  }
0x30a: {  	s25 =	sshll.u32 s25, $0x4;
	s1 =	sand.u32 $0x3FFFFFF0, s29;
	v25 =	vadd.f32 v63, v25  }
0x30b: {  	s31 =	sadd.s32 $0x2, s24;
	s30 =	sand.u32 $0x3FFFFFF0, s25;
	[tilespmem:v24+s1+$0x0 ss:$0x1] =	vst.idx.msk $0xffff, v26  }
0x30c: {  	s24 =	smov.u32 s31;
	[tilespmem:v24+s30+$0x0 ss:$0x1] =	vst.idx.msk $0xffff, v25  }
0x30d: {  	s23 =	sadd.s32 $0x1, s23  }
0x30e: {  	p0 =	sne.s32 s23, $0x27  }
.Ltmp2:
0x30f: {  	_ = 	snop;
	(pc) =	sbr.rel @p0 .LBB2_2-.Ltmp2, $1  }
0x310: {  	_ =	sdelay $0x3  }
0x311: {  	[tilespmem:s11], [sflag:$0x1] =	stream.indirect.gather [hbm4b:s3+s18], $0x40, s19, s18, $0xb8;
	[tilespmem:$0xFDB0] =	vst v63  }
0x312: {  	_ = 	snop  }
0x313: {  	[tilespmem:s12], [sflag:$0x1] =	stream.indirect.gather [hbm4b:s3+s18], $0x40, s20, s18, $0xb8;
	[tilespmem:$0xFDB0] =	vst v63  }
0x314: {  	_ =	swait.ge [sflag:s15], $0x400  }
0x315: {  	[sflag:s15] =	ssyncset.done $0x0  }
0x316: {  	[sflag:s15] =	ssyncadd.s32 $0xFFFFFC00  }
0x317: {  	_ =	swait.ge [sflag:s15], $0x400  }
0x318: {  	[sflag:s15] =	ssyncset.done $0x0  }
0x319: {  	[sflag:s15] =	ssyncadd.s32 $0xFFFFFC00  }
0x31a: {  	v63 =	vld [tilespmem:$0x4F50];
	_ =	sdelay $0x4  }
0x31b: {  	[tilespmem:$0x1FD40] =	vst v63;
	v63 =	vld [tilespmem:$0x4F80];
	_ =	sdelay $0x4  }
0x31c: {  	[tilespmem:$0x1FD60] =	vst v63;
	v63 =	vld [tilespmem:$0x6F80];
	_ =	sdelay $0x4  }
0x31d: {  	[tilespmem:$0x1FD70] =	vst v63;
	v63 =	vld [tilespmem:$0x4F90];
	_ =	sdelay $0x4  }
0x31e: {  	[tilespmem:$0x1FDC0] =	vst v63;
	v63 =	vld [tilespmem:$0x6F90];
	_ =	sdelay $0x4  }
0x31f: {  	[tilespmem:$0x1FDD0] =	vst v63;
	v63 =	vld [tilespmem:$0x4FA0];
	_ =	sdelay $0x4  }
0x320: {  	[tilespmem:$0x1FD80] =	vst v63;
	v63 =	vld [tilespmem:$0x6FA0];
	_ =	sdelay $0x4  }
0x321: {  	[tilespmem:$0x1FD90] =	vst v63;
	v63 =	vld [tilespmem:$0x4FB0];
	_ =	sdelay $0x4  }
0x322: {  	[tilespmem:$0x1FDA0] =	vst v63;
	v63 =	vld [tilespmem:$0x6FB0];
	_ =	sdelay $0x4  }
0x323: {  	[tilespmem:$0x1FDB0] =	vst v63;
	v63 =	vld [tilespmem:$0x4FC0];
	_ =	sdelay $0x4  }
0x324: {  	[tilespmem:$0x1FDE0] =	vst v63;
	v63 =	vld [tilespmem:$0x6FC0];
	_ =	sdelay $0x4  }
0x325: {  	[tilespmem:$0x1FDF0] =	vst v63;
	v63 =	vld [tilespmem:$0x4FD0];
	_ =	sdelay $0x4  }
0x326: {  	[tilespmem:$0x1FE00] =	vst v63;
	v63 =	vld [tilespmem:$0x6FD0];
	_ =	sdelay $0x4  }
0x327: {  	[tilespmem:$0x1FE10] =	vst v63;
	v63 =	vld [tilespmem:$0x4FE0];
	_ =	sdelay $0x4  }
0x328: {  	[tilespmem:$0x1FE20] =	vst v63;
	v63 =	vld [tilespmem:$0x6FE0];
	_ =	sdelay $0x4  }
0x329: {  	[tilespmem:$0x1FE30] =	vst v63;
	v63 =	vld [tilespmem:$0x4FF0];
	_ =	sdelay $0x4  }
0x32a: {  	[tilespmem:$0x1FE40] =	vst v63;
	v63 =	vld [tilespmem:$0x6FF0];
	_ =	sdelay $0x4  }
0x32b: {  	[tilespmem:$0x1FE50] =	vst v63;
	v63 =	vld [tilespmem:$0x5000];
	_ =	sdelay $0x4  }
0x32c: {  	[tilespmem:$0x1FE60] =	vst v63;
	v63 =	vld [tilespmem:$0x7000];
	_ =	sdelay $0x4  }
0x32d: {  	[tilespmem:$0x1FE70] =	vst v63;
	v63 =	vld [tilespmem:$0x5010];
	_ =	sdelay $0x4  }
0x32e: {  	[tilespmem:$0x1FEC0] =	vst v63;
	v63 =	vld [tilespmem:$0x7010];
	_ =	sdelay $0x4  }
0x32f: {  	[tilespmem:$0x1FED0] =	vst v63;
	v63 =	vld [tilespmem:$0x5020];
	_ =	sdelay $0x4  }
0x330: {  	[tilespmem:$0x1FE80] =	vst v63;
	v63 =	vld [tilespmem:$0x7020];
	_ =	sdelay $0x4  }
0x331: {  	[tilespmem:$0x1FE90] =	vst v63;
	v63 =	vld [tilespmem:$0x5030];
	_ =	sdelay $0x4  }
0x332: {  	[tilespmem:$0x1FEA0] =	vst v63;
	v63 =	vld [tilespmem:$0x7030];
	_ =	sdelay $0x4  }
0x333: {  	[tilespmem:$0x1FEB0] =	vst v63;
	v63 =	vld [tilespmem:$0x5040];
	_ =	sdelay $0x2  }
0x334: {  	v24 =	vld [tilespmem:$0x4E20]  }
0x335: {  	v26 =	vld [tilespmem:$0x6E20]  }
0x336: {  	[tilespmem:$0x1FEE0] =	vst v63;
	v63 =	vld [tilespmem:$0x7040]  }
0x337: {  	v27 =	vld [tilespmem:$0x4E30]  }
0x338: {  	v28 =	vld [tilespmem:$0x6E30]  }
0x339: {  	v29 =	vld [tilespmem:$0x4E40]  }
0x33a: {  	v30 =	vld [tilespmem:$0x6E40]  }
0x33b: {  	[tilespmem:$0x1FEF0] =	vst v63;
	v63 =	vld [tilespmem:$0x5050]  }
0x33c: {  	v31 =	vld [tilespmem:$0x4E50]  }
0x33d: {  	v32 =	vld [tilespmem:$0x6E50]  }
0x33e: {  	v33 =	vld [tilespmem:$0x4E60]  }
0x33f: {  	v34 =	vld [tilespmem:$0x6E60]  }
0x340: {  	[tilespmem:$0x1FF00] =	vst v63;
	v63 =	vld [tilespmem:$0x7050]  }
0x341: {  	v35 =	vld [tilespmem:$0x4E70]  }
0x342: {  	v36 =	vld [tilespmem:$0x6E70]  }
0x343: {  	v37 =	vld [tilespmem:$0x4E80]  }
0x344: {  	v38 =	vld [tilespmem:$0x6E80]  }
0x345: {  	[tilespmem:$0x1FF10] =	vst v63;
	v63 =	vld [tilespmem:$0x5060]  }
0x346: {  	v39 =	vld [tilespmem:$0x4E90]  }
0x347: {  	v40 =	vld [tilespmem:$0x6E90]  }
0x348: {  	v41 =	vld [tilespmem:$0x4EA0]  }
0x349: {  	v42 =	vld [tilespmem:$0x6EA0]  }
0x34a: {  	[tilespmem:$0x1FF20] =	vst v63;
	v63 =	vld [tilespmem:$0x7060]  }
0x34b: {  	v43 =	vld [tilespmem:$0x4EB0]  }
0x34c: {  	v44 =	vld [tilespmem:$0x6EB0]  }
0x34d: {  	v45 =	vld [tilespmem:$0x4EC0]  }
0x34e: {  	v46 =	vld [tilespmem:$0x6EC0]  }
0x34f: {  	[tilespmem:$0x1FF30] =	vst v63;
	v63 =	vld [tilespmem:$0x5070]  }
0x350: {  	v47 =	vld [tilespmem:$0x4ED0]  }
0x351: {  	v48 =	vld [tilespmem:$0x6ED0]  }
0x352: {  	v49 =	vld [tilespmem:$0x4EE0]  }
0x353: {  	v50 =	vld [tilespmem:$0x6EE0]  }
0x354: {  	[tilespmem:$0x1FF40] =	vst v63;
	v63 =	vld [tilespmem:$0x7070]  }
0x355: {  	v51 =	vld [tilespmem:$0x4EF0]  }
0x356: {  	v52 =	vld [tilespmem:$0x6EF0]  }
0x357: {  	v53 =	vld [tilespmem:$0x4F00]  }
0x358: {  	v54 =	vld [tilespmem:$0x6F00]  }
0x359: {  	[tilespmem:$0x1FF50] =	vst v63;
	v63 =	vld [tilespmem:$0x5080]  }
0x35a: {  	v25 =	vld [tilespmem:$0x4F10]  }
0x35b: {  	v62 =	vld [tilespmem:$0x6F10]  }
0x35c: {  	v57 =	vld [tilespmem:$0x4F20]  }
0x35d: {  	v58 =	vld [tilespmem:$0x6F20]  }
0x35e: {  	[tilespmem:$0x1FF90] =	vst v63;
	v63 =	vld [tilespmem:$0x7080]  }
0x35f: {  	v59 =	vld [tilespmem:$0x4F30]  }
0x360: {  	v60 =	vld [tilespmem:$0x6F30]  }
0x361: {  	v56 =	vld [tilespmem:$0x4F60]  }
0x362: {  	v55 =	vld [tilespmem:$0x6F50]  }
0x363: {  	[tilespmem:$0x1FFA0] =	vst v63;
	v63 =	vld [tilespmem:$0x5090]  }
0x364: {  	v61 =	vld [tilespmem:$0x4F40]  }
0x365: {  	[tilespmem:$0x1FD20] =	vst v62;
	v62 =	vld [tilespmem:$0x6F40]  }
0x366: {  	[tilespmem:$0x1FD30] =	vst v56;
	v56 =	vld [tilespmem:$0x6F60]  }
0x367: {  	[tilespmem:$0x1FD50] =	vst v55;
	v55 =	vld [tilespmem:$0x4F70]  }
0x368: {  	[tilespmem:$0x1FFB0] =	vst v63;
	v63 =	vld [tilespmem:$0x7090]  }
0x369: {  	[tilespmem:$0x1FD10] =	vst v25;
	v25 =	vld [tilespmem:$0x6F70]  }
0x36a: {  	v43 =	vmul.bf16 v44, v43;
	v44 =	vmul.bf16 v40, v39;
	v39 =	vld [tilespmem:$0x70D0]  }
0x36b: {  	v42 =	vmul.bf16 v42, v41;
	v41 =	vld [tilespmem:$0x50E0]  }
0x36c: {  	v50 =	vmul.bf16 v50, v49;
	v49 =	vmul.bf16 v60, v59;
	v60 =	vld [tilespmem:$0x1FD30]  }
0x36d: {  	v24 =	vmul.bf16 v26, v24;
	v26 =	vmul.bf16 v28, v27;
	[tilespmem:$0x1FFC0] =	vst v63;
	v63 =	vld [tilespmem:$0x50A0]  }
0x36e: {  	v51 =	vmul.bf16 v52, v51;
	v52 =	vmul.bf16 v48, v47;
	v47 =	vld [tilespmem:$0x5150]  }
0x36f: {  	v24 =	vadd.bf16 v26, v24;
	v26 =	vmul.bf16 v32, v31;
	v32 =	vld [tilespmem:$0x70C0]  }
0x370: {  	v48 =	vmul.bf16 v58, v57;
	v57 =	vmul.bf16 v62, v61;
	v62 =	vld [tilespmem:$0x1FD40]  }
0x371: {  	v25 =	vmul.bf16 v25, v55;
	v61 =	vmul.bf16 v56, v60;
	v56 =	vld [tilespmem:$0x7140]  }
0x372: {  	[tilespmem:$0x1FF60] =	vst v63;
	v63 =	vmul.bf16 v30, v29;
	v30 =	vld [tilespmem:$0x70A0]  }
0x373: {  	v25 =	vadd.bf16 v25, v61;
	v61 =	vld [tilespmem:$0x1FDA0]  }
0x374: {  	v29 =	vld [tilespmem:$0x1FD60];
	v24 =	vadd.bf16 v63, v24  }
0x375: {  	v63 =	vmul.bf16 v38, v37;
	v37 =	vld [tilespmem:$0x70E0]  }
0x376: {  	v24 =	vadd.bf16 v26, v24;
	v26 =	vld [tilespmem:$0x7180]  }
0x377: {  	[tilespmem:$0x1FF70] =	vst v30;
	v30 =	vmul.bf16 v34, v33;
	v33 =	vmul.bf16 v36, v35;
	v36 =	vld [tilespmem:$0x50B0]  }
0x378: {  	v34 =	vld [tilespmem:$0x70B0]  }
0x379: {  	v45 =	vmul.bf16 v46, v45;
	v35 =	vld [tilespmem:$0x50D0];
	v46 =	vunpack.i.u.bf16.f32 v24  }
0x37a: {  	v24 =	vunpack.i.l.bf16.f32 v24;
	v30 =	vadd.bf16 v33, v30;
	v33 =	vadd.bf16 v43, v42;
	v43 =	vld [tilespmem:$0x50F0]  }
0x37b: {  	v24 =	vadd.f32 v24, v46;
	v46 =	vld [tilespmem:$0x70F0]  }
0x37c: {  	v42 =	vadd.bf16 v49, v48;
	v48 =	vld [tilespmem:$0x5110]  }
0x37d: {  	v49 =	vld [tilespmem:$0x7110];
	v31 =	vadd.bf16 v45, v33  }
0x37e: {  	v38 =	vadd.bf16 v51, v50;
	v30 =	vadd.bf16 v63, v30;
	v63 =	vmul.bf16 v54, v53;
	v53 =	vld [tilespmem:$0x1FD20]  }
0x37f: {  	v31 =	vadd.bf16 v52, v31;
	v52 =	vld [tilespmem:$0x1FD10]  }
0x380: {  	v30 =	vadd.bf16 v44, v30;
	v38 =	vadd.bf16 v63, v38;
	v63 =	vld [tilespmem:$0x1FD50]  }
0x381: {  	v33 =	vld [tilespmem:$0x5100]  }
0x382: {  	v40 =	vadd.bf16 v57, v42;
	v57 =	vld [tilespmem:$0x1FD80];
	v50 =	vunpack.i.u.bf16.f32 v30;
	v30 =	vunpack.i.l.bf16.f32 v30  }
0x383: {  	v58 =	vunpack.i.u.bf16.f32 v31;
	v31 =	vunpack.i.l.bf16.f32 v31;
	v51 =	vadd.f32 v30, v50;
	v30 =	vld [tilespmem:$0x1FD70]  }
0x384: {  	v59 =	vadd.f32 v31, v58;
	v58 =	vld [tilespmem:$0x1FD90];
	v54 =	vmul.bf16 v53, v52  }
0x385: {  	v28 =	vmul.bf16 v63, v62;
	v62 =	vld [tilespmem:$0x1FDB0]  }
0x386: {  	v45 =	vld [tilespmem:$0x5120];
	v38 =	vadd.bf16 v54, v38  }
0x387: {  	v40 =	vadd.bf16 v28, v40;
	v28 =	vld [tilespmem:$0x1FDC0]  }
0x388: {  	v31 =	vmul.bf16 v30, v29;
	v29 =	vld [tilespmem:$0x1FDD0];
	v60 =	vunpack.i.u.bf16.f32 v38;
	v38 =	vunpack.i.l.bf16.f32 v38  }
0x389: {  	v38 =	vadd.f32 v38, v60;
	v60 =	vld [tilespmem:$0x1FDE0]  }
0x38a: {  	[tilespmem:$0x1FFF0] =	vst v59;
	v59 =	vmul.bf16 v58, v57;
	v63 =	vmul.bf16 v62, v61;
	v61 =	vld [tilespmem:$0x1FDF0]  }
0x38b: {  	v42 =	vld [tilespmem:$0x7130]  }
0x38c: {  	v50 =	vadd.bf16 v63, v59;
	v63 =	vld [tilespmem:$0x1FE00]  }
0x38d: {  	v30 =	vmul.bf16 v29, v28;
	v28 =	vld [tilespmem:$0x1FE10]  }
0x38e: {  	[tilespmem:$0x1FFD0] =	vst v24;
	v24 =	vld [tilespmem:$0x1FF20]  }
0x38f: {  	[tilespmem:$0x1FF80] =	vst v36;
	v36 =	vld [tilespmem:$0x50C0];
	v62 =	vmul.bf16 v61, v60  }
0x390: {  	v29 =	vld [tilespmem:$0x1FE20]  }
0x391: {  	v25 =	vadd.bf16 v31, v25;
	v50 =	vadd.bf16 v62, v50;
	v62 =	vld [tilespmem:$0x1FE40]  }
0x392: {  	v53 =	vmul.bf16 v28, v63;
	v63 =	vld [tilespmem:$0x1FE50]  }
0x393: {  	v25 =	vadd.bf16 v30, v25;
	v30 =	vld [tilespmem:$0x1FE30]  }
0x394: {  	v59 =	vld [tilespmem:$0x1FE60]  }
0x395: {  	v61 =	vld [tilespmem:$0x1FE70]  }
0x396: {  	v44 =	vld [tilespmem:$0x7100]  }
0x397: {  	v27 =	vmul.bf16 v63, v62;
	v62 =	vld [tilespmem:$0x1FE80]  }
0x398: {  	v55 =	vmul.bf16 v30, v29;
	v63 =	vld [tilespmem:$0x1FE90]  }
0x399: {  	v37 =	vmul.bf16 v37, v41;
	v41 =	vmul.bf16 v46, v43;
	v43 =	vld [tilespmem:$0x71A0]  }
0x39a: {  	v48 =	vmul.bf16 v49, v48;
	v49 =	vld [tilespmem:$0x51E0];
	v58 =	vmul.bf16 v61, v59;
	v55 =	vadd.bf16 v27, v55  }
0x39b: {  	v28 =	vld [tilespmem:$0x1FEA0];
	v50 =	vadd.bf16 v53, v50  }
0x39c: {  	v29 =	vld [tilespmem:$0x1FEB0];
	v55 =	vadd.bf16 v58, v55  }
0x39d: {  	v58 =	vld [tilespmem:$0x1FEC0];
	v59 =	vmul.bf16 v63, v62;
	v62 =	vunpack.i.u.bf16.f32 v50;
	v50 =	vunpack.i.l.bf16.f32 v50  }
0x39e: {  	v50 =	vadd.f32 v50, v62;
	v62 =	vld [tilespmem:$0x1FED0]  }
0x39f: {  	v32 =	vmul.bf16 v32, v36;
	v36 =	vld [tilespmem:$0x51A0]  }
0x3a0: {  	[tilespmem:$0x1FFE0] =	vst v51;
	v51 =	vld [tilespmem:$0x7120]  }
0x3a1: {  	v52 =	vld [tilespmem:$0x5140];
	v33 =	vmul.bf16 v44, v33;
	v31 =	vunpack.i.u.bf16.f32 v40;
	v40 =	vunpack.i.l.bf16.f32 v40  }
0x3a2: {  	v44 =	vld [tilespmem:$0x51C0];
	v40 =	vadd.f32 v40, v31;
	v31 =	vunpack.i.u.bf16.f32 v25;
	v25 =	vunpack.i.l.bf16.f32 v25  }
0x3a3: {  	v30 =	vadd.f32 v25, v31;
	v31 =	vmul.bf16 v29, v28;
	v28 =	vld [tilespmem:$0x1FEF0];
	v58 =	vmul.bf16 v62, v58  }
0x3a4: {  	v63 =	vld [tilespmem:$0x1FEE0]  }
0x3a5: {  	v55 =	vadd.bf16 v58, v55;
	v58 =	vld [tilespmem:$0x1FF30]  }
0x3a6: {  	v54 =	vld [tilespmem:$0x5130]  }
0x3a7: {  	v57 =	vld [tilespmem:$0x7150]  }
0x3a8: {  	v52 =	vmul.bf16 v56, v52;
	v56 =	vld [tilespmem:$0x5210]  }
0x3a9: {  	v63 =	vmul.bf16 v28, v63;
	v28 =	vld [tilespmem:$0x1FF50]  }
0x3aa: {  	v58 =	vmul.bf16 v58, v24;
	v24 =	vld [tilespmem:$0x1FF40]  }
0x3ab: {  	v60 =	vld [tilespmem:$0x5160]  }
0x3ac: {  	v29 =	vld [tilespmem:$0x1FF00];
	v59 =	vadd.bf16 v31, v59  }
0x3ad: {  	v31 =	vld [tilespmem:$0x1FF10]  }
0x3ae: {  	v59 =	vadd.bf16 v63, v59;
	v63 =	vld [tilespmem:$0x1FF70]  }
0x3af: {  	v24 =	vmul.bf16 v28, v24;
	v28 =	vld [tilespmem:$0x1FF60]  }
0x3b0: {  	v53 =	vld [tilespmem:$0x7160]  }
0x3b1: {  	v61 =	vld [tilespmem:$0x5170]  }
0x3b2: {  	v27 =	vld [tilespmem:$0x7170]  }
0x3b3: {  	v25 =	vmul.bf16 v31, v29;
	v31 =	vld [tilespmem:$0x1FFA0]  }
0x3b4: {  	v63 =	vmul.bf16 v63, v28;
	v28 =	vld [tilespmem:$0x1FF80]  }
0x3b5: {  	v24 =	vadd.bf16 v24, v58;
	v58 =	vld [tilespmem:$0x1FF90]  }
0x3b6: {  	v42 =	vmul.bf16 v42, v54;
	v54 =	vld [tilespmem:$0x5200]  }
0x3b7: {  	v60 =	vmul.bf16 v53, v60;
	v53 =	vld [tilespmem:$0x7200]  }
0x3b8: {  	v27 =	vmul.bf16 v27, v61;
	v61 =	vld [tilespmem:$0x1FFE0]  }
0x3b9: {  	v62 =	vld [tilespmem:$0x5180];
	v34 =	vmul.bf16 v34, v28  }
0x3ba: {  	v58 =	vmul.bf16 v31, v58;
	v31 =	vld [tilespmem:$0x1FFB0]  }
0x3bb: {  	v34 =	vadd.bf16 v34, v63;
	v63 =	vld [tilespmem:$0x1FFC0]  }
0x3bc: {  	v27 =	vadd.bf16 v27, v60;
	v29 =	vld [tilespmem:$0x5190]  }
0x3bd: {  	v24 =	vadd.bf16 v58, v24;
	v58 =	vld [tilespmem:$0x51B0];
	v32 =	vadd.bf16 v32, v34;
	v34 =	vmul.bf16 v39, v35  }
0x3be: {  	v25 =	vadd.bf16 v25, v59;
	v28 =	vld [tilespmem:$0x7190];
	v35 =	vadd.bf16 v41, v37  }
0x3bf: {  	v59 =	vunpack.i.l.bf16.f32 v55;
	v26 =	vmul.bf16 v26, v62;
	v37 =	vld [tilespmem:$0x71B0];
	v32 =	vadd.bf16 v34, v32  }
0x3c0: {  	v33 =	vadd.bf16 v33, v35;
	v34 =	vld [tilespmem:$0x51D0];
	v46 =	vmul.bf16 v63, v31;
	v31 =	vunpack.i.u.bf16.f32 v55  }
0x3c1: {  	v26 =	vadd.bf16 v26, v27;
	v35 =	vld [tilespmem:$0x71E0];
	v39 =	vadd.f32 v59, v31  }
0x3c2: {  	v59 =	vunpack.i.u.bf16.f32 v32;
	v32 =	vunpack.i.l.bf16.f32 v32;
	v33 =	vadd.bf16 v48, v33;
	v48 =	vld [tilespmem:$0x51F0]  }
0x3c3: {  	v63 =	vunpack.i.u.bf16.f32 v25;
	v25 =	vunpack.i.l.bf16.f32 v25;
	v32 =	vadd.f32 v32, v59;
	v59 =	vld [tilespmem:$0x1FFD0]  }
0x3c4: {  	v60 =	vmul.bf16 v28, v29;
	v25 =	vadd.f32 v25, v63;
	v63 =	vmul.bf16 v51, v45;
	v45 =	vld [tilespmem:$0x71F0]  }
0x3c5: {  	[tilespmem:$0xF563] =	vst v38;
	v24 =	vadd.bf16 v46, v24;
	v46 =	vld [tilespmem:$0x71C0]  }
0x3c6: {  	[tilespmem:$0xF574] =	vst v40;
	v26 =	vadd.bf16 v60, v26;
	v51 =	vmul.bf16 v43, v36;
	v41 =	vadd.bf16 v42, v63;
	v63 =	vld [tilespmem:$0x1FFF0]  }
0x3c7: {  	[tilespmem:$0xF585] =	vst v30;
	v42 =	vmul.bf16 v57, v47;
	v47 =	vld [tilespmem:$0x71D0];
	v55 =	vunpack.i.u.bf16.f32 v24;
	v24 =	vunpack.i.l.bf16.f32 v24  }
0x3c8: {  	v31 =	vunpack.i.u.bf16.f32 v33;
	v24 =	vadd.f32 v24, v55;
	v55 =	vmul.bf16 v37, v58;
	[tilespmem:$0xF530] =	vst v59;
	v59 =	vld [tilespmem:$0x7210]  }
0x3c9: {  	[tilespmem:$0xF596] =	vst v50;
	v33 =	vunpack.i.l.bf16.f32 v33;
	v35 =	vmul.bf16 v35, v49;
	v58 =	vmul.bf16 v45, v48  }
0x3ca: {  	[tilespmem:$0xF541] =	vst v61;
	v57 =	vadd.bf16 v52, v41;
	v61 =	vadd.bf16 v55, v51;
	v62 =	vmul.bf16 v46, v44  }
0x3cb: {  	v36 =	vmul.bf16 v53, v54;
	v33 =	vadd.f32 v33, v31;
	[tilespmem:$0xF552] =	vst v63;
	v63 =	vadd.bf16 v58, v35  }
0x3cc: {  	[tilespmem:$0xF5A7] =	vst v39;
	v38 =	vadd.bf16 v42, v57;
	v41 =	vmul.bf16 v47, v34;
	v40 =	vadd.bf16 v62, v61  }
0x3cd: {  	[tilespmem:$0xF5B8] =	vst v25;
	v47 =	vunpack.i.u.bf16.f32 v26;
	v42 =	vadd.bf16 v36, v63;
	v43 =	vmul.bf16 v59, v56  }
0x3ce: {  	[tilespmem:$0xF5DA] =	vst v32;
	v26 =	vunpack.i.l.bf16.f32 v26;
	v44 =	vunpack.i.u.bf16.f32 v38;
	v27 =	vadd.bf16 v41, v40  }
0x3cf: {  	[tilespmem:$0xF5EB] =	vst v33;
	v45 =	vunpack.i.l.bf16.f32 v38;
	v26 =	vadd.f32 v26, v47;
	v25 =	vadd.bf16 v43, v42  }
0x3d0: {  	[tilespmem:$0xF5C9] =	vst v24;
	v46 =	vadd.f32 v45, v44;
	v48 =	vunpack.i.u.bf16.f32 v27;
	v27 =	vunpack.i.l.bf16.f32 v27  }
0x3d1: {  	[tilespmem:$0xF60D] =	vst v26;
	v49 =	vadd.f32 v27, v48;
	v50 =	vunpack.i.u.bf16.f32 v25;
	v25 =	vunpack.i.l.bf16.f32 v25  }
0x3d2: {  	[tilespmem:$0xF5FC] =	vst v46;
	v25 =	vadd.f32 v25, v50  }
0x3d3: {  	[tilespmem:$0xF61E] =	vst v49  }
0x3d4: {  	[tilespmem:$0xF62F] =	vst v25  }
0x3d5: {  	v24 =	vld.idx.msk [tilespmem:v0+s16+$0x0], $0xffff  }
0x3d6: {  	v25 =	vld.idx.msk [tilespmem:v2+s16+$0x0], $0xffff;
	_ =	sdelay $0x1  }
0x3d7: {  	v26 =	vld.idx.msk [tilespmem:v4+s16+$0x0], $0xffff;
	_ =	sdelay $0x1  }
0x3d8: {  	v51 =	vld.idx.msk [tilespmem:v6+s16+$0x0], $0xffff  }
0x3d9: {  	v24 =	vadd.f32 v25, v24  }
0x3da: {  	v52 =	vld.idx.msk [tilespmem:v8+s16+$0x0], $0xffff  }
0x3db: {  	v24 =	vadd.f32 v26, v24  }
0x3dc: {  	v53 =	vld.idx.msk [tilespmem:v10+s16+$0x0], $0xffff  }
0x3dd: {  	v24 =	vadd.f32 v51, v24  }
0x3de: {  	v54 =	vld.idx.msk [tilespmem:v12+s16+$0x0], $0xffff  }
0x3df: {  	v24 =	vadd.f32 v52, v24  }
0x3e0: {  	v55 =	vld.idx.msk [tilespmem:v14+s16+$0x0], $0xffff  }
0x3e1: {  	v24 =	vadd.f32 v53, v24  }
0x3e2: {  	v56 =	vld.idx.msk [tilespmem:v16+s16+$0x0], $0xffff  }
0x3e3: {  	v24 =	vadd.f32 v54, v24  }
0x3e4: {  	v57 =	vld.idx.msk [tilespmem:v17+s16+$0x0], $0xffff  }
0x3e5: {  	v24 =	vadd.f32 v55, v24  }
0x3e6: {  	v58 =	vld.idx.msk [tilespmem:v18+s16+$0x0], $0xffff  }
0x3e7: {  	v24 =	vadd.f32 v56, v24  }
0x3e8: {  	v59 =	vld.idx.msk [tilespmem:v19+s16+$0x0], $0xffff  }
0x3e9: {  	v24 =	vadd.f32 v57, v24  }
0x3ea: {  	v60 =	vld.idx.msk [tilespmem:v20+s16+$0x0], $0xffff  }
0x3eb: {  	v24 =	vadd.f32 v58, v24  }
0x3ec: {  	v61 =	vld.idx.msk [tilespmem:v21+s16+$0x0], $0xffff  }
0x3ed: {  	v24 =	vadd.f32 v59, v24  }
0x3ee: {  	v62 =	vld.idx.msk [tilespmem:v22+s16+$0x0], $0xffff  }
0x3ef: {  	v24 =	vadd.f32 v60, v24  }
0x3f0: {  	v63 =	vld.idx.msk [tilespmem:v23+s16+$0x0], $0xffff  }
0x3f1: {  	v24 =	vadd.f32 v61, v24;
	_ =	sdelay $0x1  }
0x3f2: {  	v24 =	vadd.f32 v62, v24;
	_ =	sdelay $0x1  }
0x3f3: {  	s22 =	sadd.s32 $0x1, s22;
	v24 =	vadd.f32 v63, v24  }
0x3f4: {  	p0 =	sne.s32 s22, s7  }
.Ltmp3:
0x3f5: {  	[tilespmem:$0xF520] =	vst v24;
	(pc) =	sbr.rel @p0 .LBB2_1-.Ltmp3, $4  }
0x3f6: {  	[hbm4b:s6+s2] =	stream.linear.scatter [tilespmem:s21], [sflag:$0x3], $0x2710, $0x38;
	[tilespmem:$0xFDB0] =	vst v63  }
0x3f7: {  	_ =	swait.ge [sflag:s8], $0x2710  }
0x3f8: {  	[sflag:s8] =	ssyncset.done $0x0  }
0x3f9: {  	[sflag:s8] =	ssyncadd.s32 $0xFFFFD8F0  }
0x3fa: {  	_ =	sfence.sel $0x180000  }
0x3fb: {  	[bflag:$0x0] =	sbarrier.arrive $0xFFFF  }
0x3fc: {  	_ =	strace $0x90000047  }
0x3fd: {  	[bflag:$0x2] =	sbarrier.arrive $0xFFFF  }
0x3fe: {  	p0 =	sne.s32 s0, $0x0;
	s0 =	rddreg [dreg:$0x2]  }
0x3ff: {  	s0 =	sadd.s32 @!p0 $0x100000, s0  }
0x400: {  	[sflag:s0] =	ssyncadd.tile.s32 @!p0 $0x1;
	_ =	shalt  }
.Lfunc_end2:
_tile_overlayer_lowered:
.L_overlay_start_2:
0x401: {  	(tag) =	ssettag $0x2  }
0x402: {  	s0 =	rddreg [dreg:$0x0];
	s2 =	stileid.u32  }
0x403: {  	s1 =	rddreg [dreg:$0x1];
	p0 =	sne.s32 s2, $0x0  }
0x404: {  	s3 =	rddreg [dreg:$0x2];
	[bflag:$0x3] =	sbarrier.arrive $0xFFFF;
	s2 =	simm.s32 @!p0 $0x1C03  }
0x405: {  	[timem:s3], [sflag:s2] =	dma.local @!p0 [hbm:s0], s1  }
0x406: {  	s0 =	simm.s32 @!p0 $0x3  }
0x407: {  	_ =	swait.ge @!p0 [sflag:s0], s1  }
0x408: {  	s1 =	ssub.s32 @!p0 $0x0, s1;
	[sflag:s0] =	ssyncset.done @!p0 $0x0  }
0x409: {  	[sflag:s0] =	ssyncadd.s32 @!p0 s1  }
0x40a: {  	[bflag:$0x3] =	sbarrier.arrive $0xFFFF  }
0x40b: {  	_ =	shalt  }

</sc_bundles>
